<compile_context>
chip_gen: v7x
topology: tpu7x:2x2x1
jax: 0.10.2.dev20260603
libtpu: 0.0.44.dev20260713+nightly
codegen_flags: <defaults>
</compile_context>

<pallas_src>
import functools

import jax
import jax.numpy as jnp
from jax import lax
from jax.experimental import pallas as pl
from jax.experimental.pallas import tpu as pltpu
from jax.experimental.pallas import tpu_sc as plsc

_N = 10000
_E = 160000
_NC = 4000
_EN2C = 10000
_ECC = 8000
_H = 64
_M = 4
_CH = 32
_MAXB = 8
_L = 2
_AVG_LOG = 2.833213344056216

_NW = 32
_NSEGN = 10112
_NSEGC = 4096
_EPT = _E // _NW
_ECH = 1000

_mesh = plsc.VectorSubcoreMesh(core_axis_name="c", subcore_axis_name="s")
_sc_params = pltpu.CompilerParams(needs_layout_passes=False,
                                  use_tc_tiling_on_sc=False)


def _f32(shape):
    return jax.ShapeDtypeStruct(shape, jnp.float32)


_N16S = _NSEGN // 16
_NP8 = 81920
_SL = _NP8 // 16


def _sc_edge(y16, gidx, dst, cn2c_s, cdst_s, nn2c_s, c13, c14, c15,
             einit, z16):
    kern = pl.kernel(
        _sc_edge_body,
        out_type=(_f32((2, _NSEGN, 16)), _f32((_NW * _NP8,))),
        mesh=_mesh,
        scratch_types=[
            pltpu.VMEM((_ECH,), jnp.int32),
            pltpu.VMEM((_ECH,), jnp.int32),
            pltpu.VMEM((_ECH, 16), jnp.float32),
            pltpu.VMEM((_NP8,), jnp.float32),
            pltpu.VMEM((_N16S, 16), jnp.float32),
            pltpu.VMEM((320,), jnp.int32),
            pltpu.VMEM((320, 16), jnp.float32),
            pltpu.VMEM((256,), jnp.int32),
            pltpu.VMEM((256, 16), jnp.float32),
            pltpu.VMEM_SHARED((_NSEGN, 16), jnp.float32),
            pltpu.SemaphoreType.DMA,
        ],
        compiler_params=_sc_params,
    )
    return kern(y16, gidx, dst, cn2c_s, cdst_s, nn2c_s, c13, c14, c15,
                einit, z16)


def _sc_edge_body(y_h, g_h, d_h, cn_h, cd_h, nn_h, c13_h, c14_h, c15_h,
                  einit_h, z_h,
                  sums_h, ex_h,
                  gv, dv, rows, eacc, zb, div, dcb, div2, dcb2,
                  acc, sem):
    c = lax.axis_index("c")
    s = lax.axis_index("s")
    wid = s * 2 + c

    pltpu.sync_copy(einit_h, eacc)
    pltpu.sync_copy(z_h, zb)
    pltpu.sync_copy(zb, acc.at[pl.ds(s * _N16S, _N16S)])
    plsc.subcore_barrier()

    lane = lax.iota(jnp.int32, 16)
    lane7 = lane & 7
    msel = lane7 < 4
    m8 = lane < 8

    for ch in range(_EPT // _ECH):
        base = wid * _EPT + ch * _ECH
        pltpu.sync_copy(g_h.at[pl.ds(base, _ECH)], gv)
        pltpu.sync_copy(d_h.at[pl.ds(base, _ECH)], dv)
        pltpu.async_copy(y_h.at[gv], rows, sem).wait()
        pltpu.sync_copy(rows, acc.at[dv], add=True)

        def body(i, carry):
            for u in range(2):
                e = i * 2 + u
                v = rows[e, :]
                db = plsc.load_gather(dv, [lane * 0 + e])
                idxv = db * 8 + lane7
                cur = plsc.load_gather(eacc, [idxv])
                new = jnp.where(msel, jnp.maximum(cur, v),
                                jnp.minimum(cur, v))
                plsc.store_scatter(eacc, [idxv], new, mask=m8)
            return carry

        lax.fori_loop(0, _ECH // 2, body, 0)

    pltpu.sync_copy(cn_h.at[pl.ds(wid * 320, 320)], div)
    pltpu.sync_copy(c13_h, dcb)
    pltpu.sync_copy(dcb, acc.at[div], add=True)
    pltpu.sync_copy(nn_h.at[pl.ds(wid * 320, 320)], div)
    pltpu.sync_copy(c15_h, dcb)
    pltpu.sync_copy(dcb, acc.at[div], add=True)
    pltpu.sync_copy(cd_h.at[pl.ds(wid * 256, 256)], div2)
    pltpu.sync_copy(c14_h, dcb2)
    pltpu.sync_copy(dcb2, acc.at[div2], add=True)

    pltpu.sync_copy(eacc, ex_h.at[pl.ds(wid * _NP8, _NP8)])

    plsc.subcore_barrier()
    pltpu.sync_copy(acc.at[pl.ds(s * _N16S, _N16S)], zb)
    pltpu.sync_copy(zb, sums_h.at[c, pl.ds(s * _N16S, _N16S)])


def _sc_gather_segsum(table, sidx, didx, onesv, zd, zc, nseg, d,
                      with_counts=True):
    eq = sidx.shape[0]
    per = eq // _NW
    nseg16 = nseg // 16

    def body(t_h, s_h, di_h, on_h, zd_h, zc_h, *rest):
        if with_counts:
            (out_h, cnt_h, sv, dv, rows, ov, zbd, zbc, acc, accc, sem) = rest
        else:
            (out_h, sv, dv, rows, ov, zbd, zbc, acc, sem) = rest
        c = lax.axis_index("c")
        s = lax.axis_index("s")
        wid = s * 2 + c
        base = wid * per
        pltpu.sync_copy(zd_h, zbd)
        pltpu.sync_copy(zbd, acc.at[pl.ds(s * nseg16, nseg16)])
        if with_counts:
            pltpu.sync_copy(zc_h, zbc)
            pltpu.sync_copy(zbc, accc.at[pl.ds(s * nseg16, nseg16)])
            pltpu.sync_copy(on_h, ov)
        plsc.subcore_barrier()
        pltpu.sync_copy(s_h.at[pl.ds(base, per)], sv)
        pltpu.sync_copy(di_h.at[pl.ds(base, per)], dv)
        pltpu.async_copy(t_h.at[sv], rows, sem).wait()
        pltpu.sync_copy(rows, acc.at[dv], add=True)
        if with_counts:
            pltpu.sync_copy(ov, accc.at[dv], add=True)
        plsc.subcore_barrier()
        pltpu.sync_copy(acc.at[pl.ds(s * nseg16, nseg16)], zbd)
        pltpu.sync_copy(zbd, out_h.at[c, pl.ds(s * nseg16, nseg16)])
        if with_counts:
            pltpu.sync_copy(accc.at[pl.ds(s * nseg16, nseg16)], zbc)
            pltpu.sync_copy(zbc, cnt_h.at[c, pl.ds(s * nseg16, nseg16)])

    out_type = [_f32((2, nseg, d))]
    scratch = [
        pltpu.VMEM((per,), jnp.int32),
        pltpu.VMEM((per,), jnp.int32),
        pltpu.VMEM((per, d), jnp.float32),
        pltpu.VMEM((per, 8), jnp.float32),
        pltpu.VMEM((nseg16, d), jnp.float32),
        pltpu.VMEM((nseg16, 8), jnp.float32),
        pltpu.VMEM_SHARED((nseg, d), jnp.float32),
    ]
    if with_counts:
        out_type.append(_f32((2, nseg, 8)))
        scratch.append(pltpu.VMEM_SHARED((nseg, 8), jnp.float32))
    scratch.append(pltpu.SemaphoreType.DMA)

    kern = pl.kernel(
        body,
        out_type=tuple(out_type),
        mesh=_mesh,
        scratch_types=scratch,
        compiler_params=_sc_params,
    )
    res = kern(table, sidx, didx, onesv, zd, zc)
    if with_counts:
        return res
    return res[0], None


def _y16_body(x_ref, wbm_ref, s1_ref, s2_ref, cb_ref, out_ref):
    y = jnp.dot(x_ref[...], wbm_ref[...], preferred_element_type=jnp.float32)
    out_ref[...] = (jnp.dot(y, s1_ref[...], preferred_element_type=jnp.float32)
                    + jnp.dot(y * y, s2_ref[...],
                              preferred_element_type=jnp.float32)
                    + cb_ref[...])


def _prologue_body(ng_ref, cg_ref, nW_ref, nb_ref, cW_ref, cb_ref, bt_ref,
                   we1s_ref, be1s_ref, we2s_ref, be2s_ref, wc2s_ref, bc1s_ref,
                   bc2s_ref, x0_ref, c0_ref, wbm_ref, wce_ref):
    x0 = jax.nn.relu(
        jnp.dot(jax.nn.relu(ng_ref[...]), nW_ref[...],
                preferred_element_type=jnp.float32) + nb_ref[...])
    x0_ref[...] = x0
    c0_ref[...] = jax.nn.relu(
        jnp.dot(jax.nn.relu(cg_ref[...]), cW_ref[...],
                preferred_element_type=jnp.float32) + cb_ref[...])
    for l in range(_L):
        hb = jax.nn.relu(jnp.dot(bt_ref[...], we1s_ref[l],
                                 preferred_element_type=jnp.float32) + be1s_ref[l])
        wb = jnp.dot(hb, we2s_ref[l],
                     preferred_element_type=jnp.float32) + be2s_ref[l]
        wbm_ref[l, ...] = wb.reshape(_MAXB, _H, _M).transpose(1, 0, 2).reshape(_H, _MAXB * _M)
        chh = jax.nn.relu(bc1s_ref[l])
        wce_ref[l, ...] = (jnp.dot(chh, wc2s_ref[l],
                                   preferred_element_type=jnp.float32)
                           + bc2s_ref[l]).reshape(_CH, _CH)


def _exfold_body(ex_ref, out_ref):
    exv = ex_ref[...]
    nb8 = exv.shape[1]
    ismax = ((lax.broadcasted_iota(jnp.int32, (1, nb8), 1) >> 2) & 1) == 0
    mxf = jnp.max(jnp.where(ismax, exv, -3.4e38), axis=0, keepdims=True)
    mnf = jnp.min(jnp.where(ismax, 3.4e38, exv), axis=0, keepdims=True)
    out_ref[...] = jnp.where(ismax, mxf, mnf)[None]


def _pna_post_body(x_ref, sums_ref, ex_ref, wp_ref, bp_ref, out_ref):
    ssum = sums_ref[0, :, 0:4] + sums_ref[1, :, 0:4]
    ssq = sums_ref[0, :, 8:12] + sums_ref[1, :, 8:12]
    deg = (sums_ref[0, :, 12] + sums_ref[1, :, 12])[:, None]
    mxp = ex_ref[:, 0:4]
    mnp = ex_ref[:, 4:8]
    degc = jnp.maximum(deg, 1.0)
    mean = ssum / degc
    has = deg > 0.0
    mx = jnp.where(has, mxp, 0.0)
    mn = jnp.where(has, mnp, 0.0)
    std = jnp.sqrt(jnp.clip(ssq / degc - mean * mean, 0.0, None))
    agg = jnp.concatenate([mean, mx, mn, std], axis=-1)
    logd = jnp.log(deg + 1.0)
    amp = logd / _AVG_LOG
    att = jnp.where(logd > 0, _AVG_LOG / jnp.clip(logd, 1e-6, None), 0.0)
    scaled = jnp.concatenate([agg, agg * amp, agg * att], axis=-1)
    h = jnp.concatenate([x_ref[...], scaled], axis=-1)
    out_ref[...] = jax.nn.relu(
        jnp.dot(h, wp_ref[...], preferred_element_type=jnp.float32) + bp_ref[...])


def _c_update_body(c_ref, caggs_ref, sums_ref, wn2c_ref, bn2c_ref, wce_ref,
                   c1_ref, cy_ref):
    cdeg = jnp.maximum(sums_ref[0, :_NC, 13] + sums_ref[1, :_NC, 13],
                       1.0)[:, None]
    cagg = (caggs_ref[0, :_NC, :] + caggs_ref[1, :_NC, :]) / cdeg
    c1 = c_ref[...] + jax.nn.relu(
        jnp.dot(cagg, wn2c_ref[...], preferred_element_type=jnp.float32) + bn2c_ref[...])
    c1_ref[...] = c1
    cy_ref[...] = jnp.dot(c1, wce_ref[...], preferred_element_type=jnp.float32)


def _c_root_body(c_ref, cas_ref, sums_ref, wroot_ref, broot_ref, out_ref):
    ccdeg = jnp.maximum(sums_ref[0, :_NC, 14] + sums_ref[1, :_NC, 14],
                        1.0)[:, None]
    out_ref[...] = (jnp.dot(c_ref[...], wroot_ref[...],
                            preferred_element_type=jnp.float32)
                    + (cas_ref[0, :_NC, :] + cas_ref[1, :_NC, :]) / ccdeg
                    + broot_ref[...])


def _x_update_body(x_ref, naggs_ref, sums_ref, wc2n_ref, bc2n_ref, out_ref):
    ndeg = jnp.maximum(sums_ref[0, :_N, 15] + sums_ref[1, :_N, 15],
                       1.0)[:, None]
    nagg = (naggs_ref[0, :_N, :] + naggs_ref[1, :_N, :]) / ndeg
    out_ref[...] = x_ref[...] + jax.nn.relu(
        jnp.dot(nagg, wc2n_ref[...], preferred_element_type=jnp.float32)
        + bc2n_ref[...])


def _tc(fn, out_shape, *args):
    return pl.pallas_call(fn, out_shape=out_shape)(*args)


def _pad_i32(a, n, fill):
    return jnp.concatenate([a, jnp.full((n - a.shape[0],), fill, jnp.int32)])


def kernel(z, edge_index, bond_type, x_clique, node2clique_index, clique_edge_index, params):
    emb = params["emb"]
    layers = params["layers"]

    src, dst = edge_index[0], edge_index[1]
    csrc, cdst = clique_edge_index[0], clique_edge_index[1]
    nn2c, cn2c = node2clique_index[0], node2clique_index[1]

    ng = jnp.take(emb["node_table"], z, axis=0)
    cg = jnp.take(emb["clique_table"], x_clique, axis=0)

    gidx = (src * _MAXB + bond_type).astype(jnp.int32)
    dst = dst.astype(jnp.int32)

    en2c_p = 10240
    ecc_p = 8192
    nn2c_g = _pad_i32(nn2c.astype(jnp.int32), en2c_p, 0)
    cn2c_s = _pad_i32(cn2c.astype(jnp.int32), en2c_p, _NC)
    cn2c_g = _pad_i32(cn2c.astype(jnp.int32), en2c_p, 0)
    nn2c_s = _pad_i32(nn2c.astype(jnp.int32), en2c_p, _N)
    csrc_g = _pad_i32(csrc.astype(jnp.int32), ecc_p, 0)
    cdst_s = _pad_i32(cdst.astype(jnp.int32), ecc_p, _NC)

    einit = jnp.tile(jnp.array([-3.4e38] * 4 + [3.4e38] * 4, jnp.float32),
                     _NP8 // 8)
    z16 = jnp.zeros((_N16S, 16), jnp.float32)
    c13 = jnp.zeros((320, 16), jnp.float32).at[:, 13].set(1.0)
    c14 = jnp.zeros((256, 16), jnp.float32).at[:, 14].set(1.0)
    c15 = jnp.zeros((320, 16), jnp.float32).at[:, 15].set(1.0)
    s1 = jnp.zeros((32, 128), jnp.float32)
    s2 = jnp.zeros((32, 128), jnp.float32)
    for b in range(_MAXB):
        for q in range(4):
            s1 = s1.at[4 * b + q, 16 * b + q].set(1.0)
            s1 = s1.at[4 * b + q, 16 * b + 4 + q].set(1.0)
            s2 = s2.at[4 * b + q, 16 * b + 8 + q].set(1.0)
    cbrow = jnp.zeros((1, 128), jnp.float32)
    for b in range(_MAXB):
        cbrow = cbrow.at[0, 16 * b + 12].set(1.0)
    ones_n2c = jnp.ones((en2c_p // _NW, 8), jnp.float32)
    ones_ecc = jnp.ones((ecc_p // _NW, 8), jnp.float32)
    zn64 = jnp.zeros((_NSEGC // 16, _H), jnp.float32)
    zc32 = jnp.zeros((_NSEGC // 16, _CH), jnp.float32)
    zn32 = jnp.zeros((_NSEGN // 16, _CH), jnp.float32)
    zc8 = jnp.zeros((_NSEGC // 16, 8), jnp.float32)
    zn8 = jnp.zeros((_NSEGN // 16, 8), jnp.float32)

    we1s = jnp.stack([p["We1"] for p in layers])
    be1s = jnp.stack([p["be1"][None, :] for p in layers])
    we2s = jnp.stack([p["We2"] for p in layers])
    be2s = jnp.stack([p["be2"][None, :] for p in layers])
    wc2s = jnp.stack([p["Wc2"] for p in layers])
    bc1s = jnp.stack([p["bc1"][None, :] for p in layers])
    bc2s = jnp.stack([p["bc2"][None, :] for p in layers])

    x, c, wbm, wce = _tc(
        _prologue_body,
        (_f32((_N, _H)), _f32((_NC, _CH)),
         _f32((_L, _H, _MAXB * _M)), _f32((_L, _CH, _CH))),
        ng, cg, emb["node_linW"], emb["node_linb"][None, :],
        emb["clique_linW"], emb["clique_linb"][None, :], emb["bond_table"],
        we1s, be1s, we2s, be2s, wc2s, bc1s, bc2s)

    for l in range(_L):
        p = layers[l]
        nby = 2000
        y = pl.pallas_call(
            _y16_body,
            grid=(_N // nby,),
            in_specs=[pl.BlockSpec((nby, _H), lambda i: (i, 0)),
                      pl.BlockSpec((_H, _MAXB * _M), lambda i: (0, 0)),
                      pl.BlockSpec((_MAXB * _M, 128), lambda i: (0, 0)),
                      pl.BlockSpec((_MAXB * _M, 128), lambda i: (0, 0)),
                      pl.BlockSpec((1, 128), lambda i: (0, 0))],
            out_specs=pl.BlockSpec((nby, 128), lambda i: (i, 0)),
            out_shape=_f32((_N, 128)),
        )(x, wbm[l], s1, s2, cbrow)
        y16 = y.reshape(_N * _MAXB, 16)
        sums, ex = _sc_edge(y16, gidx, dst, cn2c_s, cdst_s, nn2c_s,
                            c13, c14, c15, einit, z16)
        ex = ex.reshape(_NW, _NP8)
        nb = 2000
        nfold = _N // nb
        exf = pl.pallas_call(
            _exfold_body,
            grid=(nfold,),
            in_specs=[pl.BlockSpec((_NW, nb * 8), lambda i: (0, i))],
            out_specs=pl.BlockSpec((1, 1, nb * 8), lambda i: (i, 0, 0)),
            out_shape=_f32((nfold, 1, nb * 8)),
        )(ex).reshape(_N, 8)
        row = lambda w: pl.BlockSpec((nb, w), lambda i: (i, 0))
        x = pl.pallas_call(
            _pna_post_body,
            grid=(_N // nb,),
            in_specs=[row(_H),
                      pl.BlockSpec((2, nb, 16), lambda i: (0, i, 0)),
                      row(8),
                      pl.BlockSpec((_H + 12 * _M, _H), lambda i: (0, 0)),
                      pl.BlockSpec((1, _H), lambda i: (0, 0))],
            out_specs=row(_H),
            out_shape=_f32((_N, _H)),
        )(x, sums, exf, p["Wp"], p["bp"][None, :])

        caggs, _ = _sc_gather_segsum(x, nn2c_g, cn2c_s, ones_n2c,
                                     zn64, zc8, _NSEGC, _H,
                                     with_counts=False)
        c, cy = _tc(_c_update_body, (_f32((_NC, _CH)), _f32((_NC, _CH))),
                    c, caggs, sums,
                    p["Wn2c"], p["bn2c"][None, :], wce[l])

        cas, _ = _sc_gather_segsum(cy, csrc_g, cdst_s, ones_ecc,
                                   zc32, zc8, _NSEGC, _CH,
                                   with_counts=False)
        c = _tc(_c_root_body, _f32((_NC, _CH)),
                c, cas, sums,
                p["Wroot"], p["broot"][None, :])

        naggs, _ = _sc_gather_segsum(c, cn2c_g, nn2c_s, ones_n2c,
                                     zn32, zn8, _NSEGN, _CH,
                                     with_counts=False)
        x = _tc(_x_update_body, _f32((_N, _H)),
                x, naggs, sums, p["Wc2n"], p["bc2n"][None, :])

    return x, c

# --- scband reference (transcript-rebuilt; emitter-appended) ---
"""Pipeline reference for scband-mpnnwith-hierarchical-pnaconv-41291815584475 (READ-ONLY COPY).

The authoritative reference and input builder live on the scoring server;
editing this copy changes nothing except your own understanding.
"""

import jax, jax.numpy as jnp
import numpy as np

N = 10000
E = 160000
NC = 4000
EN2C = 10000
ECC = 8000
H = 64
M = 4
CH = 32
EE = 32
CEE = 16
MAXZ = 100
MAXB = 8
MAXV = 800
L = 2
AVG_LOG = float(np.log(17.0))


def _p(key, shape):
    return jax.random.normal(key, shape, dtype=jnp.float32) * 0.05


def _make_params(key):
    c = [0]
    def nk():
        c[0] += 1
        return jax.random.fold_in(key, c[0])
    emb = {
        "node_table": _p(nk(), (MAXZ, H)).at[0].set(0.0),
        "node_linW": _p(nk(), (H, H)), "node_linb": _p(nk(), (H,)),
        "clique_table": _p(nk(), (MAXV, CH)).at[0].set(0.0),
        "clique_linW": _p(nk(), (CH, CH)), "clique_linb": _p(nk(), (CH,)),
        "bond_table": _p(nk(), (MAXB, EE)).at[0].set(0.0),
    }
    layers = []
    for _ in range(L):
        layers.append({
            "We1": _p(nk(), (EE, H)), "be1": _p(nk(), (H,)),
            "We2": _p(nk(), (H, H * M)), "be2": _p(nk(), (H * M,)),
            "Wp": _p(nk(), (H + 12 * M, H)), "bp": _p(nk(), (H,)),
            "Wn2c": _p(nk(), (H, CH)), "bn2c": _p(nk(), (CH,)),
            "Wc1": _p(nk(), (CEE, CH)), "bc1": _p(nk(), (CH,)),
            "Wc2": _p(nk(), (CH, CH * CH)), "bc2": _p(nk(), (CH * CH,)),
            "Wroot": _p(nk(), (CH, CH)), "broot": _p(nk(), (CH,)),
            "Wc2n": _p(nk(), (CH, H)), "bc2n": _p(nk(), (H,)),
        })
    return {"emb": emb, "layers": layers}


def setup_inputs(seed: int = 0):
    key = jax.random.key(seed)
    z = jax.random.randint(jax.random.fold_in(key, 101), (N,), 0, MAXZ)
    edge_index = jax.random.randint(jax.random.fold_in(key, 102), (2, E), 0, N)
    bond_type = jax.random.randint(jax.random.fold_in(key, 103), (E,), 0, MAXB)
    x_clique = jax.random.randint(jax.random.fold_in(key, 104), (NC,), 0, MAXV)
    n2c_nodes = jax.random.randint(jax.random.fold_in(key, 105), (EN2C,), 0, N)
    n2c_cliques = jax.random.randint(jax.random.fold_in(key, 106), (EN2C,), 0, NC)
    node2clique_index = jnp.stack([n2c_nodes, n2c_cliques])
    clique_edge_index = jax.random.randint(jax.random.fold_in(key, 107), (2, ECC), 0, NC)
    params = _make_params(jax.random.fold_in(key, 999))
    return {"z": z, "edge_index": edge_index, "bond_type": bond_type,
            "x_clique": x_clique, "node2clique_index": node2clique_index,
            "clique_edge_index": clique_edge_index, "params": params}


def _forward(z, edge_index, bond_type, x_clique, node2clique_index, clique_edge_index, params):
    emb = params["emb"]
    # NodeEmb: relu(Embedding(z)) -> relu(Linear)
    x = jax.nn.relu(emb["node_table"][z])
    x = jax.nn.relu(x @ emb["node_linW"] + emb["node_linb"])
    # CliqueEmb
    c = jax.nn.relu(emb["clique_table"][x_clique])
    c = jax.nn.relu(c @ emb["clique_linW"] + emb["clique_linb"])
    # EdgeEmb (bond_type branch, no relu)
    ef = emb["bond_table"][bond_type]
    # CliqueEdgeEmb: relu(blank padding embedding of zeros) == zeros
    cef = jnp.zeros((clique_edge_index.shape[1], CEE), dtype=jnp.float32)
    src, dst = edge_index[0], edge_index[1]
    csrc, cdst = clique_edge_index[0], clique_edge_index[1]
    nn2c, cn2c = node2clique_index[0], node2clique_index[1]
    for p in params["layers"]:
        # PNAConv on atom graph: per-edge dynamic weights from edge features
        h = jax.nn.relu(ef @ p["We1"] + p["be1"])
        We = (h @ p["We2"] + p["be2"]).reshape(-1, H, M)
        msgs = jnp.einsum('eh,ehm->em', x[src], We)
        deg = jax.ops.segment_sum(jnp.ones((E,), jnp.float32), dst, num_segments=N)
        degc = jnp.clip(deg, 1.0, None)[:, None]
        mean = jax.ops.segment_sum(msgs, dst, num_segments=N) / degc
        mx = jax.ops.segment_max(msgs, dst, num_segments=N)
        mx = jnp.where(deg[:, None] > 0, mx, 0.0)
        mn = jax.ops.segment_min(msgs, dst, num_segments=N)
        mn = jnp.where(deg[:, None] > 0, mn, 0.0)
        sq = jax.ops.segment_sum(msgs * msgs, dst, num_segments=N) / degc
        std = jnp.sqrt(jnp.clip(sq - mean * mean, 0.0, None))
        agg = jnp.concatenate([mean, mx, mn, std], axis=-1)
        logd = jnp.log(deg + 1.0)[:, None]
        amp = logd / AVG_LOG
        att = jnp.where(logd > 0, AVG_LOG / jnp.clip(logd, 1e-6, None), 0.0)
        scaled = jnp.concatenate([agg, agg * amp, agg * att], axis=-1)
        x = jax.nn.relu(jnp.concatenate([x, scaled], axis=-1) @ p["Wp"] + p["bp"])
        # Node2CliqueConvBasic: mean-aggregate node feats into cliques
        cdeg = jnp.clip(jax.ops.segment_sum(jnp.ones((EN2C,), jnp.float32), cn2c, num_segments=NC), 1.0, None)[:, None]
        cagg = jax.ops.segment_sum(x[nn2c], cn2c, num_segments=NC) / cdeg
        c = c + jax.nn.relu(cagg @ p["Wn2c"] + p["bn2c"])
        # NNConv on clique graph (mean aggr)
        chh = jax.nn.relu(cef @ p["Wc1"] + p["bc1"])
        Wce = (chh @ p["Wc2"] + p["bc2"]).reshape(-1, CH, CH)
        cmsgs = jnp.einsum('eh,eho->eo', c[csrc], Wce)
        ccdeg = jnp.clip(jax.ops.segment_sum(jnp.ones((ECC,), jnp.float32), cdst, num_segments=NC), 1.0, None)[:, None]
        caggr = jax.ops.segment_sum(cmsgs, cdst, num_segments=NC) / ccdeg
        c = c @ p["Wroot"] + caggr + p["broot"]
        # Clique2NodeConvBasic: mean-scatter clique feats back to nodes
        ndeg = jnp.clip(jax.ops.segment_sum(jnp.ones((EN2C,), jnp.float32), nn2c, num_segments=N), 1.0, None)[:, None]
        nagg = jax.ops.segment_sum(c[cn2c], nn2c, num_segments=N) / ndeg
        x = x + jax.nn.relu(nagg @ p["Wc2n"] + p["bc2n"])
    return x, c


def reference(z, edge_index, bond_type, x_clique, node2clique_index, clique_edge_index, params):
    return _forward(z, edge_index, bond_type, x_clique, node2clique_index, clique_edge_index, params)

if __name__ == "__main__":
    import jax
    _d = setup_inputs()
    print(jax.jit(kernel)(*tuple(_d.values())))

</pallas_src>

<mosaic_0001>
#map = affine_map<(d0, d1) -> (0, 0)>
#map1 = affine_map<(d0, d1) -> (0)>
#map2 = affine_map<(d0, d1) -> (0, 0, 0)>
module attributes {stable_mosaic.version = 14 : i64} {
  func.func @body(%arg0: i32, %arg1: i32, %arg2: memref<4000x32xf32, #tpu.memory_space<hbm>>, %arg3: memref<8192xi32, #tpu.memory_space<hbm>>, %arg4: memref<8192xi32, #tpu.memory_space<hbm>>, %arg5: memref<256x8xf32, #tpu.memory_space<hbm>>, %arg6: memref<256x32xf32, #tpu.memory_space<hbm>>, %arg7: memref<256x8xf32, #tpu.memory_space<hbm>>, %arg8: memref<2x4096x32xf32, #tpu.memory_space<hbm>>, %arg9: memref<256xi32, #tpu.memory_space<vmem>>, %arg10: memref<256xi32, #tpu.memory_space<vmem>>, %arg11: memref<256x32xf32, #tpu.memory_space<vmem>>, %arg12: memref<256x8xf32, #tpu.memory_space<vmem>>, %arg13: memref<256x32xf32, #tpu.memory_space<vmem>>, %arg14: memref<256x8xf32, #tpu.memory_space<vmem>>, %arg15: memref<4096x32xf32, #tpu.memory_space<vmem_shared>>, %arg16: memref<!tpu.dma_semaphore, #tpu.memory_space<semaphore_mem>>) attributes {dimension_semantics = [#tpu.dimension_semantics<core_parallel>, #tpu.dimension_semantics<subcore_parallel>], iteration_bounds = array<i64: 2, 16>, scalar_prefetch = 0 : i64, scratch_operands = 8 : i64, tpu.core_type = #tpu.core_type<sc_vector_subcore>, window_params = [{transform_indices = #map}, {transform_indices = #map1}, {transform_indices = #map1}, {transform_indices = #map}, {transform_indices = #map}, {transform_indices = #map}, {transform_indices = #map2}]} {
    %mul3A = arith.constant 2 : i32
    %mul3A_0 = arith.muli %arg1, %mul3A : i32
    %add3A = arith.addi %mul3A_0, %arg0 : i32
    %mul3A_1 = arith.constant 256 : i32
    %mul3A_2 = arith.muli %add3A, %mul3A_1 : i32
    "tpu.region"() ({
      %run_scoped3A = tpu.sem_alloc : memref<!tpu.dma_semaphore, #tpu.memory_space<semaphore_mem>>
      tpu.enqueue_dma source(%arg6 : memref<256x32xf32, #tpu.memory_space<hbm>>) target(%arg13 : memref<256x32xf32, #tpu.memory_space<vmem>>) target_semaphore(%run_scoped3A : memref<!tpu.dma_semaphore, #tpu.memory_space<semaphore_mem>>)
      tpu.wait_dma2 semaphore(%run_scoped3A : memref<!tpu.dma_semaphore, #tpu.memory_space<semaphore_mem>>) src(%arg6 : memref<256x32xf32, #tpu.memory_space<hbm>>) dst(%arg13 : memref<256x32xf32, #tpu.memory_space<vmem>>)
      tpu.yield
    }) : () -> ()
    %mul3A_3 = arith.constant 256 : i32
    %mul3A_4 = arith.muli %arg1, %mul3A_3 : i32
    "tpu.region"() ({
      %run_scoped3A = tpu.sem_alloc : memref<!tpu.dma_semaphore, #tpu.memory_space<semaphore_mem>>
      %dma_start3A_14 = arith.constant 0 : i32
      %dma_start3A_15 = tpu.memref_slice %arg15[%mul3A_4, %dma_start3A_14] : memref<4096x32xf32, #tpu.memory_space<vmem_shared>> -> memref<256x32xf32, #tpu.memory_space<vmem_shared>>
      %dma_start3A_16 = arith.constant 0 : i32
      %dma_start3A_17 = tpu.memref_slice %arg15[%mul3A_4, %dma_start3A_16] : memref<4096x32xf32, #tpu.memory_space<vmem_shared>> -> memref<256x32xf32, #tpu.memory_space<vmem_shared>>
      tpu.enqueue_dma source(%arg13 : memref<256x32xf32, #tpu.memory_space<vmem>>) target(%dma_start3A_17 : memref<256x32xf32, #tpu.memory_space<vmem_shared>>) target_semaphore(%run_scoped3A : memref<!tpu.dma_semaphore, #tpu.memory_space<semaphore_mem>>)
      %dma_wait3A_18 = arith.constant 0 : i32
      %dma_wait3A_19 = tpu.memref_slice %arg15[%mul3A_4, %dma_wait3A_18] : memref<4096x32xf32, #tpu.memory_space<vmem_shared>> -> memref<256x32xf32, #tpu.memory_space<vmem_shared>>
      %dma_wait3A_20 = arith.constant 0 : i32
      %dma_wait3A_21 = tpu.memref_slice %arg15[%mul3A_4, %dma_wait3A_20] : memref<4096x32xf32, #tpu.memory_space<vmem_shared>> -> memref<256x32xf32, #tpu.memory_space<vmem_shared>>
      tpu.wait_dma2 semaphore(%run_scoped3A : memref<!tpu.dma_semaphore, #tpu.memory_space<semaphore_mem>>) src(%arg13 : memref<256x32xf32, #tpu.memory_space<vmem>>) dst(%dma_wait3A_21 : memref<256x32xf32, #tpu.memory_space<vmem_shared>>)
      tpu.yield
    }) : () -> ()
    %barrier3A = arith.constant 0 : index
    tpu.barrier barrier_id(%barrier3A)
    "tpu.region"() ({
      %run_scoped3A = tpu.sem_alloc : memref<!tpu.dma_semaphore, #tpu.memory_space<semaphore_mem>>
      %dma_start3A_14 = tpu.memref_slice %arg3[%mul3A_2] : memref<8192xi32, #tpu.memory_space<hbm>> -> memref<256xi32, #tpu.memory_space<hbm>>
      %dma_start3A_15 = tpu.memref_slice %arg3[%mul3A_2] : memref<8192xi32, #tpu.memory_space<hbm>> -> memref<256xi32, #tpu.memory_space<hbm>>
      tpu.enqueue_dma source(%dma_start3A_15 : memref<256xi32, #tpu.memory_space<hbm>>) target(%arg9 : memref<256xi32, #tpu.memory_space<vmem>>) target_semaphore(%run_scoped3A : memref<!tpu.dma_semaphore, #tpu.memory_space<semaphore_mem>>)
      %dma_wait3A_16 = tpu.memref_slice %arg3[%mul3A_2] : memref<8192xi32, #tpu.memory_space<hbm>> -> memref<256xi32, #tpu.memory_space<hbm>>
      %dma_wait3A_17 = tpu.memref_slice %arg3[%mul3A_2] : memref<8192xi32, #tpu.memory_space<hbm>> -> memref<256xi32, #tpu.memory_space<hbm>>
      tpu.wait_dma2 semaphore(%run_scoped3A : memref<!tpu.dma_semaphore, #tpu.memory_space<semaphore_mem>>) src(%dma_wait3A_17 : memref<256xi32, #tpu.memory_space<hbm>>) dst(%arg9 : memref<256xi32, #tpu.memory_space<vmem>>)
      tpu.yield
    }) : () -> ()
    "tpu.region"() ({
      %run_scoped3A = tpu.sem_alloc : memref<!tpu.dma_semaphore, #tpu.memory_space<semaphore_mem>>
      %dma_start3A_14 = tpu.memref_slice %arg4[%mul3A_2] : memref<8192xi32, #tpu.memory_space<hbm>> -> memref<256xi32, #tpu.memory_space<hbm>>
      %dma_start3A_15 = tpu.memref_slice %arg4[%mul3A_2] : memref<8192xi32, #tpu.memory_space<hbm>> -> memref<256xi32, #tpu.memory_space<hbm>>
      tpu.enqueue_dma source(%dma_start3A_15 : memref<256xi32, #tpu.memory_space<hbm>>) target(%arg10 : memref<256xi32, #tpu.memory_space<vmem>>) target_semaphore(%run_scoped3A : memref<!tpu.dma_semaphore, #tpu.memory_space<semaphore_mem>>)
      %dma_wait3A_16 = tpu.memref_slice %arg4[%mul3A_2] : memref<8192xi32, #tpu.memory_space<hbm>> -> memref<256xi32, #tpu.memory_space<hbm>>
      %dma_wait3A_17 = tpu.memref_slice %arg4[%mul3A_2] : memref<8192xi32, #tpu.memory_space<hbm>> -> memref<256xi32, #tpu.memory_space<hbm>>
      tpu.wait_dma2 semaphore(%run_scoped3A : memref<!tpu.dma_semaphore, #tpu.memory_space<semaphore_mem>>) src(%dma_wait3A_17 : memref<256xi32, #tpu.memory_space<hbm>>) dst(%arg10 : memref<256xi32, #tpu.memory_space<vmem>>)
      tpu.yield
    }) : () -> ()
    %dma_start3A = arith.constant 0 : i32
    %dma_start3A_5 = arith.constant 0 : i32
    %dma_start3A_6 = tpu.memref_slice %arg2[%dma_start3A, %dma_start3A_5] : memref<4000x32xf32, #tpu.memory_space<hbm>> -> memref<4000x32xf32, #tpu.memory_space<hbm>>
    tpu.enqueue_indirect_dma source(%dma_start3A_6 : memref<4000x32xf32, #tpu.memory_space<hbm>>) target(%arg11 : memref<256x32xf32, #tpu.memory_space<vmem>>) offsets(%arg9 : memref<256xi32, #tpu.memory_space<vmem>>) semaphore(%arg16 : memref<!tpu.dma_semaphore, #tpu.memory_space<semaphore_mem>>)
    %dma_wait3A = arith.constant 0 : i32
    %dma_wait3A_7 = arith.constant 0 : i32
    %dma_wait3A_8 = tpu.memref_slice %arg2[%dma_wait3A, %dma_wait3A_7] : memref<4000x32xf32, #tpu.memory_space<hbm>> -> memref<4000x32xf32, #tpu.memory_space<hbm>>
    tpu.wait_indirect_dma semaphore(%arg16 : memref<!tpu.dma_semaphore, #tpu.memory_space<semaphore_mem>>) src(%dma_wait3A_8 : memref<4000x32xf32, #tpu.memory_space<hbm>>) dst(%arg11 : memref<256x32xf32, #tpu.memory_space<vmem>>)
    "tpu.region"() ({
      %run_scoped3A = tpu.sem_alloc : memref<!tpu.dma_semaphore, #tpu.memory_space<semaphore_mem>>
      %dma_start3A_14 = arith.constant 0 : i32
      %dma_start3A_15 = arith.constant 0 : i32
      %dma_start3A_16 = tpu.memref_slice %arg15[%dma_start3A_14, %dma_start3A_15] : memref<4096x32xf32, #tpu.memory_space<vmem_shared>> -> memref<4096x32xf32, #tpu.memory_space<vmem_shared>>
      tpu.enqueue_indirect_dma source(%arg11 : memref<256x32xf32, #tpu.memory_space<vmem>>) target(%dma_start3A_16 : memref<4096x32xf32, #tpu.memory_space<vmem_shared>>) offsets(%arg10 : memref<256xi32, #tpu.memory_space<vmem>>) semaphore(%run_scoped3A : memref<!tpu.dma_semaphore, #tpu.memory_space<semaphore_mem>>) {add = true}
      %dma_wait3A_17 = arith.constant 0 : i32
      %dma_wait3A_18 = arith.constant 0 : i32
      %dma_wait3A_19 = tpu.memref_slice %arg15[%dma_wait3A_17, %dma_wait3A_18] : memref<4096x32xf32, #tpu.memory_space<vmem_shared>> -> memref<4096x32xf32, #tpu.memory_space<vmem_shared>>
      tpu.wait_indirect_dma semaphore(%run_scoped3A : memref<!tpu.dma_semaphore, #tpu.memory_space<semaphore_mem>>) src(%arg11 : memref<256x32xf32, #tpu.memory_space<vmem>>) dst(%dma_wait3A_19 : memref<4096x32xf32, #tpu.memory_space<vmem_shared>>)
      tpu.yield
    }) : () -> ()
    %barrier3A_9 = arith.constant 0 : index
    tpu.barrier barrier_id(%barrier3A_9)
    %mul3A_10 = arith.constant 256 : i32
    %mul3A_11 = arith.muli %arg1, %mul3A_10 : i32
    "tpu.region"() ({
      %run_scoped3A = tpu.sem_alloc : memref<!tpu.dma_semaphore, #tpu.memory_space<semaphore_mem>>
      %dma_start3A_14 = arith.constant 0 : i32
      %dma_start3A_15 = tpu.memref_slice %arg15[%mul3A_11, %dma_start3A_14] : memref<4096x32xf32, #tpu.memory_space<vmem_shared>> -> memref<256x32xf32, #tpu.memory_space<vmem_shared>>
      %dma_start3A_16 = arith.constant 0 : i32
      %dma_start3A_17 = tpu.memref_slice %arg15[%mul3A_11, %dma_start3A_16] : memref<4096x32xf32, #tpu.memory_space<vmem_shared>> -> memref<256x32xf32, #tpu.memory_space<vmem_shared>>
      tpu.enqueue_dma source(%dma_start3A_17 : memref<256x32xf32, #tpu.memory_space<vmem_shared>>) target(%arg13 : memref<256x32xf32, #tpu.memory_space<vmem>>) target_semaphore(%run_scoped3A : memref<!tpu.dma_semaphore, #tpu.memory_space<semaphore_mem>>)
      %dma_wait3A_18 = arith.constant 0 : i32
      %dma_wait3A_19 = tpu.memref_slice %arg15[%mul3A_11, %dma_wait3A_18] : memref<4096x32xf32, #tpu.memory_space<vmem_shared>> -> memref<256x32xf32, #tpu.memory_space<vmem_shared>>
      %dma_wait3A_20 = arith.constant 0 : i32
      %dma_wait3A_21 = tpu.memref_slice %arg15[%mul3A_11, %dma_wait3A_20] : memref<4096x32xf32, #tpu.memory_space<vmem_shared>> -> memref<256x32xf32, #tpu.memory_space<vmem_shared>>
      tpu.wait_dma2 semaphore(%run_scoped3A : memref<!tpu.dma_semaphore, #tpu.memory_space<semaphore_mem>>) src(%dma_wait3A_21 : memref<256x32xf32, #tpu.memory_space<vmem_shared>>) dst(%arg13 : memref<256x32xf32, #tpu.memory_space<vmem>>)
      tpu.yield
    }) : () -> ()
    %mul3A_12 = arith.constant 256 : i32
    %mul3A_13 = arith.muli %arg1, %mul3A_12 : i32
    "tpu.region"() ({
      %run_scoped3A = tpu.sem_alloc : memref<!tpu.dma_semaphore, #tpu.memory_space<semaphore_mem>>
      %dma_start3A_14 = arith.constant 0 : i32
      %dma_start3A_15 = tpu.memref_slice %arg8[%arg0, %mul3A_13, %dma_start3A_14] : memref<2x4096x32xf32, #tpu.memory_space<hbm>> -> memref<1x256x32xf32, #tpu.memory_space<hbm>>
      %dma_start3A_16 = tpu.memref_squeeze %dma_start3A_15 : memref<1x256x32xf32, #tpu.memory_space<hbm>> -> memref<256x32xf32, #tpu.memory_space<hbm>>
      %dma_start3A_17 = arith.constant 0 : i32
      %dma_start3A_18 = tpu.memref_slice %arg8[%arg0, %mul3A_13, %dma_start3A_17] : memref<2x4096x32xf32, #tpu.memory_space<hbm>> -> memref<1x256x32xf32, #tpu.memory_space<hbm>>
      %dma_start3A_19 = tpu.memref_squeeze %dma_start3A_18 : memref<1x256x32xf32, #tpu.memory_space<hbm>> -> memref<256x32xf32, #tpu.memory_space<hbm>>
      tpu.enqueue_dma source(%arg13 : memref<256x32xf32, #tpu.memory_space<vmem>>) target(%dma_start3A_19 : memref<256x32xf32, #tpu.memory_space<hbm>>) target_semaphore(%run_scoped3A : memref<!tpu.dma_semaphore, #tpu.memory_space<semaphore_mem>>)
      %dma_wait3A_20 = arith.constant 0 : i32
      %dma_wait3A_21 = tpu.memref_slice %arg8[%arg0, %mul3A_13, %dma_wait3A_20] : memref<2x4096x32xf32, #tpu.memory_space<hbm>> -> memref<1x256x32xf32, #tpu.memory_space<hbm>>
      %dma_wait3A_22 = tpu.memref_squeeze %dma_wait3A_21 : memref<1x256x32xf32, #tpu.memory_space<hbm>> -> memref<256x32xf32, #tpu.memory_space<hbm>>
      %dma_wait3A_23 = arith.constant 0 : i32
      %dma_wait3A_24 = tpu.memref_slice %arg8[%arg0, %mul3A_13, %dma_wait3A_23] : memref<2x4096x32xf32, #tpu.memory_space<hbm>> -> memref<1x256x32xf32, #tpu.memory_space<hbm>>
      %dma_wait3A_25 = tpu.memref_squeeze %dma_wait3A_24 : memref<1x256x32xf32, #tpu.memory_space<hbm>> -> memref<256x32xf32, #tpu.memory_space<hbm>>
      tpu.wait_dma2 semaphore(%run_scoped3A : memref<!tpu.dma_semaphore, #tpu.memory_space<semaphore_mem>>) src(%arg13 : memref<256x32xf32, #tpu.memory_space<vmem>>) dst(%dma_wait3A_25 : memref<256x32xf32, #tpu.memory_space<hbm>>)
      tpu.yield
    }) : () -> ()
    return
  }
}

#map = affine_map<(d0, d1) -> (0, 0)>
#map1 = affine_map<(d0, d1) -> (0)>
#map2 = affine_map<(d0, d1) -> (0, 0, 0)>
module attributes {stable_mosaic.version = 14 : i64} {
  func.func @_sc_edge_body(%arg0: i32, %arg1: i32, %arg2: memref<80000x16xf32, #tpu.memory_space<hbm>>, %arg3: memref<160000xi32, #tpu.memory_space<hbm>>, %arg4: memref<160000xi32, #tpu.memory_space<hbm>>, %arg5: memref<10240xi32, #tpu.memory_space<hbm>>, %arg6: memref<8192xi32, #tpu.memory_space<hbm>>, %arg7: memref<10240xi32, #tpu.memory_space<hbm>>, %arg8: memref<320x16xf32, #tpu.memory_space<hbm>>, %arg9: memref<256x16xf32, #tpu.memory_space<hbm>>, %arg10: memref<320x16xf32, #tpu.memory_space<hbm>>, %arg11: memref<81920xf32, #tpu.memory_space<hbm>>, %arg12: memref<632x16xf32, #tpu.memory_space<hbm>>, %arg13: memref<2x10112x16xf32, #tpu.memory_space<hbm>>, %arg14: memref<2621440xf32, #tpu.memory_space<hbm>>, %arg15: memref<1000xi32, #tpu.memory_space<vmem>>, %arg16: memref<1000xi32, #tpu.memory_space<vmem>>, %arg17: memref<1000x16xf32, #tpu.memory_space<vmem>>, %arg18: memref<81920xf32, #tpu.memory_space<vmem>>, %arg19: memref<632x16xf32, #tpu.memory_space<vmem>>, %arg20: memref<320xi32, #tpu.memory_space<vmem>>, %arg21: memref<320x16xf32, #tpu.memory_space<vmem>>, %arg22: memref<256xi32, #tpu.memory_space<vmem>>, %arg23: memref<256x16xf32, #tpu.memory_space<vmem>>, %arg24: memref<10112x16xf32, #tpu.memory_space<vmem_shared>>, %arg25: memref<!tpu.dma_semaphore, #tpu.memory_space<semaphore_mem>>) attributes {dimension_semantics = [#tpu.dimension_semantics<core_parallel>, #tpu.dimension_semantics<subcore_parallel>], iteration_bounds = array<i64: 2, 16>, scalar_prefetch = 0 : i64, scratch_operands = 11 : i64, tpu.core_type = #tpu.core_type<sc_vector_subcore>, window_params = [{transform_indices = #map}, {transform_indices = #map1}, {transform_indices = #map1}, {transform_indices = #map1}, {transform_indices = #map1}, {transform_indices = #map1}, {transform_indices = #map}, {transform_indices = #map}, {transform_indices = #map}, {transform_indices = #map1}, {transform_indices = #map}, {transform_indices = #map2}, {transform_indices = #map1}]} {
    %mul3A = arith.constant 2 : i32
    %mul3A_0 = arith.muli %arg1, %mul3A : i32
    %add3A = arith.addi %mul3A_0, %arg0 : i32
    "tpu.region"() ({
      %run_scoped3A = tpu.sem_alloc : memref<!tpu.dma_semaphore, #tpu.memory_space<semaphore_mem>>
      tpu.enqueue_dma source(%arg11 : memref<81920xf32, #tpu.memory_space<hbm>>) target(%arg18 : memref<81920xf32, #tpu.memory_space<vmem>>) target_semaphore(%run_scoped3A : memref<!tpu.dma_semaphore, #tpu.memory_space<semaphore_mem>>)
      tpu.wait_dma2 semaphore(%run_scoped3A : memref<!tpu.dma_semaphore, #tpu.memory_space<semaphore_mem>>) src(%arg11 : memref<81920xf32, #tpu.memory_space<hbm>>) dst(%arg18 : memref<81920xf32, #tpu.memory_space<vmem>>)
      tpu.yield
    }) : () -> ()
    "tpu.region"() ({
      %run_scoped3A = tpu.sem_alloc : memref<!tpu.dma_semaphore, #tpu.memory_space<semaphore_mem>>
      tpu.enqueue_dma source(%arg12 : memref<632x16xf32, #tpu.memory_space<hbm>>) target(%arg19 : memref<632x16xf32, #tpu.memory_space<vmem>>) target_semaphore(%run_scoped3A : memref<!tpu.dma_semaphore, #tpu.memory_space<semaphore_mem>>)
      tpu.wait_dma2 semaphore(%run_scoped3A : memref<!tpu.dma_semaphore, #tpu.memory_space<semaphore_mem>>) src(%arg12 : memref<632x16xf32, #tpu.memory_space<hbm>>) dst(%arg19 : memref<632x16xf32, #tpu.memory_space<vmem>>)
      tpu.yield
    }) : () -> ()
    %mul3A_1 = arith.constant 632 : i32
    %mul3A_2 = arith.muli %arg1, %mul3A_1 : i32
    "tpu.region"() ({
      %run_scoped3A = tpu.sem_alloc : memref<!tpu.dma_semaphore, #tpu.memory_space<semaphore_mem>>
      %dma_start3A_100 = arith.constant 0 : i32
      %dma_start3A_101 = tpu.memref_slice %arg24[%mul3A_2, %dma_start3A_100] : memref<10112x16xf32, #tpu.memory_space<vmem_shared>> -> memref<632x16xf32, #tpu.memory_space<vmem_shared>>
      %dma_start3A_102 = arith.constant 0 : i32
      %dma_start3A_103 = tpu.memref_slice %arg24[%mul3A_2, %dma_start3A_102] : memref<10112x16xf32, #tpu.memory_space<vmem_shared>> -> memref<632x16xf32, #tpu.memory_space<vmem_shared>>
      tpu.enqueue_dma source(%arg19 : memref<632x16xf32, #tpu.memory_space<vmem>>) target(%dma_start3A_103 : memref<632x16xf32, #tpu.memory_space<vmem_shared>>) target_semaphore(%run_scoped3A : memref<!tpu.dma_semaphore, #tpu.memory_space<semaphore_mem>>)
      %dma_wait3A_104 = arith.constant 0 : i32
      %dma_wait3A_105 = tpu.memref_slice %arg24[%mul3A_2, %dma_wait3A_104] : memref<10112x16xf32, #tpu.memory_space<vmem_shared>> -> memref<632x16xf32, #tpu.memory_space<vmem_shared>>
      %dma_wait3A_106 = arith.constant 0 : i32
      %dma_wait3A_107 = tpu.memref_slice %arg24[%mul3A_2, %dma_wait3A_106] : memref<10112x16xf32, #tpu.memory_space<vmem_shared>> -> memref<632x16xf32, #tpu.memory_space<vmem_shared>>
      tpu.wait_dma2 semaphore(%run_scoped3A : memref<!tpu.dma_semaphore, #tpu.memory_space<semaphore_mem>>) src(%arg19 : memref<632x16xf32, #tpu.memory_space<vmem>>) dst(%dma_wait3A_107 : memref<632x16xf32, #tpu.memory_space<vmem_shared>>)
      tpu.yield
    }) : () -> ()
    %barrier3A = arith.constant 0 : index
    tpu.barrier barrier_id(%barrier3A)
    %iota3A = tpu.iota {dimensions = array<i32: 0>} : vector<16xi32>
    %and3A = arith.constant 7 : i32
    %and3A_3 = vector.broadcast %and3A : i32 to vector<16xi32>
    %and3A_4 = arith.andi %iota3A, %and3A_3 : vector<16xi32>
    %lt3A = arith.constant 4 : i32
    %lt3A_5 = vector.broadcast %lt3A : i32 to vector<16xi32>
    %lt3A_6 = arith.cmpi slt, %and3A_4, %lt3A_5 : vector<16xi32>
    %lt3A_7 = arith.constant 8 : i32
    %lt3A_8 = vector.broadcast %lt3A_7 : i32 to vector<16xi32>
    %lt3A_9 = arith.cmpi slt, %iota3A, %lt3A_8 : vector<16xi32>
    %mul3A_10 = arith.constant 5000 : i32
    %mul3A_11 = arith.muli %add3A, %mul3A_10 : i32
    %add3A_12 = arith.constant 0 : i32
    %add3A_13 = arith.addi %mul3A_11, %add3A_12 : i32
    "tpu.region"() ({
      %run_scoped3A = tpu.sem_alloc : memref<!tpu.dma_semaphore, #tpu.memory_space<semaphore_mem>>
      %dma_start3A_100 = tpu.memref_slice %arg3[%add3A_13] : memref<160000xi32, #tpu.memory_space<hbm>> -> memref<1000xi32, #tpu.memory_space<hbm>>
      %dma_start3A_101 = tpu.memref_slice %arg3[%add3A_13] : memref<160000xi32, #tpu.memory_space<hbm>> -> memref<1000xi32, #tpu.memory_space<hbm>>
      tpu.enqueue_dma source(%dma_start3A_101 : memref<1000xi32, #tpu.memory_space<hbm>>) target(%arg15 : memref<1000xi32, #tpu.memory_space<vmem>>) target_semaphore(%run_scoped3A : memref<!tpu.dma_semaphore, #tpu.memory_space<semaphore_mem>>)
      %dma_wait3A_102 = tpu.memref_slice %arg3[%add3A_13] : memref<160000xi32, #tpu.memory_space<hbm>> -> memref<1000xi32, #tpu.memory_space<hbm>>
      %dma_wait3A_103 = tpu.memref_slice %arg3[%add3A_13] : memref<160000xi32, #tpu.memory_space<hbm>> -> memref<1000xi32, #tpu.memory_space<hbm>>
      tpu.wait_dma2 semaphore(%run_scoped3A : memref<!tpu.dma_semaphore, #tpu.memory_space<semaphore_mem>>) src(%dma_wait3A_103 : memref<1000xi32, #tpu.memory_space<hbm>>) dst(%arg15 : memref<1000xi32, #tpu.memory_space<vmem>>)
      tpu.yield
    }) : () -> ()
    "tpu.region"() ({
      %run_scoped3A = tpu.sem_alloc : memref<!tpu.dma_semaphore, #tpu.memory_space<semaphore_mem>>
      %dma_start3A_100 = tpu.memref_slice %arg4[%add3A_13] : memref<160000xi32, #tpu.memory_space<hbm>> -> memref<1000xi32, #tpu.memory_space<hbm>>
      %dma_start3A_101 = tpu.memref_slice %arg4[%add3A_13] : memref<160000xi32, #tpu.memory_space<hbm>> -> memref<1000xi32, #tpu.memory_space<hbm>>
      tpu.enqueue_dma source(%dma_start3A_101 : memref<1000xi32, #tpu.memory_space<hbm>>) target(%arg16 : memref<1000xi32, #tpu.memory_space<vmem>>) target_semaphore(%run_scoped3A : memref<!tpu.dma_semaphore, #tpu.memory_space<semaphore_mem>>)
      %dma_wait3A_102 = tpu.memref_slice %arg4[%add3A_13] : memref<160000xi32, #tpu.memory_space<hbm>> -> memref<1000xi32, #tpu.memory_space<hbm>>
      %dma_wait3A_103 = tpu.memref_slice %arg4[%add3A_13] : memref<160000xi32, #tpu.memory_space<hbm>> -> memref<1000xi32, #tpu.memory_space<hbm>>
      tpu.wait_dma2 semaphore(%run_scoped3A : memref<!tpu.dma_semaphore, #tpu.memory_space<semaphore_mem>>) src(%dma_wait3A_103 : memref<1000xi32, #tpu.memory_space<hbm>>) dst(%arg16 : memref<1000xi32, #tpu.memory_space<vmem>>)
      tpu.yield
    }) : () -> ()
    %dma_start3A = arith.constant 0 : i32
    %dma_start3A_14 = arith.constant 0 : i32
    %dma_start3A_15 = tpu.memref_slice %arg2[%dma_start3A, %dma_start3A_14] : memref<80000x16xf32, #tpu.memory_space<hbm>> -> memref<80000x16xf32, #tpu.memory_space<hbm>>
    tpu.enqueue_indirect_dma source(%dma_start3A_15 : memref<80000x16xf32, #tpu.memory_space<hbm>>) target(%arg17 : memref<1000x16xf32, #tpu.memory_space<vmem>>) offsets(%arg15 : memref<1000xi32, #tpu.memory_space<vmem>>) semaphore(%arg25 : memref<!tpu.dma_semaphore, #tpu.memory_space<semaphore_mem>>)
    %dma_wait3A = arith.constant 0 : i32
    %dma_wait3A_16 = arith.constant 0 : i32
    %dma_wait3A_17 = tpu.memref_slice %arg2[%dma_wait3A, %dma_wait3A_16] : memref<80000x16xf32, #tpu.memory_space<hbm>> -> memref<80000x16xf32, #tpu.memory_space<hbm>>
    tpu.wait_indirect_dma semaphore(%arg25 : memref<!tpu.dma_semaphore, #tpu.memory_space<semaphore_mem>>) src(%dma_wait3A_17 : memref<80000x16xf32, #tpu.memory_space<hbm>>) dst(%arg17 : memref<1000x16xf32, #tpu.memory_space<vmem>>)
    "tpu.region"() ({
      %run_scoped3A = tpu.sem_alloc : memref<!tpu.dma_semaphore, #tpu.memory_space<semaphore_mem>>
      %dma_start3A_100 = arith.constant 0 : i32
      %dma_start3A_101 = arith.constant 0 : i32
      %dma_start3A_102 = tpu.memref_slice %arg24[%dma_start3A_100, %dma_start3A_101] : memref<10112x16xf32, #tpu.memory_space<vmem_shared>> -> memref<10112x16xf32, #tpu.memory_space<vmem_shared>>
      tpu.enqueue_indirect_dma source(%arg17 : memref<1000x16xf32, #tpu.memory_space<vmem>>) target(%dma_start3A_102 : memref<10112x16xf32, #tpu.memory_space<vmem_shared>>) offsets(%arg16 : memref<1000xi32, #tpu.memory_space<vmem>>) semaphore(%run_scoped3A : memref<!tpu.dma_semaphore, #tpu.memory_space<semaphore_mem>>) {add = true}
      %dma_wait3A_103 = arith.constant 0 : i32
      %dma_wait3A_104 = arith.constant 0 : i32
      %dma_wait3A_105 = tpu.memref_slice %arg24[%dma_wait3A_103, %dma_wait3A_104] : memref<10112x16xf32, #tpu.memory_space<vmem_shared>> -> memref<10112x16xf32, #tpu.memory_space<vmem_shared>>
      tpu.wait_indirect_dma semaphore(%run_scoped3A : memref<!tpu.dma_semaphore, #tpu.memory_space<semaphore_mem>>) src(%arg17 : memref<1000x16xf32, #tpu.memory_space<vmem>>) dst(%dma_wait3A_105 : memref<10112x16xf32, #tpu.memory_space<vmem_shared>>)
      tpu.yield
    }) : () -> ()
    %scan3A = arith.constant 0 : i32
    %scan3A_18 = arith.constant 0 : i32
    %scan3A_19 = arith.constant 500 : i32
    %scan3A_20 = arith.addi %scan3A_18, %scan3A_19 : i32
    %scan3A_21 = arith.constant 1 : i32
    scf.for %scan3A_100 = %scan3A_18 to %scan3A_20 step %scan3A_21  : i32 {
      %mul3A_101 = arith.constant 2 : i32
      %mul3A_102 = arith.muli %scan3A_100, %mul3A_101 : i32
      %add3A_103 = arith.constant 0 : i32
      %add3A_104 = arith.addi %mul3A_102, %add3A_103 : i32
      %get3A = arith.index_cast %add3A_104 : i32 to index
      %get3A_105 = arith.constant 0 : index
      %get3A_106 = tpu.vector_load %arg17[%get3A, %get3A_105] {strides = array<i32>} : memref<1000x16xf32, #tpu.memory_space<vmem>>, vector<16xf32>,
      %mul3A_107 = arith.constant 0 : i32
      %mul3A_108 = vector.broadcast %mul3A_107 : i32 to vector<16xi32>
      %mul3A_109 = arith.muli %iota3A, %mul3A_108 : vector<16xi32>
      %add3A_110 = vector.broadcast %add3A_104 : i32 to vector<16xi32>
      %add3A_111 = arith.addi %mul3A_109, %add3A_110 : vector<16xi32>
      %gather3A = tpu.vector_load_idx %arg16[%add3A_111] : memref<1000xi32, #tpu.memory_space<vmem>>[vector<16xi32>], vector<16xi32>,
      %mul3A_112 = arith.constant 8 : i32
      %mul3A_113 = vector.broadcast %mul3A_112 : i32 to vector<16xi32>
      %mul3A_114 = arith.muli %gather3A, %mul3A_113 : vector<16xi32>
      %add3A_115 = arith.addi %mul3A_114, %and3A_4 : vector<16xi32>
      %gather3A_116 = tpu.vector_load_idx %arg18[%add3A_115] : memref<81920xf32, #tpu.memory_space<vmem>>[vector<16xi32>], vector<16xf32>,
      %max3A = arith.maximumf %gather3A_116, %get3A_106 : vector<16xf32>
      %min3A = arith.minimumf %gather3A_116, %get3A_106 : vector<16xf32>
      %select_n3A = arith.select %lt3A_6, %max3A, %min3A : vector<16xi1>, vector<16xf32>
      tpu.vector_store_idx %arg18[%add3A_115], %select_n3A masked %lt3A_9 : memref<81920xf32, #tpu.memory_space<vmem>>[vector<16xi32>], vector<16xf32>, vector<16xi1>
      %mul3A_117 = arith.constant 2 : i32
      %mul3A_118 = arith.muli %scan3A_100, %mul3A_117 : i32
      %add3A_119 = arith.constant 1 : i32
      %add3A_120 = arith.addi %mul3A_118, %add3A_119 : i32
      %get3A_121 = arith.index_cast %add3A_120 : i32 to index
      %get3A_122 = arith.constant 0 : index
      %get3A_123 = tpu.vector_load %arg17[%get3A_121, %get3A_122] {strides = array<i32>} : memref<1000x16xf32, #tpu.memory_space<vmem>>, vector<16xf32>,
      %mul3A_124 = arith.constant 0 : i32
      %mul3A_125 = vector.broadcast %mul3A_124 : i32 to vector<16xi32>
      %mul3A_126 = arith.muli %iota3A, %mul3A_125 : vector<16xi32>
      %add3A_127 = vector.broadcast %add3A_120 : i32 to vector<16xi32>
      %add3A_128 = arith.addi %mul3A_126, %add3A_127 : vector<16xi32>
      %gather3A_129 = tpu.vector_load_idx %arg16[%add3A_128] : memref<1000xi32, #tpu.memory_space<vmem>>[vector<16xi32>], vector<16xi32>,
      %mul3A_130 = arith.constant 8 : i32
      %mul3A_131 = vector.broadcast %mul3A_130 : i32 to vector<16xi32>
      %mul3A_132 = arith.muli %gather3A_129, %mul3A_131 : vector<16xi32>
      %add3A_133 = arith.addi %mul3A_132, %and3A_4 : vector<16xi32>
      %gather3A_134 = tpu.vector_load_idx %arg18[%add3A_133] : memref<81920xf32, #tpu.memory_space<vmem>>[vector<16xi32>], vector<16xf32>,
      %max3A_135 = arith.maximumf %gather3A_134, %get3A_123 : vector<16xf32>
      %min3A_136 = arith.minimumf %gather3A_134, %get3A_123 : vector<16xf32>
      %select_n3A_137 = arith.select %lt3A_6, %max3A_135, %min3A_136 : vector<16xi1>, vector<16xf32>
      tpu.vector_store_idx %arg18[%add3A_133], %select_n3A_137 masked %lt3A_9 : memref<81920xf32, #tpu.memory_space<vmem>>[vector<16xi32>], vector<16xf32>, vector<16xi1>
    }
    %scan3A_22 = arith.constant 500 : i32
    %mul3A_23 = arith.constant 5000 : i32
    %mul3A_24 = arith.muli %add3A, %mul3A_23 : i32
    %add3A_25 = arith.constant 1000 : i32
    %add3A_26 = arith.addi %mul3A_24, %add3A_25 : i32
    "tpu.region"() ({
      %run_scoped3A = tpu.sem_alloc : memref<!tpu.dma_semaphore, #tpu.memory_space<semaphore_mem>>
      %dma_start3A_100 = tpu.memref_slice %arg3[%add3A_26] : memref<160000xi32, #tpu.memory_space<hbm>> -> memref<1000xi32, #tpu.memory_space<hbm>>
      %dma_start3A_101 = tpu.memref_slice %arg3[%add3A_26] : memref<160000xi32, #tpu.memory_space<hbm>> -> memref<1000xi32, #tpu.memory_space<hbm>>
      tpu.enqueue_dma source(%dma_start3A_101 : memref<1000xi32, #tpu.memory_space<hbm>>) target(%arg15 : memref<1000xi32, #tpu.memory_space<vmem>>) target_semaphore(%run_scoped3A : memref<!tpu.dma_semaphore, #tpu.memory_space<semaphore_mem>>)
      %dma_wait3A_102 = tpu.memref_slice %arg3[%add3A_26] : memref<160000xi32, #tpu.memory_space<hbm>> -> memref<1000xi32, #tpu.memory_space<hbm>>
      %dma_wait3A_103 = tpu.memref_slice %arg3[%add3A_26] : memref<160000xi32, #tpu.memory_space<hbm>> -> memref<1000xi32, #tpu.memory_space<hbm>>
      tpu.wait_dma2 semaphore(%run_scoped3A : memref<!tpu.dma_semaphore, #tpu.memory_space<semaphore_mem>>) src(%dma_wait3A_103 : memref<1000xi32, #tpu.memory_space<hbm>>) dst(%arg15 : memref<1000xi32, #tpu.memory_space<vmem>>)
      tpu.yield
    }) : () -> ()
    "tpu.region"() ({
      %run_scoped3A = tpu.sem_alloc : memref<!tpu.dma_semaphore, #tpu.memory_space<semaphore_mem>>
      %dma_start3A_100 = tpu.memref_slice %arg4[%add3A_26] : memref<160000xi32, #tpu.memory_space<hbm>> -> memref<1000xi32, #tpu.memory_space<hbm>>
      %dma_start3A_101 = tpu.memref_slice %arg4[%add3A_26] : memref<160000xi32, #tpu.memory_space<hbm>> -> memref<1000xi32, #tpu.memory_space<hbm>>
      tpu.enqueue_dma source(%dma_start3A_101 : memref<1000xi32, #tpu.memory_space<hbm>>) target(%arg16 : memref<1000xi32, #tpu.memory_space<vmem>>) target_semaphore(%run_scoped3A : memref<!tpu.dma_semaphore, #tpu.memory_space<semaphore_mem>>)
      %dma_wait3A_102 = tpu.memref_slice %arg4[%add3A_26] : memref<160000xi32, #tpu.memory_space<hbm>> -> memref<1000xi32, #tpu.memory_space<hbm>>
      %dma_wait3A_103 = tpu.memref_slice %arg4[%add3A_26] : memref<160000xi32, #tpu.memory_space<hbm>> -> memref<1000xi32, #tpu.memory_space<hbm>>
      tpu.wait_dma2 semaphore(%run_scoped3A : memref<!tpu.dma_semaphore, #tpu.memory_space<semaphore_mem>>) src(%dma_wait3A_103 : memref<1000xi32, #tpu.memory_space<hbm>>) dst(%arg16 : memref<1000xi32, #tpu.memory_space<vmem>>)
      tpu.yield
    }) : () -> ()
    %dma_start3A_27 = arith.constant 0 : i32
    %dma_start3A_28 = arith.constant 0 : i32
    %dma_start3A_29 = tpu.memref_slice %arg2[%dma_start3A_27, %dma_start3A_28] : memref<80000x16xf32, #tpu.memory_space<hbm>> -> memref<80000x16xf32, #tpu.memory_space<hbm>>
    tpu.enqueue_indirect_dma source(%dma_start3A_29 : memref<80000x16xf32, #tpu.memory_space<hbm>>) target(%arg17 : memref<1000x16xf32, #tpu.memory_space<vmem>>) offsets(%arg15 : memref<1000xi32, #tpu.memory_space<vmem>>) semaphore(%arg25 : memref<!tpu.dma_semaphore, #tpu.memory_space<semaphore_mem>>)
    %dma_wait3A_30 = arith.constant 0 : i32
    %dma_wait3A_31 = arith.constant 0 : i32
    %dma_wait3A_32 = tpu.memref_slice %arg2[%dma_wait3A_30, %dma_wait3A_31] : memref<80000x16xf32, #tpu.memory_space<hbm>> -> memref<80000x16xf32, #tpu.memory_space<hbm>>
    tpu.wait_indirect_dma semaphore(%arg25 : memref<!tpu.dma_semaphore, #tpu.memory_space<semaphore_mem>>) src(%dma_wait3A_32 : memref<80000x16xf32, #tpu.memory_space<hbm>>) dst(%arg17 : memref<1000x16xf32, #tpu.memory_space<vmem>>)
    "tpu.region"() ({
      %run_scoped3A = tpu.sem_alloc : memref<!tpu.dma_semaphore, #tpu.memory_space<semaphore_mem>>
      %dma_start3A_100 = arith.constant 0 : i32
      %dma_start3A_101 = arith.constant 0 : i32
      %dma_start3A_102 = tpu.memref_slice %arg24[%dma_start3A_100, %dma_start3A_101] : memref<10112x16xf32, #tpu.memory_space<vmem_shared>> -> memref<10112x16xf32, #tpu.memory_space<vmem_shared>>
      tpu.enqueue_indirect_dma source(%arg17 : memref<1000x16xf32, #tpu.memory_space<vmem>>) target(%dma_start3A_102 : memref<10112x16xf32, #tpu.memory_space<vmem_shared>>) offsets(%arg16 : memref<1000xi32, #tpu.memory_space<vmem>>) semaphore(%run_scoped3A : memref<!tpu.dma_semaphore, #tpu.memory_space<semaphore_mem>>) {add = true}
      %dma_wait3A_103 = arith.constant 0 : i32
      %dma_wait3A_104 = arith.constant 0 : i32
      %dma_wait3A_105 = tpu.memref_slice %arg24[%dma_wait3A_103, %dma_wait3A_104] : memref<10112x16xf32, #tpu.memory_space<vmem_shared>> -> memref<10112x16xf32, #tpu.memory_space<vmem_shared>>
      tpu.wait_indirect_dma semaphore(%run_scoped3A : memref<!tpu.dma_semaphore, #tpu.memory_space<semaphore_mem>>) src(%arg17 : memref<1000x16xf32, #tpu.memory_space<vmem>>) dst(%dma_wait3A_105 : memref<10112x16xf32, #tpu.memory_space<vmem_shared>>)
      tpu.yield
    }) : () -> ()
    %scan3A_33 = arith.constant 0 : i32
    %scan3A_34 = arith.constant 0 : i32
    %scan3A_35 = arith.constant 500 : i32
    %scan3A_36 = arith.addi %scan3A_34, %scan3A_35 : i32
    %scan3A_37 = arith.constant 1 : i32
    scf.for %scan3A_100 = %scan3A_34 to %scan3A_36 step %scan3A_37  : i32 {
      %mul3A_101 = arith.constant 2 : i32
      %mul3A_102 = arith.muli %scan3A_100, %mul3A_101 : i32
      %add3A_103 = arith.constant 0 : i32
      %add3A_104 = arith.addi %mul3A_102, %add3A_103 : i32
      %get3A = arith.index_cast %add3A_104 : i32 to index
      %get3A_105 = arith.constant 0 : index
      %get3A_106 = tpu.vector_load %arg17[%get3A, %get3A_105] {strides = array<i32>} : memref<1000x16xf32, #tpu.memory_space<vmem>>, vector<16xf32>,
      %mul3A_107 = arith.constant 0 : i32
      %mul3A_108 = vector.broadcast %mul3A_107 : i32 to vector<16xi32>
      %mul3A_109 = arith.muli %iota3A, %mul3A_108 : vector<16xi32>
      %add3A_110 = vector.broadcast %add3A_104 : i32 to vector<16xi32>
      %add3A_111 = arith.addi %mul3A_109, %add3A_110 : vector<16xi32>
      %gather3A = tpu.vector_load_idx %arg16[%add3A_111] : memref<1000xi32, #tpu.memory_space<vmem>>[vector<16xi32>], vector<16xi32>,
      %mul3A_112 = arith.constant 8 : i32
      %mul3A_113 = vector.broadcast %mul3A_112 : i32 to vector<16xi32>
      %mul3A_114 = arith.muli %gather3A, %mul3A_113 : vector<16xi32>
      %add3A_115 = arith.addi %mul3A_114, %and3A_4 : vector<16xi32>
      %gather3A_116 = tpu.vector_load_idx %arg18[%add3A_115] : memref<81920xf32, #tpu.memory_space<vmem>>[vector<16xi32>], vector<16xf32>,
      %max3A = arith.maximumf %gather3A_116, %get3A_106 : vector<16xf32>
      %min3A = arith.minimumf %gather3A_116, %get3A_106 : vector<16xf32>
      %select_n3A = arith.select %lt3A_6, %max3A, %min3A : vector<16xi1>, vector<16xf32>
      tpu.vector_store_idx %arg18[%add3A_115], %select_n3A masked %lt3A_9 : memref<81920xf32, #tpu.memory_space<vmem>>[vector<16xi32>], vector<16xf32>, vector<16xi1>
      %mul3A_117 = arith.constant 2 : i32
      %mul3A_118 = arith.muli %scan3A_100, %mul3A_117 : i32
      %add3A_119 = arith.constant 1 : i32
      %add3A_120 = arith.addi %mul3A_118, %add3A_119 : i32
      %get3A_121 = arith.index_cast %add3A_120 : i32 to index
      %get3A_122 = arith.constant 0 : index
      %get3A_123 = tpu.vector_load %arg17[%get3A_121, %get3A_122] {strides = array<i32>} : memref<1000x16xf32, #tpu.memory_space<vmem>>, vector<16xf32>,
      %mul3A_124 = arith.constant 0 : i32
      %mul3A_125 = vector.broadcast %mul3A_124 : i32 to vector<16xi32>
      %mul3A_126 = arith.muli %iota3A, %mul3A_125 : vector<16xi32>
      %add3A_127 = vector.broadcast %add3A_120 : i32 to vector<16xi32>
      %add3A_128 = arith.addi %mul3A_126, %add3A_127 : vector<16xi32>
      %gather3A_129 = tpu.vector_load_idx %arg16[%add3A_128] : memref<1000xi32, #tpu.memory_space<vmem>>[vector<16xi32>], vector<16xi32>,
      %mul3A_130 = arith.constant 8 : i32
      %mul3A_131 = vector.broadcast %mul3A_130 : i32 to vector<16xi32>
      %mul3A_132 = arith.muli %gather3A_129, %mul3A_131 : vector<16xi32>
      %add3A_133 = arith.addi %mul3A_132, %and3A_4 : vector<16xi32>
      %gather3A_134 = tpu.vector_load_idx %arg18[%add3A_133] : memref<81920xf32, #tpu.memory_space<vmem>>[vector<16xi32>], vector<16xf32>,
      %max3A_135 = arith.maximumf %gather3A_134, %get3A_123 : vector<16xf32>
      %min3A_136 = arith.minimumf %gather3A_134, %get3A_123 : vector<16xf32>
      %select_n3A_137 = arith.select %lt3A_6, %max3A_135, %min3A_136 : vector<16xi1>, vector<16xf32>
      tpu.vector_store_idx %arg18[%add3A_133], %select_n3A_137 masked %lt3A_9 : memref<81920xf32, #tpu.memory_space<vmem>>[vector<16xi32>], vector<16xf32>, vector<16xi1>
    }
    %scan3A_38 = arith.constant 500 : i32
    %mul3A_39 = arith.constant 5000 : i32
    %mul3A_40 = arith.muli %add3A, %mul3A_39 : i32
    %add3A_41 = arith.constant 2000 : i32
    %add3A_42 = arith.addi %mul3A_40, %add3A_41 : i32
    "tpu.region"() ({
      %run_scoped3A = tpu.sem_alloc : memref<!tpu.dma_semaphore, #tpu.memory_space<semaphore_mem>>
      %dma_start3A_100 = tpu.memref_slice %arg3[%add3A_42] : memref<160000xi32, #tpu.memory_space<hbm>> -> memref<1000xi32, #tpu.memory_space<hbm>>
      %dma_start3A_101 = tpu.memref_slice %arg3[%add3A_42] : memref<160000xi32, #tpu.memory_space<hbm>> -> memref<1000xi32, #tpu.memory_space<hbm>>
      tpu.enqueue_dma source(%dma_start3A_101 : memref<1000xi32, #tpu.memory_space<hbm>>) target(%arg15 : memref<1000xi32, #tpu.memory_space<vmem>>) target_semaphore(%run_scoped3A : memref<!tpu.dma_semaphore, #tpu.memory_space<semaphore_mem>>)
      %dma_wait3A_102 = tpu.memref_slice %arg3[%add3A_42] : memref<160000xi32, #tpu.memory_space<hbm>> -> memref<1000xi32, #tpu.memory_space<hbm>>
      %dma_wait3A_103 = tpu.memref_slice %arg3[%add3A_42] : memref<160000xi32, #tpu.memory_space<hbm>> -> memref<1000xi32, #tpu.memory_space<hbm>>
      tpu.wait_dma2 semaphore(%run_scoped3A : memref<!tpu.dma_semaphore, #tpu.memory_space<semaphore_mem>>) src(%dma_wait3A_103 : memref<1000xi32, #tpu.memory_space<hbm>>) dst(%arg15 : memref<1000xi32, #tpu.memory_space<vmem>>)
      tpu.yield
    }) : () -> ()
    "tpu.region"() ({
      %run_scoped3A = tpu.sem_alloc : memref<!tpu.dma_semaphore, #tpu.memory_space<semaphore_mem>>
      %dma_start3A_100 = tpu.memref_slice %arg4[%add3A_42] : memref<160000xi32, #tpu.memory_space<hbm>> -> memref<1000xi32, #tpu.memory_space<hbm>>
      %dma_start3A_101 = tpu.memref_slice %arg4[%add3A_42] : memref<160000xi32, #tpu.memory_space<hbm>> -> memref<1000xi32, #tpu.memory_space<hbm>>
      tpu.enqueue_dma source(%dma_start3A_101 : memref<1000xi32, #tpu.memory_space<hbm>>) target(%arg16 : memref<1000xi32, #tpu.memory_space<vmem>>) target_semaphore(%run_scoped3A : memref<!tpu.dma_semaphore, #tpu.memory_space<semaphore_mem>>)
      %dma_wait3A_102 = tpu.memref_slice %arg4[%add3A_42] : memref<160000xi32, #tpu.memory_space<hbm>> -> memref<1000xi32, #tpu.memory_space<hbm>>
      %dma_wait3A_103 = tpu.memref_slice %arg4[%add3A_42] : memref<160000xi32, #tpu.memory_space<hbm>> -> memref<1000xi32, #tpu.memory_space<hbm>>
      tpu.wait_dma2 semaphore(%run_scoped3A : memref<!tpu.dma_semaphore, #tpu.memory_space<semaphore_mem>>) src(%dma_wait3A_103 : memref<1000xi32, #tpu.memory_space<hbm>>) dst(%arg16 : memref<1000xi32, #tpu.memory_space<vmem>>)
      tpu.yield
    }) : () -> ()
    %dma_start3A_43 = arith.constant 0 : i32
    %dma_start3A_44 = arith.constant 0 : i32
    %dma_start3A_45 = tpu.memref_slice %arg2[%dma_start3A_43, %dma_start3A_44] : memref<80000x16xf32, #tpu.memory_space<hbm>> -> memref<80000x16xf32, #tpu.memory_space<hbm>>
    tpu.enqueue_indirect_dma source(%dma_start3A_45 : memref<80000x16xf32, #tpu.memory_space<hbm>>) target(%arg17 : memref<1000x16xf32, #tpu.memory_space<vmem>>) offsets(%arg15 : memref<1000xi32, #tpu.memory_space<vmem>>) semaphore(%arg25 : memref<!tpu.dma_semaphore, #tpu.memory_space<semaphore_mem>>)
    %dma_wait3A_46 = arith.constant 0 : i32
    %dma_wait3A_47 = arith.constant 0 : i32
    %dma_wait3A_48 = tpu.memref_slice %arg2[%dma_wait3A_46, %dma_wait3A_47] : memref<80000x16xf32, #tpu.memory_space<hbm>> -> memref<80000x16xf32, #tpu.memory_space<hbm>>
    tpu.wait_indirect_dma semaphore(%arg25 : memref<!tpu.dma_semaphore, #tpu.memory_space<semaphore_mem>>) src(%dma_wait3A_48 : memref<80000x16xf32, #tpu.memory_space<hbm>>) dst(%arg17 : memref<1000x16xf32, #tpu.memory_space<vmem>>)
    "tpu.region"() ({
      %run_scoped3A = tpu.sem_alloc : memref<!tpu.dma_semaphore, #tpu.memory_space<semaphore_mem>>
      %dma_start3A_100 = arith.constant 0 : i32
      %dma_start3A_101 = arith.constant 0 : i32
      %dma_start3A_102 = tpu.memref_slice %arg24[%dma_start3A_100, %dma_start3A_101] : memref<10112x16xf32, #tpu.memory_space<vmem_shared>> -> memref<10112x16xf32, #tpu.memory_space<vmem_shared>>
      tpu.enqueue_indirect_dma source(%arg17 : memref<1000x16xf32, #tpu.memory_space<vmem>>) target(%dma_start3A_102 : memref<10112x16xf32, #tpu.memory_space<vmem_shared>>) offsets(%arg16 : memref<1000xi32, #tpu.memory_space<vmem>>) semaphore(%run_scoped3A : memref<!tpu.dma_semaphore, #tpu.memory_space<semaphore_mem>>) {add = true}
      %dma_wait3A_103 = arith.constant 0 : i32
      %dma_wait3A_104 = arith.constant 0 : i32
      %dma_wait3A_105 = tpu.memref_slice %arg24[%dma_wait3A_103, %dma_wait3A_104] : memref<10112x16xf32, #tpu.memory_space<vmem_shared>> -> memref<10112x16xf32, #tpu.memory_space<vmem_shared>>
      tpu.wait_indirect_dma semaphore(%run_scoped3A : memref<!tpu.dma_semaphore, #tpu.memory_space<semaphore_mem>>) src(%arg17 : memref<1000x16xf32, #tpu.memory_space<vmem>>) dst(%dma_wait3A_105 : memref<10112x16xf32, #tpu.memory_space<vmem_shared>>)
      tpu.yield
    }) : () -> ()
    %scan3A_49 = arith.constant 0 : i32
    %scan3A_50 = arith.constant 0 : i32
    %scan3A_51 = arith.constant 500 : i32
    %scan3A_52 = arith.addi %scan3A_50, %scan3A_51 : i32
    %scan3A_53 = arith.constant 1 : i32
    scf.for %scan3A_100 = %scan3A_50 to %scan3A_52 step %scan3A_53  : i32 {
      %mul3A_101 = arith.constant 2 : i32
      %mul3A_102 = arith.muli %scan3A_100, %mul3A_101 : i32
      %add3A_103 = arith.constant 0 : i32
      %add3A_104 = arith.addi %mul3A_102, %add3A_103 : i32
      %get3A = arith.index_cast %add3A_104 : i32 to index
      %get3A_105 = arith.constant 0 : index
      %get3A_106 = tpu.vector_load %arg17[%get3A, %get3A_105] {strides = array<i32>} : memref<1000x16xf32, #tpu.memory_space<vmem>>, vector<16xf32>,
      %mul3A_107 = arith.constant 0 : i32
      %mul3A_108 = vector.broadcast %mul3A_107 : i32 to vector<16xi32>
      %mul3A_109 = arith.muli %iota3A, %mul3A_108 : vector<16xi32>
      %add3A_110 = vector.broadcast %add3A_104 : i32 to vector<16xi32>
      %add3A_111 = arith.addi %mul3A_109, %add3A_110 : vector<16xi32>
      %gather3A = tpu.vector_load_idx %arg16[%add3A_111] : memref<1000xi32, #tpu.memory_space<vmem>>[vector<16xi32>], vector<16xi32>,
      %mul3A_112 = arith.constant 8 : i32
      %mul3A_113 = vector.broadcast %mul3A_112 : i32 to vector<16xi32>
      %mul3A_114 = arith.muli %gather3A, %mul3A_113 : vector<16xi32>
      %add3A_115 = arith.addi %mul3A_114, %and3A_4 : vector<16xi32>
      %gather3A_116 = tpu.vector_load_idx %arg18[%add3A_115] : memref<81920xf32, #tpu.memory_space<vmem>>[vector<16xi32>], vector<16xf32>,
      %max3A = arith.maximumf %gather3A_116, %get3A_106 : vector<16xf32>
      %min3A = arith.minimumf %gather3A_116, %get3A_106 : vector<16xf32>
      %select_n3A = arith.select %lt3A_6, %max3A, %min3A : vector<16xi1>, vector<16xf32>
      tpu.vector_store_idx %arg18[%add3A_115], %select_n3A masked %lt3A_9 : memref<81920xf32, #tpu.memory_space<vmem>>[vector<16xi32>], vector<16xf32>, vector<16xi1>
      %mul3A_117 = arith.constant 2 : i32
      %mul3A_118 = arith.muli %scan3A_100, %mul3A_117 : i32
      %add3A_119 = arith.constant 1 : i32
      %add3A_120 = arith.addi %mul3A_118, %add3A_119 : i32
      %get3A_121 = arith.index_cast %add3A_120 : i32 to index
      %get3A_122 = arith.constant 0 : index
      %get3A_123 = tpu.vector_load %arg17[%get3A_121, %get3A_122] {strides = array<i32>} : memref<1000x16xf32, #tpu.memory_space<vmem>>, vector<16xf32>,
      %mul3A_124 = arith.constant 0 : i32
      %mul3A_125 = vector.broadcast %mul3A_124 : i32 to vector<16xi32>
      %mul3A_126 = arith.muli %iota3A, %mul3A_125 : vector<16xi32>
      %add3A_127 = vector.broadcast %add3A_120 : i32 to vector<16xi32>
      %add3A_128 = arith.addi %mul3A_126, %add3A_127 : vector<16xi32>
      %gather3A_129 = tpu.vector_load_idx %arg16[%add3A_128] : memref<1000xi32, #tpu.memory_space<vmem>>[vector<16xi32>], vector<16xi32>,
      %mul3A_130 = arith.constant 8 : i32
      %mul3A_131 = vector.broadcast %mul3A_130 : i32 to vector<16xi32>
      %mul3A_132 = arith.muli %gather3A_129, %mul3A_131 : vector<16xi32>
      %add3A_133 = arith.addi %mul3A_132, %and3A_4 : vector<16xi32>
      %gather3A_134 = tpu.vector_load_idx %arg18[%add3A_133] : memref<81920xf32, #tpu.memory_space<vmem>>[vector<16xi32>], vector<16xf32>,
      %max3A_135 = arith.maximumf %gather3A_134, %get3A_123 : vector<16xf32>
      %min3A_136 = arith.minimumf %gather3A_134, %get3A_123 : vector<16xf32>
      %select_n3A_137 = arith.select %lt3A_6, %max3A_135, %min3A_136 : vector<16xi1>, vector<16xf32>
      tpu.vector_store_idx %arg18[%add3A_133], %select_n3A_137 masked %lt3A_9 : memref<81920xf32, #tpu.memory_space<vmem>>[vector<16xi32>], vector<16xf32>, vector<16xi1>
    }
    %scan3A_54 = arith.constant 500 : i32
    %mul3A_55 = arith.constant 5000 : i32
    %mul3A_56 = arith.muli %add3A, %mul3A_55 : i32
    %add3A_57 = arith.constant 3000 : i32
    %add3A_58 = arith.addi %mul3A_56, %add3A_57 : i32
    "tpu.region"() ({
      %run_scoped3A = tpu.sem_alloc : memref<!tpu.dma_semaphore, #tpu.memory_space<semaphore_mem>>
      %dma_start3A_100 = tpu.memref_slice %arg3[%add3A_58] : memref<160000xi32, #tpu.memory_space<hbm>> -> memref<1000xi32, #tpu.memory_space<hbm>>
      %dma_start3A_101 = tpu.memref_slice %arg3[%add3A_58] : memref<160000xi32, #tpu.memory_space<hbm>> -> memref<1000xi32, #tpu.memory_space<hbm>>
      tpu.enqueue_dma source(%dma_start3A_101 : memref<1000xi32, #tpu.memory_space<hbm>>) target(%arg15 : memref<1000xi32, #tpu.memory_space<vmem>>) target_semaphore(%run_scoped3A : memref<!tpu.dma_semaphore, #tpu.memory_space<semaphore_mem>>)
      %dma_wait3A_102 = tpu.memref_slice %arg3[%add3A_58] : memref<160000xi32, #tpu.memory_space<hbm>> -> memref<1000xi32, #tpu.memory_space<hbm>>
      %dma_wait3A_103 = tpu.memref_slice %arg3[%add3A_58] : memref<160000xi32, #tpu.memory_space<hbm>> -> memref<1000xi32, #tpu.memory_space<hbm>>
      tpu.wait_dma2 semaphore(%run_scoped3A : memref<!tpu.dma_semaphore, #tpu.memory_space<semaphore_mem>>) src(%dma_wait3A_103 : memref<1000xi32, #tpu.memory_space<hbm>>) dst(%arg15 : memref<1000xi32, #tpu.memory_space<vmem>>)
      tpu.yield
    }) : () -> ()
    "tpu.region"() ({
      %run_scoped3A = tpu.sem_alloc : memref<!tpu.dma_semaphore, #tpu.memory_space<semaphore_mem>>
      %dma_start3A_100 = tpu.memref_slice %arg4[%add3A_58] : memref<160000xi32, #tpu.memory_space<hbm>> -> memref<1000xi32, #tpu.memory_space<hbm>>
      %dma_start3A_101 = tpu.memref_slice %arg4[%add3A_58] : memref<160000xi32, #tpu.memory_space<hbm>> -> memref<1000xi32, #tpu.memory_space<hbm>>
      tpu.enqueue_dma source(%dma_start3A_101 : memref<1000xi32, #tpu.memory_space<hbm>>) target(%arg16 : memref<1000xi32, #tpu.memory_space<vmem>>) target_semaphore(%run_scoped3A : memref<!tpu.dma_semaphore, #tpu.memory_space<semaphore_mem>>)
      %dma_wait3A_102 = tpu.memref_slice %arg4[%add3A_58] : memref<160000xi32, #tpu.memory_space<hbm>> -> memref<1000xi32, #tpu.memory_space<hbm>>
      %dma_wait3A_103 = tpu.memref_slice %arg4[%add3A_58] : memref<160000xi32, #tpu.memory_space<hbm>> -> memref<1000xi32, #tpu.memory_space<hbm>>
      tpu.wait_dma2 semaphore(%run_scoped3A : memref<!tpu.dma_semaphore, #tpu.memory_space<semaphore_mem>>) src(%dma_wait3A_103 : memref<1000xi32, #tpu.memory_space<hbm>>) dst(%arg16 : memref<1000xi32, #tpu.memory_space<vmem>>)
      tpu.yield
    }) : () -> ()
    %dma_start3A_59 = arith.constant 0 : i32
    %dma_start3A_60 = arith.constant 0 : i32
    %dma_start3A_61 = tpu.memref_slice %arg2[%dma_start3A_59, %dma_start3A_60] : memref<80000x16xf32, #tpu.memory_space<hbm>> -> memref<80000x16xf32, #tpu.memory_space<hbm>>
    tpu.enqueue_indirect_dma source(%dma_start3A_61 : memref<80000x16xf32, #tpu.memory_space<hbm>>) target(%arg17 : memref<1000x16xf32, #tpu.memory_space<vmem>>) offsets(%arg15 : memref<1000xi32, #tpu.memory_space<vmem>>) semaphore(%arg25 : memref<!tpu.dma_semaphore, #tpu.memory_space<semaphore_mem>>)
    %dma_wait3A_62 = arith.constant 0 : i32
    %dma_wait3A_63 = arith.constant 0 : i32
    %dma_wait3A_64 = tpu.memref_slice %arg2[%dma_wait3A_62, %dma_wait3A_63] : memref<80000x16xf32, #tpu.memory_space<hbm>> -> memref<80000x16xf32, #tpu.memory_space<hbm>>
    tpu.wait_indirect_dma semaphore(%arg25 : memref<!tpu.dma_semaphore, #tpu.memory_space<semaphore_mem>>) src(%dma_wait3A_64 : memref<80000x16xf32, #tpu.memory_space<hbm>>) dst(%arg17 : memref<1000x16xf32, #tpu.memory_space<vmem>>)
    "tpu.region"() ({
      %run_scoped3A = tpu.sem_alloc : memref<!tpu.dma_semaphore, #tpu.memory_space<semaphore_mem>>
      %dma_start3A_100 = arith.constant 0 : i32
      %dma_start3A_101 = arith.constant 0 : i32
      %dma_start3A_102 = tpu.memref_slice %arg24[%dma_start3A_100, %dma_start3A_101] : memref<10112x16xf32, #tpu.memory_space<vmem_shared>> -> memref<10112x16xf32, #tpu.memory_space<vmem_shared>>
      tpu.enqueue_indirect_dma source(%arg17 : memref<1000x16xf32, #tpu.memory_space<vmem>>) target(%dma_start3A_102 : memref<10112x16xf32, #tpu.memory_space<vmem_shared>>) offsets(%arg16 : memref<1000xi32, #tpu.memory_space<vmem>>) semaphore(%run_scoped3A : memref<!tpu.dma_semaphore, #tpu.memory_space<semaphore_mem>>) {add = true}
      %dma_wait3A_103 = arith.constant 0 : i32
      %dma_wait3A_104 = arith.constant 0 : i32
      %dma_wait3A_105 = tpu.memref_slice %arg24[%dma_wait3A_103, %dma_wait3A_104] : memref<10112x16xf32, #tpu.memory_space<vmem_shared>> -> memref<10112x16xf32, #tpu.memory_space<vmem_shared>>
      tpu.wait_indirect_dma semaphore(%run_scoped3A : memref<!tpu.dma_semaphore, #tpu.memory_space<semaphore_mem>>) src(%arg17 : memref<1000x16xf32, #tpu.memory_space<vmem>>) dst(%dma_wait3A_105 : memref<10112x16xf32, #tpu.memory_space<vmem_shared>>)
      tpu.yield
    }) : () -> ()
    %scan3A_65 = arith.constant 0 : i32
    %scan3A_66 = arith.constant 0 : i32
    %scan3A_67 = arith.constant 500 : i32
    %scan3A_68 = arith.addi %scan3A_66, %scan3A_67 : i32
    %scan3A_69 = arith.constant 1 : i32
    scf.for %scan3A_100 = %scan3A_66 to %scan3A_68 step %scan3A_69  : i32 {
      %mul3A_101 = arith.constant 2 : i32
      %mul3A_102 = arith.muli %scan3A_100, %mul3A_101 : i32
      %add3A_103 = arith.constant 0 : i32
      %add3A_104 = arith.addi %mul3A_102, %add3A_103 : i32
      %get3A = arith.index_cast %add3A_104 : i32 to index
      %get3A_105 = arith.constant 0 : index
      %get3A_106 = tpu.vector_load %arg17[%get3A, %get3A_105] {strides = array<i32>} : memref<1000x16xf32, #tpu.memory_space<vmem>>, vector<16xf32>,
      %mul3A_107 = arith.constant 0 : i32
      %mul3A_108 = vector.broadcast %mul3A_107 : i32 to vector<16xi32>
      %mul3A_109 = arith.muli %iota3A, %mul3A_108 : vector<16xi32>
      %add3A_110 = vector.broadcast %add3A_104 : i32 to vector<16xi32>
      %add3A_111 = arith.addi %mul3A_109, %add3A_110 : vector<16xi32>
      %gather3A = tpu.vector_load_idx %arg16[%add3A_111] : memref<1000xi32, #tpu.memory_space<vmem>>[vector<16xi32>], vector<16xi32>,
      %mul3A_112 = arith.constant 8 : i32
      %mul3A_113 = vector.broadcast %mul3A_112 : i32 to vector<16xi32>
      %mul3A_114 = arith.muli %gather3A, %mul3A_113 : vector<16xi32>
      %add3A_115 = arith.addi %mul3A_114, %and3A_4 : vector<16xi32>
      %gather3A_116 = tpu.vector_load_idx %arg18[%add3A_115] : memref<81920xf32, #tpu.memory_space<vmem>>[vector<16xi32>], vector<16xf32>,
      %max3A = arith.maximumf %gather3A_116, %get3A_106 : vector<16xf32>
      %min3A = arith.minimumf %gather3A_116, %get3A_106 : vector<16xf32>
      %select_n3A = arith.select %lt3A_6, %max3A, %min3A : vector<16xi1>, vector<16xf32>
      tpu.vector_store_idx %arg18[%add3A_115], %select_n3A masked %lt3A_9 : memref<81920xf32, #tpu.memory_space<vmem>>[vector<16xi32>], vector<16xf32>, vector<16xi1>
      %mul3A_117 = arith.constant 2 : i32
      %mul3A_118 = arith.muli %scan3A_100, %mul3A_117 : i32
      %add3A_119 = arith.constant 1 : i32
      %add3A_120 = arith.addi %mul3A_118, %add3A_119 : i32
      %get3A_121 = arith.index_cast %add3A_120 : i32 to index
      %get3A_122 = arith.constant 0 : index
      %get3A_123 = tpu.vector_load %arg17[%get3A_121, %get3A_122] {strides = array<i32>} : memref<1000x16xf32, #tpu.memory_space<vmem>>, vector<16xf32>,
      %mul3A_124 = arith.constant 0 : i32
      %mul3A_125 = vector.broadcast %mul3A_124 : i32 to vector<16xi32>
      %mul3A_126 = arith.muli %iota3A, %mul3A_125 : vector<16xi32>
      %add3A_127 = vector.broadcast %add3A_120 : i32 to vector<16xi32>
      %add3A_128 = arith.addi %mul3A_126, %add3A_127 : vector<16xi32>
      %gather3A_129 = tpu.vector_load_idx %arg16[%add3A_128] : memref<1000xi32, #tpu.memory_space<vmem>>[vector<16xi32>], vector<16xi32>,
      %mul3A_130 = arith.constant 8 : i32
      %mul3A_131 = vector.broadcast %mul3A_130 : i32 to vector<16xi32>
      %mul3A_132 = arith.muli %gather3A_129, %mul3A_131 : vector<16xi32>
      %add3A_133 = arith.addi %mul3A_132, %and3A_4 : vector<16xi32>
      %gather3A_134 = tpu.vector_load_idx %arg18[%add3A_133] : memref<81920xf32, #tpu.memory_space<vmem>>[vector<16xi32>], vector<16xf32>,
      %max3A_135 = arith.maximumf %gather3A_134, %get3A_123 : vector<16xf32>
      %min3A_136 = arith.minimumf %gather3A_134, %get3A_123 : vector<16xf32>
      %select_n3A_137 = arith.select %lt3A_6, %max3A_135, %min3A_136 : vector<16xi1>, vector<16xf32>
      tpu.vector_store_idx %arg18[%add3A_133], %select_n3A_137 masked %lt3A_9 : memref<81920xf32, #tpu.memory_space<vmem>>[vector<16xi32>], vector<16xf32>, vector<16xi1>
    }
    %scan3A_70 = arith.constant 500 : i32
    %mul3A_71 = arith.constant 5000 : i32
    %mul3A_72 = arith.muli %add3A, %mul3A_71 : i32
    %add3A_73 = arith.constant 4000 : i32
    %add3A_74 = arith.addi %mul3A_72, %add3A_73 : i32
    "tpu.region"() ({
      %run_scoped3A = tpu.sem_alloc : memref<!tpu.dma_semaphore, #tpu.memory_space<semaphore_mem>>
      %dma_start3A_100 = tpu.memref_slice %arg3[%add3A_74] : memref<160000xi32, #tpu.memory_space<hbm>> -> memref<1000xi32, #tpu.memory_space<hbm>>
      %dma_start3A_101 = tpu.memref_slice %arg3[%add3A_74] : memref<160000xi32, #tpu.memory_space<hbm>> -> memref<1000xi32, #tpu.memory_space<hbm>>
      tpu.enqueue_dma source(%dma_start3A_101 : memref<1000xi32, #tpu.memory_space<hbm>>) target(%arg15 : memref<1000xi32, #tpu.memory_space<vmem>>) target_semaphore(%run_scoped3A : memref<!tpu.dma_semaphore, #tpu.memory_space<semaphore_mem>>)
      %dma_wait3A_102 = tpu.memref_slice %arg3[%add3A_74] : memref<160000xi32, #tpu.memory_space<hbm>> -> memref<1000xi32, #tpu.memory_space<hbm>>
      %dma_wait3A_103 = tpu.memref_slice %arg3[%add3A_74] : memref<160000xi32, #tpu.memory_space<hbm>> -> memref<1000xi32, #tpu.memory_space<hbm>>
      tpu.wait_dma2 semaphore(%run_scoped3A : memref<!tpu.dma_semaphore, #tpu.memory_space<semaphore_mem>>) src(%dma_wait3A_103 : memref<1000xi32, #tpu.memory_space<hbm>>) dst(%arg15 : memref<1000xi32, #tpu.memory_space<vmem>>)
      tpu.yield
    }) : () -> ()
    "tpu.region"() ({
      %run_scoped3A = tpu.sem_alloc : memref<!tpu.dma_semaphore, #tpu.memory_space<semaphore_mem>>
      %dma_start3A_100 = tpu.memref_slice %arg4[%add3A_74] : memref<160000xi32, #tpu.memory_space<hbm>> -> memref<1000xi32, #tpu.memory_space<hbm>>
      %dma_start3A_101 = tpu.memref_slice %arg4[%add3A_74] : memref<160000xi32, #tpu.memory_space<hbm>> -> memref<1000xi32, #tpu.memory_space<hbm>>
      tpu.enqueue_dma source(%dma_start3A_101 : memref<1000xi32, #tpu.memory_space<hbm>>) target(%arg16 : memref<1000xi32, #tpu.memory_space<vmem>>) target_semaphore(%run_scoped3A : memref<!tpu.dma_semaphore, #tpu.memory_space<semaphore_mem>>)
      %dma_wait3A_102 = tpu.memref_slice %arg4[%add3A_74] : memref<160000xi32, #tpu.memory_space<hbm>> -> memref<1000xi32, #tpu.memory_space<hbm>>
      %dma_wait3A_103 = tpu.memref_slice %arg4[%add3A_74] : memref<160000xi32, #tpu.memory_space<hbm>> -> memref<1000xi32, #tpu.memory_space<hbm>>
      tpu.wait_dma2 semaphore(%run_scoped3A : memref<!tpu.dma_semaphore, #tpu.memory_space<semaphore_mem>>) src(%dma_wait3A_103 : memref<1000xi32, #tpu.memory_space<hbm>>) dst(%arg16 : memref<1000xi32, #tpu.memory_space<vmem>>)
      tpu.yield
    }) : () -> ()
    %dma_start3A_75 = arith.constant 0 : i32
    %dma_start3A_76 = arith.constant 0 : i32
    %dma_start3A_77 = tpu.memref_slice %arg2[%dma_start3A_75, %dma_start3A_76] : memref<80000x16xf32, #tpu.memory_space<hbm>> -> memref<80000x16xf32, #tpu.memory_space<hbm>>
    tpu.enqueue_indirect_dma source(%dma_start3A_77 : memref<80000x16xf32, #tpu.memory_space<hbm>>) target(%arg17 : memref<1000x16xf32, #tpu.memory_space<vmem>>) offsets(%arg15 : memref<1000xi32, #tpu.memory_space<vmem>>) semaphore(%arg25 : memref<!tpu.dma_semaphore, #tpu.memory_space<semaphore_mem>>)
    %dma_wait3A_78 = arith.constant 0 : i32
    %dma_wait3A_79 = arith.constant 0 : i32
    %dma_wait3A_80 = tpu.memref_slice %arg2[%dma_wait3A_78, %dma_wait3A_79] : memref<80000x16xf32, #tpu.memory_space<hbm>> -> memref<80000x16xf32, #tpu.memory_space<hbm>>
    tpu.wait_indirect_dma semaphore(%arg25 : memref<!tpu.dma_semaphore, #tpu.memory_space<semaphore_mem>>) src(%dma_wait3A_80 : memref<80000x16xf32, #tpu.memory_space<hbm>>) dst(%arg17 : memref<1000x16xf32, #tpu.memory_space<vmem>>)
    "tpu.region"() ({
      %run_scoped3A = tpu.sem_alloc : memref<!tpu.dma_semaphore, #tpu.memory_space<semaphore_mem>>
      %dma_start3A_100 = arith.constant 0 : i32
      %dma_start3A_101 = arith.constant 0 : i32
      %dma_start3A_102 = tpu.memref_slice %arg24[%dma_start3A_100, %dma_start3A_101] : memref<10112x16xf32, #tpu.memory_space<vmem_shared>> -> memref<10112x16xf32, #tpu.memory_space<vmem_shared>>
      tpu.enqueue_indirect_dma source(%arg17 : memref<1000x16xf32, #tpu.memory_space<vmem>>) target(%dma_start3A_102 : memref<10112x16xf32, #tpu.memory_space<vmem_shared>>) offsets(%arg16 : memref<1000xi32, #tpu.memory_space<vmem>>) semaphore(%run_scoped3A : memref<!tpu.dma_semaphore, #tpu.memory_space<semaphore_mem>>) {add = true}
      %dma_wait3A_103 = arith.constant 0 : i32
      %dma_wait3A_104 = arith.constant 0 : i32
      %dma_wait3A_105 = tpu.memref_slice %arg24[%dma_wait3A_103, %dma_wait3A_104] : memref<10112x16xf32, #tpu.memory_space<vmem_shared>> -> memref<10112x16xf32, #tpu.memory_space<vmem_shared>>
      tpu.wait_indirect_dma semaphore(%run_scoped3A : memref<!tpu.dma_semaphore, #tpu.memory_space<semaphore_mem>>) src(%arg17 : memref<1000x16xf32, #tpu.memory_space<vmem>>) dst(%dma_wait3A_105 : memref<10112x16xf32, #tpu.memory_space<vmem_shared>>)
      tpu.yield
    }) : () -> ()
    %scan3A_81 = arith.constant 0 : i32
    %scan3A_82 = arith.constant 0 : i32
    %scan3A_83 = arith.constant 500 : i32
    %scan3A_84 = arith.addi %scan3A_82, %scan3A_83 : i32
    %scan3A_85 = arith.constant 1 : i32
    scf.for %scan3A_100 = %scan3A_82 to %scan3A_84 step %scan3A_85  : i32 {
      %mul3A_101 = arith.constant 2 : i32
      %mul3A_102 = arith.muli %scan3A_100, %mul3A_101 : i32
      %add3A_103 = arith.constant 0 : i32
      %add3A_104 = arith.addi %mul3A_102, %add3A_103 : i32
      %get3A = arith.index_cast %add3A_104 : i32 to index
      %get3A_105 = arith.constant 0 : index
      %get3A_106 = tpu.vector_load %arg17[%get3A, %get3A_105] {strides = array<i32>} : memref<1000x16xf32, #tpu.memory_space<vmem>>, vector<16xf32>,
      %mul3A_107 = arith.constant 0 : i32
      %mul3A_108 = vector.broadcast %mul3A_107 : i32 to vector<16xi32>
      %mul3A_109 = arith.muli %iota3A, %mul3A_108 : vector<16xi32>
      %add3A_110 = vector.broadcast %add3A_104 : i32 to vector<16xi32>
      %add3A_111 = arith.addi %mul3A_109, %add3A_110 : vector<16xi32>
      %gather3A = tpu.vector_load_idx %arg16[%add3A_111] : memref<1000xi32, #tpu.memory_space<vmem>>[vector<16xi32>], vector<16xi32>,
      %mul3A_112 = arith.constant 8 : i32
      %mul3A_113 = vector.broadcast %mul3A_112 : i32 to vector<16xi32>
      %mul3A_114 = arith.muli %gather3A, %mul3A_113 : vector<16xi32>
      %add3A_115 = arith.addi %mul3A_114, %and3A_4 : vector<16xi32>
      %gather3A_116 = tpu.vector_load_idx %arg18[%add3A_115] : memref<81920xf32, #tpu.memory_space<vmem>>[vector<16xi32>], vector<16xf32>,
      %max3A = arith.maximumf %gather3A_116, %get3A_106 : vector<16xf32>
      %min3A = arith.minimumf %gather3A_116, %get3A_106 : vector<16xf32>
      %select_n3A = arith.select %lt3A_6, %max3A, %min3A : vector<16xi1>, vector<16xf32>
      tpu.vector_store_idx %arg18[%add3A_115], %select_n3A masked %lt3A_9 : memref<81920xf32, #tpu.memory_space<vmem>>[vector<16xi32>], vector<16xf32>, vector<16xi1>
      %mul3A_117 = arith.constant 2 : i32
      %mul3A_118 = arith.muli %scan3A_100, %mul3A_117 : i32
      %add3A_119 = arith.constant 1 : i32
      %add3A_120 = arith.addi %mul3A_118, %add3A_119 : i32
      %get3A_121 = arith.index_cast %add3A_120 : i32 to index
      %get3A_122 = arith.constant 0 : index
      %get3A_123 = tpu.vector_load %arg17[%get3A_121, %get3A_122] {strides = array<i32>} : memref<1000x16xf32, #tpu.memory_space<vmem>>, vector<16xf32>,
      %mul3A_124 = arith.constant 0 : i32
      %mul3A_125 = vector.broadcast %mul3A_124 : i32 to vector<16xi32>
      %mul3A_126 = arith.muli %iota3A, %mul3A_125 : vector<16xi32>
      %add3A_127 = vector.broadcast %add3A_120 : i32 to vector<16xi32>
      %add3A_128 = arith.addi %mul3A_126, %add3A_127 : vector<16xi32>
      %gather3A_129 = tpu.vector_load_idx %arg16[%add3A_128] : memref<1000xi32, #tpu.memory_space<vmem>>[vector<16xi32>], vector<16xi32>,
      %mul3A_130 = arith.constant 8 : i32
      %mul3A_131 = vector.broadcast %mul3A_130 : i32 to vector<16xi32>
      %mul3A_132 = arith.muli %gather3A_129, %mul3A_131 : vector<16xi32>
      %add3A_133 = arith.addi %mul3A_132, %and3A_4 : vector<16xi32>
      %gather3A_134 = tpu.vector_load_idx %arg18[%add3A_133] : memref<81920xf32, #tpu.memory_space<vmem>>[vector<16xi32>], vector<16xf32>,
      %max3A_135 = arith.maximumf %gather3A_134, %get3A_123 : vector<16xf32>
      %min3A_136 = arith.minimumf %gather3A_134, %get3A_123 : vector<16xf32>
      %select_n3A_137 = arith.select %lt3A_6, %max3A_135, %min3A_136 : vector<16xi1>, vector<16xf32>
      tpu.vector_store_idx %arg18[%add3A_133], %select_n3A_137 masked %lt3A_9 : memref<81920xf32, #tpu.memory_space<vmem>>[vector<16xi32>], vector<16xf32>, vector<16xi1>
    }
    %scan3A_86 = arith.constant 500 : i32
    %mul3A_87 = arith.constant 320 : i32
    %mul3A_88 = arith.muli %add3A, %mul3A_87 : i32
    "tpu.region"() ({
      %run_scoped3A = tpu.sem_alloc : memref<!tpu.dma_semaphore, #tpu.memory_space<semaphore_mem>>
      %dma_start3A_100 = tpu.memref_slice %arg5[%mul3A_88] : memref<10240xi32, #tpu.memory_space<hbm>> -> memref<320xi32, #tpu.memory_space<hbm>>
      %dma_start3A_101 = tpu.memref_slice %arg5[%mul3A_88] : memref<10240xi32, #tpu.memory_space<hbm>> -> memref<320xi32, #tpu.memory_space<hbm>>
      tpu.enqueue_dma source(%dma_start3A_101 : memref<320xi32, #tpu.memory_space<hbm>>) target(%arg20 : memref<320xi32, #tpu.memory_space<vmem>>) target_semaphore(%run_scoped3A : memref<!tpu.dma_semaphore, #tpu.memory_space<semaphore_mem>>)
      %dma_wait3A_102 = tpu.memref_slice %arg5[%mul3A_88] : memref<10240xi32, #tpu.memory_space<hbm>> -> memref<320xi32, #tpu.memory_space<hbm>>
      %dma_wait3A_103 = tpu.memref_slice %arg5[%mul3A_88] : memref<10240xi32, #tpu.memory_space<hbm>> -> memref<320xi32, #tpu.memory_space<hbm>>
      tpu.wait_dma2 semaphore(%run_scoped3A : memref<!tpu.dma_semaphore, #tpu.memory_space<semaphore_mem>>) src(%dma_wait3A_103 : memref<320xi32, #tpu.memory_space<hbm>>) dst(%arg20 : memref<320xi32, #tpu.memory_space<vmem>>)
      tpu.yield
    }) : () -> ()
    "tpu.region"() ({
      %run_scoped3A = tpu.sem_alloc : memref<!tpu.dma_semaphore, #tpu.memory_space<semaphore_mem>>
      tpu.enqueue_dma source(%arg8 : memref<320x16xf32, #tpu.memory_space<hbm>>) target(%arg21 : memref<320x16xf32, #tpu.memory_space<vmem>>) target_semaphore(%run_scoped3A : memref<!tpu.dma_semaphore, #tpu.memory_space<semaphore_mem>>)
      tpu.wait_dma2 semaphore(%run_scoped3A : memref<!tpu.dma_semaphore, #tpu.memory_space<semaphore_mem>>) src(%arg8 : memref<320x16xf32, #tpu.memory_space<hbm>>) dst(%arg21 : memref<320x16xf32, #tpu.memory_space<vmem>>)
      tpu.yield
    }) : () -> ()
    "tpu.region"() ({
      %run_scoped3A = tpu.sem_alloc : memref<!tpu.dma_semaphore, #tpu.memory_space<semaphore_mem>>
      %dma_start3A_100 = arith.constant 0 : i32
      %dma_start3A_101 = arith.constant 0 : i32
      %dma_start3A_102 = tpu.memref_slice %arg24[%dma_start3A_100, %dma_start3A_101] : memref<10112x16xf32, #tpu.memory_space<vmem_shared>> -> memref<10112x16xf32, #tpu.memory_space<vmem_shared>>
      tpu.enqueue_indirect_dma source(%arg21 : memref<320x16xf32, #tpu.memory_space<vmem>>) target(%dma_start3A_102 : memref<10112x16xf32, #tpu.memory_space<vmem_shared>>) offsets(%arg20 : memref<320xi32, #tpu.memory_space<vmem>>) semaphore(%run_scoped3A : memref<!tpu.dma_semaphore, #tpu.memory_space<semaphore_mem>>) {add = true}
      %dma_wait3A_103 = arith.constant 0 : i32
      %dma_wait3A_104 = arith.constant 0 : i32
      %dma_wait3A_105 = tpu.memref_slice %arg24[%dma_wait3A_103, %dma_wait3A_104] : memref<10112x16xf32, #tpu.memory_space<vmem_shared>> -> memref<10112x16xf32, #tpu.memory_space<vmem_shared>>
      tpu.wait_indirect_dma semaphore(%run_scoped3A : memref<!tpu.dma_semaphore, #tpu.memory_space<semaphore_mem>>) src(%arg21 : memref<320x16xf32, #tpu.memory_space<vmem>>) dst(%dma_wait3A_105 : memref<10112x16xf32, #tpu.memory_space<vmem_shared>>)
      tpu.yield
    }) : () -> ()
    %mul3A_89 = arith.constant 320 : i32
    %mul3A_90 = arith.muli %add3A, %mul3A_89 : i32
    "tpu.region"() ({
      %run_scoped3A = tpu.sem_alloc : memref<!tpu.dma_semaphore, #tpu.memory_space<semaphore_mem>>
      %dma_start3A_100 = tpu.memref_slice %arg7[%mul3A_90] : memref<10240xi32, #tpu.memory_space<hbm>> -> memref<320xi32, #tpu.memory_space<hbm>>
      %dma_start3A_101 = tpu.memref_slice %arg7[%mul3A_90] : memref<10240xi32, #tpu.memory_space<hbm>> -> memref<320xi32, #tpu.memory_space<hbm>>
      tpu.enqueue_dma source(%dma_start3A_101 : memref<320xi32, #tpu.memory_space<hbm>>) target(%arg20 : memref<320xi32, #tpu.memory_space<vmem>>) target_semaphore(%run_scoped3A : memref<!tpu.dma_semaphore, #tpu.memory_space<semaphore_mem>>)
      %dma_wait3A_102 = tpu.memref_slice %arg7[%mul3A_90] : memref<10240xi32, #tpu.memory_space<hbm>> -> memref<320xi32, #tpu.memory_space<hbm>>
      %dma_wait3A_103 = tpu.memref_slice %arg7[%mul3A_90] : memref<10240xi32, #tpu.memory_space<hbm>> -> memref<320xi32, #tpu.memory_space<hbm>>
      tpu.wait_dma2 semaphore(%run_scoped3A : memref<!tpu.dma_semaphore, #tpu.memory_space<semaphore_mem>>) src(%dma_wait3A_103 : memref<320xi32, #tpu.memory_space<hbm>>) dst(%arg20 : memref<320xi32, #tpu.memory_space<vmem>>)
      tpu.yield
    }) : () -> ()
    "tpu.region"() ({
      %run_scoped3A = tpu.sem_alloc : memref<!tpu.dma_semaphore, #tpu.memory_space<semaphore_mem>>
      tpu.enqueue_dma source(%arg10 : memref<320x16xf32, #tpu.memory_space<hbm>>) target(%arg21 : memref<320x16xf32, #tpu.memory_space<vmem>>) target_semaphore(%run_scoped3A : memref<!tpu.dma_semaphore, #tpu.memory_space<semaphore_mem>>)
      tpu.wait_dma2 semaphore(%run_scoped3A : memref<!tpu.dma_semaphore, #tpu.memory_space<semaphore_mem>>) src(%arg10 : memref<320x16xf32, #tpu.memory_space<hbm>>) dst(%arg21 : memref<320x16xf32, #tpu.memory_space<vmem>>)
      tpu.yield
    }) : () -> ()
    "tpu.region"() ({
      %run_scoped3A = tpu.sem_alloc : memref<!tpu.dma_semaphore, #tpu.memory_space<semaphore_mem>>
      %dma_start3A_100 = arith.constant 0 : i32
      %dma_start3A_101 = arith.constant 0 : i32
      %dma_start3A_102 = tpu.memref_slice %arg24[%dma_start3A_100, %dma_start3A_101] : memref<10112x16xf32, #tpu.memory_space<vmem_shared>> -> memref<10112x16xf32, #tpu.memory_space<vmem_shared>>
      tpu.enqueue_indirect_dma source(%arg21 : memref<320x16xf32, #tpu.memory_space<vmem>>) target(%dma_start3A_102 : memref<10112x16xf32, #tpu.memory_space<vmem_shared>>) offsets(%arg20 : memref<320xi32, #tpu.memory_space<vmem>>) semaphore(%run_scoped3A : memref<!tpu.dma_semaphore, #tpu.memory_space<semaphore_mem>>) {add = true}
      %dma_wait3A_103 = arith.constant 0 : i32
      %dma_wait3A_104 = arith.constant 0 : i32
      %dma_wait3A_105 = tpu.memref_slice %arg24[%dma_wait3A_103, %dma_wait3A_104] : memref<10112x16xf32, #tpu.memory_space<vmem_shared>> -> memref<10112x16xf32, #tpu.memory_space<vmem_shared>>
      tpu.wait_indirect_dma semaphore(%run_scoped3A : memref<!tpu.dma_semaphore, #tpu.memory_space<semaphore_mem>>) src(%arg21 : memref<320x16xf32, #tpu.memory_space<vmem>>) dst(%dma_wait3A_105 : memref<10112x16xf32, #tpu.memory_space<vmem_shared>>)
      tpu.yield
    }) : () -> ()
    %mul3A_91 = arith.constant 256 : i32
    %mul3A_92 = arith.muli %add3A, %mul3A_91 : i32
    "tpu.region"() ({
      %run_scoped3A = tpu.sem_alloc : memref<!tpu.dma_semaphore, #tpu.memory_space<semaphore_mem>>
      %dma_start3A_100 = tpu.memref_slice %arg6[%mul3A_92] : memref<8192xi32, #tpu.memory_space<hbm>> -> memref<256xi32, #tpu.memory_space<hbm>>
      %dma_start3A_101 = tpu.memref_slice %arg6[%mul3A_92] : memref<8192xi32, #tpu.memory_space<hbm>> -> memref<256xi32, #tpu.memory_space<hbm>>
      tpu.enqueue_dma source(%dma_start3A_101 : memref<256xi32, #tpu.memory_space<hbm>>) target(%arg22 : memref<256xi32, #tpu.memory_space<vmem>>) target_semaphore(%run_scoped3A : memref<!tpu.dma_semaphore, #tpu.memory_space<semaphore_mem>>)
      %dma_wait3A_102 = tpu.memref_slice %arg6[%mul3A_92] : memref<8192xi32, #tpu.memory_space<hbm>> -> memref<256xi32, #tpu.memory_space<hbm>>
      %dma_wait3A_103 = tpu.memref_slice %arg6[%mul3A_92] : memref<8192xi32, #tpu.memory_space<hbm>> -> memref<256xi32, #tpu.memory_space<hbm>>
      tpu.wait_dma2 semaphore(%run_scoped3A : memref<!tpu.dma_semaphore, #tpu.memory_space<semaphore_mem>>) src(%dma_wait3A_103 : memref<256xi32, #tpu.memory_space<hbm>>) dst(%arg22 : memref<256xi32, #tpu.memory_space<vmem>>)
      tpu.yield
    }) : () -> ()
    "tpu.region"() ({
      %run_scoped3A = tpu.sem_alloc : memref<!tpu.dma_semaphore, #tpu.memory_space<semaphore_mem>>
      tpu.enqueue_dma source(%arg9 : memref<256x16xf32, #tpu.memory_space<hbm>>) target(%arg23 : memref<256x16xf32, #tpu.memory_space<vmem>>) target_semaphore(%run_scoped3A : memref<!tpu.dma_semaphore, #tpu.memory_space<semaphore_mem>>)
      tpu.wait_dma2 semaphore(%run_scoped3A : memref<!tpu.dma_semaphore, #tpu.memory_space<semaphore_mem>>) src(%arg9 : memref<256x16xf32, #tpu.memory_space<hbm>>) dst(%arg23 : memref<256x16xf32, #tpu.memory_space<vmem>>)
      tpu.yield
    }) : () -> ()
    "tpu.region"() ({
      %run_scoped3A = tpu.sem_alloc : memref<!tpu.dma_semaphore, #tpu.memory_space<semaphore_mem>>
      %dma_start3A_100 = arith.constant 0 : i32
      %dma_start3A_101 = arith.constant 0 : i32
      %dma_start3A_102 = tpu.memref_slice %arg24[%dma_start3A_100, %dma_start3A_101] : memref<10112x16xf32, #tpu.memory_space<vmem_shared>> -> memref<10112x16xf32, #tpu.memory_space<vmem_shared>>
      tpu.enqueue_indirect_dma source(%arg23 : memref<256x16xf32, #tpu.memory_space<vmem>>) target(%dma_start3A_102 : memref<10112x16xf32, #tpu.memory_space<vmem_shared>>) offsets(%arg22 : memref<256xi32, #tpu.memory_space<vmem>>) semaphore(%run_scoped3A : memref<!tpu.dma_semaphore, #tpu.memory_space<semaphore_mem>>) {add = true}
      %dma_wait3A_103 = arith.constant 0 : i32
      %dma_wait3A_104 = arith.constant 0 : i32
      %dma_wait3A_105 = tpu.memref_slice %arg24[%dma_wait3A_103, %dma_wait3A_104] : memref<10112x16xf32, #tpu.memory_space<vmem_shared>> -> memref<10112x16xf32, #tpu.memory_space<vmem_shared>>
      tpu.wait_indirect_dma semaphore(%run_scoped3A : memref<!tpu.dma_semaphore, #tpu.memory_space<semaphore_mem>>) src(%arg23 : memref<256x16xf32, #tpu.memory_space<vmem>>) dst(%dma_wait3A_105 : memref<10112x16xf32, #tpu.memory_space<vmem_shared>>)
      tpu.yield
    }) : () -> ()
    %mul3A_93 = arith.constant 81920 : i32
    %mul3A_94 = arith.muli %add3A, %mul3A_93 : i32
    "tpu.region"() ({
      %run_scoped3A = tpu.sem_alloc : memref<!tpu.dma_semaphore, #tpu.memory_space<semaphore_mem>>
      %dma_start3A_100 = tpu.memref_slice %arg14[%mul3A_94] : memref<2621440xf32, #tpu.memory_space<hbm>> -> memref<81920xf32, #tpu.memory_space<hbm>>
      %dma_start3A_101 = tpu.memref_slice %arg14[%mul3A_94] : memref<2621440xf32, #tpu.memory_space<hbm>> -> memref<81920xf32, #tpu.memory_space<hbm>>
      tpu.enqueue_dma source(%arg18 : memref<81920xf32, #tpu.memory_space<vmem>>) target(%dma_start3A_101 : memref<81920xf32, #tpu.memory_space<hbm>>) target_semaphore(%run_scoped3A : memref<!tpu.dma_semaphore, #tpu.memory_space<semaphore_mem>>)
      %dma_wait3A_102 = tpu.memref_slice %arg14[%mul3A_94] : memref<2621440xf32, #tpu.memory_space<hbm>> -> memref<81920xf32, #tpu.memory_space<hbm>>
      %dma_wait3A_103 = tpu.memref_slice %arg14[%mul3A_94] : memref<2621440xf32, #tpu.memory_space<hbm>> -> memref<81920xf32, #tpu.memory_space<hbm>>
      tpu.wait_dma2 semaphore(%run_scoped3A : memref<!tpu.dma_semaphore, #tpu.memory_space<semaphore_mem>>) src(%arg18 : memref<81920xf32, #tpu.memory_space<vmem>>) dst(%dma_wait3A_103 : memref<81920xf32, #tpu.memory_space<hbm>>)
      tpu.yield
    }) : () -> ()
    %barrier3A_95 = arith.constant 0 : index
    tpu.barrier barrier_id(%barrier3A_95)
    %mul3A_96 = arith.constant 632 : i32
    %mul3A_97 = arith.muli %arg1, %mul3A_96 : i32
    "tpu.region"() ({
      %run_scoped3A = tpu.sem_alloc : memref<!tpu.dma_semaphore, #tpu.memory_space<semaphore_mem>>
      %dma_start3A_100 = arith.constant 0 : i32
      %dma_start3A_101 = tpu.memref_slice %arg24[%mul3A_97, %dma_start3A_100] : memref<10112x16xf32, #tpu.memory_space<vmem_shared>> -> memref<632x16xf32, #tpu.memory_space<vmem_shared>>
      %dma_start3A_102 = arith.constant 0 : i32
      %dma_start3A_103 = tpu.memref_slice %arg24[%mul3A_97, %dma_start3A_102] : memref<10112x16xf32, #tpu.memory_space<vmem_shared>> -> memref<632x16xf32, #tpu.memory_space<vmem_shared>>
      tpu.enqueue_dma source(%dma_start3A_103 : memref<632x16xf32, #tpu.memory_space<vmem_shared>>) target(%arg19 : memref<632x16xf32, #tpu.memory_space<vmem>>) target_semaphore(%run_scoped3A : memref<!tpu.dma_semaphore, #tpu.memory_space<semaphore_mem>>)
      %dma_wait3A_104 = arith.constant 0 : i32
      %dma_wait3A_105 = tpu.memref_slice %arg24[%mul3A_97, %dma_wait3A_104] : memref<10112x16xf32, #tpu.memory_space<vmem_shared>> -> memref<632x16xf32, #tpu.memory_space<vmem_shared>>
      %dma_wait3A_106 = arith.constant 0 : i32
      %dma_wait3A_107 = tpu.memref_slice %arg24[%mul3A_97, %dma_wait3A_106] : memref<10112x16xf32, #tpu.memory_space<vmem_shared>> -> memref<632x16xf32, #tpu.memory_space<vmem_shared>>
      tpu.wait_dma2 semaphore(%run_scoped3A : memref<!tpu.dma_semaphore, #tpu.memory_space<semaphore_mem>>) src(%dma_wait3A_107 : memref<632x16xf32, #tpu.memory_space<vmem_shared>>) dst(%arg19 : memref<632x16xf32, #tpu.memory_space<vmem>>)
      tpu.yield
    }) : () -> ()
    %mul3A_98 = arith.constant 632 : i32
    %mul3A_99 = arith.muli %arg1, %mul3A_98 : i32
    "tpu.region"() ({
      %run_scoped3A = tpu.sem_alloc : memref<!tpu.dma_semaphore, #tpu.memory_space<semaphore_mem>>
      %dma_start3A_100 = arith.constant 0 : i32
      %dma_start3A_101 = tpu.memref_slice %arg13[%arg0, %mul3A_99, %dma_start3A_100] : memref<2x10112x16xf32, #tpu.memory_space<hbm>> -> memref<1x632x16xf32, #tpu.memory_space<hbm>>
      %dma_start3A_102 = tpu.memref_squeeze %dma_start3A_101 : memref<1x632x16xf32, #tpu.memory_space<hbm>> -> memref<632x16xf32, #tpu.memory_space<hbm>>
      %dma_start3A_103 = arith.constant 0 : i32
      %dma_start3A_104 = tpu.memref_slice %arg13[%arg0, %mul3A_99, %dma_start3A_103] : memref<2x10112x16xf32, #tpu.memory_space<hbm>> -> memref<1x632x16xf32, #tpu.memory_space<hbm>>
      %dma_start3A_105 = tpu.memref_squeeze %dma_start3A_104 : memref<1x632x16xf32, #tpu.memory_space<hbm>> -> memref<632x16xf32, #tpu.memory_space<hbm>>
      tpu.enqueue_dma source(%arg19 : memref<632x16xf32, #tpu.memory_space<vmem>>) target(%dma_start3A_105 : memref<632x16xf32, #tpu.memory_space<hbm>>) target_semaphore(%run_scoped3A : memref<!tpu.dma_semaphore, #tpu.memory_space<semaphore_mem>>)
      %dma_wait3A_106 = arith.constant 0 : i32
      %dma_wait3A_107 = tpu.memref_slice %arg13[%arg0, %mul3A_99, %dma_wait3A_106] : memref<2x10112x16xf32, #tpu.memory_space<hbm>> -> memref<1x632x16xf32, #tpu.memory_space<hbm>>
      %dma_wait3A_108 = tpu.memref_squeeze %dma_wait3A_107 : memref<1x632x16xf32, #tpu.memory_space<hbm>> -> memref<632x16xf32, #tpu.memory_space<hbm>>
      %dma_wait3A_109 = arith.constant 0 : i32
      %dma_wait3A_110 = tpu.memref_slice %arg13[%arg0, %mul3A_99, %dma_wait3A_109] : memref<2x10112x16xf32, #tpu.memory_space<hbm>> -> memref<1x632x16xf32, #tpu.memory_space<hbm>>
      %dma_wait3A_111 = tpu.memref_squeeze %dma_wait3A_110 : memref<1x632x16xf32, #tpu.memory_space<hbm>> -> memref<632x16xf32, #tpu.memory_space<hbm>>
      tpu.wait_dma2 semaphore(%run_scoped3A : memref<!tpu.dma_semaphore, #tpu.memory_space<semaphore_mem>>) src(%arg19 : memref<632x16xf32, #tpu.memory_space<vmem>>) dst(%dma_wait3A_111 : memref<632x16xf32, #tpu.memory_space<hbm>>)
      tpu.yield
    }) : () -> ()
    return
  }
}

#map = affine_map<(d0, d1) -> (0, 0)>
#map1 = affine_map<(d0, d1) -> (0)>
#map2 = affine_map<(d0, d1) -> (0, 0, 0)>
module attributes {stable_mosaic.version = 14 : i64} {
  func.func @body(%arg0: i32, %arg1: i32, %arg2: memref<4000x32xf32, #tpu.memory_space<hbm>>, %arg3: memref<10240xi32, #tpu.memory_space<hbm>>, %arg4: memref<10240xi32, #tpu.memory_space<hbm>>, %arg5: memref<320x8xf32, #tpu.memory_space<hbm>>, %arg6: memref<632x32xf32, #tpu.memory_space<hbm>>, %arg7: memref<632x8xf32, #tpu.memory_space<hbm>>, %arg8: memref<2x10112x32xf32, #tpu.memory_space<hbm>>, %arg9: memref<320xi32, #tpu.memory_space<vmem>>, %arg10: memref<320xi32, #tpu.memory_space<vmem>>, %arg11: memref<320x32xf32, #tpu.memory_space<vmem>>, %arg12: memref<320x8xf32, #tpu.memory_space<vmem>>, %arg13: memref<632x32xf32, #tpu.memory_space<vmem>>, %arg14: memref<632x8xf32, #tpu.memory_space<vmem>>, %arg15: memref<10112x32xf32, #tpu.memory_space<vmem_shared>>, %arg16: memref<!tpu.dma_semaphore, #tpu.memory_space<semaphore_mem>>) attributes {dimension_semantics = [#tpu.dimension_semantics<core_parallel>, #tpu.dimension_semantics<subcore_parallel>], iteration_bounds = array<i64: 2, 16>, scalar_prefetch = 0 : i64, scratch_operands = 8 : i64, tpu.core_type = #tpu.core_type<sc_vector_subcore>, window_params = [{transform_indices = #map}, {transform_indices = #map1}, {transform_indices = #map1}, {transform_indices = #map}, {transform_indices = #map}, {transform_indices = #map}, {transform_indices = #map2}]} {
    %mul3A = arith.constant 2 : i32
    %mul3A_0 = arith.muli %arg1, %mul3A : i32
    %add3A = arith.addi %mul3A_0, %arg0 : i32
    %mul3A_1 = arith.constant 320 : i32
    %mul3A_2 = arith.muli %add3A, %mul3A_1 : i32
    "tpu.region"() ({
      %run_scoped3A = tpu.sem_alloc : memref<!tpu.dma_semaphore, #tpu.memory_space<semaphore_mem>>
      tpu.enqueue_dma source(%arg6 : memref<632x32xf32, #tpu.memory_space<hbm>>) target(%arg13 : memref<632x32xf32, #tpu.memory_space<vmem>>) target_semaphore(%run_scoped3A : memref<!tpu.dma_semaphore, #tpu.memory_space<semaphore_mem>>)
      tpu.wait_dma2 semaphore(%run_scoped3A : memref<!tpu.dma_semaphore, #tpu.memory_space<semaphore_mem>>) src(%arg6 : memref<632x32xf32, #tpu.memory_space<hbm>>) dst(%arg13 : memref<632x32xf32, #tpu.memory_space<vmem>>)
      tpu.yield
    }) : () -> ()
    %mul3A_3 = arith.constant 632 : i32
    %mul3A_4 = arith.muli %arg1, %mul3A_3 : i32
    "tpu.region"() ({
      %run_scoped3A = tpu.sem_alloc : memref<!tpu.dma_semaphore, #tpu.memory_space<semaphore_mem>>
      %dma_start3A_14 = arith.constant 0 : i32
      %dma_start3A_15 = tpu.memref_slice %arg15[%mul3A_4, %dma_start3A_14] : memref<10112x32xf32, #tpu.memory_space<vmem_shared>> -> memref<632x32xf32, #tpu.memory_space<vmem_shared>>
      %dma_start3A_16 = arith.constant 0 : i32
      %dma_start3A_17 = tpu.memref_slice %arg15[%mul3A_4, %dma_start3A_16] : memref<10112x32xf32, #tpu.memory_space<vmem_shared>> -> memref<632x32xf32, #tpu.memory_space<vmem_shared>>
      tpu.enqueue_dma source(%arg13 : memref<632x32xf32, #tpu.memory_space<vmem>>) target(%dma_start3A_17 : memref<632x32xf32, #tpu.memory_space<vmem_shared>>) target_semaphore(%run_scoped3A : memref<!tpu.dma_semaphore, #tpu.memory_space<semaphore_mem>>)
      %dma_wait3A_18 = arith.constant 0 : i32
      %dma_wait3A_19 = tpu.memref_slice %arg15[%mul3A_4, %dma_wait3A_18] : memref<10112x32xf32, #tpu.memory_space<vmem_shared>> -> memref<632x32xf32, #tpu.memory_space<vmem_shared>>
      %dma_wait3A_20 = arith.constant 0 : i32
      %dma_wait3A_21 = tpu.memref_slice %arg15[%mul3A_4, %dma_wait3A_20] : memref<10112x32xf32, #tpu.memory_space<vmem_shared>> -> memref<632x32xf32, #tpu.memory_space<vmem_shared>>
      tpu.wait_dma2 semaphore(%run_scoped3A : memref<!tpu.dma_semaphore, #tpu.memory_space<semaphore_mem>>) src(%arg13 : memref<632x32xf32, #tpu.memory_space<vmem>>) dst(%dma_wait3A_21 : memref<632x32xf32, #tpu.memory_space<vmem_shared>>)
      tpu.yield
    }) : () -> ()
    %barrier3A = arith.constant 0 : index
    tpu.barrier barrier_id(%barrier3A)
    "tpu.region"() ({
      %run_scoped3A = tpu.sem_alloc : memref<!tpu.dma_semaphore, #tpu.memory_space<semaphore_mem>>
      %dma_start3A_14 = tpu.memref_slice %arg3[%mul3A_2] : memref<10240xi32, #tpu.memory_space<hbm>> -> memref<320xi32, #tpu.memory_space<hbm>>
      %dma_start3A_15 = tpu.memref_slice %arg3[%mul3A_2] : memref<10240xi32, #tpu.memory_space<hbm>> -> memref<320xi32, #tpu.memory_space<hbm>>
      tpu.enqueue_dma source(%dma_start3A_15 : memref<320xi32, #tpu.memory_space<hbm>>) target(%arg9 : memref<320xi32, #tpu.memory_space<vmem>>) target_semaphore(%run_scoped3A : memref<!tpu.dma_semaphore, #tpu.memory_space<semaphore_mem>>)
      %dma_wait3A_16 = tpu.memref_slice %arg3[%mul3A_2] : memref<10240xi32, #tpu.memory_space<hbm>> -> memref<320xi32, #tpu.memory_space<hbm>>
      %dma_wait3A_17 = tpu.memref_slice %arg3[%mul3A_2] : memref<10240xi32, #tpu.memory_space<hbm>> -> memref<320xi32, #tpu.memory_space<hbm>>
      tpu.wait_dma2 semaphore(%run_scoped3A : memref<!tpu.dma_semaphore, #tpu.memory_space<semaphore_mem>>) src(%dma_wait3A_17 : memref<320xi32, #tpu.memory_space<hbm>>) dst(%arg9 : memref<320xi32, #tpu.memory_space<vmem>>)
      tpu.yield
    }) : () -> ()
    "tpu.region"() ({
      %run_scoped3A = tpu.sem_alloc : memref<!tpu.dma_semaphore, #tpu.memory_space<semaphore_mem>>
      %dma_start3A_14 = tpu.memref_slice %arg4[%mul3A_2] : memref<10240xi32, #tpu.memory_space<hbm>> -> memref<320xi32, #tpu.memory_space<hbm>>
      %dma_start3A_15 = tpu.memref_slice %arg4[%mul3A_2] : memref<10240xi32, #tpu.memory_space<hbm>> -> memref<320xi32, #tpu.memory_space<hbm>>
      tpu.enqueue_dma source(%dma_start3A_15 : memref<320xi32, #tpu.memory_space<hbm>>) target(%arg10 : memref<320xi32, #tpu.memory_space<vmem>>) target_semaphore(%run_scoped3A : memref<!tpu.dma_semaphore, #tpu.memory_space<semaphore_mem>>)
      %dma_wait3A_16 = tpu.memref_slice %arg4[%mul3A_2] : memref<10240xi32, #tpu.memory_space<hbm>> -> memref<320xi32, #tpu.memory_space<hbm>>
      %dma_wait3A_17 = tpu.memref_slice %arg4[%mul3A_2] : memref<10240xi32, #tpu.memory_space<hbm>> -> memref<320xi32, #tpu.memory_space<hbm>>
      tpu.wait_dma2 semaphore(%run_scoped3A : memref<!tpu.dma_semaphore, #tpu.memory_space<semaphore_mem>>) src(%dma_wait3A_17 : memref<320xi32, #tpu.memory_space<hbm>>) dst(%arg10 : memref<320xi32, #tpu.memory_space<vmem>>)
      tpu.yield
    }) : () -> ()
    %dma_start3A = arith.constant 0 : i32
    %dma_start3A_5 = arith.constant 0 : i32
    %dma_start3A_6 = tpu.memref_slice %arg2[%dma_start3A, %dma_start3A_5] : memref<4000x32xf32, #tpu.memory_space<hbm>> -> memref<4000x32xf32, #tpu.memory_space<hbm>>
    tpu.enqueue_indirect_dma source(%dma_start3A_6 : memref<4000x32xf32, #tpu.memory_space<hbm>>) target(%arg11 : memref<320x32xf32, #tpu.memory_space<vmem>>) offsets(%arg9 : memref<320xi32, #tpu.memory_space<vmem>>) semaphore(%arg16 : memref<!tpu.dma_semaphore, #tpu.memory_space<semaphore_mem>>)
    %dma_wait3A = arith.constant 0 : i32
    %dma_wait3A_7 = arith.constant 0 : i32
    %dma_wait3A_8 = tpu.memref_slice %arg2[%dma_wait3A, %dma_wait3A_7] : memref<4000x32xf32, #tpu.memory_space<hbm>> -> memref<4000x32xf32, #tpu.memory_space<hbm>>
    tpu.wait_indirect_dma semaphore(%arg16 : memref<!tpu.dma_semaphore, #tpu.memory_space<semaphore_mem>>) src(%dma_wait3A_8 : memref<4000x32xf32, #tpu.memory_space<hbm>>) dst(%arg11 : memref<320x32xf32, #tpu.memory_space<vmem>>)
    "tpu.region"() ({
      %run_scoped3A = tpu.sem_alloc : memref<!tpu.dma_semaphore, #tpu.memory_space<semaphore_mem>>
      %dma_start3A_14 = arith.constant 0 : i32
      %dma_start3A_15 = arith.constant 0 : i32
      %dma_start3A_16 = tpu.memref_slice %arg15[%dma_start3A_14, %dma_start3A_15] : memref<10112x32xf32, #tpu.memory_space<vmem_shared>> -> memref<10112x32xf32, #tpu.memory_space<vmem_shared>>
      tpu.enqueue_indirect_dma source(%arg11 : memref<320x32xf32, #tpu.memory_space<vmem>>) target(%dma_start3A_16 : memref<10112x32xf32, #tpu.memory_space<vmem_shared>>) offsets(%arg10 : memref<320xi32, #tpu.memory_space<vmem>>) semaphore(%run_scoped3A : memref<!tpu.dma_semaphore, #tpu.memory_space<semaphore_mem>>) {add = true}
      %dma_wait3A_17 = arith.constant 0 : i32
      %dma_wait3A_18 = arith.constant 0 : i32
      %dma_wait3A_19 = tpu.memref_slice %arg15[%dma_wait3A_17, %dma_wait3A_18] : memref<10112x32xf32, #tpu.memory_space<vmem_shared>> -> memref<10112x32xf32, #tpu.memory_space<vmem_shared>>
      tpu.wait_indirect_dma semaphore(%run_scoped3A : memref<!tpu.dma_semaphore, #tpu.memory_space<semaphore_mem>>) src(%arg11 : memref<320x32xf32, #tpu.memory_space<vmem>>) dst(%dma_wait3A_19 : memref<10112x32xf32, #tpu.memory_space<vmem_shared>>)
      tpu.yield
    }) : () -> ()
    %barrier3A_9 = arith.constant 0 : index
    tpu.barrier barrier_id(%barrier3A_9)
    %mul3A_10 = arith.constant 632 : i32
    %mul3A_11 = arith.muli %arg1, %mul3A_10 : i32
    "tpu.region"() ({
      %run_scoped3A = tpu.sem_alloc : memref<!tpu.dma_semaphore, #tpu.memory_space<semaphore_mem>>
      %dma_start3A_14 = arith.constant 0 : i32
      %dma_start3A_15 = tpu.memref_slice %arg15[%mul3A_11, %dma_start3A_14] : memref<10112x32xf32, #tpu.memory_space<vmem_shared>> -> memref<632x32xf32, #tpu.memory_space<vmem_shared>>
      %dma_start3A_16 = arith.constant 0 : i32
      %dma_start3A_17 = tpu.memref_slice %arg15[%mul3A_11, %dma_start3A_16] : memref<10112x32xf32, #tpu.memory_space<vmem_shared>> -> memref<632x32xf32, #tpu.memory_space<vmem_shared>>
      tpu.enqueue_dma source(%dma_start3A_17 : memref<632x32xf32, #tpu.memory_space<vmem_shared>>) target(%arg13 : memref<632x32xf32, #tpu.memory_space<vmem>>) target_semaphore(%run_scoped3A : memref<!tpu.dma_semaphore, #tpu.memory_space<semaphore_mem>>)
      %dma_wait3A_18 = arith.constant 0 : i32
      %dma_wait3A_19 = tpu.memref_slice %arg15[%mul3A_11, %dma_wait3A_18] : memref<10112x32xf32, #tpu.memory_space<vmem_shared>> -> memref<632x32xf32, #tpu.memory_space<vmem_shared>>
      %dma_wait3A_20 = arith.constant 0 : i32
      %dma_wait3A_21 = tpu.memref_slice %arg15[%mul3A_11, %dma_wait3A_20] : memref<10112x32xf32, #tpu.memory_space<vmem_shared>> -> memref<632x32xf32, #tpu.memory_space<vmem_shared>>
      tpu.wait_dma2 semaphore(%run_scoped3A : memref<!tpu.dma_semaphore, #tpu.memory_space<semaphore_mem>>) src(%dma_wait3A_21 : memref<632x32xf32, #tpu.memory_space<vmem_shared>>) dst(%arg13 : memref<632x32xf32, #tpu.memory_space<vmem>>)
      tpu.yield
    }) : () -> ()
    %mul3A_12 = arith.constant 632 : i32
    %mul3A_13 = arith.muli %arg1, %mul3A_12 : i32
    "tpu.region"() ({
      %run_scoped3A = tpu.sem_alloc : memref<!tpu.dma_semaphore, #tpu.memory_space<semaphore_mem>>
      %dma_start3A_14 = arith.constant 0 : i32
      %dma_start3A_15 = tpu.memref_slice %arg8[%arg0, %mul3A_13, %dma_start3A_14] : memref<2x10112x32xf32, #tpu.memory_space<hbm>> -> memref<1x632x32xf32, #tpu.memory_space<hbm>>
      %dma_start3A_16 = tpu.memref_squeeze %dma_start3A_15 : memref<1x632x32xf32, #tpu.memory_space<hbm>> -> memref<632x32xf32, #tpu.memory_space<hbm>>
      %dma_start3A_17 = arith.constant 0 : i32
      %dma_start3A_18 = tpu.memref_slice %arg8[%arg0, %mul3A_13, %dma_start3A_17] : memref<2x10112x32xf32, #tpu.memory_space<hbm>> -> memref<1x632x32xf32, #tpu.memory_space<hbm>>
      %dma_start3A_19 = tpu.memref_squeeze %dma_start3A_18 : memref<1x632x32xf32, #tpu.memory_space<hbm>> -> memref<632x32xf32, #tpu.memory_space<hbm>>
      tpu.enqueue_dma source(%arg13 : memref<632x32xf32, #tpu.memory_space<vmem>>) target(%dma_start3A_19 : memref<632x32xf32, #tpu.memory_space<hbm>>) target_semaphore(%run_scoped3A : memref<!tpu.dma_semaphore, #tpu.memory_space<semaphore_mem>>)
      %dma_wait3A_20 = arith.constant 0 : i32
      %dma_wait3A_21 = tpu.memref_slice %arg8[%arg0, %mul3A_13, %dma_wait3A_20] : memref<2x10112x32xf32, #tpu.memory_space<hbm>> -> memref<1x632x32xf32, #tpu.memory_space<hbm>>
      %dma_wait3A_22 = tpu.memref_squeeze %dma_wait3A_21 : memref<1x632x32xf32, #tpu.memory_space<hbm>> -> memref<632x32xf32, #tpu.memory_space<hbm>>
      %dma_wait3A_23 = arith.constant 0 : i32
      %dma_wait3A_24 = tpu.memref_slice %arg8[%arg0, %mul3A_13, %dma_wait3A_23] : memref<2x10112x32xf32, #tpu.memory_space<hbm>> -> memref<1x632x32xf32, #tpu.memory_space<hbm>>
      %dma_wait3A_25 = tpu.memref_squeeze %dma_wait3A_24 : memref<1x632x32xf32, #tpu.memory_space<hbm>> -> memref<632x32xf32, #tpu.memory_space<hbm>>
      tpu.wait_dma2 semaphore(%run_scoped3A : memref<!tpu.dma_semaphore, #tpu.memory_space<semaphore_mem>>) src(%arg13 : memref<632x32xf32, #tpu.memory_space<vmem>>) dst(%dma_wait3A_25 : memref<632x32xf32, #tpu.memory_space<hbm>>)
      tpu.yield
    }) : () -> ()
    return
  }
}

#map = affine_map<(d0, d1) -> (0, 0)>
#map1 = affine_map<(d0, d1) -> (0)>
#map2 = affine_map<(d0, d1) -> (0, 0, 0)>
module attributes {stable_mosaic.version = 14 : i64} {
  func.func @body(%arg0: i32, %arg1: i32, %arg2: memref<10000x64xf32, #tpu.memory_space<hbm>>, %arg3: memref<10240xi32, #tpu.memory_space<hbm>>, %arg4: memref<10240xi32, #tpu.memory_space<hbm>>, %arg5: memref<320x8xf32, #tpu.memory_space<hbm>>, %arg6: memref<256x64xf32, #tpu.memory_space<hbm>>, %arg7: memref<256x8xf32, #tpu.memory_space<hbm>>, %arg8: memref<2x4096x64xf32, #tpu.memory_space<hbm>>, %arg9: memref<320xi32, #tpu.memory_space<vmem>>, %arg10: memref<320xi32, #tpu.memory_space<vmem>>, %arg11: memref<320x64xf32, #tpu.memory_space<vmem>>, %arg12: memref<320x8xf32, #tpu.memory_space<vmem>>, %arg13: memref<256x64xf32, #tpu.memory_space<vmem>>, %arg14: memref<256x8xf32, #tpu.memory_space<vmem>>, %arg15: memref<4096x64xf32, #tpu.memory_space<vmem_shared>>, %arg16: memref<!tpu.dma_semaphore, #tpu.memory_space<semaphore_mem>>) attributes {dimension_semantics = [#tpu.dimension_semantics<core_parallel>, #tpu.dimension_semantics<subcore_parallel>], iteration_bounds = array<i64: 2, 16>, scalar_prefetch = 0 : i64, scratch_operands = 8 : i64, tpu.core_type = #tpu.core_type<sc_vector_subcore>, window_params = [{transform_indices = #map}, {transform_indices = #map1}, {transform_indices = #map1}, {transform_indices = #map}, {transform_indices = #map}, {transform_indices = #map}, {transform_indices = #map2}]} {
    %mul3A = arith.constant 2 : i32
    %mul3A_0 = arith.muli %arg1, %mul3A : i32
    %add3A = arith.addi %mul3A_0, %arg0 : i32
    %mul3A_1 = arith.constant 320 : i32
    %mul3A_2 = arith.muli %add3A, %mul3A_1 : i32
    "tpu.region"() ({
      %run_scoped3A = tpu.sem_alloc : memref<!tpu.dma_semaphore, #tpu.memory_space<semaphore_mem>>
      tpu.enqueue_dma source(%arg6 : memref<256x64xf32, #tpu.memory_space<hbm>>) target(%arg13 : memref<256x64xf32, #tpu.memory_space<vmem>>) target_semaphore(%run_scoped3A : memref<!tpu.dma_semaphore, #tpu.memory_space<semaphore_mem>>)
      tpu.wait_dma2 semaphore(%run_scoped3A : memref<!tpu.dma_semaphore, #tpu.memory_space<semaphore_mem>>) src(%arg6 : memref<256x64xf32, #tpu.memory_space<hbm>>) dst(%arg13 : memref<256x64xf32, #tpu.memory_space<vmem>>)
      tpu.yield
    }) : () -> ()
    %mul3A_3 = arith.constant 256 : i32
    %mul3A_4 = arith.muli %arg1, %mul3A_3 : i32
    "tpu.region"() ({
      %run_scoped3A = tpu.sem_alloc : memref<!tpu.dma_semaphore, #tpu.memory_space<semaphore_mem>>
      %dma_start3A_14 = arith.constant 0 : i32
      %dma_start3A_15 = tpu.memref_slice %arg15[%mul3A_4, %dma_start3A_14] : memref<4096x64xf32, #tpu.memory_space<vmem_shared>> -> memref<256x64xf32, #tpu.memory_space<vmem_shared>>
      %dma_start3A_16 = arith.constant 0 : i32
      %dma_start3A_17 = tpu.memref_slice %arg15[%mul3A_4, %dma_start3A_16] : memref<4096x64xf32, #tpu.memory_space<vmem_shared>> -> memref<256x64xf32, #tpu.memory_space<vmem_shared>>
      tpu.enqueue_dma source(%arg13 : memref<256x64xf32, #tpu.memory_space<vmem>>) target(%dma_start3A_17 : memref<256x64xf32, #tpu.memory_space<vmem_shared>>) target_semaphore(%run_scoped3A : memref<!tpu.dma_semaphore, #tpu.memory_space<semaphore_mem>>)
      %dma_wait3A_18 = arith.constant 0 : i32
      %dma_wait3A_19 = tpu.memref_slice %arg15[%mul3A_4, %dma_wait3A_18] : memref<4096x64xf32, #tpu.memory_space<vmem_shared>> -> memref<256x64xf32, #tpu.memory_space<vmem_shared>>
      %dma_wait3A_20 = arith.constant 0 : i32
      %dma_wait3A_21 = tpu.memref_slice %arg15[%mul3A_4, %dma_wait3A_20] : memref<4096x64xf32, #tpu.memory_space<vmem_shared>> -> memref<256x64xf32, #tpu.memory_space<vmem_shared>>
      tpu.wait_dma2 semaphore(%run_scoped3A : memref<!tpu.dma_semaphore, #tpu.memory_space<semaphore_mem>>) src(%arg13 : memref<256x64xf32, #tpu.memory_space<vmem>>) dst(%dma_wait3A_21 : memref<256x64xf32, #tpu.memory_space<vmem_shared>>)
      tpu.yield
    }) : () -> ()
    %barrier3A = arith.constant 0 : index
    tpu.barrier barrier_id(%barrier3A)
    "tpu.region"() ({
      %run_scoped3A = tpu.sem_alloc : memref<!tpu.dma_semaphore, #tpu.memory_space<semaphore_mem>>
      %dma_start3A_14 = tpu.memref_slice %arg3[%mul3A_2] : memref<10240xi32, #tpu.memory_space<hbm>> -> memref<320xi32, #tpu.memory_space<hbm>>
      %dma_start3A_15 = tpu.memref_slice %arg3[%mul3A_2] : memref<10240xi32, #tpu.memory_space<hbm>> -> memref<320xi32, #tpu.memory_space<hbm>>
      tpu.enqueue_dma source(%dma_start3A_15 : memref<320xi32, #tpu.memory_space<hbm>>) target(%arg9 : memref<320xi32, #tpu.memory_space<vmem>>) target_semaphore(%run_scoped3A : memref<!tpu.dma_semaphore, #tpu.memory_space<semaphore_mem>>)
      %dma_wait3A_16 = tpu.memref_slice %arg3[%mul3A_2] : memref<10240xi32, #tpu.memory_space<hbm>> -> memref<320xi32, #tpu.memory_space<hbm>>
      %dma_wait3A_17 = tpu.memref_slice %arg3[%mul3A_2] : memref<10240xi32, #tpu.memory_space<hbm>> -> memref<320xi32, #tpu.memory_space<hbm>>
      tpu.wait_dma2 semaphore(%run_scoped3A : memref<!tpu.dma_semaphore, #tpu.memory_space<semaphore_mem>>) src(%dma_wait3A_17 : memref<320xi32, #tpu.memory_space<hbm>>) dst(%arg9 : memref<320xi32, #tpu.memory_space<vmem>>)
      tpu.yield
    }) : () -> ()
    "tpu.region"() ({
      %run_scoped3A = tpu.sem_alloc : memref<!tpu.dma_semaphore, #tpu.memory_space<semaphore_mem>>
      %dma_start3A_14 = tpu.memref_slice %arg4[%mul3A_2] : memref<10240xi32, #tpu.memory_space<hbm>> -> memref<320xi32, #tpu.memory_space<hbm>>
      %dma_start3A_15 = tpu.memref_slice %arg4[%mul3A_2] : memref<10240xi32, #tpu.memory_space<hbm>> -> memref<320xi32, #tpu.memory_space<hbm>>
      tpu.enqueue_dma source(%dma_start3A_15 : memref<320xi32, #tpu.memory_space<hbm>>) target(%arg10 : memref<320xi32, #tpu.memory_space<vmem>>) target_semaphore(%run_scoped3A : memref<!tpu.dma_semaphore, #tpu.memory_space<semaphore_mem>>)
      %dma_wait3A_16 = tpu.memref_slice %arg4[%mul3A_2] : memref<10240xi32, #tpu.memory_space<hbm>> -> memref<320xi32, #tpu.memory_space<hbm>>
      %dma_wait3A_17 = tpu.memref_slice %arg4[%mul3A_2] : memref<10240xi32, #tpu.memory_space<hbm>> -> memref<320xi32, #tpu.memory_space<hbm>>
      tpu.wait_dma2 semaphore(%run_scoped3A : memref<!tpu.dma_semaphore, #tpu.memory_space<semaphore_mem>>) src(%dma_wait3A_17 : memref<320xi32, #tpu.memory_space<hbm>>) dst(%arg10 : memref<320xi32, #tpu.memory_space<vmem>>)
      tpu.yield
    }) : () -> ()
    %dma_start3A = arith.constant 0 : i32
    %dma_start3A_5 = arith.constant 0 : i32
    %dma_start3A_6 = tpu.memref_slice %arg2[%dma_start3A, %dma_start3A_5] : memref<10000x64xf32, #tpu.memory_space<hbm>> -> memref<10000x64xf32, #tpu.memory_space<hbm>>
    tpu.enqueue_indirect_dma source(%dma_start3A_6 : memref<10000x64xf32, #tpu.memory_space<hbm>>) target(%arg11 : memref<320x64xf32, #tpu.memory_space<vmem>>) offsets(%arg9 : memref<320xi32, #tpu.memory_space<vmem>>) semaphore(%arg16 : memref<!tpu.dma_semaphore, #tpu.memory_space<semaphore_mem>>)
    %dma_wait3A = arith.constant 0 : i32
    %dma_wait3A_7 = arith.constant 0 : i32
    %dma_wait3A_8 = tpu.memref_slice %arg2[%dma_wait3A, %dma_wait3A_7] : memref<10000x64xf32, #tpu.memory_space<hbm>> -> memref<10000x64xf32, #tpu.memory_space<hbm>>
    tpu.wait_indirect_dma semaphore(%arg16 : memref<!tpu.dma_semaphore, #tpu.memory_space<semaphore_mem>>) src(%dma_wait3A_8 : memref<10000x64xf32, #tpu.memory_space<hbm>>) dst(%arg11 : memref<320x64xf32, #tpu.memory_space<vmem>>)
    "tpu.region"() ({
      %run_scoped3A = tpu.sem_alloc : memref<!tpu.dma_semaphore, #tpu.memory_space<semaphore_mem>>
      %dma_start3A_14 = arith.constant 0 : i32
      %dma_start3A_15 = arith.constant 0 : i32
      %dma_start3A_16 = tpu.memref_slice %arg15[%dma_start3A_14, %dma_start3A_15] : memref<4096x64xf32, #tpu.memory_space<vmem_shared>> -> memref<4096x64xf32, #tpu.memory_space<vmem_shared>>
      tpu.enqueue_indirect_dma source(%arg11 : memref<320x64xf32, #tpu.memory_space<vmem>>) target(%dma_start3A_16 : memref<4096x64xf32, #tpu.memory_space<vmem_shared>>) offsets(%arg10 : memref<320xi32, #tpu.memory_space<vmem>>) semaphore(%run_scoped3A : memref<!tpu.dma_semaphore, #tpu.memory_space<semaphore_mem>>) {add = true}
      %dma_wait3A_17 = arith.constant 0 : i32
      %dma_wait3A_18 = arith.constant 0 : i32
      %dma_wait3A_19 = tpu.memref_slice %arg15[%dma_wait3A_17, %dma_wait3A_18] : memref<4096x64xf32, #tpu.memory_space<vmem_shared>> -> memref<4096x64xf32, #tpu.memory_space<vmem_shared>>
      tpu.wait_indirect_dma semaphore(%run_scoped3A : memref<!tpu.dma_semaphore, #tpu.memory_space<semaphore_mem>>) src(%arg11 : memref<320x64xf32, #tpu.memory_space<vmem>>) dst(%dma_wait3A_19 : memref<4096x64xf32, #tpu.memory_space<vmem_shared>>)
      tpu.yield
    }) : () -> ()
    %barrier3A_9 = arith.constant 0 : index
    tpu.barrier barrier_id(%barrier3A_9)
    %mul3A_10 = arith.constant 256 : i32
    %mul3A_11 = arith.muli %arg1, %mul3A_10 : i32
    "tpu.region"() ({
      %run_scoped3A = tpu.sem_alloc : memref<!tpu.dma_semaphore, #tpu.memory_space<semaphore_mem>>
      %dma_start3A_14 = arith.constant 0 : i32
      %dma_start3A_15 = tpu.memref_slice %arg15[%mul3A_11, %dma_start3A_14] : memref<4096x64xf32, #tpu.memory_space<vmem_shared>> -> memref<256x64xf32, #tpu.memory_space<vmem_shared>>
      %dma_start3A_16 = arith.constant 0 : i32
      %dma_start3A_17 = tpu.memref_slice %arg15[%mul3A_11, %dma_start3A_16] : memref<4096x64xf32, #tpu.memory_space<vmem_shared>> -> memref<256x64xf32, #tpu.memory_space<vmem_shared>>
      tpu.enqueue_dma source(%dma_start3A_17 : memref<256x64xf32, #tpu.memory_space<vmem_shared>>) target(%arg13 : memref<256x64xf32, #tpu.memory_space<vmem>>) target_semaphore(%run_scoped3A : memref<!tpu.dma_semaphore, #tpu.memory_space<semaphore_mem>>)
      %dma_wait3A_18 = arith.constant 0 : i32
      %dma_wait3A_19 = tpu.memref_slice %arg15[%mul3A_11, %dma_wait3A_18] : memref<4096x64xf32, #tpu.memory_space<vmem_shared>> -> memref<256x64xf32, #tpu.memory_space<vmem_shared>>
      %dma_wait3A_20 = arith.constant 0 : i32
      %dma_wait3A_21 = tpu.memref_slice %arg15[%mul3A_11, %dma_wait3A_20] : memref<4096x64xf32, #tpu.memory_space<vmem_shared>> -> memref<256x64xf32, #tpu.memory_space<vmem_shared>>
      tpu.wait_dma2 semaphore(%run_scoped3A : memref<!tpu.dma_semaphore, #tpu.memory_space<semaphore_mem>>) src(%dma_wait3A_21 : memref<256x64xf32, #tpu.memory_space<vmem_shared>>) dst(%arg13 : memref<256x64xf32, #tpu.memory_space<vmem>>)
      tpu.yield
    }) : () -> ()
    %mul3A_12 = arith.constant 256 : i32
    %mul3A_13 = arith.muli %arg1, %mul3A_12 : i32
    "tpu.region"() ({
      %run_scoped3A = tpu.sem_alloc : memref<!tpu.dma_semaphore, #tpu.memory_space<semaphore_mem>>
      %dma_start3A_14 = arith.constant 0 : i32
      %dma_start3A_15 = tpu.memref_slice %arg8[%arg0, %mul3A_13, %dma_start3A_14] : memref<2x4096x64xf32, #tpu.memory_space<hbm>> -> memref<1x256x64xf32, #tpu.memory_space<hbm>>
      %dma_start3A_16 = tpu.memref_squeeze %dma_start3A_15 : memref<1x256x64xf32, #tpu.memory_space<hbm>> -> memref<256x64xf32, #tpu.memory_space<hbm>>
      %dma_start3A_17 = arith.constant 0 : i32
      %dma_start3A_18 = tpu.memref_slice %arg8[%arg0, %mul3A_13, %dma_start3A_17] : memref<2x4096x64xf32, #tpu.memory_space<hbm>> -> memref<1x256x64xf32, #tpu.memory_space<hbm>>
      %dma_start3A_19 = tpu.memref_squeeze %dma_start3A_18 : memref<1x256x64xf32, #tpu.memory_space<hbm>> -> memref<256x64xf32, #tpu.memory_space<hbm>>
      tpu.enqueue_dma source(%arg13 : memref<256x64xf32, #tpu.memory_space<vmem>>) target(%dma_start3A_19 : memref<256x64xf32, #tpu.memory_space<hbm>>) target_semaphore(%run_scoped3A : memref<!tpu.dma_semaphore, #tpu.memory_space<semaphore_mem>>)
      %dma_wait3A_20 = arith.constant 0 : i32
      %dma_wait3A_21 = tpu.memref_slice %arg8[%arg0, %mul3A_13, %dma_wait3A_20] : memref<2x4096x64xf32, #tpu.memory_space<hbm>> -> memref<1x256x64xf32, #tpu.memory_space<hbm>>
      %dma_wait3A_22 = tpu.memref_squeeze %dma_wait3A_21 : memref<1x256x64xf32, #tpu.memory_space<hbm>> -> memref<256x64xf32, #tpu.memory_space<hbm>>
      %dma_wait3A_23 = arith.constant 0 : i32
      %dma_wait3A_24 = tpu.memref_slice %arg8[%arg0, %mul3A_13, %dma_wait3A_23] : memref<2x4096x64xf32, #tpu.memory_space<hbm>> -> memref<1x256x64xf32, #tpu.memory_space<hbm>>
      %dma_wait3A_25 = tpu.memref_squeeze %dma_wait3A_24 : memref<1x256x64xf32, #tpu.memory_space<hbm>> -> memref<256x64xf32, #tpu.memory_space<hbm>>
      tpu.wait_dma2 semaphore(%run_scoped3A : memref<!tpu.dma_semaphore, #tpu.memory_space<semaphore_mem>>) src(%arg13 : memref<256x64xf32, #tpu.memory_space<vmem>>) dst(%dma_wait3A_25 : memref<256x64xf32, #tpu.memory_space<hbm>>)
      tpu.yield
    }) : () -> ()
    return
  }
}

#map = affine_map<(d0, d1) -> (0, 0)>
#map1 = affine_map<(d0, d1) -> (0)>
#map2 = affine_map<(d0, d1) -> (0, 0, 0)>
module attributes {stable_mosaic.version = 14 : i64} {
  func.func @_sc_edge_body(%arg0: i32, %arg1: i32, %arg2: memref<80000x16xf32, #tpu.memory_space<hbm>>, %arg3: memref<160000xi32, #tpu.memory_space<hbm>>, %arg4: memref<160000xi32, #tpu.memory_space<hbm>>, %arg5: memref<10240xi32, #tpu.memory_space<hbm>>, %arg6: memref<8192xi32, #tpu.memory_space<hbm>>, %arg7: memref<10240xi32, #tpu.memory_space<hbm>>, %arg8: memref<320x16xf32, #tpu.memory_space<hbm>>, %arg9: memref<256x16xf32, #tpu.memory_space<hbm>>, %arg10: memref<320x16xf32, #tpu.memory_space<hbm>>, %arg11: memref<81920xf32, #tpu.memory_space<hbm>>, %arg12: memref<632x16xf32, #tpu.memory_space<hbm>>, %arg13: memref<2x10112x16xf32, #tpu.memory_space<hbm>>, %arg14: memref<2621440xf32, #tpu.memory_space<hbm>>, %arg15: memref<1000xi32, #tpu.memory_space<vmem>>, %arg16: memref<1000xi32, #tpu.memory_space<vmem>>, %arg17: memref<1000x16xf32, #tpu.memory_space<vmem>>, %arg18: memref<81920xf32, #tpu.memory_space<vmem>>, %arg19: memref<632x16xf32, #tpu.memory_space<vmem>>, %arg20: memref<320xi32, #tpu.memory_space<vmem>>, %arg21: memref<320x16xf32, #tpu.memory_space<vmem>>, %arg22: memref<256xi32, #tpu.memory_space<vmem>>, %arg23: memref<256x16xf32, #tpu.memory_space<vmem>>, %arg24: memref<10112x16xf32, #tpu.memory_space<vmem_shared>>, %arg25: memref<!tpu.dma_semaphore, #tpu.memory_space<semaphore_mem>>) attributes {dimension_semantics = [#tpu.dimension_semantics<core_parallel>, #tpu.dimension_semantics<subcore_parallel>], iteration_bounds = array<i64: 2, 16>, scalar_prefetch = 0 : i64, scratch_operands = 11 : i64, tpu.core_type = #tpu.core_type<sc_vector_subcore>, window_params = [{transform_indices = #map}, {transform_indices = #map1}, {transform_indices = #map1}, {transform_indices = #map1}, {transform_indices = #map1}, {transform_indices = #map1}, {transform_indices = #map}, {transform_indices = #map}, {transform_indices = #map}, {transform_indices = #map1}, {transform_indices = #map}, {transform_indices = #map2}, {transform_indices = #map1}]} {
    %mul3A = arith.constant 2 : i32
    %mul3A_0 = arith.muli %arg1, %mul3A : i32
    %add3A = arith.addi %mul3A_0, %arg0 : i32
    "tpu.region"() ({
      %run_scoped3A = tpu.sem_alloc : memref<!tpu.dma_semaphore, #tpu.memory_space<semaphore_mem>>
      tpu.enqueue_dma source(%arg11 : memref<81920xf32, #tpu.memory_space<hbm>>) target(%arg18 : memref<81920xf32, #tpu.memory_space<vmem>>) target_semaphore(%run_scoped3A : memref<!tpu.dma_semaphore, #tpu.memory_space<semaphore_mem>>)
      tpu.wait_dma2 semaphore(%run_scoped3A : memref<!tpu.dma_semaphore, #tpu.memory_space<semaphore_mem>>) src(%arg11 : memref<81920xf32, #tpu.memory_space<hbm>>) dst(%arg18 : memref<81920xf32, #tpu.memory_space<vmem>>)
      tpu.yield
    }) : () -> ()
    "tpu.region"() ({
      %run_scoped3A = tpu.sem_alloc : memref<!tpu.dma_semaphore, #tpu.memory_space<semaphore_mem>>
      tpu.enqueue_dma source(%arg12 : memref<632x16xf32, #tpu.memory_space<hbm>>) target(%arg19 : memref<632x16xf32, #tpu.memory_space<vmem>>) target_semaphore(%run_scoped3A : memref<!tpu.dma_semaphore, #tpu.memory_space<semaphore_mem>>)
      tpu.wait_dma2 semaphore(%run_scoped3A : memref<!tpu.dma_semaphore, #tpu.memory_space<semaphore_mem>>) src(%arg12 : memref<632x16xf32, #tpu.memory_space<hbm>>) dst(%arg19 : memref<632x16xf32, #tpu.memory_space<vmem>>)
      tpu.yield
    }) : () -> ()
    %mul3A_1 = arith.constant 632 : i32
    %mul3A_2 = arith.muli %arg1, %mul3A_1 : i32
    "tpu.region"() ({
      %run_scoped3A = tpu.sem_alloc : memref<!tpu.dma_semaphore, #tpu.memory_space<semaphore_mem>>
      %dma_start3A_100 = arith.constant 0 : i32
      %dma_start3A_101 = tpu.memref_slice %arg24[%mul3A_2, %dma_start3A_100] : memref<10112x16xf32, #tpu.memory_space<vmem_shared>> -> memref<632x16xf32, #tpu.memory_space<vmem_shared>>
      %dma_start3A_102 = arith.constant 0 : i32
      %dma_start3A_103 = tpu.memref_slice %arg24[%mul3A_2, %dma_start3A_102] : memref<10112x16xf32, #tpu.memory_space<vmem_shared>> -> memref<632x16xf32, #tpu.memory_space<vmem_shared>>
      tpu.enqueue_dma source(%arg19 : memref<632x16xf32, #tpu.memory_space<vmem>>) target(%dma_start3A_103 : memref<632x16xf32, #tpu.memory_space<vmem_shared>>) target_semaphore(%run_scoped3A : memref<!tpu.dma_semaphore, #tpu.memory_space<semaphore_mem>>)
      %dma_wait3A_104 = arith.constant 0 : i32
      %dma_wait3A_105 = tpu.memref_slice %arg24[%mul3A_2, %dma_wait3A_104] : memref<10112x16xf32, #tpu.memory_space<vmem_shared>> -> memref<632x16xf32, #tpu.memory_space<vmem_shared>>
      %dma_wait3A_106 = arith.constant 0 : i32
      %dma_wait3A_107 = tpu.memref_slice %arg24[%mul3A_2, %dma_wait3A_106] : memref<10112x16xf32, #tpu.memory_space<vmem_shared>> -> memref<632x16xf32, #tpu.memory_space<vmem_shared>>
      tpu.wait_dma2 semaphore(%run_scoped3A : memref<!tpu.dma_semaphore, #tpu.memory_space<semaphore_mem>>) src(%arg19 : memref<632x16xf32, #tpu.memory_space<vmem>>) dst(%dma_wait3A_107 : memref<632x16xf32, #tpu.memory_space<vmem_shared>>)
      tpu.yield
    }) : () -> ()
    %barrier3A = arith.constant 0 : index
    tpu.barrier barrier_id(%barrier3A)
    %iota3A = tpu.iota {dimensions = array<i32: 0>} : vector<16xi32>
    %and3A = arith.constant 7 : i32
    %and3A_3 = vector.broadcast %and3A : i32 to vector<16xi32>
    %and3A_4 = arith.andi %iota3A, %and3A_3 : vector<16xi32>
    %lt3A = arith.constant 4 : i32
    %lt3A_5 = vector.broadcast %lt3A : i32 to vector<16xi32>
    %lt3A_6 = arith.cmpi slt, %and3A_4, %lt3A_5 : vector<16xi32>
    %lt3A_7 = arith.constant 8 : i32
    %lt3A_8 = vector.broadcast %lt3A_7 : i32 to vector<16xi32>
    %lt3A_9 = arith.cmpi slt, %iota3A, %lt3A_8 : vector<16xi32>
    %mul3A_10 = arith.constant 5000 : i32
    %mul3A_11 = arith.muli %add3A, %mul3A_10 : i32
    %add3A_12 = arith.constant 0 : i32
    %add3A_13 = arith.addi %mul3A_11, %add3A_12 : i32
    "tpu.region"() ({
      %run_scoped3A = tpu.sem_alloc : memref<!tpu.dma_semaphore, #tpu.memory_space<semaphore_mem>>
      %dma_start3A_100 = tpu.memref_slice %arg3[%add3A_13] : memref<160000xi32, #tpu.memory_space<hbm>> -> memref<1000xi32, #tpu.memory_space<hbm>>
      %dma_start3A_101 = tpu.memref_slice %arg3[%add3A_13] : memref<160000xi32, #tpu.memory_space<hbm>> -> memref<1000xi32, #tpu.memory_space<hbm>>
      tpu.enqueue_dma source(%dma_start3A_101 : memref<1000xi32, #tpu.memory_space<hbm>>) target(%arg15 : memref<1000xi32, #tpu.memory_space<vmem>>) target_semaphore(%run_scoped3A : memref<!tpu.dma_semaphore, #tpu.memory_space<semaphore_mem>>)
      %dma_wait3A_102 = tpu.memref_slice %arg3[%add3A_13] : memref<160000xi32, #tpu.memory_space<hbm>> -> memref<1000xi32, #tpu.memory_space<hbm>>
      %dma_wait3A_103 = tpu.memref_slice %arg3[%add3A_13] : memref<160000xi32, #tpu.memory_space<hbm>> -> memref<1000xi32, #tpu.memory_space<hbm>>
      tpu.wait_dma2 semaphore(%run_scoped3A : memref<!tpu.dma_semaphore, #tpu.memory_space<semaphore_mem>>) src(%dma_wait3A_103 : memref<1000xi32, #tpu.memory_space<hbm>>) dst(%arg15 : memref<1000xi32, #tpu.memory_space<vmem>>)
      tpu.yield
    }) : () -> ()
    "tpu.region"() ({
      %run_scoped3A = tpu.sem_alloc : memref<!tpu.dma_semaphore, #tpu.memory_space<semaphore_mem>>
      %dma_start3A_100 = tpu.memref_slice %arg4[%add3A_13] : memref<160000xi32, #tpu.memory_space<hbm>> -> memref<1000xi32, #tpu.memory_space<hbm>>
      %dma_start3A_101 = tpu.memref_slice %arg4[%add3A_13] : memref<160000xi32, #tpu.memory_space<hbm>> -> memref<1000xi32, #tpu.memory_space<hbm>>
      tpu.enqueue_dma source(%dma_start3A_101 : memref<1000xi32, #tpu.memory_space<hbm>>) target(%arg16 : memref<1000xi32, #tpu.memory_space<vmem>>) target_semaphore(%run_scoped3A : memref<!tpu.dma_semaphore, #tpu.memory_space<semaphore_mem>>)
      %dma_wait3A_102 = tpu.memref_slice %arg4[%add3A_13] : memref<160000xi32, #tpu.memory_space<hbm>> -> memref<1000xi32, #tpu.memory_space<hbm>>
      %dma_wait3A_103 = tpu.memref_slice %arg4[%add3A_13] : memref<160000xi32, #tpu.memory_space<hbm>> -> memref<1000xi32, #tpu.memory_space<hbm>>
      tpu.wait_dma2 semaphore(%run_scoped3A : memref<!tpu.dma_semaphore, #tpu.memory_space<semaphore_mem>>) src(%dma_wait3A_103 : memref<1000xi32, #tpu.memory_space<hbm>>) dst(%arg16 : memref<1000xi32, #tpu.memory_space<vmem>>)
      tpu.yield
    }) : () -> ()
    %dma_start3A = arith.constant 0 : i32
    %dma_start3A_14 = arith.constant 0 : i32
    %dma_start3A_15 = tpu.memref_slice %arg2[%dma_start3A, %dma_start3A_14] : memref<80000x16xf32, #tpu.memory_space<hbm>> -> memref<80000x16xf32, #tpu.memory_space<hbm>>
    tpu.enqueue_indirect_dma source(%dma_start3A_15 : memref<80000x16xf32, #tpu.memory_space<hbm>>) target(%arg17 : memref<1000x16xf32, #tpu.memory_space<vmem>>) offsets(%arg15 : memref<1000xi32, #tpu.memory_space<vmem>>) semaphore(%arg25 : memref<!tpu.dma_semaphore, #tpu.memory_space<semaphore_mem>>)
    %dma_wait3A = arith.constant 0 : i32
    %dma_wait3A_16 = arith.constant 0 : i32
    %dma_wait3A_17 = tpu.memref_slice %arg2[%dma_wait3A, %dma_wait3A_16] : memref<80000x16xf32, #tpu.memory_space<hbm>> -> memref<80000x16xf32, #tpu.memory_space<hbm>>
    tpu.wait_indirect_dma semaphore(%arg25 : memref<!tpu.dma_semaphore, #tpu.memory_space<semaphore_mem>>) src(%dma_wait3A_17 : memref<80000x16xf32, #tpu.memory_space<hbm>>) dst(%arg17 : memref<1000x16xf32, #tpu.memory_space<vmem>>)
    "tpu.region"() ({
      %run_scoped3A = tpu.sem_alloc : memref<!tpu.dma_semaphore, #tpu.memory_space<semaphore_mem>>
      %dma_start3A_100 = arith.constant 0 : i32
      %dma_start3A_101 = arith.constant 0 : i32
      %dma_start3A_102 = tpu.memref_slice %arg24[%dma_start3A_100, %dma_start3A_101] : memref<10112x16xf32, #tpu.memory_space<vmem_shared>> -> memref<10112x16xf32, #tpu.memory_space<vmem_shared>>
      tpu.enqueue_indirect_dma source(%arg17 : memref<1000x16xf32, #tpu.memory_space<vmem>>) target(%dma_start3A_102 : memref<10112x16xf32, #tpu.memory_space<vmem_shared>>) offsets(%arg16 : memref<1000xi32, #tpu.memory_space<vmem>>) semaphore(%run_scoped3A : memref<!tpu.dma_semaphore, #tpu.memory_space<semaphore_mem>>) {add = true}
      %dma_wait3A_103 = arith.constant 0 : i32
      %dma_wait3A_104 = arith.constant 0 : i32
      %dma_wait3A_105 = tpu.memref_slice %arg24[%dma_wait3A_103, %dma_wait3A_104] : memref<10112x16xf32, #tpu.memory_space<vmem_shared>> -> memref<10112x16xf32, #tpu.memory_space<vmem_shared>>
      tpu.wait_indirect_dma semaphore(%run_scoped3A : memref<!tpu.dma_semaphore, #tpu.memory_space<semaphore_mem>>) src(%arg17 : memref<1000x16xf32, #tpu.memory_space<vmem>>) dst(%dma_wait3A_105 : memref<10112x16xf32, #tpu.memory_space<vmem_shared>>)
      tpu.yield
    }) : () -> ()
    %scan3A = arith.constant 0 : i32
    %scan3A_18 = arith.constant 0 : i32
    %scan3A_19 = arith.constant 500 : i32
    %scan3A_20 = arith.addi %scan3A_18, %scan3A_19 : i32
    %scan3A_21 = arith.constant 1 : i32
    scf.for %scan3A_100 = %scan3A_18 to %scan3A_20 step %scan3A_21  : i32 {
      %mul3A_101 = arith.constant 2 : i32
      %mul3A_102 = arith.muli %scan3A_100, %mul3A_101 : i32
      %add3A_103 = arith.constant 0 : i32
      %add3A_104 = arith.addi %mul3A_102, %add3A_103 : i32
      %get3A = arith.index_cast %add3A_104 : i32 to index
      %get3A_105 = arith.constant 0 : index
      %get3A_106 = tpu.vector_load %arg17[%get3A, %get3A_105] {strides = array<i32>} : memref<1000x16xf32, #tpu.memory_space<vmem>>, vector<16xf32>,
      %mul3A_107 = arith.constant 0 : i32
      %mul3A_108 = vector.broadcast %mul3A_107 : i32 to vector<16xi32>
      %mul3A_109 = arith.muli %iota3A, %mul3A_108 : vector<16xi32>
      %add3A_110 = vector.broadcast %add3A_104 : i32 to vector<16xi32>
      %add3A_111 = arith.addi %mul3A_109, %add3A_110 : vector<16xi32>
      %gather3A = tpu.vector_load_idx %arg16[%add3A_111] : memref<1000xi32, #tpu.memory_space<vmem>>[vector<16xi32>], vector<16xi32>,
      %mul3A_112 = arith.constant 8 : i32
      %mul3A_113 = vector.broadcast %mul3A_112 : i32 to vector<16xi32>
      %mul3A_114 = arith.muli %gather3A, %mul3A_113 : vector<16xi32>
      %add3A_115 = arith.addi %mul3A_114, %and3A_4 : vector<16xi32>
      %gather3A_116 = tpu.vector_load_idx %arg18[%add3A_115] : memref<81920xf32, #tpu.memory_space<vmem>>[vector<16xi32>], vector<16xf32>,
      %max3A = arith.maximumf %gather3A_116, %get3A_106 : vector<16xf32>
      %min3A = arith.minimumf %gather3A_116, %get3A_106 : vector<16xf32>
      %select_n3A = arith.select %lt3A_6, %max3A, %min3A : vector<16xi1>, vector<16xf32>
      tpu.vector_store_idx %arg18[%add3A_115], %select_n3A masked %lt3A_9 : memref<81920xf32, #tpu.memory_space<vmem>>[vector<16xi32>], vector<16xf32>, vector<16xi1>
      %mul3A_117 = arith.constant 2 : i32
      %mul3A_118 = arith.muli %scan3A_100, %mul3A_117 : i32
      %add3A_119 = arith.constant 1 : i32
      %add3A_120 = arith.addi %mul3A_118, %add3A_119 : i32
      %get3A_121 = arith.index_cast %add3A_120 : i32 to index
      %get3A_122 = arith.constant 0 : index
      %get3A_123 = tpu.vector_load %arg17[%get3A_121, %get3A_122] {strides = array<i32>} : memref<1000x16xf32, #tpu.memory_space<vmem>>, vector<16xf32>,
      %mul3A_124 = arith.constant 0 : i32
      %mul3A_125 = vector.broadcast %mul3A_124 : i32 to vector<16xi32>
      %mul3A_126 = arith.muli %iota3A, %mul3A_125 : vector<16xi32>
      %add3A_127 = vector.broadcast %add3A_120 : i32 to vector<16xi32>
      %add3A_128 = arith.addi %mul3A_126, %add3A_127 : vector<16xi32>
      %gather3A_129 = tpu.vector_load_idx %arg16[%add3A_128] : memref<1000xi32, #tpu.memory_space<vmem>>[vector<16xi32>], vector<16xi32>,
      %mul3A_130 = arith.constant 8 : i32
      %mul3A_131 = vector.broadcast %mul3A_130 : i32 to vector<16xi32>
      %mul3A_132 = arith.muli %gather3A_129, %mul3A_131 : vector<16xi32>
      %add3A_133 = arith.addi %mul3A_132, %and3A_4 : vector<16xi32>
      %gather3A_134 = tpu.vector_load_idx %arg18[%add3A_133] : memref<81920xf32, #tpu.memory_space<vmem>>[vector<16xi32>], vector<16xf32>,
      %max3A_135 = arith.maximumf %gather3A_134, %get3A_123 : vector<16xf32>
      %min3A_136 = arith.minimumf %gather3A_134, %get3A_123 : vector<16xf32>
      %select_n3A_137 = arith.select %lt3A_6, %max3A_135, %min3A_136 : vector<16xi1>, vector<16xf32>
      tpu.vector_store_idx %arg18[%add3A_133], %select_n3A_137 masked %lt3A_9 : memref<81920xf32, #tpu.memory_space<vmem>>[vector<16xi32>], vector<16xf32>, vector<16xi1>
    }
    %scan3A_22 = arith.constant 500 : i32
    %mul3A_23 = arith.constant 5000 : i32
    %mul3A_24 = arith.muli %add3A, %mul3A_23 : i32
    %add3A_25 = arith.constant 1000 : i32
    %add3A_26 = arith.addi %mul3A_24, %add3A_25 : i32
    "tpu.region"() ({
      %run_scoped3A = tpu.sem_alloc : memref<!tpu.dma_semaphore, #tpu.memory_space<semaphore_mem>>
      %dma_start3A_100 = tpu.memref_slice %arg3[%add3A_26] : memref<160000xi32, #tpu.memory_space<hbm>> -> memref<1000xi32, #tpu.memory_space<hbm>>
      %dma_start3A_101 = tpu.memref_slice %arg3[%add3A_26] : memref<160000xi32, #tpu.memory_space<hbm>> -> memref<1000xi32, #tpu.memory_space<hbm>>
      tpu.enqueue_dma source(%dma_start3A_101 : memref<1000xi32, #tpu.memory_space<hbm>>) target(%arg15 : memref<1000xi32, #tpu.memory_space<vmem>>) target_semaphore(%run_scoped3A : memref<!tpu.dma_semaphore, #tpu.memory_space<semaphore_mem>>)
      %dma_wait3A_102 = tpu.memref_slice %arg3[%add3A_26] : memref<160000xi32, #tpu.memory_space<hbm>> -> memref<1000xi32, #tpu.memory_space<hbm>>
      %dma_wait3A_103 = tpu.memref_slice %arg3[%add3A_26] : memref<160000xi32, #tpu.memory_space<hbm>> -> memref<1000xi32, #tpu.memory_space<hbm>>
      tpu.wait_dma2 semaphore(%run_scoped3A : memref<!tpu.dma_semaphore, #tpu.memory_space<semaphore_mem>>) src(%dma_wait3A_103 : memref<1000xi32, #tpu.memory_space<hbm>>) dst(%arg15 : memref<1000xi32, #tpu.memory_space<vmem>>)
      tpu.yield
    }) : () -> ()
    "tpu.region"() ({
      %run_scoped3A = tpu.sem_alloc : memref<!tpu.dma_semaphore, #tpu.memory_space<semaphore_mem>>
      %dma_start3A_100 = tpu.memref_slice %arg4[%add3A_26] : memref<160000xi32, #tpu.memory_space<hbm>> -> memref<1000xi32, #tpu.memory_space<hbm>>
      %dma_start3A_101 = tpu.memref_slice %arg4[%add3A_26] : memref<160000xi32, #tpu.memory_space<hbm>> -> memref<1000xi32, #tpu.memory_space<hbm>>
      tpu.enqueue_dma source(%dma_start3A_101 : memref<1000xi32, #tpu.memory_space<hbm>>) target(%arg16 : memref<1000xi32, #tpu.memory_space<vmem>>) target_semaphore(%run_scoped3A : memref<!tpu.dma_semaphore, #tpu.memory_space<semaphore_mem>>)
      %dma_wait3A_102 = tpu.memref_slice %arg4[%add3A_26] : memref<160000xi32, #tpu.memory_space<hbm>> -> memref<1000xi32, #tpu.memory_space<hbm>>
      %dma_wait3A_103 = tpu.memref_slice %arg4[%add3A_26] : memref<160000xi32, #tpu.memory_space<hbm>> -> memref<1000xi32, #tpu.memory_space<hbm>>
      tpu.wait_dma2 semaphore(%run_scoped3A : memref<!tpu.dma_semaphore, #tpu.memory_space<semaphore_mem>>) src(%dma_wait3A_103 : memref<1000xi32, #tpu.memory_space<hbm>>) dst(%arg16 : memref<1000xi32, #tpu.memory_space<vmem>>)
      tpu.yield
    }) : () -> ()
    %dma_start3A_27 = arith.constant 0 : i32
    %dma_start3A_28 = arith.constant 0 : i32
    %dma_start3A_29 = tpu.memref_slice %arg2[%dma_start3A_27, %dma_start3A_28] : memref<80000x16xf32, #tpu.memory_space<hbm>> -> memref<80000x16xf32, #tpu.memory_space<hbm>>
    tpu.enqueue_indirect_dma source(%dma_start3A_29 : memref<80000x16xf32, #tpu.memory_space<hbm>>) target(%arg17 : memref<1000x16xf32, #tpu.memory_space<vmem>>) offsets(%arg15 : memref<1000xi32, #tpu.memory_space<vmem>>) semaphore(%arg25 : memref<!tpu.dma_semaphore, #tpu.memory_space<semaphore_mem>>)
    %dma_wait3A_30 = arith.constant 0 : i32
    %dma_wait3A_31 = arith.constant 0 : i32
    %dma_wait3A_32 = tpu.memref_slice %arg2[%dma_wait3A_30, %dma_wait3A_31] : memref<80000x16xf32, #tpu.memory_space<hbm>> -> memref<80000x16xf32, #tpu.memory_space<hbm>>
    tpu.wait_indirect_dma semaphore(%arg25 : memref<!tpu.dma_semaphore, #tpu.memory_space<semaphore_mem>>) src(%dma_wait3A_32 : memref<80000x16xf32, #tpu.memory_space<hbm>>) dst(%arg17 : memref<1000x16xf32, #tpu.memory_space<vmem>>)
    "tpu.region"() ({
      %run_scoped3A = tpu.sem_alloc : memref<!tpu.dma_semaphore, #tpu.memory_space<semaphore_mem>>
      %dma_start3A_100 = arith.constant 0 : i32
      %dma_start3A_101 = arith.constant 0 : i32
      %dma_start3A_102 = tpu.memref_slice %arg24[%dma_start3A_100, %dma_start3A_101] : memref<10112x16xf32, #tpu.memory_space<vmem_shared>> -> memref<10112x16xf32, #tpu.memory_space<vmem_shared>>
      tpu.enqueue_indirect_dma source(%arg17 : memref<1000x16xf32, #tpu.memory_space<vmem>>) target(%dma_start3A_102 : memref<10112x16xf32, #tpu.memory_space<vmem_shared>>) offsets(%arg16 : memref<1000xi32, #tpu.memory_space<vmem>>) semaphore(%run_scoped3A : memref<!tpu.dma_semaphore, #tpu.memory_space<semaphore_mem>>) {add = true}
      %dma_wait3A_103 = arith.constant 0 : i32
      %dma_wait3A_104 = arith.constant 0 : i32
      %dma_wait3A_105 = tpu.memref_slice %arg24[%dma_wait3A_103, %dma_wait3A_104] : memref<10112x16xf32, #tpu.memory_space<vmem_shared>> -> memref<10112x16xf32, #tpu.memory_space<vmem_shared>>
      tpu.wait_indirect_dma semaphore(%run_scoped3A : memref<!tpu.dma_semaphore, #tpu.memory_space<semaphore_mem>>) src(%arg17 : memref<1000x16xf32, #tpu.memory_space<vmem>>) dst(%dma_wait3A_105 : memref<10112x16xf32, #tpu.memory_space<vmem_shared>>)
      tpu.yield
    }) : () -> ()
    %scan3A_33 = arith.constant 0 : i32
    %scan3A_34 = arith.constant 0 : i32
    %scan3A_35 = arith.constant 500 : i32
    %scan3A_36 = arith.addi %scan3A_34, %scan3A_35 : i32
    %scan3A_37 = arith.constant 1 : i32
    scf.for %scan3A_100 = %scan3A_34 to %scan3A_36 step %scan3A_37  : i32 {
      %mul3A_101 = arith.constant 2 : i32
      %mul3A_102 = arith.muli %scan3A_100, %mul3A_101 : i32
      %add3A_103 = arith.constant 0 : i32
      %add3A_104 = arith.addi %mul3A_102, %add3A_103 : i32
      %get3A = arith.index_cast %add3A_104 : i32 to index
      %get3A_105 = arith.constant 0 : index
      %get3A_106 = tpu.vector_load %arg17[%get3A, %get3A_105] {strides = array<i32>} : memref<1000x16xf32, #tpu.memory_space<vmem>>, vector<16xf32>,
      %mul3A_107 = arith.constant 0 : i32
      %mul3A_108 = vector.broadcast %mul3A_107 : i32 to vector<16xi32>
      %mul3A_109 = arith.muli %iota3A, %mul3A_108 : vector<16xi32>
      %add3A_110 = vector.broadcast %add3A_104 : i32 to vector<16xi32>
      %add3A_111 = arith.addi %mul3A_109, %add3A_110 : vector<16xi32>
      %gather3A = tpu.vector_load_idx %arg16[%add3A_111] : memref<1000xi32, #tpu.memory_space<vmem>>[vector<16xi32>], vector<16xi32>,
      %mul3A_112 = arith.constant 8 : i32
      %mul3A_113 = vector.broadcast %mul3A_112 : i32 to vector<16xi32>
      %mul3A_114 = arith.muli %gather3A, %mul3A_113 : vector<16xi32>
      %add3A_115 = arith.addi %mul3A_114, %and3A_4 : vector<16xi32>
      %gather3A_116 = tpu.vector_load_idx %arg18[%add3A_115] : memref<81920xf32, #tpu.memory_space<vmem>>[vector<16xi32>], vector<16xf32>,
      %max3A = arith.maximumf %gather3A_116, %get3A_106 : vector<16xf32>
      %min3A = arith.minimumf %gather3A_116, %get3A_106 : vector<16xf32>
      %select_n3A = arith.select %lt3A_6, %max3A, %min3A : vector<16xi1>, vector<16xf32>
      tpu.vector_store_idx %arg18[%add3A_115], %select_n3A masked %lt3A_9 : memref<81920xf32, #tpu.memory_space<vmem>>[vector<16xi32>], vector<16xf32>, vector<16xi1>
      %mul3A_117 = arith.constant 2 : i32
      %mul3A_118 = arith.muli %scan3A_100, %mul3A_117 : i32
      %add3A_119 = arith.constant 1 : i32
      %add3A_120 = arith.addi %mul3A_118, %add3A_119 : i32
      %get3A_121 = arith.index_cast %add3A_120 : i32 to index
      %get3A_122 = arith.constant 0 : index
      %get3A_123 = tpu.vector_load %arg17[%get3A_121, %get3A_122] {strides = array<i32>} : memref<1000x16xf32, #tpu.memory_space<vmem>>, vector<16xf32>,
      %mul3A_124 = arith.constant 0 : i32
      %mul3A_125 = vector.broadcast %mul3A_124 : i32 to vector<16xi32>
      %mul3A_126 = arith.muli %iota3A, %mul3A_125 : vector<16xi32>
      %add3A_127 = vector.broadcast %add3A_120 : i32 to vector<16xi32>
      %add3A_128 = arith.addi %mul3A_126, %add3A_127 : vector<16xi32>
      %gather3A_129 = tpu.vector_load_idx %arg16[%add3A_128] : memref<1000xi32, #tpu.memory_space<vmem>>[vector<16xi32>], vector<16xi32>,
      %mul3A_130 = arith.constant 8 : i32
      %mul3A_131 = vector.broadcast %mul3A_130 : i32 to vector<16xi32>
      %mul3A_132 = arith.muli %gather3A_129, %mul3A_131 : vector<16xi32>
      %add3A_133 = arith.addi %mul3A_132, %and3A_4 : vector<16xi32>
      %gather3A_134 = tpu.vector_load_idx %arg18[%add3A_133] : memref<81920xf32, #tpu.memory_space<vmem>>[vector<16xi32>], vector<16xf32>,
      %max3A_135 = arith.maximumf %gather3A_134, %get3A_123 : vector<16xf32>
      %min3A_136 = arith.minimumf %gather3A_134, %get3A_123 : vector<16xf32>
      %select_n3A_137 = arith.select %lt3A_6, %max3A_135, %min3A_136 : vector<16xi1>, vector<16xf32>
      tpu.vector_store_idx %arg18[%add3A_133], %select_n3A_137 masked %lt3A_9 : memref<81920xf32, #tpu.memory_space<vmem>>[vector<16xi32>], vector<16xf32>, vector<16xi1>
    }
    %scan3A_38 = arith.constant 500 : i32
    %mul3A_39 = arith.constant 5000 : i32
    %mul3A_40 = arith.muli %add3A, %mul3A_39 : i32
    %add3A_41 = arith.constant 2000 : i32
    %add3A_42 = arith.addi %mul3A_40, %add3A_41 : i32
    "tpu.region"() ({
      %run_scoped3A = tpu.sem_alloc : memref<!tpu.dma_semaphore, #tpu.memory_space<semaphore_mem>>
      %dma_start3A_100 = tpu.memref_slice %arg3[%add3A_42] : memref<160000xi32, #tpu.memory_space<hbm>> -> memref<1000xi32, #tpu.memory_space<hbm>>
      %dma_start3A_101 = tpu.memref_slice %arg3[%add3A_42] : memref<160000xi32, #tpu.memory_space<hbm>> -> memref<1000xi32, #tpu.memory_space<hbm>>
      tpu.enqueue_dma source(%dma_start3A_101 : memref<1000xi32, #tpu.memory_space<hbm>>) target(%arg15 : memref<1000xi32, #tpu.memory_space<vmem>>) target_semaphore(%run_scoped3A : memref<!tpu.dma_semaphore, #tpu.memory_space<semaphore_mem>>)
      %dma_wait3A_102 = tpu.memref_slice %arg3[%add3A_42] : memref<160000xi32, #tpu.memory_space<hbm>> -> memref<1000xi32, #tpu.memory_space<hbm>>
      %dma_wait3A_103 = tpu.memref_slice %arg3[%add3A_42] : memref<160000xi32, #tpu.memory_space<hbm>> -> memref<1000xi32, #tpu.memory_space<hbm>>
      tpu.wait_dma2 semaphore(%run_scoped3A : memref<!tpu.dma_semaphore, #tpu.memory_space<semaphore_mem>>) src(%dma_wait3A_103 : memref<1000xi32, #tpu.memory_space<hbm>>) dst(%arg15 : memref<1000xi32, #tpu.memory_space<vmem>>)
      tpu.yield
    }) : () -> ()
    "tpu.region"() ({
      %run_scoped3A = tpu.sem_alloc : memref<!tpu.dma_semaphore, #tpu.memory_space<semaphore_mem>>
      %dma_start3A_100 = tpu.memref_slice %arg4[%add3A_42] : memref<160000xi32, #tpu.memory_space<hbm>> -> memref<1000xi32, #tpu.memory_space<hbm>>
      %dma_start3A_101 = tpu.memref_slice %arg4[%add3A_42] : memref<160000xi32, #tpu.memory_space<hbm>> -> memref<1000xi32, #tpu.memory_space<hbm>>
      tpu.enqueue_dma source(%dma_start3A_101 : memref<1000xi32, #tpu.memory_space<hbm>>) target(%arg16 : memref<1000xi32, #tpu.memory_space<vmem>>) target_semaphore(%run_scoped3A : memref<!tpu.dma_semaphore, #tpu.memory_space<semaphore_mem>>)
      %dma_wait3A_102 = tpu.memref_slice %arg4[%add3A_42] : memref<160000xi32, #tpu.memory_space<hbm>> -> memref<1000xi32, #tpu.memory_space<hbm>>
      %dma_wait3A_103 = tpu.memref_slice %arg4[%add3A_42] : memref<160000xi32, #tpu.memory_space<hbm>> -> memref<1000xi32, #tpu.memory_space<hbm>>
      tpu.wait_dma2 semaphore(%run_scoped3A : memref<!tpu.dma_semaphore, #tpu.memory_space<semaphore_mem>>) src(%dma_wait3A_103 : memref<1000xi32, #tpu.memory_space<hbm>>) dst(%arg16 : memref<1000xi32, #tpu.memory_space<vmem>>)
      tpu.yield
    }) : () -> ()
    %dma_start3A_43 = arith.constant 0 : i32
    %dma_start3A_44 = arith.constant 0 : i32
    %dma_start3A_45 = tpu.memref_slice %arg2[%dma_start3A_43, %dma_start3A_44] : memref<80000x16xf32, #tpu.memory_space<hbm>> -> memref<80000x16xf32, #tpu.memory_space<hbm>>
    tpu.enqueue_indirect_dma source(%dma_start3A_45 : memref<80000x16xf32, #tpu.memory_space<hbm>>) target(%arg17 : memref<1000x16xf32, #tpu.memory_space<vmem>>) offsets(%arg15 : memref<1000xi32, #tpu.memory_space<vmem>>) semaphore(%arg25 : memref<!tpu.dma_semaphore, #tpu.memory_space<semaphore_mem>>)
    %dma_wait3A_46 = arith.constant 0 : i32
    %dma_wait3A_47 = arith.constant 0 : i32
    %dma_wait3A_48 = tpu.memref_slice %arg2[%dma_wait3A_46, %dma_wait3A_47] : memref<80000x16xf32, #tpu.memory_space<hbm>> -> memref<80000x16xf32, #tpu.memory_space<hbm>>
    tpu.wait_indirect_dma semaphore(%arg25 : memref<!tpu.dma_semaphore, #tpu.memory_space<semaphore_mem>>) src(%dma_wait3A_48 : memref<80000x16xf32, #tpu.memory_space<hbm>>) dst(%arg17 : memref<1000x16xf32, #tpu.memory_space<vmem>>)
    "tpu.region"() ({
      %run_scoped3A = tpu.sem_alloc : memref<!tpu.dma_semaphore, #tpu.memory_space<semaphore_mem>>
      %dma_start3A_100 = arith.constant 0 : i32
      %dma_start3A_101 = arith.constant 0 : i32
      %dma_start3A_102 = tpu.memref_slice %arg24[%dma_start3A_100, %dma_start3A_101] : memref<10112x16xf32, #tpu.memory_space<vmem_shared>> -> memref<10112x16xf32, #tpu.memory_space<vmem_shared>>
      tpu.enqueue_indirect_dma source(%arg17 : memref<1000x16xf32, #tpu.memory_space<vmem>>) target(%dma_start3A_102 : memref<10112x16xf32, #tpu.memory_space<vmem_shared>>) offsets(%arg16 : memref<1000xi32, #tpu.memory_space<vmem>>) semaphore(%run_scoped3A : memref<!tpu.dma_semaphore, #tpu.memory_space<semaphore_mem>>) {add = true}
      %dma_wait3A_103 = arith.constant 0 : i32
      %dma_wait3A_104 = arith.constant 0 : i32
      %dma_wait3A_105 = tpu.memref_slice %arg24[%dma_wait3A_103, %dma_wait3A_104] : memref<10112x16xf32, #tpu.memory_space<vmem_shared>> -> memref<10112x16xf32, #tpu.memory_space<vmem_shared>>
      tpu.wait_indirect_dma semaphore(%run_scoped3A : memref<!tpu.dma_semaphore, #tpu.memory_space<semaphore_mem>>) src(%arg17 : memref<1000x16xf32, #tpu.memory_space<vmem>>) dst(%dma_wait3A_105 : memref<10112x16xf32, #tpu.memory_space<vmem_shared>>)
      tpu.yield
    }) : () -> ()
    %scan3A_49 = arith.constant 0 : i32
    %scan3A_50 = arith.constant 0 : i32
    %scan3A_51 = arith.constant 500 : i32
    %scan3A_52 = arith.addi %scan3A_50, %scan3A_51 : i32
    %scan3A_53 = arith.constant 1 : i32
    scf.for %scan3A_100 = %scan3A_50 to %scan3A_52 step %scan3A_53  : i32 {
      %mul3A_101 = arith.constant 2 : i32
      %mul3A_102 = arith.muli %scan3A_100, %mul3A_101 : i32
      %add3A_103 = arith.constant 0 : i32
      %add3A_104 = arith.addi %mul3A_102, %add3A_103 : i32
      %get3A = arith.index_cast %add3A_104 : i32 to index
      %get3A_105 = arith.constant 0 : index
      %get3A_106 = tpu.vector_load %arg17[%get3A, %get3A_105] {strides = array<i32>} : memref<1000x16xf32, #tpu.memory_space<vmem>>, vector<16xf32>,
      %mul3A_107 = arith.constant 0 : i32
      %mul3A_108 = vector.broadcast %mul3A_107 : i32 to vector<16xi32>
      %mul3A_109 = arith.muli %iota3A, %mul3A_108 : vector<16xi32>
      %add3A_110 = vector.broadcast %add3A_104 : i32 to vector<16xi32>
      %add3A_111 = arith.addi %mul3A_109, %add3A_110 : vector<16xi32>
      %gather3A = tpu.vector_load_idx %arg16[%add3A_111] : memref<1000xi32, #tpu.memory_space<vmem>>[vector<16xi32>], vector<16xi32>,
      %mul3A_112 = arith.constant 8 : i32
      %mul3A_113 = vector.broadcast %mul3A_112 : i32 to vector<16xi32>
      %mul3A_114 = arith.muli %gather3A, %mul3A_113 : vector<16xi32>
      %add3A_115 = arith.addi %mul3A_114, %and3A_4 : vector<16xi32>
      %gather3A_116 = tpu.vector_load_idx %arg18[%add3A_115] : memref<81920xf32, #tpu.memory_space<vmem>>[vector<16xi32>], vector<16xf32>,
      %max3A = arith.maximumf %gather3A_116, %get3A_106 : vector<16xf32>
      %min3A = arith.minimumf %gather3A_116, %get3A_106 : vector<16xf32>
      %select_n3A = arith.select %lt3A_6, %max3A, %min3A : vector<16xi1>, vector<16xf32>
      tpu.vector_store_idx %arg18[%add3A_115], %select_n3A masked %lt3A_9 : memref<81920xf32, #tpu.memory_space<vmem>>[vector<16xi32>], vector<16xf32>, vector<16xi1>
      %mul3A_117 = arith.constant 2 : i32
      %mul3A_118 = arith.muli %scan3A_100, %mul3A_117 : i32
      %add3A_119 = arith.constant 1 : i32
      %add3A_120 = arith.addi %mul3A_118, %add3A_119 : i32
      %get3A_121 = arith.index_cast %add3A_120 : i32 to index
      %get3A_122 = arith.constant 0 : index
      %get3A_123 = tpu.vector_load %arg17[%get3A_121, %get3A_122] {strides = array<i32>} : memref<1000x16xf32, #tpu.memory_space<vmem>>, vector<16xf32>,
      %mul3A_124 = arith.constant 0 : i32
      %mul3A_125 = vector.broadcast %mul3A_124 : i32 to vector<16xi32>
      %mul3A_126 = arith.muli %iota3A, %mul3A_125 : vector<16xi32>
      %add3A_127 = vector.broadcast %add3A_120 : i32 to vector<16xi32>
      %add3A_128 = arith.addi %mul3A_126, %add3A_127 : vector<16xi32>
      %gather3A_129 = tpu.vector_load_idx %arg16[%add3A_128] : memref<1000xi32, #tpu.memory_space<vmem>>[vector<16xi32>], vector<16xi32>,
      %mul3A_130 = arith.constant 8 : i32
      %mul3A_131 = vector.broadcast %mul3A_130 : i32 to vector<16xi32>
      %mul3A_132 = arith.muli %gather3A_129, %mul3A_131 : vector<16xi32>
      %add3A_133 = arith.addi %mul3A_132, %and3A_4 : vector<16xi32>
      %gather3A_134 = tpu.vector_load_idx %arg18[%add3A_133] : memref<81920xf32, #tpu.memory_space<vmem>>[vector<16xi32>], vector<16xf32>,
      %max3A_135 = arith.maximumf %gather3A_134, %get3A_123 : vector<16xf32>
      %min3A_136 = arith.minimumf %gather3A_134, %get3A_123 : vector<16xf32>
      %select_n3A_137 = arith.select %lt3A_6, %max3A_135, %min3A_136 : vector<16xi1>, vector<16xf32>
      tpu.vector_store_idx %arg18[%add3A_133], %select_n3A_137 masked %lt3A_9 : memref<81920xf32, #tpu.memory_space<vmem>>[vector<16xi32>], vector<16xf32>, vector<16xi1>
    }
    %scan3A_54 = arith.constant 500 : i32
    %mul3A_55 = arith.constant 5000 : i32
    %mul3A_56 = arith.muli %add3A, %mul3A_55 : i32
    %add3A_57 = arith.constant 3000 : i32
    %add3A_58 = arith.addi %mul3A_56, %add3A_57 : i32
    "tpu.region"() ({
      %run_scoped3A = tpu.sem_alloc : memref<!tpu.dma_semaphore, #tpu.memory_space<semaphore_mem>>
      %dma_start3A_100 = tpu.memref_slice %arg3[%add3A_58] : memref<160000xi32, #tpu.memory_space<hbm>> -> memref<1000xi32, #tpu.memory_space<hbm>>
      %dma_start3A_101 = tpu.memref_slice %arg3[%add3A_58] : memref<160000xi32, #tpu.memory_space<hbm>> -> memref<1000xi32, #tpu.memory_space<hbm>>
      tpu.enqueue_dma source(%dma_start3A_101 : memref<1000xi32, #tpu.memory_space<hbm>>) target(%arg15 : memref<1000xi32, #tpu.memory_space<vmem>>) target_semaphore(%run_scoped3A : memref<!tpu.dma_semaphore, #tpu.memory_space<semaphore_mem>>)
      %dma_wait3A_102 = tpu.memref_slice %arg3[%add3A_58] : memref<160000xi32, #tpu.memory_space<hbm>> -> memref<1000xi32, #tpu.memory_space<hbm>>
      %dma_wait3A_103 = tpu.memref_slice %arg3[%add3A_58] : memref<160000xi32, #tpu.memory_space<hbm>> -> memref<1000xi32, #tpu.memory_space<hbm>>
      tpu.wait_dma2 semaphore(%run_scoped3A : memref<!tpu.dma_semaphore, #tpu.memory_space<semaphore_mem>>) src(%dma_wait3A_103 : memref<1000xi32, #tpu.memory_space<hbm>>) dst(%arg15 : memref<1000xi32, #tpu.memory_space<vmem>>)
      tpu.yield
    }) : () -> ()
    "tpu.region"() ({
      %run_scoped3A = tpu.sem_alloc : memref<!tpu.dma_semaphore, #tpu.memory_space<semaphore_mem>>
      %dma_start3A_100 = tpu.memref_slice %arg4[%add3A_58] : memref<160000xi32, #tpu.memory_space<hbm>> -> memref<1000xi32, #tpu.memory_space<hbm>>
      %dma_start3A_101 = tpu.memref_slice %arg4[%add3A_58] : memref<160000xi32, #tpu.memory_space<hbm>> -> memref<1000xi32, #tpu.memory_space<hbm>>
      tpu.enqueue_dma source(%dma_start3A_101 : memref<1000xi32, #tpu.memory_space<hbm>>) target(%arg16 : memref<1000xi32, #tpu.memory_space<vmem>>) target_semaphore(%run_scoped3A : memref<!tpu.dma_semaphore, #tpu.memory_space<semaphore_mem>>)
      %dma_wait3A_102 = tpu.memref_slice %arg4[%add3A_58] : memref<160000xi32, #tpu.memory_space<hbm>> -> memref<1000xi32, #tpu.memory_space<hbm>>
      %dma_wait3A_103 = tpu.memref_slice %arg4[%add3A_58] : memref<160000xi32, #tpu.memory_space<hbm>> -> memref<1000xi32, #tpu.memory_space<hbm>>
      tpu.wait_dma2 semaphore(%run_scoped3A : memref<!tpu.dma_semaphore, #tpu.memory_space<semaphore_mem>>) src(%dma_wait3A_103 : memref<1000xi32, #tpu.memory_space<hbm>>) dst(%arg16 : memref<1000xi32, #tpu.memory_space<vmem>>)
      tpu.yield
    }) : () -> ()
    %dma_start3A_59 = arith.constant 0 : i32
    %dma_start3A_60 = arith.constant 0 : i32
    %dma_start3A_61 = tpu.memref_slice %arg2[%dma_start3A_59, %dma_start3A_60] : memref<80000x16xf32, #tpu.memory_space<hbm>> -> memref<80000x16xf32, #tpu.memory_space<hbm>>
    tpu.enqueue_indirect_dma source(%dma_start3A_61 : memref<80000x16xf32, #tpu.memory_space<hbm>>) target(%arg17 : memref<1000x16xf32, #tpu.memory_space<vmem>>) offsets(%arg15 : memref<1000xi32, #tpu.memory_space<vmem>>) semaphore(%arg25 : memref<!tpu.dma_semaphore, #tpu.memory_space<semaphore_mem>>)
    %dma_wait3A_62 = arith.constant 0 : i32
    %dma_wait3A_63 = arith.constant 0 : i32
    %dma_wait3A_64 = tpu.memref_slice %arg2[%dma_wait3A_62, %dma_wait3A_63] : memref<80000x16xf32, #tpu.memory_space<hbm>> -> memref<80000x16xf32, #tpu.memory_space<hbm>>
    tpu.wait_indirect_dma semaphore(%arg25 : memref<!tpu.dma_semaphore, #tpu.memory_space<semaphore_mem>>) src(%dma_wait3A_64 : memref<80000x16xf32, #tpu.memory_space<hbm>>) dst(%arg17 : memref<1000x16xf32, #tpu.memory_space<vmem>>)
    "tpu.region"() ({
      %run_scoped3A = tpu.sem_alloc : memref<!tpu.dma_semaphore, #tpu.memory_space<semaphore_mem>>
      %dma_start3A_100 = arith.constant 0 : i32
      %dma_start3A_101 = arith.constant 0 : i32
      %dma_start3A_102 = tpu.memref_slice %arg24[%dma_start3A_100, %dma_start3A_101] : memref<10112x16xf32, #tpu.memory_space<vmem_shared>> -> memref<10112x16xf32, #tpu.memory_space<vmem_shared>>
      tpu.enqueue_indirect_dma source(%arg17 : memref<1000x16xf32, #tpu.memory_space<vmem>>) target(%dma_start3A_102 : memref<10112x16xf32, #tpu.memory_space<vmem_shared>>) offsets(%arg16 : memref<1000xi32, #tpu.memory_space<vmem>>) semaphore(%run_scoped3A : memref<!tpu.dma_semaphore, #tpu.memory_space<semaphore_mem>>) {add = true}
      %dma_wait3A_103 = arith.constant 0 : i32
      %dma_wait3A_104 = arith.constant 0 : i32
      %dma_wait3A_105 = tpu.memref_slice %arg24[%dma_wait3A_103, %dma_wait3A_104] : memref<10112x16xf32, #tpu.memory_space<vmem_shared>> -> memref<10112x16xf32, #tpu.memory_space<vmem_shared>>
      tpu.wait_indirect_dma semaphore(%run_scoped3A : memref<!tpu.dma_semaphore, #tpu.memory_space<semaphore_mem>>) src(%arg17 : memref<1000x16xf32, #tpu.memory_space<vmem>>) dst(%dma_wait3A_105 : memref<10112x16xf32, #tpu.memory_space<vmem_shared>>)
      tpu.yield
    }) : () -> ()
    %scan3A_65 = arith.constant 0 : i32
    %scan3A_66 = arith.constant 0 : i32
    %scan3A_67 = arith.constant 500 : i32
    %scan3A_68 = arith.addi %scan3A_66, %scan3A_67 : i32
    %scan3A_69 = arith.constant 1 : i32
    scf.for %scan3A_100 = %scan3A_66 to %scan3A_68 step %scan3A_69  : i32 {
      %mul3A_101 = arith.constant 2 : i32
      %mul3A_102 = arith.muli %scan3A_100, %mul3A_101 : i32
      %add3A_103 = arith.constant 0 : i32
      %add3A_104 = arith.addi %mul3A_102, %add3A_103 : i32
      %get3A = arith.index_cast %add3A_104 : i32 to index
      %get3A_105 = arith.constant 0 : index
      %get3A_106 = tpu.vector_load %arg17[%get3A, %get3A_105] {strides = array<i32>} : memref<1000x16xf32, #tpu.memory_space<vmem>>, vector<16xf32>,
      %mul3A_107 = arith.constant 0 : i32
      %mul3A_108 = vector.broadcast %mul3A_107 : i32 to vector<16xi32>
      %mul3A_109 = arith.muli %iota3A, %mul3A_108 : vector<16xi32>
      %add3A_110 = vector.broadcast %add3A_104 : i32 to vector<16xi32>
      %add3A_111 = arith.addi %mul3A_109, %add3A_110 : vector<16xi32>
      %gather3A = tpu.vector_load_idx %arg16[%add3A_111] : memref<1000xi32, #tpu.memory_space<vmem>>[vector<16xi32>], vector<16xi32>,
      %mul3A_112 = arith.constant 8 : i32
      %mul3A_113 = vector.broadcast %mul3A_112 : i32 to vector<16xi32>
      %mul3A_114 = arith.muli %gather3A, %mul3A_113 : vector<16xi32>
      %add3A_115 = arith.addi %mul3A_114, %and3A_4 : vector<16xi32>
      %gather3A_116 = tpu.vector_load_idx %arg18[%add3A_115] : memref<81920xf32, #tpu.memory_space<vmem>>[vector<16xi32>], vector<16xf32>,
      %max3A = arith.maximumf %gather3A_116, %get3A_106 : vector<16xf32>
      %min3A = arith.minimumf %gather3A_116, %get3A_106 : vector<16xf32>
      %select_n3A = arith.select %lt3A_6, %max3A, %min3A : vector<16xi1>, vector<16xf32>
      tpu.vector_store_idx %arg18[%add3A_115], %select_n3A masked %lt3A_9 : memref<81920xf32, #tpu.memory_space<vmem>>[vector<16xi32>], vector<16xf32>, vector<16xi1>
      %mul3A_117 = arith.constant 2 : i32
      %mul3A_118 = arith.muli %scan3A_100, %mul3A_117 : i32
      %add3A_119 = arith.constant 1 : i32
      %add3A_120 = arith.addi %mul3A_118, %add3A_119 : i32
      %get3A_121 = arith.index_cast %add3A_120 : i32 to index
      %get3A_122 = arith.constant 0 : index
      %get3A_123 = tpu.vector_load %arg17[%get3A_121, %get3A_122] {strides = array<i32>} : memref<1000x16xf32, #tpu.memory_space<vmem>>, vector<16xf32>,
      %mul3A_124 = arith.constant 0 : i32
      %mul3A_125 = vector.broadcast %mul3A_124 : i32 to vector<16xi32>
      %mul3A_126 = arith.muli %iota3A, %mul3A_125 : vector<16xi32>
      %add3A_127 = vector.broadcast %add3A_120 : i32 to vector<16xi32>
      %add3A_128 = arith.addi %mul3A_126, %add3A_127 : vector<16xi32>
      %gather3A_129 = tpu.vector_load_idx %arg16[%add3A_128] : memref<1000xi32, #tpu.memory_space<vmem>>[vector<16xi32>], vector<16xi32>,
      %mul3A_130 = arith.constant 8 : i32
      %mul3A_131 = vector.broadcast %mul3A_130 : i32 to vector<16xi32>
      %mul3A_132 = arith.muli %gather3A_129, %mul3A_131 : vector<16xi32>
      %add3A_133 = arith.addi %mul3A_132, %and3A_4 : vector<16xi32>
      %gather3A_134 = tpu.vector_load_idx %arg18[%add3A_133] : memref<81920xf32, #tpu.memory_space<vmem>>[vector<16xi32>], vector<16xf32>,
      %max3A_135 = arith.maximumf %gather3A_134, %get3A_123 : vector<16xf32>
      %min3A_136 = arith.minimumf %gather3A_134, %get3A_123 : vector<16xf32>
      %select_n3A_137 = arith.select %lt3A_6, %max3A_135, %min3A_136 : vector<16xi1>, vector<16xf32>
      tpu.vector_store_idx %arg18[%add3A_133], %select_n3A_137 masked %lt3A_9 : memref<81920xf32, #tpu.memory_space<vmem>>[vector<16xi32>], vector<16xf32>, vector<16xi1>
    }
    %scan3A_70 = arith.constant 500 : i32
    %mul3A_71 = arith.constant 5000 : i32
    %mul3A_72 = arith.muli %add3A, %mul3A_71 : i32
    %add3A_73 = arith.constant 4000 : i32
    %add3A_74 = arith.addi %mul3A_72, %add3A_73 : i32
    "tpu.region"() ({
      %run_scoped3A = tpu.sem_alloc : memref<!tpu.dma_semaphore, #tpu.memory_space<semaphore_mem>>
      %dma_start3A_100 = tpu.memref_slice %arg3[%add3A_74] : memref<160000xi32, #tpu.memory_space<hbm>> -> memref<1000xi32, #tpu.memory_space<hbm>>
      %dma_start3A_101 = tpu.memref_slice %arg3[%add3A_74] : memref<160000xi32, #tpu.memory_space<hbm>> -> memref<1000xi32, #tpu.memory_space<hbm>>
      tpu.enqueue_dma source(%dma_start3A_101 : memref<1000xi32, #tpu.memory_space<hbm>>) target(%arg15 : memref<1000xi32, #tpu.memory_space<vmem>>) target_semaphore(%run_scoped3A : memref<!tpu.dma_semaphore, #tpu.memory_space<semaphore_mem>>)
      %dma_wait3A_102 = tpu.memref_slice %arg3[%add3A_74] : memref<160000xi32, #tpu.memory_space<hbm>> -> memref<1000xi32, #tpu.memory_space<hbm>>
      %dma_wait3A_103 = tpu.memref_slice %arg3[%add3A_74] : memref<160000xi32, #tpu.memory_space<hbm>> -> memref<1000xi32, #tpu.memory_space<hbm>>
      tpu.wait_dma2 semaphore(%run_scoped3A : memref<!tpu.dma_semaphore, #tpu.memory_space<semaphore_mem>>) src(%dma_wait3A_103 : memref<1000xi32, #tpu.memory_space<hbm>>) dst(%arg15 : memref<1000xi32, #tpu.memory_space<vmem>>)
      tpu.yield
    }) : () -> ()
    "tpu.region"() ({
      %run_scoped3A = tpu.sem_alloc : memref<!tpu.dma_semaphore, #tpu.memory_space<semaphore_mem>>
      %dma_start3A_100 = tpu.memref_slice %arg4[%add3A_74] : memref<160000xi32, #tpu.memory_space<hbm>> -> memref<1000xi32, #tpu.memory_space<hbm>>
      %dma_start3A_101 = tpu.memref_slice %arg4[%add3A_74] : memref<160000xi32, #tpu.memory_space<hbm>> -> memref<1000xi32, #tpu.memory_space<hbm>>
      tpu.enqueue_dma source(%dma_start3A_101 : memref<1000xi32, #tpu.memory_space<hbm>>) target(%arg16 : memref<1000xi32, #tpu.memory_space<vmem>>) target_semaphore(%run_scoped3A : memref<!tpu.dma_semaphore, #tpu.memory_space<semaphore_mem>>)
      %dma_wait3A_102 = tpu.memref_slice %arg4[%add3A_74] : memref<160000xi32, #tpu.memory_space<hbm>> -> memref<1000xi32, #tpu.memory_space<hbm>>
      %dma_wait3A_103 = tpu.memref_slice %arg4[%add3A_74] : memref<160000xi32, #tpu.memory_space<hbm>> -> memref<1000xi32, #tpu.memory_space<hbm>>
      tpu.wait_dma2 semaphore(%run_scoped3A : memref<!tpu.dma_semaphore, #tpu.memory_space<semaphore_mem>>) src(%dma_wait3A_103 : memref<1000xi32, #tpu.memory_space<hbm>>) dst(%arg16 : memref<1000xi32, #tpu.memory_space<vmem>>)
      tpu.yield
    }) : () -> ()
    %dma_start3A_75 = arith.constant 0 : i32
    %dma_start3A_76 = arith.constant 0 : i32
    %dma_start3A_77 = tpu.memref_slice %arg2[%dma_start3A_75, %dma_start3A_76] : memref<80000x16xf32, #tpu.memory_space<hbm>> -> memref<80000x16xf32, #tpu.memory_space<hbm>>
    tpu.enqueue_indirect_dma source(%dma_start3A_77 : memref<80000x16xf32, #tpu.memory_space<hbm>>) target(%arg17 : memref<1000x16xf32, #tpu.memory_space<vmem>>) offsets(%arg15 : memref<1000xi32, #tpu.memory_space<vmem>>) semaphore(%arg25 : memref<!tpu.dma_semaphore, #tpu.memory_space<semaphore_mem>>)
    %dma_wait3A_78 = arith.constant 0 : i32
    %dma_wait3A_79 = arith.constant 0 : i32
    %dma_wait3A_80 = tpu.memref_slice %arg2[%dma_wait3A_78, %dma_wait3A_79] : memref<80000x16xf32, #tpu.memory_space<hbm>> -> memref<80000x16xf32, #tpu.memory_space<hbm>>
    tpu.wait_indirect_dma semaphore(%arg25 : memref<!tpu.dma_semaphore, #tpu.memory_space<semaphore_mem>>) src(%dma_wait3A_80 : memref<80000x16xf32, #tpu.memory_space<hbm>>) dst(%arg17 : memref<1000x16xf32, #tpu.memory_space<vmem>>)
    "tpu.region"() ({
      %run_scoped3A = tpu.sem_alloc : memref<!tpu.dma_semaphore, #tpu.memory_space<semaphore_mem>>
      %dma_start3A_100 = arith.constant 0 : i32
      %dma_start3A_101 = arith.constant 0 : i32
      %dma_start3A_102 = tpu.memref_slice %arg24[%dma_start3A_100, %dma_start3A_101] : memref<10112x16xf32, #tpu.memory_space<vmem_shared>> -> memref<10112x16xf32, #tpu.memory_space<vmem_shared>>
      tpu.enqueue_indirect_dma source(%arg17 : memref<1000x16xf32, #tpu.memory_space<vmem>>) target(%dma_start3A_102 : memref<10112x16xf32, #tpu.memory_space<vmem_shared>>) offsets(%arg16 : memref<1000xi32, #tpu.memory_space<vmem>>) semaphore(%run_scoped3A : memref<!tpu.dma_semaphore, #tpu.memory_space<semaphore_mem>>) {add = true}
      %dma_wait3A_103 = arith.constant 0 : i32
      %dma_wait3A_104 = arith.constant 0 : i32
      %dma_wait3A_105 = tpu.memref_slice %arg24[%dma_wait3A_103, %dma_wait3A_104] : memref<10112x16xf32, #tpu.memory_space<vmem_shared>> -> memref<10112x16xf32, #tpu.memory_space<vmem_shared>>
      tpu.wait_indirect_dma semaphore(%run_scoped3A : memref<!tpu.dma_semaphore, #tpu.memory_space<semaphore_mem>>) src(%arg17 : memref<1000x16xf32, #tpu.memory_space<vmem>>) dst(%dma_wait3A_105 : memref<10112x16xf32, #tpu.memory_space<vmem_shared>>)
      tpu.yield
    }) : () -> ()
    %scan3A_81 = arith.constant 0 : i32
    %scan3A_82 = arith.constant 0 : i32
    %scan3A_83 = arith.constant 500 : i32
    %scan3A_84 = arith.addi %scan3A_82, %scan3A_83 : i32
    %scan3A_85 = arith.constant 1 : i32
    scf.for %scan3A_100 = %scan3A_82 to %scan3A_84 step %scan3A_85  : i32 {
      %mul3A_101 = arith.constant 2 : i32
      %mul3A_102 = arith.muli %scan3A_100, %mul3A_101 : i32
      %add3A_103 = arith.constant 0 : i32
      %add3A_104 = arith.addi %mul3A_102, %add3A_103 : i32
      %get3A = arith.index_cast %add3A_104 : i32 to index
      %get3A_105 = arith.constant 0 : index
      %get3A_106 = tpu.vector_load %arg17[%get3A, %get3A_105] {strides = array<i32>} : memref<1000x16xf32, #tpu.memory_space<vmem>>, vector<16xf32>,
      %mul3A_107 = arith.constant 0 : i32
      %mul3A_108 = vector.broadcast %mul3A_107 : i32 to vector<16xi32>
      %mul3A_109 = arith.muli %iota3A, %mul3A_108 : vector<16xi32>
      %add3A_110 = vector.broadcast %add3A_104 : i32 to vector<16xi32>
      %add3A_111 = arith.addi %mul3A_109, %add3A_110 : vector<16xi32>
      %gather3A = tpu.vector_load_idx %arg16[%add3A_111] : memref<1000xi32, #tpu.memory_space<vmem>>[vector<16xi32>], vector<16xi32>,
      %mul3A_112 = arith.constant 8 : i32
      %mul3A_113 = vector.broadcast %mul3A_112 : i32 to vector<16xi32>
      %mul3A_114 = arith.muli %gather3A, %mul3A_113 : vector<16xi32>
      %add3A_115 = arith.addi %mul3A_114, %and3A_4 : vector<16xi32>
      %gather3A_116 = tpu.vector_load_idx %arg18[%add3A_115] : memref<81920xf32, #tpu.memory_space<vmem>>[vector<16xi32>], vector<16xf32>,
      %max3A = arith.maximumf %gather3A_116, %get3A_106 : vector<16xf32>
      %min3A = arith.minimumf %gather3A_116, %get3A_106 : vector<16xf32>
      %select_n3A = arith.select %lt3A_6, %max3A, %min3A : vector<16xi1>, vector<16xf32>
      tpu.vector_store_idx %arg18[%add3A_115], %select_n3A masked %lt3A_9 : memref<81920xf32, #tpu.memory_space<vmem>>[vector<16xi32>], vector<16xf32>, vector<16xi1>
      %mul3A_117 = arith.constant 2 : i32
      %mul3A_118 = arith.muli %scan3A_100, %mul3A_117 : i32
      %add3A_119 = arith.constant 1 : i32
      %add3A_120 = arith.addi %mul3A_118, %add3A_119 : i32
      %get3A_121 = arith.index_cast %add3A_120 : i32 to index
      %get3A_122 = arith.constant 0 : index
      %get3A_123 = tpu.vector_load %arg17[%get3A_121, %get3A_122] {strides = array<i32>} : memref<1000x16xf32, #tpu.memory_space<vmem>>, vector<16xf32>,
      %mul3A_124 = arith.constant 0 : i32
      %mul3A_125 = vector.broadcast %mul3A_124 : i32 to vector<16xi32>
      %mul3A_126 = arith.muli %iota3A, %mul3A_125 : vector<16xi32>
      %add3A_127 = vector.broadcast %add3A_120 : i32 to vector<16xi32>
      %add3A_128 = arith.addi %mul3A_126, %add3A_127 : vector<16xi32>
      %gather3A_129 = tpu.vector_load_idx %arg16[%add3A_128] : memref<1000xi32, #tpu.memory_space<vmem>>[vector<16xi32>], vector<16xi32>,
      %mul3A_130 = arith.constant 8 : i32
      %mul3A_131 = vector.broadcast %mul3A_130 : i32 to vector<16xi32>
      %mul3A_132 = arith.muli %gather3A_129, %mul3A_131 : vector<16xi32>
      %add3A_133 = arith.addi %mul3A_132, %and3A_4 : vector<16xi32>
      %gather3A_134 = tpu.vector_load_idx %arg18[%add3A_133] : memref<81920xf32, #tpu.memory_space<vmem>>[vector<16xi32>], vector<16xf32>,
      %max3A_135 = arith.maximumf %gather3A_134, %get3A_123 : vector<16xf32>
      %min3A_136 = arith.minimumf %gather3A_134, %get3A_123 : vector<16xf32>
      %select_n3A_137 = arith.select %lt3A_6, %max3A_135, %min3A_136 : vector<16xi1>, vector<16xf32>
      tpu.vector_store_idx %arg18[%add3A_133], %select_n3A_137 masked %lt3A_9 : memref<81920xf32, #tpu.memory_space<vmem>>[vector<16xi32>], vector<16xf32>, vector<16xi1>
    }
    %scan3A_86 = arith.constant 500 : i32
    %mul3A_87 = arith.constant 320 : i32
    %mul3A_88 = arith.muli %add3A, %mul3A_87 : i32
    "tpu.region"() ({
      %run_scoped3A = tpu.sem_alloc : memref<!tpu.dma_semaphore, #tpu.memory_space<semaphore_mem>>
      %dma_start3A_100 = tpu.memref_slice %arg5[%mul3A_88] : memref<10240xi32, #tpu.memory_space<hbm>> -> memref<320xi32, #tpu.memory_space<hbm>>
      %dma_start3A_101 = tpu.memref_slice %arg5[%mul3A_88] : memref<10240xi32, #tpu.memory_space<hbm>> -> memref<320xi32, #tpu.memory_space<hbm>>
      tpu.enqueue_dma source(%dma_start3A_101 : memref<320xi32, #tpu.memory_space<hbm>>) target(%arg20 : memref<320xi32, #tpu.memory_space<vmem>>) target_semaphore(%run_scoped3A : memref<!tpu.dma_semaphore, #tpu.memory_space<semaphore_mem>>)
      %dma_wait3A_102 = tpu.memref_slice %arg5[%mul3A_88] : memref<10240xi32, #tpu.memory_space<hbm>> -> memref<320xi32, #tpu.memory_space<hbm>>
      %dma_wait3A_103 = tpu.memref_slice %arg5[%mul3A_88] : memref<10240xi32, #tpu.memory_space<hbm>> -> memref<320xi32, #tpu.memory_space<hbm>>
      tpu.wait_dma2 semaphore(%run_scoped3A : memref<!tpu.dma_semaphore, #tpu.memory_space<semaphore_mem>>) src(%dma_wait3A_103 : memref<320xi32, #tpu.memory_space<hbm>>) dst(%arg20 : memref<320xi32, #tpu.memory_space<vmem>>)
      tpu.yield
    }) : () -> ()
    "tpu.region"() ({
      %run_scoped3A = tpu.sem_alloc : memref<!tpu.dma_semaphore, #tpu.memory_space<semaphore_mem>>
      tpu.enqueue_dma source(%arg8 : memref<320x16xf32, #tpu.memory_space<hbm>>) target(%arg21 : memref<320x16xf32, #tpu.memory_space<vmem>>) target_semaphore(%run_scoped3A : memref<!tpu.dma_semaphore, #tpu.memory_space<semaphore_mem>>)
      tpu.wait_dma2 semaphore(%run_scoped3A : memref<!tpu.dma_semaphore, #tpu.memory_space<semaphore_mem>>) src(%arg8 : memref<320x16xf32, #tpu.memory_space<hbm>>) dst(%arg21 : memref<320x16xf32, #tpu.memory_space<vmem>>)
      tpu.yield
    }) : () -> ()
    "tpu.region"() ({
      %run_scoped3A = tpu.sem_alloc : memref<!tpu.dma_semaphore, #tpu.memory_space<semaphore_mem>>
      %dma_start3A_100 = arith.constant 0 : i32
      %dma_start3A_101 = arith.constant 0 : i32
      %dma_start3A_102 = tpu.memref_slice %arg24[%dma_start3A_100, %dma_start3A_101] : memref<10112x16xf32, #tpu.memory_space<vmem_shared>> -> memref<10112x16xf32, #tpu.memory_space<vmem_shared>>
      tpu.enqueue_indirect_dma source(%arg21 : memref<320x16xf32, #tpu.memory_space<vmem>>) target(%dma_start3A_102 : memref<10112x16xf32, #tpu.memory_space<vmem_shared>>) offsets(%arg20 : memref<320xi32, #tpu.memory_space<vmem>>) semaphore(%run_scoped3A : memref<!tpu.dma_semaphore, #tpu.memory_space<semaphore_mem>>) {add = true}
      %dma_wait3A_103 = arith.constant 0 : i32
      %dma_wait3A_104 = arith.constant 0 : i32
      %dma_wait3A_105 = tpu.memref_slice %arg24[%dma_wait3A_103, %dma_wait3A_104] : memref<10112x16xf32, #tpu.memory_space<vmem_shared>> -> memref<10112x16xf32, #tpu.memory_space<vmem_shared>>
      tpu.wait_indirect_dma semaphore(%run_scoped3A : memref<!tpu.dma_semaphore, #tpu.memory_space<semaphore_mem>>) src(%arg21 : memref<320x16xf32, #tpu.memory_space<vmem>>) dst(%dma_wait3A_105 : memref<10112x16xf32, #tpu.memory_space<vmem_shared>>)
      tpu.yield
    }) : () -> ()
    %mul3A_89 = arith.constant 320 : i32
    %mul3A_90 = arith.muli %add3A, %mul3A_89 : i32
    "tpu.region"() ({
      %run_scoped3A = tpu.sem_alloc : memref<!tpu.dma_semaphore, #tpu.memory_space<semaphore_mem>>
      %dma_start3A_100 = tpu.memref_slice %arg7[%mul3A_90] : memref<10240xi32, #tpu.memory_space<hbm>> -> memref<320xi32, #tpu.memory_space<hbm>>
      %dma_start3A_101 = tpu.memref_slice %arg7[%mul3A_90] : memref<10240xi32, #tpu.memory_space<hbm>> -> memref<320xi32, #tpu.memory_space<hbm>>
      tpu.enqueue_dma source(%dma_start3A_101 : memref<320xi32, #tpu.memory_space<hbm>>) target(%arg20 : memref<320xi32, #tpu.memory_space<vmem>>) target_semaphore(%run_scoped3A : memref<!tpu.dma_semaphore, #tpu.memory_space<semaphore_mem>>)
      %dma_wait3A_102 = tpu.memref_slice %arg7[%mul3A_90] : memref<10240xi32, #tpu.memory_space<hbm>> -> memref<320xi32, #tpu.memory_space<hbm>>
      %dma_wait3A_103 = tpu.memref_slice %arg7[%mul3A_90] : memref<10240xi32, #tpu.memory_space<hbm>> -> memref<320xi32, #tpu.memory_space<hbm>>
      tpu.wait_dma2 semaphore(%run_scoped3A : memref<!tpu.dma_semaphore, #tpu.memory_space<semaphore_mem>>) src(%dma_wait3A_103 : memref<320xi32, #tpu.memory_space<hbm>>) dst(%arg20 : memref<320xi32, #tpu.memory_space<vmem>>)
      tpu.yield
    }) : () -> ()
    "tpu.region"() ({
      %run_scoped3A = tpu.sem_alloc : memref<!tpu.dma_semaphore, #tpu.memory_space<semaphore_mem>>
      tpu.enqueue_dma source(%arg10 : memref<320x16xf32, #tpu.memory_space<hbm>>) target(%arg21 : memref<320x16xf32, #tpu.memory_space<vmem>>) target_semaphore(%run_scoped3A : memref<!tpu.dma_semaphore, #tpu.memory_space<semaphore_mem>>)
      tpu.wait_dma2 semaphore(%run_scoped3A : memref<!tpu.dma_semaphore, #tpu.memory_space<semaphore_mem>>) src(%arg10 : memref<320x16xf32, #tpu.memory_space<hbm>>) dst(%arg21 : memref<320x16xf32, #tpu.memory_space<vmem>>)
      tpu.yield
    }) : () -> ()
    "tpu.region"() ({
      %run_scoped3A = tpu.sem_alloc : memref<!tpu.dma_semaphore, #tpu.memory_space<semaphore_mem>>
      %dma_start3A_100 = arith.constant 0 : i32
      %dma_start3A_101 = arith.constant 0 : i32
      %dma_start3A_102 = tpu.memref_slice %arg24[%dma_start3A_100, %dma_start3A_101] : memref<10112x16xf32, #tpu.memory_space<vmem_shared>> -> memref<10112x16xf32, #tpu.memory_space<vmem_shared>>
      tpu.enqueue_indirect_dma source(%arg21 : memref<320x16xf32, #tpu.memory_space<vmem>>) target(%dma_start3A_102 : memref<10112x16xf32, #tpu.memory_space<vmem_shared>>) offsets(%arg20 : memref<320xi32, #tpu.memory_space<vmem>>) semaphore(%run_scoped3A : memref<!tpu.dma_semaphore, #tpu.memory_space<semaphore_mem>>) {add = true}
      %dma_wait3A_103 = arith.constant 0 : i32
      %dma_wait3A_104 = arith.constant 0 : i32
      %dma_wait3A_105 = tpu.memref_slice %arg24[%dma_wait3A_103, %dma_wait3A_104] : memref<10112x16xf32, #tpu.memory_space<vmem_shared>> -> memref<10112x16xf32, #tpu.memory_space<vmem_shared>>
      tpu.wait_indirect_dma semaphore(%run_scoped3A : memref<!tpu.dma_semaphore, #tpu.memory_space<semaphore_mem>>) src(%arg21 : memref<320x16xf32, #tpu.memory_space<vmem>>) dst(%dma_wait3A_105 : memref<10112x16xf32, #tpu.memory_space<vmem_shared>>)
      tpu.yield
    }) : () -> ()
    %mul3A_91 = arith.constant 256 : i32
    %mul3A_92 = arith.muli %add3A, %mul3A_91 : i32
    "tpu.region"() ({
      %run_scoped3A = tpu.sem_alloc : memref<!tpu.dma_semaphore, #tpu.memory_space<semaphore_mem>>
      %dma_start3A_100 = tpu.memref_slice %arg6[%mul3A_92] : memref<8192xi32, #tpu.memory_space<hbm>> -> memref<256xi32, #tpu.memory_space<hbm>>
      %dma_start3A_101 = tpu.memref_slice %arg6[%mul3A_92] : memref<8192xi32, #tpu.memory_space<hbm>> -> memref<256xi32, #tpu.memory_space<hbm>>
      tpu.enqueue_dma source(%dma_start3A_101 : memref<256xi32, #tpu.memory_space<hbm>>) target(%arg22 : memref<256xi32, #tpu.memory_space<vmem>>) target_semaphore(%run_scoped3A : memref<!tpu.dma_semaphore, #tpu.memory_space<semaphore_mem>>)
      %dma_wait3A_102 = tpu.memref_slice %arg6[%mul3A_92] : memref<8192xi32, #tpu.memory_space<hbm>> -> memref<256xi32, #tpu.memory_space<hbm>>
      %dma_wait3A_103 = tpu.memref_slice %arg6[%mul3A_92] : memref<8192xi32, #tpu.memory_space<hbm>> -> memref<256xi32, #tpu.memory_space<hbm>>
      tpu.wait_dma2 semaphore(%run_scoped3A : memref<!tpu.dma_semaphore, #tpu.memory_space<semaphore_mem>>) src(%dma_wait3A_103 : memref<256xi32, #tpu.memory_space<hbm>>) dst(%arg22 : memref<256xi32, #tpu.memory_space<vmem>>)
      tpu.yield
    }) : () -> ()
    "tpu.region"() ({
      %run_scoped3A = tpu.sem_alloc : memref<!tpu.dma_semaphore, #tpu.memory_space<semaphore_mem>>
      tpu.enqueue_dma source(%arg9 : memref<256x16xf32, #tpu.memory_space<hbm>>) target(%arg23 : memref<256x16xf32, #tpu.memory_space<vmem>>) target_semaphore(%run_scoped3A : memref<!tpu.dma_semaphore, #tpu.memory_space<semaphore_mem>>)
      tpu.wait_dma2 semaphore(%run_scoped3A : memref<!tpu.dma_semaphore, #tpu.memory_space<semaphore_mem>>) src(%arg9 : memref<256x16xf32, #tpu.memory_space<hbm>>) dst(%arg23 : memref<256x16xf32, #tpu.memory_space<vmem>>)
      tpu.yield
    }) : () -> ()
    "tpu.region"() ({
      %run_scoped3A = tpu.sem_alloc : memref<!tpu.dma_semaphore, #tpu.memory_space<semaphore_mem>>
      %dma_start3A_100 = arith.constant 0 : i32
      %dma_start3A_101 = arith.constant 0 : i32
      %dma_start3A_102 = tpu.memref_slice %arg24[%dma_start3A_100, %dma_start3A_101] : memref<10112x16xf32, #tpu.memory_space<vmem_shared>> -> memref<10112x16xf32, #tpu.memory_space<vmem_shared>>
      tpu.enqueue_indirect_dma source(%arg23 : memref<256x16xf32, #tpu.memory_space<vmem>>) target(%dma_start3A_102 : memref<10112x16xf32, #tpu.memory_space<vmem_shared>>) offsets(%arg22 : memref<256xi32, #tpu.memory_space<vmem>>) semaphore(%run_scoped3A : memref<!tpu.dma_semaphore, #tpu.memory_space<semaphore_mem>>) {add = true}
      %dma_wait3A_103 = arith.constant 0 : i32
      %dma_wait3A_104 = arith.constant 0 : i32
      %dma_wait3A_105 = tpu.memref_slice %arg24[%dma_wait3A_103, %dma_wait3A_104] : memref<10112x16xf32, #tpu.memory_space<vmem_shared>> -> memref<10112x16xf32, #tpu.memory_space<vmem_shared>>
      tpu.wait_indirect_dma semaphore(%run_scoped3A : memref<!tpu.dma_semaphore, #tpu.memory_space<semaphore_mem>>) src(%arg23 : memref<256x16xf32, #tpu.memory_space<vmem>>) dst(%dma_wait3A_105 : memref<10112x16xf32, #tpu.memory_space<vmem_shared>>)
      tpu.yield
    }) : () -> ()
    %mul3A_93 = arith.constant 81920 : i32
    %mul3A_94 = arith.muli %add3A, %mul3A_93 : i32
    "tpu.region"() ({
      %run_scoped3A = tpu.sem_alloc : memref<!tpu.dma_semaphore, #tpu.memory_space<semaphore_mem>>
      %dma_start3A_100 = tpu.memref_slice %arg14[%mul3A_94] : memref<2621440xf32, #tpu.memory_space<hbm>> -> memref<81920xf32, #tpu.memory_space<hbm>>
      %dma_start3A_101 = tpu.memref_slice %arg14[%mul3A_94] : memref<2621440xf32, #tpu.memory_space<hbm>> -> memref<81920xf32, #tpu.memory_space<hbm>>
      tpu.enqueue_dma source(%arg18 : memref<81920xf32, #tpu.memory_space<vmem>>) target(%dma_start3A_101 : memref<81920xf32, #tpu.memory_space<hbm>>) target_semaphore(%run_scoped3A : memref<!tpu.dma_semaphore, #tpu.memory_space<semaphore_mem>>)
      %dma_wait3A_102 = tpu.memref_slice %arg14[%mul3A_94] : memref<2621440xf32, #tpu.memory_space<hbm>> -> memref<81920xf32, #tpu.memory_space<hbm>>
      %dma_wait3A_103 = tpu.memref_slice %arg14[%mul3A_94] : memref<2621440xf32, #tpu.memory_space<hbm>> -> memref<81920xf32, #tpu.memory_space<hbm>>
      tpu.wait_dma2 semaphore(%run_scoped3A : memref<!tpu.dma_semaphore, #tpu.memory_space<semaphore_mem>>) src(%arg18 : memref<81920xf32, #tpu.memory_space<vmem>>) dst(%dma_wait3A_103 : memref<81920xf32, #tpu.memory_space<hbm>>)
      tpu.yield
    }) : () -> ()
    %barrier3A_95 = arith.constant 0 : index
    tpu.barrier barrier_id(%barrier3A_95)
    %mul3A_96 = arith.constant 632 : i32
    %mul3A_97 = arith.muli %arg1, %mul3A_96 : i32
    "tpu.region"() ({
      %run_scoped3A = tpu.sem_alloc : memref<!tpu.dma_semaphore, #tpu.memory_space<semaphore_mem>>
      %dma_start3A_100 = arith.constant 0 : i32
      %dma_start3A_101 = tpu.memref_slice %arg24[%mul3A_97, %dma_start3A_100] : memref<10112x16xf32, #tpu.memory_space<vmem_shared>> -> memref<632x16xf32, #tpu.memory_space<vmem_shared>>
      %dma_start3A_102 = arith.constant 0 : i32
      %dma_start3A_103 = tpu.memref_slice %arg24[%mul3A_97, %dma_start3A_102] : memref<10112x16xf32, #tpu.memory_space<vmem_shared>> -> memref<632x16xf32, #tpu.memory_space<vmem_shared>>
      tpu.enqueue_dma source(%dma_start3A_103 : memref<632x16xf32, #tpu.memory_space<vmem_shared>>) target(%arg19 : memref<632x16xf32, #tpu.memory_space<vmem>>) target_semaphore(%run_scoped3A : memref<!tpu.dma_semaphore, #tpu.memory_space<semaphore_mem>>)
      %dma_wait3A_104 = arith.constant 0 : i32
      %dma_wait3A_105 = tpu.memref_slice %arg24[%mul3A_97, %dma_wait3A_104] : memref<10112x16xf32, #tpu.memory_space<vmem_shared>> -> memref<632x16xf32, #tpu.memory_space<vmem_shared>>
      %dma_wait3A_106 = arith.constant 0 : i32
      %dma_wait3A_107 = tpu.memref_slice %arg24[%mul3A_97, %dma_wait3A_106] : memref<10112x16xf32, #tpu.memory_space<vmem_shared>> -> memref<632x16xf32, #tpu.memory_space<vmem_shared>>
      tpu.wait_dma2 semaphore(%run_scoped3A : memref<!tpu.dma_semaphore, #tpu.memory_space<semaphore_mem>>) src(%dma_wait3A_107 : memref<632x16xf32, #tpu.memory_space<vmem_shared>>) dst(%arg19 : memref<632x16xf32, #tpu.memory_space<vmem>>)
      tpu.yield
    }) : () -> ()
    %mul3A_98 = arith.constant 632 : i32
    %mul3A_99 = arith.muli %arg1, %mul3A_98 : i32
    "tpu.region"() ({
      %run_scoped3A = tpu.sem_alloc : memref<!tpu.dma_semaphore, #tpu.memory_space<semaphore_mem>>
      %dma_start3A_100 = arith.constant 0 : i32
      %dma_start3A_101 = tpu.memref_slice %arg13[%arg0, %mul3A_99, %dma_start3A_100] : memref<2x10112x16xf32, #tpu.memory_space<hbm>> -> memref<1x632x16xf32, #tpu.memory_space<hbm>>
      %dma_start3A_102 = tpu.memref_squeeze %dma_start3A_101 : memref<1x632x16xf32, #tpu.memory_space<hbm>> -> memref<632x16xf32, #tpu.memory_space<hbm>>
      %dma_start3A_103 = arith.constant 0 : i32
      %dma_start3A_104 = tpu.memref_slice %arg13[%arg0, %mul3A_99, %dma_start3A_103] : memref<2x10112x16xf32, #tpu.memory_space<hbm>> -> memref<1x632x16xf32, #tpu.memory_space<hbm>>
      %dma_start3A_105 = tpu.memref_squeeze %dma_start3A_104 : memref<1x632x16xf32, #tpu.memory_space<hbm>> -> memref<632x16xf32, #tpu.memory_space<hbm>>
      tpu.enqueue_dma source(%arg19 : memref<632x16xf32, #tpu.memory_space<vmem>>) target(%dma_start3A_105 : memref<632x16xf32, #tpu.memory_space<hbm>>) target_semaphore(%run_scoped3A : memref<!tpu.dma_semaphore, #tpu.memory_space<semaphore_mem>>)
      %dma_wait3A_106 = arith.constant 0 : i32
      %dma_wait3A_107 = tpu.memref_slice %arg13[%arg0, %mul3A_99, %dma_wait3A_106] : memref<2x10112x16xf32, #tpu.memory_space<hbm>> -> memref<1x632x16xf32, #tpu.memory_space<hbm>>
      %dma_wait3A_108 = tpu.memref_squeeze %dma_wait3A_107 : memref<1x632x16xf32, #tpu.memory_space<hbm>> -> memref<632x16xf32, #tpu.memory_space<hbm>>
      %dma_wait3A_109 = arith.constant 0 : i32
      %dma_wait3A_110 = tpu.memref_slice %arg13[%arg0, %mul3A_99, %dma_wait3A_109] : memref<2x10112x16xf32, #tpu.memory_space<hbm>> -> memref<1x632x16xf32, #tpu.memory_space<hbm>>
      %dma_wait3A_111 = tpu.memref_squeeze %dma_wait3A_110 : memref<1x632x16xf32, #tpu.memory_space<hbm>> -> memref<632x16xf32, #tpu.memory_space<hbm>>
      tpu.wait_dma2 semaphore(%run_scoped3A : memref<!tpu.dma_semaphore, #tpu.memory_space<semaphore_mem>>) src(%arg19 : memref<632x16xf32, #tpu.memory_space<vmem>>) dst(%dma_wait3A_111 : memref<632x16xf32, #tpu.memory_space<hbm>>)
      tpu.yield
    }) : () -> ()
    return
  }
}

#map = affine_map<(d0, d1) -> (0, 0)>
#map1 = affine_map<(d0, d1) -> (0)>
#map2 = affine_map<(d0, d1) -> (0, 0, 0)>
module attributes {stable_mosaic.version = 14 : i64} {
  func.func @body(%arg0: i32, %arg1: i32, %arg2: memref<10000x64xf32, #tpu.memory_space<hbm>>, %arg3: memref<10240xi32, #tpu.memory_space<hbm>>, %arg4: memref<10240xi32, #tpu.memory_space<hbm>>, %arg5: memref<320x8xf32, #tpu.memory_space<hbm>>, %arg6: memref<256x64xf32, #tpu.memory_space<hbm>>, %arg7: memref<256x8xf32, #tpu.memory_space<hbm>>, %arg8: memref<2x4096x64xf32, #tpu.memory_space<hbm>>, %arg9: memref<320xi32, #tpu.memory_space<vmem>>, %arg10: memref<320xi32, #tpu.memory_space<vmem>>, %arg11: memref<320x64xf32, #tpu.memory_space<vmem>>, %arg12: memref<320x8xf32, #tpu.memory_space<vmem>>, %arg13: memref<256x64xf32, #tpu.memory_space<vmem>>, %arg14: memref<256x8xf32, #tpu.memory_space<vmem>>, %arg15: memref<4096x64xf32, #tpu.memory_space<vmem_shared>>, %arg16: memref<!tpu.dma_semaphore, #tpu.memory_space<semaphore_mem>>) attributes {dimension_semantics = [#tpu.dimension_semantics<core_parallel>, #tpu.dimension_semantics<subcore_parallel>], iteration_bounds = array<i64: 2, 16>, scalar_prefetch = 0 : i64, scratch_operands = 8 : i64, tpu.core_type = #tpu.core_type<sc_vector_subcore>, window_params = [{transform_indices = #map}, {transform_indices = #map1}, {transform_indices = #map1}, {transform_indices = #map}, {transform_indices = #map}, {transform_indices = #map}, {transform_indices = #map2}]} {
    %mul3A = arith.constant 2 : i32
    %mul3A_0 = arith.muli %arg1, %mul3A : i32
    %add3A = arith.addi %mul3A_0, %arg0 : i32
    %mul3A_1 = arith.constant 320 : i32
    %mul3A_2 = arith.muli %add3A, %mul3A_1 : i32
    "tpu.region"() ({
      %run_scoped3A = tpu.sem_alloc : memref<!tpu.dma_semaphore, #tpu.memory_space<semaphore_mem>>
      tpu.enqueue_dma source(%arg6 : memref<256x64xf32, #tpu.memory_space<hbm>>) target(%arg13 : memref<256x64xf32, #tpu.memory_space<vmem>>) target_semaphore(%run_scoped3A : memref<!tpu.dma_semaphore, #tpu.memory_space<semaphore_mem>>)
      tpu.wait_dma2 semaphore(%run_scoped3A : memref<!tpu.dma_semaphore, #tpu.memory_space<semaphore_mem>>) src(%arg6 : memref<256x64xf32, #tpu.memory_space<hbm>>) dst(%arg13 : memref<256x64xf32, #tpu.memory_space<vmem>>)
      tpu.yield
    }) : () -> ()
    %mul3A_3 = arith.constant 256 : i32
    %mul3A_4 = arith.muli %arg1, %mul3A_3 : i32
    "tpu.region"() ({
      %run_scoped3A = tpu.sem_alloc : memref<!tpu.dma_semaphore, #tpu.memory_space<semaphore_mem>>
      %dma_start3A_14 = arith.constant 0 : i32
      %dma_start3A_15 = tpu.memref_slice %arg15[%mul3A_4, %dma_start3A_14] : memref<4096x64xf32, #tpu.memory_space<vmem_shared>> -> memref<256x64xf32, #tpu.memory_space<vmem_shared>>
      %dma_start3A_16 = arith.constant 0 : i32
      %dma_start3A_17 = tpu.memref_slice %arg15[%mul3A_4, %dma_start3A_16] : memref<4096x64xf32, #tpu.memory_space<vmem_shared>> -> memref<256x64xf32, #tpu.memory_space<vmem_shared>>
      tpu.enqueue_dma source(%arg13 : memref<256x64xf32, #tpu.memory_space<vmem>>) target(%dma_start3A_17 : memref<256x64xf32, #tpu.memory_space<vmem_shared>>) target_semaphore(%run_scoped3A : memref<!tpu.dma_semaphore, #tpu.memory_space<semaphore_mem>>)
      %dma_wait3A_18 = arith.constant 0 : i32
      %dma_wait3A_19 = tpu.memref_slice %arg15[%mul3A_4, %dma_wait3A_18] : memref<4096x64xf32, #tpu.memory_space<vmem_shared>> -> memref<256x64xf32, #tpu.memory_space<vmem_shared>>
      %dma_wait3A_20 = arith.constant 0 : i32
      %dma_wait3A_21 = tpu.memref_slice %arg15[%mul3A_4, %dma_wait3A_20] : memref<4096x64xf32, #tpu.memory_space<vmem_shared>> -> memref<256x64xf32, #tpu.memory_space<vmem_shared>>
      tpu.wait_dma2 semaphore(%run_scoped3A : memref<!tpu.dma_semaphore, #tpu.memory_space<semaphore_mem>>) src(%arg13 : memref<256x64xf32, #tpu.memory_space<vmem>>) dst(%dma_wait3A_21 : memref<256x64xf32, #tpu.memory_space<vmem_shared>>)
      tpu.yield
    }) : () -> ()
    %barrier3A = arith.constant 0 : index
    tpu.barrier barrier_id(%barrier3A)
    "tpu.region"() ({
      %run_scoped3A = tpu.sem_alloc : memref<!tpu.dma_semaphore, #tpu.memory_space<semaphore_mem>>
      %dma_start3A_14 = tpu.memref_slice %arg3[%mul3A_2] : memref<10240xi32, #tpu.memory_space<hbm>> -> memref<320xi32, #tpu.memory_space<hbm>>
      %dma_start3A_15 = tpu.memref_slice %arg3[%mul3A_2] : memref<10240xi32, #tpu.memory_space<hbm>> -> memref<320xi32, #tpu.memory_space<hbm>>
      tpu.enqueue_dma source(%dma_start3A_15 : memref<320xi32, #tpu.memory_space<hbm>>) target(%arg9 : memref<320xi32, #tpu.memory_space<vmem>>) target_semaphore(%run_scoped3A : memref<!tpu.dma_semaphore, #tpu.memory_space<semaphore_mem>>)
      %dma_wait3A_16 = tpu.memref_slice %arg3[%mul3A_2] : memref<10240xi32, #tpu.memory_space<hbm>> -> memref<320xi32, #tpu.memory_space<hbm>>
      %dma_wait3A_17 = tpu.memref_slice %arg3[%mul3A_2] : memref<10240xi32, #tpu.memory_space<hbm>> -> memref<320xi32, #tpu.memory_space<hbm>>
      tpu.wait_dma2 semaphore(%run_scoped3A : memref<!tpu.dma_semaphore, #tpu.memory_space<semaphore_mem>>) src(%dma_wait3A_17 : memref<320xi32, #tpu.memory_space<hbm>>) dst(%arg9 : memref<320xi32, #tpu.memory_space<vmem>>)
      tpu.yield
    }) : () -> ()
    "tpu.region"() ({
      %run_scoped3A = tpu.sem_alloc : memref<!tpu.dma_semaphore, #tpu.memory_space<semaphore_mem>>
      %dma_start3A_14 = tpu.memref_slice %arg4[%mul3A_2] : memref<10240xi32, #tpu.memory_space<hbm>> -> memref<320xi32, #tpu.memory_space<hbm>>
      %dma_start3A_15 = tpu.memref_slice %arg4[%mul3A_2] : memref<10240xi32, #tpu.memory_space<hbm>> -> memref<320xi32, #tpu.memory_space<hbm>>
      tpu.enqueue_dma source(%dma_start3A_15 : memref<320xi32, #tpu.memory_space<hbm>>) target(%arg10 : memref<320xi32, #tpu.memory_space<vmem>>) target_semaphore(%run_scoped3A : memref<!tpu.dma_semaphore, #tpu.memory_space<semaphore_mem>>)
      %dma_wait3A_16 = tpu.memref_slice %arg4[%mul3A_2] : memref<10240xi32, #tpu.memory_space<hbm>> -> memref<320xi32, #tpu.memory_space<hbm>>
      %dma_wait3A_17 = tpu.memref_slice %arg4[%mul3A_2] : memref<10240xi32, #tpu.memory_space<hbm>> -> memref<320xi32, #tpu.memory_space<hbm>>
      tpu.wait_dma2 semaphore(%run_scoped3A : memref<!tpu.dma_semaphore, #tpu.memory_space<semaphore_mem>>) src(%dma_wait3A_17 : memref<320xi32, #tpu.memory_space<hbm>>) dst(%arg10 : memref<320xi32, #tpu.memory_space<vmem>>)
      tpu.yield
    }) : () -> ()
    %dma_start3A = arith.constant 0 : i32
    %dma_start3A_5 = arith.constant 0 : i32
    %dma_start3A_6 = tpu.memref_slice %arg2[%dma_start3A, %dma_start3A_5] : memref<10000x64xf32, #tpu.memory_space<hbm>> -> memref<10000x64xf32, #tpu.memory_space<hbm>>
    tpu.enqueue_indirect_dma source(%dma_start3A_6 : memref<10000x64xf32, #tpu.memory_space<hbm>>) target(%arg11 : memref<320x64xf32, #tpu.memory_space<vmem>>) offsets(%arg9 : memref<320xi32, #tpu.memory_space<vmem>>) semaphore(%arg16 : memref<!tpu.dma_semaphore, #tpu.memory_space<semaphore_mem>>)
    %dma_wait3A = arith.constant 0 : i32
    %dma_wait3A_7 = arith.constant 0 : i32
    %dma_wait3A_8 = tpu.memref_slice %arg2[%dma_wait3A, %dma_wait3A_7] : memref<10000x64xf32, #tpu.memory_space<hbm>> -> memref<10000x64xf32, #tpu.memory_space<hbm>>
    tpu.wait_indirect_dma semaphore(%arg16 : memref<!tpu.dma_semaphore, #tpu.memory_space<semaphore_mem>>) src(%dma_wait3A_8 : memref<10000x64xf32, #tpu.memory_space<hbm>>) dst(%arg11 : memref<320x64xf32, #tpu.memory_space<vmem>>)
    "tpu.region"() ({
      %run_scoped3A = tpu.sem_alloc : memref<!tpu.dma_semaphore, #tpu.memory_space<semaphore_mem>>
      %dma_start3A_14 = arith.constant 0 : i32
      %dma_start3A_15 = arith.constant 0 : i32
      %dma_start3A_16 = tpu.memref_slice %arg15[%dma_start3A_14, %dma_start3A_15] : memref<4096x64xf32, #tpu.memory_space<vmem_shared>> -> memref<4096x64xf32, #tpu.memory_space<vmem_shared>>
      tpu.enqueue_indirect_dma source(%arg11 : memref<320x64xf32, #tpu.memory_space<vmem>>) target(%dma_start3A_16 : memref<4096x64xf32, #tpu.memory_space<vmem_shared>>) offsets(%arg10 : memref<320xi32, #tpu.memory_space<vmem>>) semaphore(%run_scoped3A : memref<!tpu.dma_semaphore, #tpu.memory_space<semaphore_mem>>) {add = true}
      %dma_wait3A_17 = arith.constant 0 : i32
      %dma_wait3A_18 = arith.constant 0 : i32
      %dma_wait3A_19 = tpu.memref_slice %arg15[%dma_wait3A_17, %dma_wait3A_18] : memref<4096x64xf32, #tpu.memory_space<vmem_shared>> -> memref<4096x64xf32, #tpu.memory_space<vmem_shared>>
      tpu.wait_indirect_dma semaphore(%run_scoped3A : memref<!tpu.dma_semaphore, #tpu.memory_space<semaphore_mem>>) src(%arg11 : memref<320x64xf32, #tpu.memory_space<vmem>>) dst(%dma_wait3A_19 : memref<4096x64xf32, #tpu.memory_space<vmem_shared>>)
      tpu.yield
    }) : () -> ()
    %barrier3A_9 = arith.constant 0 : index
    tpu.barrier barrier_id(%barrier3A_9)
    %mul3A_10 = arith.constant 256 : i32
    %mul3A_11 = arith.muli %arg1, %mul3A_10 : i32
    "tpu.region"() ({
      %run_scoped3A = tpu.sem_alloc : memref<!tpu.dma_semaphore, #tpu.memory_space<semaphore_mem>>
      %dma_start3A_14 = arith.constant 0 : i32
      %dma_start3A_15 = tpu.memref_slice %arg15[%mul3A_11, %dma_start3A_14] : memref<4096x64xf32, #tpu.memory_space<vmem_shared>> -> memref<256x64xf32, #tpu.memory_space<vmem_shared>>
      %dma_start3A_16 = arith.constant 0 : i32
      %dma_start3A_17 = tpu.memref_slice %arg15[%mul3A_11, %dma_start3A_16] : memref<4096x64xf32, #tpu.memory_space<vmem_shared>> -> memref<256x64xf32, #tpu.memory_space<vmem_shared>>
      tpu.enqueue_dma source(%dma_start3A_17 : memref<256x64xf32, #tpu.memory_space<vmem_shared>>) target(%arg13 : memref<256x64xf32, #tpu.memory_space<vmem>>) target_semaphore(%run_scoped3A : memref<!tpu.dma_semaphore, #tpu.memory_space<semaphore_mem>>)
      %dma_wait3A_18 = arith.constant 0 : i32
      %dma_wait3A_19 = tpu.memref_slice %arg15[%mul3A_11, %dma_wait3A_18] : memref<4096x64xf32, #tpu.memory_space<vmem_shared>> -> memref<256x64xf32, #tpu.memory_space<vmem_shared>>
      %dma_wait3A_20 = arith.constant 0 : i32
      %dma_wait3A_21 = tpu.memref_slice %arg15[%mul3A_11, %dma_wait3A_20] : memref<4096x64xf32, #tpu.memory_space<vmem_shared>> -> memref<256x64xf32, #tpu.memory_space<vmem_shared>>
      tpu.wait_dma2 semaphore(%run_scoped3A : memref<!tpu.dma_semaphore, #tpu.memory_space<semaphore_mem>>) src(%dma_wait3A_21 : memref<256x64xf32, #tpu.memory_space<vmem_shared>>) dst(%arg13 : memref<256x64xf32, #tpu.memory_space<vmem>>)
      tpu.yield
    }) : () -> ()
    %mul3A_12 = arith.constant 256 : i32
    %mul3A_13 = arith.muli %arg1, %mul3A_12 : i32
    "tpu.region"() ({
      %run_scoped3A = tpu.sem_alloc : memref<!tpu.dma_semaphore, #tpu.memory_space<semaphore_mem>>
      %dma_start3A_14 = arith.constant 0 : i32
      %dma_start3A_15 = tpu.memref_slice %arg8[%arg0, %mul3A_13, %dma_start3A_14] : memref<2x4096x64xf32, #tpu.memory_space<hbm>> -> memref<1x256x64xf32, #tpu.memory_space<hbm>>
      %dma_start3A_16 = tpu.memref_squeeze %dma_start3A_15 : memref<1x256x64xf32, #tpu.memory_space<hbm>> -> memref<256x64xf32, #tpu.memory_space<hbm>>
      %dma_start3A_17 = arith.constant 0 : i32
      %dma_start3A_18 = tpu.memref_slice %arg8[%arg0, %mul3A_13, %dma_start3A_17] : memref<2x4096x64xf32, #tpu.memory_space<hbm>> -> memref<1x256x64xf32, #tpu.memory_space<hbm>>
      %dma_start3A_19 = tpu.memref_squeeze %dma_start3A_18 : memref<1x256x64xf32, #tpu.memory_space<hbm>> -> memref<256x64xf32, #tpu.memory_space<hbm>>
      tpu.enqueue_dma source(%arg13 : memref<256x64xf32, #tpu.memory_space<vmem>>) target(%dma_start3A_19 : memref<256x64xf32, #tpu.memory_space<hbm>>) target_semaphore(%run_scoped3A : memref<!tpu.dma_semaphore, #tpu.memory_space<semaphore_mem>>)
      %dma_wait3A_20 = arith.constant 0 : i32
      %dma_wait3A_21 = tpu.memref_slice %arg8[%arg0, %mul3A_13, %dma_wait3A_20] : memref<2x4096x64xf32, #tpu.memory_space<hbm>> -> memref<1x256x64xf32, #tpu.memory_space<hbm>>
      %dma_wait3A_22 = tpu.memref_squeeze %dma_wait3A_21 : memref<1x256x64xf32, #tpu.memory_space<hbm>> -> memref<256x64xf32, #tpu.memory_space<hbm>>
      %dma_wait3A_23 = arith.constant 0 : i32
      %dma_wait3A_24 = tpu.memref_slice %arg8[%arg0, %mul3A_13, %dma_wait3A_23] : memref<2x4096x64xf32, #tpu.memory_space<hbm>> -> memref<1x256x64xf32, #tpu.memory_space<hbm>>
      %dma_wait3A_25 = tpu.memref_squeeze %dma_wait3A_24 : memref<1x256x64xf32, #tpu.memory_space<hbm>> -> memref<256x64xf32, #tpu.memory_space<hbm>>
      tpu.wait_dma2 semaphore(%run_scoped3A : memref<!tpu.dma_semaphore, #tpu.memory_space<semaphore_mem>>) src(%arg13 : memref<256x64xf32, #tpu.memory_space<vmem>>) dst(%dma_wait3A_25 : memref<256x64xf32, #tpu.memory_space<hbm>>)
      tpu.yield
    }) : () -> ()
    return
  }
}

#map = affine_map<(d0, d1) -> (0, 0)>
#map1 = affine_map<(d0, d1) -> (0)>
#map2 = affine_map<(d0, d1) -> (0, 0, 0)>
module attributes {stable_mosaic.version = 14 : i64} {
  func.func @body(%arg0: i32, %arg1: i32, %arg2: memref<4000x32xf32, #tpu.memory_space<hbm>>, %arg3: memref<8192xi32, #tpu.memory_space<hbm>>, %arg4: memref<8192xi32, #tpu.memory_space<hbm>>, %arg5: memref<256x8xf32, #tpu.memory_space<hbm>>, %arg6: memref<256x32xf32, #tpu.memory_space<hbm>>, %arg7: memref<256x8xf32, #tpu.memory_space<hbm>>, %arg8: memref<2x4096x32xf32, #tpu.memory_space<hbm>>, %arg9: memref<256xi32, #tpu.memory_space<vmem>>, %arg10: memref<256xi32, #tpu.memory_space<vmem>>, %arg11: memref<256x32xf32, #tpu.memory_space<vmem>>, %arg12: memref<256x8xf32, #tpu.memory_space<vmem>>, %arg13: memref<256x32xf32, #tpu.memory_space<vmem>>, %arg14: memref<256x8xf32, #tpu.memory_space<vmem>>, %arg15: memref<4096x32xf32, #tpu.memory_space<vmem_shared>>, %arg16: memref<!tpu.dma_semaphore, #tpu.memory_space<semaphore_mem>>) attributes {dimension_semantics = [#tpu.dimension_semantics<core_parallel>, #tpu.dimension_semantics<subcore_parallel>], iteration_bounds = array<i64: 2, 16>, scalar_prefetch = 0 : i64, scratch_operands = 8 : i64, tpu.core_type = #tpu.core_type<sc_vector_subcore>, window_params = [{transform_indices = #map}, {transform_indices = #map1}, {transform_indices = #map1}, {transform_indices = #map}, {transform_indices = #map}, {transform_indices = #map}, {transform_indices = #map2}]} {
    %mul3A = arith.constant 2 : i32
    %mul3A_0 = arith.muli %arg1, %mul3A : i32
    %add3A = arith.addi %mul3A_0, %arg0 : i32
    %mul3A_1 = arith.constant 256 : i32
    %mul3A_2 = arith.muli %add3A, %mul3A_1 : i32
    "tpu.region"() ({
      %run_scoped3A = tpu.sem_alloc : memref<!tpu.dma_semaphore, #tpu.memory_space<semaphore_mem>>
      tpu.enqueue_dma source(%arg6 : memref<256x32xf32, #tpu.memory_space<hbm>>) target(%arg13 : memref<256x32xf32, #tpu.memory_space<vmem>>) target_semaphore(%run_scoped3A : memref<!tpu.dma_semaphore, #tpu.memory_space<semaphore_mem>>)
      tpu.wait_dma2 semaphore(%run_scoped3A : memref<!tpu.dma_semaphore, #tpu.memory_space<semaphore_mem>>) src(%arg6 : memref<256x32xf32, #tpu.memory_space<hbm>>) dst(%arg13 : memref<256x32xf32, #tpu.memory_space<vmem>>)
      tpu.yield
    }) : () -> ()
    %mul3A_3 = arith.constant 256 : i32
    %mul3A_4 = arith.muli %arg1, %mul3A_3 : i32
    "tpu.region"() ({
      %run_scoped3A = tpu.sem_alloc : memref<!tpu.dma_semaphore, #tpu.memory_space<semaphore_mem>>
      %dma_start3A_14 = arith.constant 0 : i32
      %dma_start3A_15 = tpu.memref_slice %arg15[%mul3A_4, %dma_start3A_14] : memref<4096x32xf32, #tpu.memory_space<vmem_shared>> -> memref<256x32xf32, #tpu.memory_space<vmem_shared>>
      %dma_start3A_16 = arith.constant 0 : i32
      %dma_start3A_17 = tpu.memref_slice %arg15[%mul3A_4, %dma_start3A_16] : memref<4096x32xf32, #tpu.memory_space<vmem_shared>> -> memref<256x32xf32, #tpu.memory_space<vmem_shared>>
      tpu.enqueue_dma source(%arg13 : memref<256x32xf32, #tpu.memory_space<vmem>>) target(%dma_start3A_17 : memref<256x32xf32, #tpu.memory_space<vmem_shared>>) target_semaphore(%run_scoped3A : memref<!tpu.dma_semaphore, #tpu.memory_space<semaphore_mem>>)
      %dma_wait3A_18 = arith.constant 0 : i32
      %dma_wait3A_19 = tpu.memref_slice %arg15[%mul3A_4, %dma_wait3A_18] : memref<4096x32xf32, #tpu.memory_space<vmem_shared>> -> memref<256x32xf32, #tpu.memory_space<vmem_shared>>
      %dma_wait3A_20 = arith.constant 0 : i32
      %dma_wait3A_21 = tpu.memref_slice %arg15[%mul3A_4, %dma_wait3A_20] : memref<4096x32xf32, #tpu.memory_space<vmem_shared>> -> memref<256x32xf32, #tpu.memory_space<vmem_shared>>
      tpu.wait_dma2 semaphore(%run_scoped3A : memref<!tpu.dma_semaphore, #tpu.memory_space<semaphore_mem>>) src(%arg13 : memref<256x32xf32, #tpu.memory_space<vmem>>) dst(%dma_wait3A_21 : memref<256x32xf32, #tpu.memory_space<vmem_shared>>)
      tpu.yield
    }) : () -> ()
    %barrier3A = arith.constant 0 : index
    tpu.barrier barrier_id(%barrier3A)
    "tpu.region"() ({
      %run_scoped3A = tpu.sem_alloc : memref<!tpu.dma_semaphore, #tpu.memory_space<semaphore_mem>>
      %dma_start3A_14 = tpu.memref_slice %arg3[%mul3A_2] : memref<8192xi32, #tpu.memory_space<hbm>> -> memref<256xi32, #tpu.memory_space<hbm>>
      %dma_start3A_15 = tpu.memref_slice %arg3[%mul3A_2] : memref<8192xi32, #tpu.memory_space<hbm>> -> memref<256xi32, #tpu.memory_space<hbm>>
      tpu.enqueue_dma source(%dma_start3A_15 : memref<256xi32, #tpu.memory_space<hbm>>) target(%arg9 : memref<256xi32, #tpu.memory_space<vmem>>) target_semaphore(%run_scoped3A : memref<!tpu.dma_semaphore, #tpu.memory_space<semaphore_mem>>)
      %dma_wait3A_16 = tpu.memref_slice %arg3[%mul3A_2] : memref<8192xi32, #tpu.memory_space<hbm>> -> memref<256xi32, #tpu.memory_space<hbm>>
      %dma_wait3A_17 = tpu.memref_slice %arg3[%mul3A_2] : memref<8192xi32, #tpu.memory_space<hbm>> -> memref<256xi32, #tpu.memory_space<hbm>>
      tpu.wait_dma2 semaphore(%run_scoped3A : memref<!tpu.dma_semaphore, #tpu.memory_space<semaphore_mem>>) src(%dma_wait3A_17 : memref<256xi32, #tpu.memory_space<hbm>>) dst(%arg9 : memref<256xi32, #tpu.memory_space<vmem>>)
      tpu.yield
    }) : () -> ()
    "tpu.region"() ({
      %run_scoped3A = tpu.sem_alloc : memref<!tpu.dma_semaphore, #tpu.memory_space<semaphore_mem>>
      %dma_start3A_14 = tpu.memref_slice %arg4[%mul3A_2] : memref<8192xi32, #tpu.memory_space<hbm>> -> memref<256xi32, #tpu.memory_space<hbm>>
      %dma_start3A_15 = tpu.memref_slice %arg4[%mul3A_2] : memref<8192xi32, #tpu.memory_space<hbm>> -> memref<256xi32, #tpu.memory_space<hbm>>
      tpu.enqueue_dma source(%dma_start3A_15 : memref<256xi32, #tpu.memory_space<hbm>>) target(%arg10 : memref<256xi32, #tpu.memory_space<vmem>>) target_semaphore(%run_scoped3A : memref<!tpu.dma_semaphore, #tpu.memory_space<semaphore_mem>>)
      %dma_wait3A_16 = tpu.memref_slice %arg4[%mul3A_2] : memref<8192xi32, #tpu.memory_space<hbm>> -> memref<256xi32, #tpu.memory_space<hbm>>
      %dma_wait3A_17 = tpu.memref_slice %arg4[%mul3A_2] : memref<8192xi32, #tpu.memory_space<hbm>> -> memref<256xi32, #tpu.memory_space<hbm>>
      tpu.wait_dma2 semaphore(%run_scoped3A : memref<!tpu.dma_semaphore, #tpu.memory_space<semaphore_mem>>) src(%dma_wait3A_17 : memref<256xi32, #tpu.memory_space<hbm>>) dst(%arg10 : memref<256xi32, #tpu.memory_space<vmem>>)
      tpu.yield
    }) : () -> ()
    %dma_start3A = arith.constant 0 : i32
    %dma_start3A_5 = arith.constant 0 : i32
    %dma_start3A_6 = tpu.memref_slice %arg2[%dma_start3A, %dma_start3A_5] : memref<4000x32xf32, #tpu.memory_space<hbm>> -> memref<4000x32xf32, #tpu.memory_space<hbm>>
    tpu.enqueue_indirect_dma source(%dma_start3A_6 : memref<4000x32xf32, #tpu.memory_space<hbm>>) target(%arg11 : memref<256x32xf32, #tpu.memory_space<vmem>>) offsets(%arg9 : memref<256xi32, #tpu.memory_space<vmem>>) semaphore(%arg16 : memref<!tpu.dma_semaphore, #tpu.memory_space<semaphore_mem>>)
    %dma_wait3A = arith.constant 0 : i32
    %dma_wait3A_7 = arith.constant 0 : i32
    %dma_wait3A_8 = tpu.memref_slice %arg2[%dma_wait3A, %dma_wait3A_7] : memref<4000x32xf32, #tpu.memory_space<hbm>> -> memref<4000x32xf32, #tpu.memory_space<hbm>>
    tpu.wait_indirect_dma semaphore(%arg16 : memref<!tpu.dma_semaphore, #tpu.memory_space<semaphore_mem>>) src(%dma_wait3A_8 : memref<4000x32xf32, #tpu.memory_space<hbm>>) dst(%arg11 : memref<256x32xf32, #tpu.memory_space<vmem>>)
    "tpu.region"() ({
      %run_scoped3A = tpu.sem_alloc : memref<!tpu.dma_semaphore, #tpu.memory_space<semaphore_mem>>
      %dma_start3A_14 = arith.constant 0 : i32
      %dma_start3A_15 = arith.constant 0 : i32
      %dma_start3A_16 = tpu.memref_slice %arg15[%dma_start3A_14, %dma_start3A_15] : memref<4096x32xf32, #tpu.memory_space<vmem_shared>> -> memref<4096x32xf32, #tpu.memory_space<vmem_shared>>
      tpu.enqueue_indirect_dma source(%arg11 : memref<256x32xf32, #tpu.memory_space<vmem>>) target(%dma_start3A_16 : memref<4096x32xf32, #tpu.memory_space<vmem_shared>>) offsets(%arg10 : memref<256xi32, #tpu.memory_space<vmem>>) semaphore(%run_scoped3A : memref<!tpu.dma_semaphore, #tpu.memory_space<semaphore_mem>>) {add = true}
      %dma_wait3A_17 = arith.constant 0 : i32
      %dma_wait3A_18 = arith.constant 0 : i32
      %dma_wait3A_19 = tpu.memref_slice %arg15[%dma_wait3A_17, %dma_wait3A_18] : memref<4096x32xf32, #tpu.memory_space<vmem_shared>> -> memref<4096x32xf32, #tpu.memory_space<vmem_shared>>
      tpu.wait_indirect_dma semaphore(%run_scoped3A : memref<!tpu.dma_semaphore, #tpu.memory_space<semaphore_mem>>) src(%arg11 : memref<256x32xf32, #tpu.memory_space<vmem>>) dst(%dma_wait3A_19 : memref<4096x32xf32, #tpu.memory_space<vmem_shared>>)
      tpu.yield
    }) : () -> ()
    %barrier3A_9 = arith.constant 0 : index
    tpu.barrier barrier_id(%barrier3A_9)
    %mul3A_10 = arith.constant 256 : i32
    %mul3A_11 = arith.muli %arg1, %mul3A_10 : i32
    "tpu.region"() ({
      %run_scoped3A = tpu.sem_alloc : memref<!tpu.dma_semaphore, #tpu.memory_space<semaphore_mem>>
      %dma_start3A_14 = arith.constant 0 : i32
      %dma_start3A_15 = tpu.memref_slice %arg15[%mul3A_11, %dma_start3A_14] : memref<4096x32xf32, #tpu.memory_space<vmem_shared>> -> memref<256x32xf32, #tpu.memory_space<vmem_shared>>
      %dma_start3A_16 = arith.constant 0 : i32
      %dma_start3A_17 = tpu.memref_slice %arg15[%mul3A_11, %dma_start3A_16] : memref<4096x32xf32, #tpu.memory_space<vmem_shared>> -> memref<256x32xf32, #tpu.memory_space<vmem_shared>>
      tpu.enqueue_dma source(%dma_start3A_17 : memref<256x32xf32, #tpu.memory_space<vmem_shared>>) target(%arg13 : memref<256x32xf32, #tpu.memory_space<vmem>>) target_semaphore(%run_scoped3A : memref<!tpu.dma_semaphore, #tpu.memory_space<semaphore_mem>>)
      %dma_wait3A_18 = arith.constant 0 : i32
      %dma_wait3A_19 = tpu.memref_slice %arg15[%mul3A_11, %dma_wait3A_18] : memref<4096x32xf32, #tpu.memory_space<vmem_shared>> -> memref<256x32xf32, #tpu.memory_space<vmem_shared>>
      %dma_wait3A_20 = arith.constant 0 : i32
      %dma_wait3A_21 = tpu.memref_slice %arg15[%mul3A_11, %dma_wait3A_20] : memref<4096x32xf32, #tpu.memory_space<vmem_shared>> -> memref<256x32xf32, #tpu.memory_space<vmem_shared>>
      tpu.wait_dma2 semaphore(%run_scoped3A : memref<!tpu.dma_semaphore, #tpu.memory_space<semaphore_mem>>) src(%dma_wait3A_21 : memref<256x32xf32, #tpu.memory_space<vmem_shared>>) dst(%arg13 : memref<256x32xf32, #tpu.memory_space<vmem>>)
      tpu.yield
    }) : () -> ()
    %mul3A_12 = arith.constant 256 : i32
    %mul3A_13 = arith.muli %arg1, %mul3A_12 : i32
    "tpu.region"() ({
      %run_scoped3A = tpu.sem_alloc : memref<!tpu.dma_semaphore, #tpu.memory_space<semaphore_mem>>
      %dma_start3A_14 = arith.constant 0 : i32
      %dma_start3A_15 = tpu.memref_slice %arg8[%arg0, %mul3A_13, %dma_start3A_14] : memref<2x4096x32xf32, #tpu.memory_space<hbm>> -> memref<1x256x32xf32, #tpu.memory_space<hbm>>
      %dma_start3A_16 = tpu.memref_squeeze %dma_start3A_15 : memref<1x256x32xf32, #tpu.memory_space<hbm>> -> memref<256x32xf32, #tpu.memory_space<hbm>>
      %dma_start3A_17 = arith.constant 0 : i32
      %dma_start3A_18 = tpu.memref_slice %arg8[%arg0, %mul3A_13, %dma_start3A_17] : memref<2x4096x32xf32, #tpu.memory_space<hbm>> -> memref<1x256x32xf32, #tpu.memory_space<hbm>>
      %dma_start3A_19 = tpu.memref_squeeze %dma_start3A_18 : memref<1x256x32xf32, #tpu.memory_space<hbm>> -> memref<256x32xf32, #tpu.memory_space<hbm>>
      tpu.enqueue_dma source(%arg13 : memref<256x32xf32, #tpu.memory_space<vmem>>) target(%dma_start3A_19 : memref<256x32xf32, #tpu.memory_space<hbm>>) target_semaphore(%run_scoped3A : memref<!tpu.dma_semaphore, #tpu.memory_space<semaphore_mem>>)
      %dma_wait3A_20 = arith.constant 0 : i32
      %dma_wait3A_21 = tpu.memref_slice %arg8[%arg0, %mul3A_13, %dma_wait3A_20] : memref<2x4096x32xf32, #tpu.memory_space<hbm>> -> memref<1x256x32xf32, #tpu.memory_space<hbm>>
      %dma_wait3A_22 = tpu.memref_squeeze %dma_wait3A_21 : memref<1x256x32xf32, #tpu.memory_space<hbm>> -> memref<256x32xf32, #tpu.memory_space<hbm>>
      %dma_wait3A_23 = arith.constant 0 : i32
      %dma_wait3A_24 = tpu.memref_slice %arg8[%arg0, %mul3A_13, %dma_wait3A_23] : memref<2x4096x32xf32, #tpu.memory_space<hbm>> -> memref<1x256x32xf32, #tpu.memory_space<hbm>>
      %dma_wait3A_25 = tpu.memref_squeeze %dma_wait3A_24 : memref<1x256x32xf32, #tpu.memory_space<hbm>> -> memref<256x32xf32, #tpu.memory_space<hbm>>
      tpu.wait_dma2 semaphore(%run_scoped3A : memref<!tpu.dma_semaphore, #tpu.memory_space<semaphore_mem>>) src(%arg13 : memref<256x32xf32, #tpu.memory_space<vmem>>) dst(%dma_wait3A_25 : memref<256x32xf32, #tpu.memory_space<hbm>>)
      tpu.yield
    }) : () -> ()
    return
  }
}

#map = affine_map<(d0, d1) -> (0, 0)>
#map1 = affine_map<(d0, d1) -> (0)>
#map2 = affine_map<(d0, d1) -> (0, 0, 0)>
module attributes {stable_mosaic.version = 14 : i64} {
  func.func @body(%arg0: i32, %arg1: i32, %arg2: memref<4000x32xf32, #tpu.memory_space<hbm>>, %arg3: memref<10240xi32, #tpu.memory_space<hbm>>, %arg4: memref<10240xi32, #tpu.memory_space<hbm>>, %arg5: memref<320x8xf32, #tpu.memory_space<hbm>>, %arg6: memref<632x32xf32, #tpu.memory_space<hbm>>, %arg7: memref<632x8xf32, #tpu.memory_space<hbm>>, %arg8: memref<2x10112x32xf32, #tpu.memory_space<hbm>>, %arg9: memref<320xi32, #tpu.memory_space<vmem>>, %arg10: memref<320xi32, #tpu.memory_space<vmem>>, %arg11: memref<320x32xf32, #tpu.memory_space<vmem>>, %arg12: memref<320x8xf32, #tpu.memory_space<vmem>>, %arg13: memref<632x32xf32, #tpu.memory_space<vmem>>, %arg14: memref<632x8xf32, #tpu.memory_space<vmem>>, %arg15: memref<10112x32xf32, #tpu.memory_space<vmem_shared>>, %arg16: memref<!tpu.dma_semaphore, #tpu.memory_space<semaphore_mem>>) attributes {dimension_semantics = [#tpu.dimension_semantics<core_parallel>, #tpu.dimension_semantics<subcore_parallel>], iteration_bounds = array<i64: 2, 16>, scalar_prefetch = 0 : i64, scratch_operands = 8 : i64, tpu.core_type = #tpu.core_type<sc_vector_subcore>, window_params = [{transform_indices = #map}, {transform_indices = #map1}, {transform_indices = #map1}, {transform_indices = #map}, {transform_indices = #map}, {transform_indices = #map}, {transform_indices = #map2}]} {
    %mul3A = arith.constant 2 : i32
    %mul3A_0 = arith.muli %arg1, %mul3A : i32
    %add3A = arith.addi %mul3A_0, %arg0 : i32
    %mul3A_1 = arith.constant 320 : i32
    %mul3A_2 = arith.muli %add3A, %mul3A_1 : i32
    "tpu.region"() ({
      %run_scoped3A = tpu.sem_alloc : memref<!tpu.dma_semaphore, #tpu.memory_space<semaphore_mem>>
      tpu.enqueue_dma source(%arg6 : memref<632x32xf32, #tpu.memory_space<hbm>>) target(%arg13 : memref<632x32xf32, #tpu.memory_space<vmem>>) target_semaphore(%run_scoped3A : memref<!tpu.dma_semaphore, #tpu.memory_space<semaphore_mem>>)
      tpu.wait_dma2 semaphore(%run_scoped3A : memref<!tpu.dma_semaphore, #tpu.memory_space<semaphore_mem>>) src(%arg6 : memref<632x32xf32, #tpu.memory_space<hbm>>) dst(%arg13 : memref<632x32xf32, #tpu.memory_space<vmem>>)
      tpu.yield
    }) : () -> ()
    %mul3A_3 = arith.constant 632 : i32
    %mul3A_4 = arith.muli %arg1, %mul3A_3 : i32
    "tpu.region"() ({
      %run_scoped3A = tpu.sem_alloc : memref<!tpu.dma_semaphore, #tpu.memory_space<semaphore_mem>>
      %dma_start3A_14 = arith.constant 0 : i32
      %dma_start3A_15 = tpu.memref_slice %arg15[%mul3A_4, %dma_start3A_14] : memref<10112x32xf32, #tpu.memory_space<vmem_shared>> -> memref<632x32xf32, #tpu.memory_space<vmem_shared>>
      %dma_start3A_16 = arith.constant 0 : i32
      %dma_start3A_17 = tpu.memref_slice %arg15[%mul3A_4, %dma_start3A_16] : memref<10112x32xf32, #tpu.memory_space<vmem_shared>> -> memref<632x32xf32, #tpu.memory_space<vmem_shared>>
      tpu.enqueue_dma source(%arg13 : memref<632x32xf32, #tpu.memory_space<vmem>>) target(%dma_start3A_17 : memref<632x32xf32, #tpu.memory_space<vmem_shared>>) target_semaphore(%run_scoped3A : memref<!tpu.dma_semaphore, #tpu.memory_space<semaphore_mem>>)
      %dma_wait3A_18 = arith.constant 0 : i32
      %dma_wait3A_19 = tpu.memref_slice %arg15[%mul3A_4, %dma_wait3A_18] : memref<10112x32xf32, #tpu.memory_space<vmem_shared>> -> memref<632x32xf32, #tpu.memory_space<vmem_shared>>
      %dma_wait3A_20 = arith.constant 0 : i32
      %dma_wait3A_21 = tpu.memref_slice %arg15[%mul3A_4, %dma_wait3A_20] : memref<10112x32xf32, #tpu.memory_space<vmem_shared>> -> memref<632x32xf32, #tpu.memory_space<vmem_shared>>
      tpu.wait_dma2 semaphore(%run_scoped3A : memref<!tpu.dma_semaphore, #tpu.memory_space<semaphore_mem>>) src(%arg13 : memref<632x32xf32, #tpu.memory_space<vmem>>) dst(%dma_wait3A_21 : memref<632x32xf32, #tpu.memory_space<vmem_shared>>)
      tpu.yield
    }) : () -> ()
    %barrier3A = arith.constant 0 : index
    tpu.barrier barrier_id(%barrier3A)
    "tpu.region"() ({
      %run_scoped3A = tpu.sem_alloc : memref<!tpu.dma_semaphore, #tpu.memory_space<semaphore_mem>>
      %dma_start3A_14 = tpu.memref_slice %arg3[%mul3A_2] : memref<10240xi32, #tpu.memory_space<hbm>> -> memref<320xi32, #tpu.memory_space<hbm>>
      %dma_start3A_15 = tpu.memref_slice %arg3[%mul3A_2] : memref<10240xi32, #tpu.memory_space<hbm>> -> memref<320xi32, #tpu.memory_space<hbm>>
      tpu.enqueue_dma source(%dma_start3A_15 : memref<320xi32, #tpu.memory_space<hbm>>) target(%arg9 : memref<320xi32, #tpu.memory_space<vmem>>) target_semaphore(%run_scoped3A : memref<!tpu.dma_semaphore, #tpu.memory_space<semaphore_mem>>)
      %dma_wait3A_16 = tpu.memref_slice %arg3[%mul3A_2] : memref<10240xi32, #tpu.memory_space<hbm>> -> memref<320xi32, #tpu.memory_space<hbm>>
      %dma_wait3A_17 = tpu.memref_slice %arg3[%mul3A_2] : memref<10240xi32, #tpu.memory_space<hbm>> -> memref<320xi32, #tpu.memory_space<hbm>>
      tpu.wait_dma2 semaphore(%run_scoped3A : memref<!tpu.dma_semaphore, #tpu.memory_space<semaphore_mem>>) src(%dma_wait3A_17 : memref<320xi32, #tpu.memory_space<hbm>>) dst(%arg9 : memref<320xi32, #tpu.memory_space<vmem>>)
      tpu.yield
    }) : () -> ()
    "tpu.region"() ({
      %run_scoped3A = tpu.sem_alloc : memref<!tpu.dma_semaphore, #tpu.memory_space<semaphore_mem>>
      %dma_start3A_14 = tpu.memref_slice %arg4[%mul3A_2] : memref<10240xi32, #tpu.memory_space<hbm>> -> memref<320xi32, #tpu.memory_space<hbm>>
      %dma_start3A_15 = tpu.memref_slice %arg4[%mul3A_2] : memref<10240xi32, #tpu.memory_space<hbm>> -> memref<320xi32, #tpu.memory_space<hbm>>
      tpu.enqueue_dma source(%dma_start3A_15 : memref<320xi32, #tpu.memory_space<hbm>>) target(%arg10 : memref<320xi32, #tpu.memory_space<vmem>>) target_semaphore(%run_scoped3A : memref<!tpu.dma_semaphore, #tpu.memory_space<semaphore_mem>>)
      %dma_wait3A_16 = tpu.memref_slice %arg4[%mul3A_2] : memref<10240xi32, #tpu.memory_space<hbm>> -> memref<320xi32, #tpu.memory_space<hbm>>
      %dma_wait3A_17 = tpu.memref_slice %arg4[%mul3A_2] : memref<10240xi32, #tpu.memory_space<hbm>> -> memref<320xi32, #tpu.memory_space<hbm>>
      tpu.wait_dma2 semaphore(%run_scoped3A : memref<!tpu.dma_semaphore, #tpu.memory_space<semaphore_mem>>) src(%dma_wait3A_17 : memref<320xi32, #tpu.memory_space<hbm>>) dst(%arg10 : memref<320xi32, #tpu.memory_space<vmem>>)
      tpu.yield
    }) : () -> ()
    %dma_start3A = arith.constant 0 : i32
    %dma_start3A_5 = arith.constant 0 : i32
    %dma_start3A_6 = tpu.memref_slice %arg2[%dma_start3A, %dma_start3A_5] : memref<4000x32xf32, #tpu.memory_space<hbm>> -> memref<4000x32xf32, #tpu.memory_space<hbm>>
    tpu.enqueue_indirect_dma source(%dma_start3A_6 : memref<4000x32xf32, #tpu.memory_space<hbm>>) target(%arg11 : memref<320x32xf32, #tpu.memory_space<vmem>>) offsets(%arg9 : memref<320xi32, #tpu.memory_space<vmem>>) semaphore(%arg16 : memref<!tpu.dma_semaphore, #tpu.memory_space<semaphore_mem>>)
    %dma_wait3A = arith.constant 0 : i32
    %dma_wait3A_7 = arith.constant 0 : i32
    %dma_wait3A_8 = tpu.memref_slice %arg2[%dma_wait3A, %dma_wait3A_7] : memref<4000x32xf32, #tpu.memory_space<hbm>> -> memref<4000x32xf32, #tpu.memory_space<hbm>>
    tpu.wait_indirect_dma semaphore(%arg16 : memref<!tpu.dma_semaphore, #tpu.memory_space<semaphore_mem>>) src(%dma_wait3A_8 : memref<4000x32xf32, #tpu.memory_space<hbm>>) dst(%arg11 : memref<320x32xf32, #tpu.memory_space<vmem>>)
    "tpu.region"() ({
      %run_scoped3A = tpu.sem_alloc : memref<!tpu.dma_semaphore, #tpu.memory_space<semaphore_mem>>
      %dma_start3A_14 = arith.constant 0 : i32
      %dma_start3A_15 = arith.constant 0 : i32
      %dma_start3A_16 = tpu.memref_slice %arg15[%dma_start3A_14, %dma_start3A_15] : memref<10112x32xf32, #tpu.memory_space<vmem_shared>> -> memref<10112x32xf32, #tpu.memory_space<vmem_shared>>
      tpu.enqueue_indirect_dma source(%arg11 : memref<320x32xf32, #tpu.memory_space<vmem>>) target(%dma_start3A_16 : memref<10112x32xf32, #tpu.memory_space<vmem_shared>>) offsets(%arg10 : memref<320xi32, #tpu.memory_space<vmem>>) semaphore(%run_scoped3A : memref<!tpu.dma_semaphore, #tpu.memory_space<semaphore_mem>>) {add = true}
      %dma_wait3A_17 = arith.constant 0 : i32
      %dma_wait3A_18 = arith.constant 0 : i32
      %dma_wait3A_19 = tpu.memref_slice %arg15[%dma_wait3A_17, %dma_wait3A_18] : memref<10112x32xf32, #tpu.memory_space<vmem_shared>> -> memref<10112x32xf32, #tpu.memory_space<vmem_shared>>
      tpu.wait_indirect_dma semaphore(%run_scoped3A : memref<!tpu.dma_semaphore, #tpu.memory_space<semaphore_mem>>) src(%arg11 : memref<320x32xf32, #tpu.memory_space<vmem>>) dst(%dma_wait3A_19 : memref<10112x32xf32, #tpu.memory_space<vmem_shared>>)
      tpu.yield
    }) : () -> ()
    %barrier3A_9 = arith.constant 0 : index
    tpu.barrier barrier_id(%barrier3A_9)
    %mul3A_10 = arith.constant 632 : i32
    %mul3A_11 = arith.muli %arg1, %mul3A_10 : i32
    "tpu.region"() ({
      %run_scoped3A = tpu.sem_alloc : memref<!tpu.dma_semaphore, #tpu.memory_space<semaphore_mem>>
      %dma_start3A_14 = arith.constant 0 : i32
      %dma_start3A_15 = tpu.memref_slice %arg15[%mul3A_11, %dma_start3A_14] : memref<10112x32xf32, #tpu.memory_space<vmem_shared>> -> memref<632x32xf32, #tpu.memory_space<vmem_shared>>
      %dma_start3A_16 = arith.constant 0 : i32
      %dma_start3A_17 = tpu.memref_slice %arg15[%mul3A_11, %dma_start3A_16] : memref<10112x32xf32, #tpu.memory_space<vmem_shared>> -> memref<632x32xf32, #tpu.memory_space<vmem_shared>>
      tpu.enqueue_dma source(%dma_start3A_17 : memref<632x32xf32, #tpu.memory_space<vmem_shared>>) target(%arg13 : memref<632x32xf32, #tpu.memory_space<vmem>>) target_semaphore(%run_scoped3A : memref<!tpu.dma_semaphore, #tpu.memory_space<semaphore_mem>>)
      %dma_wait3A_18 = arith.constant 0 : i32
      %dma_wait3A_19 = tpu.memref_slice %arg15[%mul3A_11, %dma_wait3A_18] : memref<10112x32xf32, #tpu.memory_space<vmem_shared>> -> memref<632x32xf32, #tpu.memory_space<vmem_shared>>
      %dma_wait3A_20 = arith.constant 0 : i32
      %dma_wait3A_21 = tpu.memref_slice %arg15[%mul3A_11, %dma_wait3A_20] : memref<10112x32xf32, #tpu.memory_space<vmem_shared>> -> memref<632x32xf32, #tpu.memory_space<vmem_shared>>
      tpu.wait_dma2 semaphore(%run_scoped3A : memref<!tpu.dma_semaphore, #tpu.memory_space<semaphore_mem>>) src(%dma_wait3A_21 : memref<632x32xf32, #tpu.memory_space<vmem_shared>>) dst(%arg13 : memref<632x32xf32, #tpu.memory_space<vmem>>)
      tpu.yield
    }) : () -> ()
    %mul3A_12 = arith.constant 632 : i32
    %mul3A_13 = arith.muli %arg1, %mul3A_12 : i32
    "tpu.region"() ({
      %run_scoped3A = tpu.sem_alloc : memref<!tpu.dma_semaphore, #tpu.memory_space<semaphore_mem>>
      %dma_start3A_14 = arith.constant 0 : i32
      %dma_start3A_15 = tpu.memref_slice %arg8[%arg0, %mul3A_13, %dma_start3A_14] : memref<2x10112x32xf32, #tpu.memory_space<hbm>> -> memref<1x632x32xf32, #tpu.memory_space<hbm>>
      %dma_start3A_16 = tpu.memref_squeeze %dma_start3A_15 : memref<1x632x32xf32, #tpu.memory_space<hbm>> -> memref<632x32xf32, #tpu.memory_space<hbm>>
      %dma_start3A_17 = arith.constant 0 : i32
      %dma_start3A_18 = tpu.memref_slice %arg8[%arg0, %mul3A_13, %dma_start3A_17] : memref<2x10112x32xf32, #tpu.memory_space<hbm>> -> memref<1x632x32xf32, #tpu.memory_space<hbm>>
      %dma_start3A_19 = tpu.memref_squeeze %dma_start3A_18 : memref<1x632x32xf32, #tpu.memory_space<hbm>> -> memref<632x32xf32, #tpu.memory_space<hbm>>
      tpu.enqueue_dma source(%arg13 : memref<632x32xf32, #tpu.memory_space<vmem>>) target(%dma_start3A_19 : memref<632x32xf32, #tpu.memory_space<hbm>>) target_semaphore(%run_scoped3A : memref<!tpu.dma_semaphore, #tpu.memory_space<semaphore_mem>>)
      %dma_wait3A_20 = arith.constant 0 : i32
      %dma_wait3A_21 = tpu.memref_slice %arg8[%arg0, %mul3A_13, %dma_wait3A_20] : memref<2x10112x32xf32, #tpu.memory_space<hbm>> -> memref<1x632x32xf32, #tpu.memory_space<hbm>>
      %dma_wait3A_22 = tpu.memref_squeeze %dma_wait3A_21 : memref<1x632x32xf32, #tpu.memory_space<hbm>> -> memref<632x32xf32, #tpu.memory_space<hbm>>
      %dma_wait3A_23 = arith.constant 0 : i32
      %dma_wait3A_24 = tpu.memref_slice %arg8[%arg0, %mul3A_13, %dma_wait3A_23] : memref<2x10112x32xf32, #tpu.memory_space<hbm>> -> memref<1x632x32xf32, #tpu.memory_space<hbm>>
      %dma_wait3A_25 = tpu.memref_squeeze %dma_wait3A_24 : memref<1x632x32xf32, #tpu.memory_space<hbm>> -> memref<632x32xf32, #tpu.memory_space<hbm>>
      tpu.wait_dma2 semaphore(%run_scoped3A : memref<!tpu.dma_semaphore, #tpu.memory_space<semaphore_mem>>) src(%arg13 : memref<632x32xf32, #tpu.memory_space<vmem>>) dst(%dma_wait3A_25 : memref<632x32xf32, #tpu.memory_space<hbm>>)
      tpu.yield
    }) : () -> ()
    return
  }
}

module attributes {stable_mosaic.version = 14 : i64} {
  func.func @_prologue_body(%arg0: memref<10000x64xf32, #tpu.memory_space<vmem>>, %arg1: memref<4000x32xf32, #tpu.memory_space<vmem>>, %arg2: memref<64x64xf32, #tpu.memory_space<vmem>>, %arg3: memref<1x64xf32, #tpu.memory_space<vmem>>, %arg4: memref<32x32xf32, #tpu.memory_space<vmem>>, %arg5: memref<1x32xf32, #tpu.memory_space<vmem>>, %arg6: memref<8x32xf32, #tpu.memory_space<vmem>>, %arg7: memref<2x32x64xf32, #tpu.memory_space<vmem>>, %arg8: memref<2x1x64xf32, #tpu.memory_space<vmem>>, %arg9: memref<2x64x256xf32, #tpu.memory_space<vmem>>, %arg10: memref<2x1x256xf32, #tpu.memory_space<vmem>>, %arg11: memref<2x32x1024xf32, #tpu.memory_space<vmem>>, %arg12: memref<2x1x32xf32, #tpu.memory_space<vmem>>, %arg13: memref<2x1x1024xf32, #tpu.memory_space<vmem>>, %arg14: memref<10000x64xf32, #tpu.memory_space<vmem>>, %arg15: memref<4000x32xf32, #tpu.memory_space<vmem>>, %arg16: memref<2x64x32xf32, #tpu.memory_space<vmem>>, %arg17: memref<2x32x32xf32, #tpu.memory_space<vmem>>) attributes {dimension_semantics = [], scalar_prefetch = 0 : i64, scratch_operands = 0 : i64, tpu.core_type = #tpu.core_type<tc>} {
    %get3A = arith.constant 0 : index
    %get3A_0 = arith.constant 0 : index
    %get3A_1 = vector.load %arg0[%get3A, %get3A_0] : memref<10000x64xf32, #tpu.memory_space<vmem>>, vector<10000x64xf32>
    %max3A = arith.constant 0.000000e+00 : f32
    %max3A_2 = vector.broadcast %max3A : f32 to vector<10000x64xf32>
    %max3A_3 = arith.maximumf %get3A_1, %max3A_2 : vector<10000x64xf32>
    %get3A_4 = arith.constant 0 : index
    %get3A_5 = arith.constant 0 : index
    %get3A_6 = vector.load %arg2[%get3A_4, %get3A_5] : memref<64x64xf32, #tpu.memory_space<vmem>>, vector<64x64xf32>
    %dot_general3A = arith.constant dense<0.000000e+00> : vector<10000x64xf32>
    %dot_general3A_7 = tpu.matmul %max3A_3, %get3A_6, %dot_general3A {dimension_numbers = #tpu.dot_dimension_numbers<[1], [0], [0], [1], [0, 0, 1, 1], [], []>, transpose_lhs_hint = false} : vector<10000x64xf32>, vector<64x64xf32>, vector<10000x64xf32> -> vector<10000x64xf32>
    %get3A_8 = arith.constant 0 : index
    %get3A_9 = arith.constant 0 : index
    %get3A_10 = vector.load %arg3[%get3A_8, %get3A_9] : memref<1x64xf32, #tpu.memory_space<vmem>>, vector<1x64xf32>
    %add3A = vector.broadcast %get3A_10 : vector<1x64xf32> to vector<10000x64xf32>
    %add3A_11 = arith.addf %dot_general3A_7, %add3A : vector<10000x64xf32>
    %max3A_12 = arith.constant 0.000000e+00 : f32
    %max3A_13 = vector.broadcast %max3A_12 : f32 to vector<10000x64xf32>
    %max3A_14 = arith.maximumf %add3A_11, %max3A_13 : vector<10000x64xf32>
    %swap3A = arith.constant 0 : index
    %swap3A_15 = arith.constant 0 : index
    %swap3A_16 = vector.load %arg14[%swap3A, %swap3A_15] : memref<10000x64xf32, #tpu.memory_space<vmem>>, vector<10000x64xf32>
    tpu.vector_store %arg14[%swap3A, %swap3A_15], %max3A_14 {strides = array<i32>} : memref<10000x64xf32, #tpu.memory_space<vmem>>, vector<10000x64xf32>,
    %get3A_17 = arith.constant 0 : index
    %get3A_18 = arith.constant 0 : index
    %get3A_19 = vector.load %arg1[%get3A_17, %get3A_18] : memref<4000x32xf32, #tpu.memory_space<vmem>>, vector<4000x32xf32>
    %max3A_20 = arith.constant 0.000000e+00 : f32
    %max3A_21 = vector.broadcast %max3A_20 : f32 to vector<4000x32xf32>
    %max3A_22 = arith.maximumf %get3A_19, %max3A_21 : vector<4000x32xf32>
    %get3A_23 = arith.constant 0 : index
    %get3A_24 = arith.constant 0 : index
    %get3A_25 = vector.load %arg4[%get3A_23, %get3A_24] : memref<32x32xf32, #tpu.memory_space<vmem>>, vector<32x32xf32>
    %dot_general3A_26 = arith.constant dense<0.000000e+00> : vector<4000x32xf32>
    %dot_general3A_27 = tpu.matmul %max3A_22, %get3A_25, %dot_general3A_26 {dimension_numbers = #tpu.dot_dimension_numbers<[1], [0], [0], [1], [0, 0, 1, 1], [], []>, transpose_lhs_hint = false} : vector<4000x32xf32>, vector<32x32xf32>, vector<4000x32xf32> -> vector<4000x32xf32>
    %get3A_28 = arith.constant 0 : index
    %get3A_29 = arith.constant 0 : index
    %get3A_30 = vector.load %arg5[%get3A_28, %get3A_29] : memref<1x32xf32, #tpu.memory_space<vmem>>, vector<1x32xf32>
    %add3A_31 = vector.broadcast %get3A_30 : vector<1x32xf32> to vector<4000x32xf32>
    %add3A_32 = arith.addf %dot_general3A_27, %add3A_31 : vector<4000x32xf32>
    %max3A_33 = arith.constant 0.000000e+00 : f32
    %max3A_34 = vector.broadcast %max3A_33 : f32 to vector<4000x32xf32>
    %max3A_35 = arith.maximumf %add3A_32, %max3A_34 : vector<4000x32xf32>
    %swap3A_36 = arith.constant 0 : index
    %swap3A_37 = arith.constant 0 : index
    %swap3A_38 = vector.load %arg15[%swap3A_36, %swap3A_37] : memref<4000x32xf32, #tpu.memory_space<vmem>>, vector<4000x32xf32>
    tpu.vector_store %arg15[%swap3A_36, %swap3A_37], %max3A_35 {strides = array<i32>} : memref<4000x32xf32, #tpu.memory_space<vmem>>, vector<4000x32xf32>,
    %get3A_39 = arith.constant 0 : index
    %get3A_40 = arith.constant 0 : index
    %get3A_41 = vector.load %arg6[%get3A_39, %get3A_40] : memref<8x32xf32, #tpu.memory_space<vmem>>, vector<8x32xf32>
    %get3A_42 = arith.constant 0 : index
    %get3A_43 = arith.constant 0 : index
    %get3A_44 = arith.constant 0 : index
    %get3A_45 = vector.load %arg7[%get3A_42, %get3A_43, %get3A_44] : memref<2x32x64xf32, #tpu.memory_space<vmem>>, vector<1x32x64xf32>
    %get3A_46 = vector.shape_cast %get3A_45 : vector<1x32x64xf32> to vector<32x64xf32>
    %dot_general3A_47 = arith.constant dense<0.000000e+00> : vector<8x64xf32>
    %dot_general3A_48 = tpu.matmul %get3A_41, %get3A_46, %dot_general3A_47 {dimension_numbers = #tpu.dot_dimension_numbers<[1], [0], [0], [1], [0, 0, 1, 1], [], []>, transpose_lhs_hint = false} : vector<8x32xf32>, vector<32x64xf32>, vector<8x64xf32> -> vector<8x64xf32>
    %get3A_49 = arith.constant 0 : index
    %get3A_50 = arith.constant 0 : index
    %get3A_51 = arith.constant 0 : index
    %get3A_52 = vector.load %arg8[%get3A_49, %get3A_50, %get3A_51] : memref<2x1x64xf32, #tpu.memory_space<vmem>>, vector<1x1x64xf32>
    %get3A_53 = vector.shape_cast %get3A_52 : vector<1x1x64xf32> to vector<1x64xf32>
    %add3A_54 = vector.broadcast %get3A_53 : vector<1x64xf32> to vector<8x64xf32>
    %add3A_55 = arith.addf %dot_general3A_48, %add3A_54 : vector<8x64xf32>
    %max3A_56 = arith.constant 0.000000e+00 : f32
    %max3A_57 = vector.broadcast %max3A_56 : f32 to vector<8x64xf32>
    %max3A_58 = arith.maximumf %add3A_55, %max3A_57 : vector<8x64xf32>
    %get3A_59 = arith.constant 0 : index
    %get3A_60 = arith.constant 0 : index
    %get3A_61 = arith.constant 0 : index
    %get3A_62 = vector.load %arg9[%get3A_59, %get3A_60, %get3A_61] : memref<2x64x256xf32, #tpu.memory_space<vmem>>, vector<1x64x256xf32>
    %get3A_63 = vector.shape_cast %get3A_62 : vector<1x64x256xf32> to vector<64x256xf32>
    %dot_general3A_64 = arith.constant dense<0.000000e+00> : vector<8x256xf32>
    %dot_general3A_65 = tpu.matmul %max3A_58, %get3A_63, %dot_general3A_64 {dimension_numbers = #tpu.dot_dimension_numbers<[1], [0], [0], [1], [0, 0, 1, 1], [], []>, transpose_lhs_hint = false} : vector<8x64xf32>, vector<64x256xf32>, vector<8x256xf32> -> vector<8x256xf32>
    %get3A_66 = arith.constant 0 : index
    %get3A_67 = arith.constant 0 : index
    %get3A_68 = arith.constant 0 : index
    %get3A_69 = vector.load %arg10[%get3A_66, %get3A_67, %get3A_68] : memref<2x1x256xf32, #tpu.memory_space<vmem>>, vector<1x1x256xf32>
    %get3A_70 = vector.shape_cast %get3A_69 : vector<1x1x256xf32> to vector<1x256xf32>
    %add3A_71 = vector.broadcast %get3A_70 : vector<1x256xf32> to vector<8x256xf32>
    %add3A_72 = arith.addf %dot_general3A_65, %add3A_71 : vector<8x256xf32>
    %reshape3A = vector.shape_cast %add3A_72 : vector<8x256xf32> to vector<8x64x4xf32>
    %transpose3A = tpu.transpose %reshape3A, [1, 0, 2] : vector<8x64x4xf32> -> vector<64x8x4xf32>
    %reshape3A_73 = vector.shape_cast %transpose3A : vector<64x8x4xf32> to vector<64x32xf32>
    %swap3A_74 = arith.constant 0 : index
    %swap3A_75 = arith.constant 0 : index
    %swap3A_76 = arith.constant 0 : index
    %swap3A_77 = vector.load %arg16[%swap3A_74, %swap3A_75, %swap3A_76] : memref<2x64x32xf32, #tpu.memory_space<vmem>>, vector<1x64x32xf32>
    %swap3A_78 = vector.shape_cast %swap3A_77 : vector<1x64x32xf32> to vector<64x32xf32>
    %swap3A_79 = vector.shape_cast %reshape3A_73 : vector<64x32xf32> to vector<1x64x32xf32>
    tpu.vector_store %arg16[%swap3A_74, %swap3A_75, %swap3A_76], %swap3A_79 {strides = array<i32>} : memref<2x64x32xf32, #tpu.memory_space<vmem>>, vector<1x64x32xf32>,
    %get3A_80 = arith.constant 0 : index
    %get3A_81 = arith.constant 0 : index
    %get3A_82 = arith.constant 0 : index
    %get3A_83 = vector.load %arg12[%get3A_80, %get3A_81, %get3A_82] : memref<2x1x32xf32, #tpu.memory_space<vmem>>, vector<1x1x32xf32>
    %get3A_84 = vector.shape_cast %get3A_83 : vector<1x1x32xf32> to vector<1x32xf32>
    %max3A_85 = arith.constant 0.000000e+00 : f32
    %max3A_86 = vector.broadcast %max3A_85 : f32 to vector<1x32xf32>
    %max3A_87 = arith.maximumf %get3A_84, %max3A_86 : vector<1x32xf32>
    %get3A_88 = arith.constant 0 : index
    %get3A_89 = arith.constant 0 : index
    %get3A_90 = arith.constant 0 : index
    %get3A_91 = vector.load %arg11[%get3A_88, %get3A_89, %get3A_90] : memref<2x32x1024xf32, #tpu.memory_space<vmem>>, vector<1x32x1024xf32>
    %get3A_92 = vector.shape_cast %get3A_91 : vector<1x32x1024xf32> to vector<32x1024xf32>
    %dot_general3A_93 = arith.constant dense<0.000000e+00> : vector<1x1024xf32>
    %dot_general3A_94 = tpu.matmul %max3A_87, %get3A_92, %dot_general3A_93 {dimension_numbers = #tpu.dot_dimension_numbers<[1], [0], [0], [1], [0, 0, 1, 1], [], []>, transpose_lhs_hint = false} : vector<1x32xf32>, vector<32x1024xf32>, vector<1x1024xf32> -> vector<1x1024xf32>
    %get3A_95 = arith.constant 0 : index
    %get3A_96 = arith.constant 0 : index
    %get3A_97 = arith.constant 0 : index
    %get3A_98 = vector.load %arg13[%get3A_95, %get3A_96, %get3A_97] : memref<2x1x1024xf32, #tpu.memory_space<vmem>>, vector<1x1x1024xf32>
    %get3A_99 = vector.shape_cast %get3A_98 : vector<1x1x1024xf32> to vector<1x1024xf32>
    %add3A_100 = arith.addf %dot_general3A_94, %get3A_99 : vector<1x1024xf32>
    %reshape3A_101 = vector.shape_cast %add3A_100 : vector<1x1024xf32> to vector<32x32xf32>
    %swap3A_102 = arith.constant 0 : index
    %swap3A_103 = arith.constant 0 : index
    %swap3A_104 = arith.constant 0 : index
    %swap3A_105 = vector.load %arg17[%swap3A_102, %swap3A_103, %swap3A_104] : memref<2x32x32xf32, #tpu.memory_space<vmem>>, vector<1x32x32xf32>
    %swap3A_106 = vector.shape_cast %swap3A_105 : vector<1x32x32xf32> to vector<32x32xf32>
    %swap3A_107 = vector.shape_cast %reshape3A_101 : vector<32x32xf32> to vector<1x32x32xf32>
    tpu.vector_store %arg17[%swap3A_102, %swap3A_103, %swap3A_104], %swap3A_107 {strides = array<i32>} : memref<2x32x32xf32, #tpu.memory_space<vmem>>, vector<1x32x32xf32>,
    %get3A_108 = arith.constant 0 : index
    %get3A_109 = arith.constant 0 : index
    %get3A_110 = vector.load %arg6[%get3A_108, %get3A_109] : memref<8x32xf32, #tpu.memory_space<vmem>>, vector<8x32xf32>
    %get3A_111 = arith.constant 1 : index
    %get3A_112 = arith.constant 0 : index
    %get3A_113 = arith.constant 0 : index
    %get3A_114 = vector.load %arg7[%get3A_111, %get3A_112, %get3A_113] : memref<2x32x64xf32, #tpu.memory_space<vmem>>, vector<1x32x64xf32>
    %get3A_115 = vector.shape_cast %get3A_114 : vector<1x32x64xf32> to vector<32x64xf32>
    %dot_general3A_116 = arith.constant dense<0.000000e+00> : vector<8x64xf32>
    %dot_general3A_117 = tpu.matmul %get3A_110, %get3A_115, %dot_general3A_116 {dimension_numbers = #tpu.dot_dimension_numbers<[1], [0], [0], [1], [0, 0, 1, 1], [], []>, transpose_lhs_hint = false} : vector<8x32xf32>, vector<32x64xf32>, vector<8x64xf32> -> vector<8x64xf32>
    %get3A_118 = arith.constant 1 : index
    %get3A_119 = arith.constant 0 : index
    %get3A_120 = arith.constant 0 : index
    %get3A_121 = vector.load %arg8[%get3A_118, %get3A_119, %get3A_120] : memref<2x1x64xf32, #tpu.memory_space<vmem>>, vector<1x1x64xf32>
    %get3A_122 = vector.shape_cast %get3A_121 : vector<1x1x64xf32> to vector<1x64xf32>
    %add3A_123 = vector.broadcast %get3A_122 : vector<1x64xf32> to vector<8x64xf32>
    %add3A_124 = arith.addf %dot_general3A_117, %add3A_123 : vector<8x64xf32>
    %max3A_125 = arith.constant 0.000000e+00 : f32
    %max3A_126 = vector.broadcast %max3A_125 : f32 to vector<8x64xf32>
    %max3A_127 = arith.maximumf %add3A_124, %max3A_126 : vector<8x64xf32>
    %get3A_128 = arith.constant 1 : index
    %get3A_129 = arith.constant 0 : index
    %get3A_130 = arith.constant 0 : index
    %get3A_131 = vector.load %arg9[%get3A_128, %get3A_129, %get3A_130] : memref<2x64x256xf32, #tpu.memory_space<vmem>>, vector<1x64x256xf32>
    %get3A_132 = vector.shape_cast %get3A_131 : vector<1x64x256xf32> to vector<64x256xf32>
    %dot_general3A_133 = arith.constant dense<0.000000e+00> : vector<8x256xf32>
    %dot_general3A_134 = tpu.matmul %max3A_127, %get3A_132, %dot_general3A_133 {dimension_numbers = #tpu.dot_dimension_numbers<[1], [0], [0], [1], [0, 0, 1, 1], [], []>, transpose_lhs_hint = false} : vector<8x64xf32>, vector<64x256xf32>, vector<8x256xf32> -> vector<8x256xf32>
    %get3A_135 = arith.constant 1 : index
    %get3A_136 = arith.constant 0 : index
    %get3A_137 = arith.constant 0 : index
    %get3A_138 = vector.load %arg10[%get3A_135, %get3A_136, %get3A_137] : memref<2x1x256xf32, #tpu.memory_space<vmem>>, vector<1x1x256xf32>
    %get3A_139 = vector.shape_cast %get3A_138 : vector<1x1x256xf32> to vector<1x256xf32>
    %add3A_140 = vector.broadcast %get3A_139 : vector<1x256xf32> to vector<8x256xf32>
    %add3A_141 = arith.addf %dot_general3A_134, %add3A_140 : vector<8x256xf32>
    %reshape3A_142 = vector.shape_cast %add3A_141 : vector<8x256xf32> to vector<8x64x4xf32>
    %transpose3A_143 = tpu.transpose %reshape3A_142, [1, 0, 2] : vector<8x64x4xf32> -> vector<64x8x4xf32>
    %reshape3A_144 = vector.shape_cast %transpose3A_143 : vector<64x8x4xf32> to vector<64x32xf32>
    %swap3A_145 = arith.constant 1 : index
    %swap3A_146 = arith.constant 0 : index
    %swap3A_147 = arith.constant 0 : index
    %swap3A_148 = vector.load %arg16[%swap3A_145, %swap3A_146, %swap3A_147] : memref<2x64x32xf32, #tpu.memory_space<vmem>>, vector<1x64x32xf32>
    %swap3A_149 = vector.shape_cast %swap3A_148 : vector<1x64x32xf32> to vector<64x32xf32>
    %swap3A_150 = vector.shape_cast %reshape3A_144 : vector<64x32xf32> to vector<1x64x32xf32>
    tpu.vector_store %arg16[%swap3A_145, %swap3A_146, %swap3A_147], %swap3A_150 {strides = array<i32>} : memref<2x64x32xf32, #tpu.memory_space<vmem>>, vector<1x64x32xf32>,
    %get3A_151 = arith.constant 1 : index
    %get3A_152 = arith.constant 0 : index
    %get3A_153 = arith.constant 0 : index
    %get3A_154 = vector.load %arg12[%get3A_151, %get3A_152, %get3A_153] : memref<2x1x32xf32, #tpu.memory_space<vmem>>, vector<1x1x32xf32>
    %get3A_155 = vector.shape_cast %get3A_154 : vector<1x1x32xf32> to vector<1x32xf32>
    %max3A_156 = arith.constant 0.000000e+00 : f32
    %max3A_157 = vector.broadcast %max3A_156 : f32 to vector<1x32xf32>
    %max3A_158 = arith.maximumf %get3A_155, %max3A_157 : vector<1x32xf32>
    %get3A_159 = arith.constant 1 : index
    %get3A_160 = arith.constant 0 : index
    %get3A_161 = arith.constant 0 : index
    %get3A_162 = vector.load %arg11[%get3A_159, %get3A_160, %get3A_161] : memref<2x32x1024xf32, #tpu.memory_space<vmem>>, vector<1x32x1024xf32>
    %get3A_163 = vector.shape_cast %get3A_162 : vector<1x32x1024xf32> to vector<32x1024xf32>
    %dot_general3A_164 = arith.constant dense<0.000000e+00> : vector<1x1024xf32>
    %dot_general3A_165 = tpu.matmul %max3A_158, %get3A_163, %dot_general3A_164 {dimension_numbers = #tpu.dot_dimension_numbers<[1], [0], [0], [1], [0, 0, 1, 1], [], []>, transpose_lhs_hint = false} : vector<1x32xf32>, vector<32x1024xf32>, vector<1x1024xf32> -> vector<1x1024xf32>
    %get3A_166 = arith.constant 1 : index
    %get3A_167 = arith.constant 0 : index
    %get3A_168 = arith.constant 0 : index
    %get3A_169 = vector.load %arg13[%get3A_166, %get3A_167, %get3A_168] : memref<2x1x1024xf32, #tpu.memory_space<vmem>>, vector<1x1x1024xf32>
    %get3A_170 = vector.shape_cast %get3A_169 : vector<1x1x1024xf32> to vector<1x1024xf32>
    %add3A_171 = arith.addf %dot_general3A_165, %get3A_170 : vector<1x1024xf32>
    %reshape3A_172 = vector.shape_cast %add3A_171 : vector<1x1024xf32> to vector<32x32xf32>
    %swap3A_173 = arith.constant 1 : index
    %swap3A_174 = arith.constant 0 : index
    %swap3A_175 = arith.constant 0 : index
    %swap3A_176 = vector.load %arg17[%swap3A_173, %swap3A_174, %swap3A_175] : memref<2x32x32xf32, #tpu.memory_space<vmem>>, vector<1x32x32xf32>
    %swap3A_177 = vector.shape_cast %swap3A_176 : vector<1x32x32xf32> to vector<32x32xf32>
    %swap3A_178 = vector.shape_cast %reshape3A_172 : vector<32x32xf32> to vector<1x32x32xf32>
    tpu.vector_store %arg17[%swap3A_173, %swap3A_174, %swap3A_175], %swap3A_178 {strides = array<i32>} : memref<2x32x32xf32, #tpu.memory_space<vmem>>, vector<1x32x32xf32>,
    return
  }
}

module attributes {stable_mosaic.version = 14 : i64} {
  func.func @_y16_body(%arg0: i32, %arg1: memref<2000x64xf32, #tpu.memory_space<vmem>>, %arg2: memref<64x32xf32, #tpu.memory_space<vmem>>, %arg3: memref<32x128xf32, #tpu.memory_space<vmem>>, %arg4: memref<32x128xf32, #tpu.memory_space<vmem>>, %arg5: memref<1x128xf32, #tpu.memory_space<vmem>>, %arg6: memref<2000x128xf32, #tpu.memory_space<vmem>>) attributes {dimension_semantics = [#tpu.dimension_semantics<arbitrary>], iteration_bounds = array<i64: 5>, scalar_prefetch = 0 : i64, scratch_operands = 0 : i64, tpu.core_type = #tpu.core_type<tc>, window_params = [{transform_indices = @transform_0, window_bounds = array<i64: 2000, 64>}, {pipeline_mode = #tpu.pipeline_mode<synchronous>, transform_indices = @transform_1, window_bounds = array<i64: 64, 32>}, {pipeline_mode = #tpu.pipeline_mode<synchronous>, transform_indices = @transform_2, window_bounds = array<i64: 32, 128>}, {pipeline_mode = #tpu.pipeline_mode<synchronous>, transform_indices = @transform_3, window_bounds = array<i64: 32, 128>}, {pipeline_mode = #tpu.pipeline_mode<synchronous>, transform_indices = @transform_4, window_bounds = array<i64: 1, 128>}, {transform_indices = @transform_5, window_bounds = array<i64: 2000, 128>}]} {
    %get3A = arith.constant 0 : index
    %get3A_0 = arith.constant 0 : index
    %get3A_1 = vector.load %arg1[%get3A, %get3A_0] : memref<2000x64xf32, #tpu.memory_space<vmem>>, vector<2000x64xf32>
    %get3A_2 = arith.constant 0 : index
    %get3A_3 = arith.constant 0 : index
    %get3A_4 = vector.load %arg2[%get3A_2, %get3A_3] : memref<64x32xf32, #tpu.memory_space<vmem>>, vector<64x32xf32>
    %dot_general3A = arith.constant dense<0.000000e+00> : vector<2000x32xf32>
    %dot_general3A_5 = tpu.matmul %get3A_1, %get3A_4, %dot_general3A {dimension_numbers = #tpu.dot_dimension_numbers<[1], [0], [0], [1], [0, 0, 1, 1], [], []>, transpose_lhs_hint = false} : vector<2000x64xf32>, vector<64x32xf32>, vector<2000x32xf32> -> vector<2000x32xf32>
    %get3A_6 = arith.constant 0 : index
    %get3A_7 = arith.constant 0 : index
    %get3A_8 = vector.load %arg3[%get3A_6, %get3A_7] : memref<32x128xf32, #tpu.memory_space<vmem>>, vector<32x128xf32>
    %dot_general3A_9 = arith.constant dense<0.000000e+00> : vector<2000x128xf32>
    %dot_general3A_10 = tpu.matmul %dot_general3A_5, %get3A_8, %dot_general3A_9 {dimension_numbers = #tpu.dot_dimension_numbers<[1], [0], [0], [1], [0, 0, 1, 1], [], []>, transpose_lhs_hint = false} : vector<2000x32xf32>, vector<32x128xf32>, vector<2000x128xf32> -> vector<2000x128xf32>
    %mul3A = arith.mulf %dot_general3A_5, %dot_general3A_5 : vector<2000x32xf32>
    %get3A_11 = arith.constant 0 : index
    %get3A_12 = arith.constant 0 : index
    %get3A_13 = vector.load %arg4[%get3A_11, %get3A_12] : memref<32x128xf32, #tpu.memory_space<vmem>>, vector<32x128xf32>
    %dot_general3A_14 = arith.constant dense<0.000000e+00> : vector<2000x128xf32>
    %dot_general3A_15 = tpu.matmul %mul3A, %get3A_13, %dot_general3A_14 {dimension_numbers = #tpu.dot_dimension_numbers<[1], [0], [0], [1], [0, 0, 1, 1], [], []>, transpose_lhs_hint = false} : vector<2000x32xf32>, vector<32x128xf32>, vector<2000x128xf32> -> vector<2000x128xf32>
    %add3A = arith.addf %dot_general3A_10, %dot_general3A_15 : vector<2000x128xf32>
    %get3A_16 = arith.constant 0 : index
    %get3A_17 = arith.constant 0 : index
    %get3A_18 = vector.load %arg5[%get3A_16, %get3A_17] : memref<1x128xf32, #tpu.memory_space<vmem>>, vector<1x128xf32>
    %add3A_19 = vector.broadcast %get3A_18 : vector<1x128xf32> to vector<2000x128xf32>
    %add3A_20 = arith.addf %add3A, %add3A_19 : vector<2000x128xf32>
    %swap3A = arith.constant 0 : index
    %swap3A_21 = arith.constant 0 : index
    %swap3A_22 = vector.load %arg6[%swap3A, %swap3A_21] : memref<2000x128xf32, #tpu.memory_space<vmem>>, vector<2000x128xf32>
    tpu.vector_store %arg6[%swap3A, %swap3A_21], %add3A_20 {strides = array<i32>} : memref<2000x128xf32, #tpu.memory_space<vmem>>, vector<2000x128xf32>,
    return
  }
  func.func @transform_0(%arg0: i32) -> (i32, i32) {
    %c0_i32 = arith.constant 0 : i32
    %c0_i32_0 = arith.constant 0 : i32
    return %arg0, %c0_i32 : i32, i32
  }
  func.func @transform_1(%arg0: i32) -> (i32, i32) {
    %c0_i32 = arith.constant 0 : i32
    %c0_i32_0 = arith.constant 0 : i32
    %c0_i32_1 = arith.constant 0 : i32
    return %c0_i32, %c0_i32_0 : i32, i32
  }
  func.func @transform_2(%arg0: i32) -> (i32, i32) {
    %c0_i32 = arith.constant 0 : i32
    %c0_i32_0 = arith.constant 0 : i32
    %c0_i32_1 = arith.constant 0 : i32
    return %c0_i32, %c0_i32_0 : i32, i32
  }
  func.func @transform_3(%arg0: i32) -> (i32, i32) {
    %c0_i32 = arith.constant 0 : i32
    %c0_i32_0 = arith.constant 0 : i32
    %c0_i32_1 = arith.constant 0 : i32
    return %c0_i32, %c0_i32_0 : i32, i32
  }
  func.func @transform_4(%arg0: i32) -> (i32, i32) {
    %c0_i32 = arith.constant 0 : i32
    %c0_i32_0 = arith.constant 0 : i32
    %c0_i32_1 = arith.constant 0 : i32
    return %c0_i32, %c0_i32_0 : i32, i32
  }
  func.func @transform_5(%arg0: i32) -> (i32, i32) {
    %c0_i32 = arith.constant 0 : i32
    %c0_i32_0 = arith.constant 0 : i32
    return %arg0, %c0_i32 : i32, i32
  }
}

module attributes {stable_mosaic.version = 14 : i64} {
  func.func @_exfold_body(%arg0: i32, %arg1: memref<32x16000xf32, #tpu.memory_space<vmem>>, %arg2: memref<1x1x16000xf32, #tpu.memory_space<vmem>>) attributes {dimension_semantics = [#tpu.dimension_semantics<arbitrary>], iteration_bounds = array<i64: 5>, scalar_prefetch = 0 : i64, scratch_operands = 0 : i64, tpu.core_type = #tpu.core_type<tc>, window_params = [{transform_indices = @transform_0, window_bounds = array<i64: 32, 16000>}, {transform_indices = @transform_1, window_bounds = array<i64: 1, 1, 16000>}]} {
    %get3A = arith.constant 0 : index
    %get3A_0 = arith.constant 0 : index
    %get3A_1 = vector.load %arg1[%get3A, %get3A_0] : memref<32x16000xf32, #tpu.memory_space<vmem>>, vector<32x16000xf32>
    %iota3A = tpu.iota {dimensions = array<i32: 1>} : vector<1x16000xi32>
    %shift_right_arithmetic3A = arith.constant 2 : i32
    %shift_right_arithmetic3A_2 = vector.broadcast %shift_right_arithmetic3A : i32 to vector<1x16000xi32>
    %shift_right_arithmetic3A_3 = arith.shrsi %iota3A, %shift_right_arithmetic3A_2 : vector<1x16000xi32>
    %and3A = arith.constant 1 : i32
    %and3A_4 = vector.broadcast %and3A : i32 to vector<1x16000xi32>
    %and3A_5 = arith.andi %shift_right_arithmetic3A_3, %and3A_4 : vector<1x16000xi32>
    %eq3A = arith.constant 0 : i32
    %eq3A_6 = vector.broadcast %eq3A : i32 to vector<1x16000xi32>
    %eq3A_7 = arith.cmpi eq, %and3A_5, %eq3A_6 : vector<1x16000xi32>
    %jit3A = arith.constant -3.400000e+38 : f32
    %broadcast_in_dim3A = vector.shape_cast %eq3A_7 : vector<1x16000xi1> to vector<1x16000xi1>
    %broadcast_in_dim3A_8 = vector.broadcast %broadcast_in_dim3A : vector<1x16000xi1> to vector<32x16000xi1>
    %broadcast_in_dim3A_9 = vector.broadcast %jit3A : f32 to vector<32x16000xf32>
    %select_n3A = arith.select %broadcast_in_dim3A_8, %get3A_1, %broadcast_in_dim3A_9 : vector<32x16000xi1>, vector<32x16000xf32>
    %reduce_max3A = arith.constant dense<0xFF800000> : vector<16000xf32>
    %reduce_max3A_10 = vector.multi_reduction <maximumf>, %select_n3A, %reduce_max3A [0] : vector<32x16000xf32> to vector<16000xf32>
    %broadcast_in_dim3A_11 = vector.shape_cast %reduce_max3A_10 : vector<16000xf32> to vector<1x16000xf32>
    %jit3A_12 = arith.constant 3.400000e+38 : f32
    %broadcast_in_dim3A_13 = vector.shape_cast %eq3A_7 : vector<1x16000xi1> to vector<1x16000xi1>
    %broadcast_in_dim3A_14 = vector.broadcast %broadcast_in_dim3A_13 : vector<1x16000xi1> to vector<32x16000xi1>
    %broadcast_in_dim3A_15 = vector.broadcast %jit3A_12 : f32 to vector<32x16000xf32>
    %select_n3A_16 = arith.select %broadcast_in_dim3A_14, %broadcast_in_dim3A_15, %get3A_1 : vector<32x16000xi1>, vector<32x16000xf32>
    %reduce_min3A = arith.constant dense<0x7F800000> : vector<16000xf32>
    %reduce_min3A_17 = vector.multi_reduction <minimumf>, %select_n3A_16, %reduce_min3A [0] : vector<32x16000xf32> to vector<16000xf32>
    %broadcast_in_dim3A_18 = vector.shape_cast %reduce_min3A_17 : vector<16000xf32> to vector<1x16000xf32>
    %select_n3A_19 = arith.select %eq3A_7, %broadcast_in_dim3A_11, %broadcast_in_dim3A_18 : vector<1x16000xi1>, vector<1x16000xf32>
    %broadcast_in_dim3A_20 = vector.shape_cast %select_n3A_19 : vector<1x16000xf32> to vector<1x1x16000xf32>
    %swap3A = arith.constant 0 : index
    %swap3A_21 = arith.constant 0 : index
    %swap3A_22 = arith.constant 0 : index
    %swap3A_23 = vector.load %arg2[%swap3A, %swap3A_21, %swap3A_22] : memref<1x1x16000xf32, #tpu.memory_space<vmem>>, vector<1x1x16000xf32>
    tpu.vector_store %arg2[%swap3A, %swap3A_21, %swap3A_22], %broadcast_in_dim3A_20 {strides = array<i32>} : memref<1x1x16000xf32, #tpu.memory_space<vmem>>, vector<1x1x16000xf32>,
    return
  }
  func.func @transform_0(%arg0: i32) -> (i32, i32) {
    %c0_i32 = arith.constant 0 : i32
    %c0_i32_0 = arith.constant 0 : i32
    return %c0_i32, %arg0 : i32, i32
  }
  func.func @transform_1(%arg0: i32) -> (i32, i32, i32) {
    %c0_i32 = arith.constant 0 : i32
    %c0_i32_0 = arith.constant 0 : i32
    %c0_i32_1 = arith.constant 0 : i32
    return %arg0, %c0_i32, %c0_i32_0 : i32, i32, i32
  }
}

module attributes {stable_mosaic.version = 14 : i64} {
  func.func @_pna_post_body(%arg0: i32, %arg1: memref<2000x64xf32, #tpu.memory_space<vmem>>, %arg2: memref<2x2000x16xf32, #tpu.memory_space<vmem>>, %arg3: memref<2000x8xf32, #tpu.memory_space<vmem>>, %arg4: memref<112x64xf32, #tpu.memory_space<vmem>>, %arg5: memref<1x64xf32, #tpu.memory_space<vmem>>, %arg6: memref<2000x64xf32, #tpu.memory_space<vmem>>) attributes {dimension_semantics = [#tpu.dimension_semantics<arbitrary>], iteration_bounds = array<i64: 5>, scalar_prefetch = 0 : i64, scratch_operands = 0 : i64, tpu.core_type = #tpu.core_type<tc>, window_params = [{transform_indices = @transform_0, window_bounds = array<i64: 2000, 64>}, {transform_indices = @transform_1, window_bounds = array<i64: 2, 2000, 16>}, {transform_indices = @transform_2, window_bounds = array<i64: 2000, 8>}, {pipeline_mode = #tpu.pipeline_mode<synchronous>, transform_indices = @transform_3, window_bounds = array<i64: 112, 64>}, {pipeline_mode = #tpu.pipeline_mode<synchronous>, transform_indices = @transform_4, window_bounds = array<i64: 1, 64>}, {transform_indices = @transform_5, window_bounds = array<i64: 2000, 64>}]} {
    %get3A = arith.constant 0 : index
    %get3A_0 = arith.constant 0 : index
    %get3A_1 = arith.constant 0 : index
    %get3A_2 = vector.load %arg2[%get3A, %get3A_0, %get3A_1] : memref<2x2000x16xf32, #tpu.memory_space<vmem>>, vector<1x2000x4xf32>
    %get3A_3 = vector.shape_cast %get3A_2 : vector<1x2000x4xf32> to vector<2000x4xf32>
    %get3A_4 = arith.constant 1 : index
    %get3A_5 = arith.constant 0 : index
    %get3A_6 = arith.constant 0 : index
    %get3A_7 = vector.load %arg2[%get3A_4, %get3A_5, %get3A_6] : memref<2x2000x16xf32, #tpu.memory_space<vmem>>, vector<1x2000x4xf32>
    %get3A_8 = vector.shape_cast %get3A_7 : vector<1x2000x4xf32> to vector<2000x4xf32>
    %add3A = arith.addf %get3A_3, %get3A_8 : vector<2000x4xf32>
    %get3A_9 = arith.constant 0 : index
    %get3A_10 = arith.constant 0 : index
    %get3A_11 = arith.constant 8 : index
    %get3A_12 = vector.load %arg2[%get3A_9, %get3A_10, %get3A_11] : memref<2x2000x16xf32, #tpu.memory_space<vmem>>, vector<1x2000x4xf32>
    %get3A_13 = vector.shape_cast %get3A_12 : vector<1x2000x4xf32> to vector<2000x4xf32>
    %get3A_14 = arith.constant 1 : index
    %get3A_15 = arith.constant 0 : index
    %get3A_16 = arith.constant 8 : index
    %get3A_17 = vector.load %arg2[%get3A_14, %get3A_15, %get3A_16] : memref<2x2000x16xf32, #tpu.memory_space<vmem>>, vector<1x2000x4xf32>
    %get3A_18 = vector.shape_cast %get3A_17 : vector<1x2000x4xf32> to vector<2000x4xf32>
    %add3A_19 = arith.addf %get3A_13, %get3A_18 : vector<2000x4xf32>
    %get3A_20 = arith.constant 0 : index
    %get3A_21 = arith.constant 0 : index
    %get3A_22 = arith.constant 12 : index
    %get3A_23 = vector.load %arg2[%get3A_20, %get3A_21, %get3A_22] : memref<2x2000x16xf32, #tpu.memory_space<vmem>>, vector<1x2000x1xf32>
    %get3A_24 = vector.shape_cast %get3A_23 : vector<1x2000x1xf32> to vector<2000xf32>
    %get3A_25 = arith.constant 1 : index
    %get3A_26 = arith.constant 0 : index
    %get3A_27 = arith.constant 12 : index
    %get3A_28 = vector.load %arg2[%get3A_25, %get3A_26, %get3A_27] : memref<2x2000x16xf32, #tpu.memory_space<vmem>>, vector<1x2000x1xf32>
    %get3A_29 = vector.shape_cast %get3A_28 : vector<1x2000x1xf32> to vector<2000xf32>
    %add3A_30 = arith.addf %get3A_24, %get3A_29 : vector<2000xf32>
    %broadcast_in_dim3A = vector.shape_cast %add3A_30 : vector<2000xf32> to vector<2000x1xf32>
    %get3A_31 = arith.constant 0 : index
    %get3A_32 = arith.constant 0 : index
    %get3A_33 = vector.load %arg3[%get3A_31, %get3A_32] : memref<2000x8xf32, #tpu.memory_space<vmem>>, vector<2000x4xf32>
    %get3A_34 = arith.constant 0 : index
    %get3A_35 = arith.constant 4 : index
    %get3A_36 = vector.load %arg3[%get3A_34, %get3A_35] : memref<2000x8xf32, #tpu.memory_space<vmem>>, vector<2000x4xf32>
    %max3A = arith.constant 1.000000e+00 : f32
    %max3A_37 = vector.broadcast %max3A : f32 to vector<2000x1xf32>
    %max3A_38 = arith.maximumf %broadcast_in_dim3A, %max3A_37 : vector<2000x1xf32>
    %div3A = vector.broadcast %max3A_38 : vector<2000x1xf32> to vector<2000x4xf32>
    %div3A_39 = arith.divf %add3A, %div3A : vector<2000x4xf32>
    %gt3A = arith.constant 0.000000e+00 : f32
    %gt3A_40 = vector.broadcast %gt3A : f32 to vector<2000x1xf32>
    %gt3A_41 = arith.cmpf ogt, %broadcast_in_dim3A, %gt3A_40 : vector<2000x1xf32>
    %jit3A = arith.constant 0.000000e+00 : f32
    %broadcast_in_dim3A_42 = vector.shape_cast %gt3A_41 : vector<2000x1xi1> to vector<2000x1xi1>
    %broadcast_in_dim3A_43 = vector.broadcast %broadcast_in_dim3A_42 : vector<2000x1xi1> to vector<2000x4xi1>
    %broadcast_in_dim3A_44 = vector.broadcast %jit3A : f32 to vector<2000x4xf32>
    %select_n3A = arith.select %broadcast_in_dim3A_43, %get3A_33, %broadcast_in_dim3A_44 : vector<2000x4xi1>, vector<2000x4xf32>
    %jit3A_45 = arith.constant 0.000000e+00 : f32
    %broadcast_in_dim3A_46 = vector.shape_cast %gt3A_41 : vector<2000x1xi1> to vector<2000x1xi1>
    %broadcast_in_dim3A_47 = vector.broadcast %broadcast_in_dim3A_46 : vector<2000x1xi1> to vector<2000x4xi1>
    %broadcast_in_dim3A_48 = vector.broadcast %jit3A_45 : f32 to vector<2000x4xf32>
    %select_n3A_49 = arith.select %broadcast_in_dim3A_47, %get3A_36, %broadcast_in_dim3A_48 : vector<2000x4xi1>, vector<2000x4xf32>
    %div3A_50 = vector.broadcast %max3A_38 : vector<2000x1xf32> to vector<2000x4xf32>
    %div3A_51 = arith.divf %add3A_19, %div3A_50 : vector<2000x4xf32>
    %mul3A = arith.mulf %div3A_39, %div3A_39 : vector<2000x4xf32>
    %sub3A = arith.subf %div3A_51, %mul3A : vector<2000x4xf32>
    %jit3A_52 = arith.constant 0.000000e+00 : f32
    %max3A_53 = vector.broadcast %jit3A_52 : f32 to vector<2000x4xf32>
    %max3A_54 = arith.maximumf %max3A_53, %sub3A : vector<2000x4xf32>
    %sqrt3A = math.sqrt %max3A_54 : vector<2000x4xf32>
    %concatenate3A = tpu.concatenate %div3A_39, %select_n3A, %select_n3A_49, %sqrt3A in 1 : vector<2000x4xf32>, vector<2000x4xf32>, vector<2000x4xf32>, vector<2000x4xf32> -> vector<2000x16xf32>
    %add3A_55 = arith.constant 1.000000e+00 : f32
    %add3A_56 = vector.broadcast %add3A_55 : f32 to vector<2000x1xf32>
    %add3A_57 = arith.addf %broadcast_in_dim3A, %add3A_56 : vector<2000x1xf32>
    %log3A = math.log %add3A_57 : vector<2000x1xf32>
    %div3A_58 = arith.constant 2.83321333 : f32
    %div3A_59 = vector.broadcast %div3A_58 : f32 to vector<2000x1xf32>
    %div3A_60 = arith.divf %log3A, %div3A_59 : vector<2000x1xf32>
    %gt3A_61 = arith.constant 0.000000e+00 : f32
    %gt3A_62 = vector.broadcast %gt3A_61 : f32 to vector<2000x1xf32>
    %gt3A_63 = arith.cmpf ogt, %log3A, %gt3A_62 : vector<2000x1xf32>
    %jit3A_64 = arith.constant 9.99999997E-7 : f32
    %max3A_65 = vector.broadcast %jit3A_64 : f32 to vector<2000x1xf32>
    %max3A_66 = arith.maximumf %max3A_65, %log3A : vector<2000x1xf32>
    %div3A_67 = arith.constant 2.83321333 : f32
    %div3A_68 = vector.broadcast %div3A_67 : f32 to vector<2000x1xf32>
    %div3A_69 = arith.divf %div3A_68, %max3A_66 : vector<2000x1xf32>
    %jit3A_70 = arith.constant 0.000000e+00 : f32
    %broadcast_in_dim3A_71 = vector.broadcast %jit3A_70 : f32 to vector<2000x1xf32>
    %select_n3A_72 = arith.select %gt3A_63, %div3A_69, %broadcast_in_dim3A_71 : vector<2000x1xi1>, vector<2000x1xf32>
    %mul3A_73 = vector.broadcast %div3A_60 : vector<2000x1xf32> to vector<2000x16xf32>
    %mul3A_74 = arith.mulf %concatenate3A, %mul3A_73 : vector<2000x16xf32>
    %mul3A_75 = vector.broadcast %select_n3A_72 : vector<2000x1xf32> to vector<2000x16xf32>
    %mul3A_76 = arith.mulf %concatenate3A, %mul3A_75 : vector<2000x16xf32>
    %concatenate3A_77 = tpu.concatenate %concatenate3A, %mul3A_74, %mul3A_76 in 1 : vector<2000x16xf32>, vector<2000x16xf32>, vector<2000x16xf32> -> vector<2000x48xf32>
    %get3A_78 = arith.constant 0 : index
    %get3A_79 = arith.constant 0 : index
    %get3A_80 = vector.load %arg1[%get3A_78, %get3A_79] : memref<2000x64xf32, #tpu.memory_space<vmem>>, vector<2000x64xf32>
    %concatenate3A_81 = tpu.concatenate %get3A_80, %concatenate3A_77 in 1 : vector<2000x64xf32>, vector<2000x48xf32> -> vector<2000x112xf32>
    %get3A_82 = arith.constant 0 : index
    %get3A_83 = arith.constant 0 : index
    %get3A_84 = vector.load %arg4[%get3A_82, %get3A_83] : memref<112x64xf32, #tpu.memory_space<vmem>>, vector<112x64xf32>
    %dot_general3A = arith.constant dense<0.000000e+00> : vector<2000x64xf32>
    %dot_general3A_85 = tpu.matmul %concatenate3A_81, %get3A_84, %dot_general3A {dimension_numbers = #tpu.dot_dimension_numbers<[1], [0], [0], [1], [0, 0, 1, 1], [], []>, transpose_lhs_hint = false} : vector<2000x112xf32>, vector<112x64xf32>, vector<2000x64xf32> -> vector<2000x64xf32>
    %get3A_86 = arith.constant 0 : index
    %get3A_87 = arith.constant 0 : index
    %get3A_88 = vector.load %arg5[%get3A_86, %get3A_87] : memref<1x64xf32, #tpu.memory_space<vmem>>, vector<1x64xf32>
    %add3A_89 = vector.broadcast %get3A_88 : vector<1x64xf32> to vector<2000x64xf32>
    %add3A_90 = arith.addf %dot_general3A_85, %add3A_89 : vector<2000x64xf32>
    %max3A_91 = arith.constant 0.000000e+00 : f32
    %max3A_92 = vector.broadcast %max3A_91 : f32 to vector<2000x64xf32>
    %max3A_93 = arith.maximumf %add3A_90, %max3A_92 : vector<2000x64xf32>
    %swap3A = arith.constant 0 : index
    %swap3A_94 = arith.constant 0 : index
    %swap3A_95 = vector.load %arg6[%swap3A, %swap3A_94] : memref<2000x64xf32, #tpu.memory_space<vmem>>, vector<2000x64xf32>
    tpu.vector_store %arg6[%swap3A, %swap3A_94], %max3A_93 {strides = array<i32>} : memref<2000x64xf32, #tpu.memory_space<vmem>>, vector<2000x64xf32>,
    return
  }
  func.func @transform_0(%arg0: i32) -> (i32, i32) {
    %c0_i32 = arith.constant 0 : i32
    %c0_i32_0 = arith.constant 0 : i32
    return %arg0, %c0_i32 : i32, i32
  }
  func.func @transform_1(%arg0: i32) -> (i32, i32, i32) {
    %c0_i32 = arith.constant 0 : i32
    %c0_i32_0 = arith.constant 0 : i32
    %c0_i32_1 = arith.constant 0 : i32
    return %c0_i32, %arg0, %c0_i32_0 : i32, i32, i32
  }
  func.func @transform_2(%arg0: i32) -> (i32, i32) {
    %c0_i32 = arith.constant 0 : i32
    %c0_i32_0 = arith.constant 0 : i32
    return %arg0, %c0_i32 : i32, i32
  }
  func.func @transform_3(%arg0: i32) -> (i32, i32) {
    %c0_i32 = arith.constant 0 : i32
    %c0_i32_0 = arith.constant 0 : i32
    %c0_i32_1 = arith.constant 0 : i32
    return %c0_i32, %c0_i32_0 : i32, i32
  }
  func.func @transform_4(%arg0: i32) -> (i32, i32) {
    %c0_i32 = arith.constant 0 : i32
    %c0_i32_0 = arith.constant 0 : i32
    %c0_i32_1 = arith.constant 0 : i32
    return %c0_i32, %c0_i32_0 : i32, i32
  }
  func.func @transform_5(%arg0: i32) -> (i32, i32) {
    %c0_i32 = arith.constant 0 : i32
    %c0_i32_0 = arith.constant 0 : i32
    return %arg0, %c0_i32 : i32, i32
  }
}

module attributes {stable_mosaic.version = 14 : i64} {
  func.func @_c_update_body(%arg0: memref<4000x32xf32, #tpu.memory_space<vmem>>, %arg1: memref<2x4096x64xf32, #tpu.memory_space<vmem>>, %arg2: memref<2x10112x16xf32, #tpu.memory_space<vmem>>, %arg3: memref<64x32xf32, #tpu.memory_space<vmem>>, %arg4: memref<1x32xf32, #tpu.memory_space<vmem>>, %arg5: memref<32x32xf32, #tpu.memory_space<vmem>>, %arg6: memref<4000x32xf32, #tpu.memory_space<vmem>>, %arg7: memref<4000x32xf32, #tpu.memory_space<vmem>>) attributes {dimension_semantics = [], scalar_prefetch = 0 : i64, scratch_operands = 0 : i64, tpu.core_type = #tpu.core_type<tc>} {
    %get3A = arith.constant 0 : index
    %get3A_0 = arith.constant 0 : index
    %get3A_1 = arith.constant 13 : index
    %get3A_2 = vector.load %arg2[%get3A, %get3A_0, %get3A_1] : memref<2x10112x16xf32, #tpu.memory_space<vmem>>, vector<1x4000x1xf32>
    %get3A_3 = vector.shape_cast %get3A_2 : vector<1x4000x1xf32> to vector<4000xf32>
    %get3A_4 = arith.constant 1 : index
    %get3A_5 = arith.constant 0 : index
    %get3A_6 = arith.constant 13 : index
    %get3A_7 = vector.load %arg2[%get3A_4, %get3A_5, %get3A_6] : memref<2x10112x16xf32, #tpu.memory_space<vmem>>, vector<1x4000x1xf32>
    %get3A_8 = vector.shape_cast %get3A_7 : vector<1x4000x1xf32> to vector<4000xf32>
    %add3A = arith.addf %get3A_3, %get3A_8 : vector<4000xf32>
    %max3A = arith.constant 1.000000e+00 : f32
    %max3A_9 = vector.broadcast %max3A : f32 to vector<4000xf32>
    %max3A_10 = arith.maximumf %add3A, %max3A_9 : vector<4000xf32>
    %broadcast_in_dim3A = vector.shape_cast %max3A_10 : vector<4000xf32> to vector<4000x1xf32>
    %get3A_11 = arith.constant 0 : index
    %get3A_12 = arith.constant 0 : index
    %get3A_13 = arith.constant 0 : index
    %get3A_14 = vector.load %arg1[%get3A_11, %get3A_12, %get3A_13] : memref<2x4096x64xf32, #tpu.memory_space<vmem>>, vector<1x4000x64xf32>
    %get3A_15 = vector.shape_cast %get3A_14 : vector<1x4000x64xf32> to vector<4000x64xf32>
    %get3A_16 = arith.constant 1 : index
    %get3A_17 = arith.constant 0 : index
    %get3A_18 = arith.constant 0 : index
    %get3A_19 = vector.load %arg1[%get3A_16, %get3A_17, %get3A_18] : memref<2x4096x64xf32, #tpu.memory_space<vmem>>, vector<1x4000x64xf32>
    %get3A_20 = vector.shape_cast %get3A_19 : vector<1x4000x64xf32> to vector<4000x64xf32>
    %add3A_21 = arith.addf %get3A_15, %get3A_20 : vector<4000x64xf32>
    %div3A = vector.broadcast %broadcast_in_dim3A : vector<4000x1xf32> to vector<4000x64xf32>
    %div3A_22 = arith.divf %add3A_21, %div3A : vector<4000x64xf32>
    %get3A_23 = arith.constant 0 : index
    %get3A_24 = arith.constant 0 : index
    %get3A_25 = vector.load %arg0[%get3A_23, %get3A_24] : memref<4000x32xf32, #tpu.memory_space<vmem>>, vector<4000x32xf32>
    %get3A_26 = arith.constant 0 : index
    %get3A_27 = arith.constant 0 : index
    %get3A_28 = vector.load %arg3[%get3A_26, %get3A_27] : memref<64x32xf32, #tpu.memory_space<vmem>>, vector<64x32xf32>
    %dot_general3A = arith.constant dense<0.000000e+00> : vector<4000x32xf32>
    %dot_general3A_29 = tpu.matmul %div3A_22, %get3A_28, %dot_general3A {dimension_numbers = #tpu.dot_dimension_numbers<[1], [0], [0], [1], [0, 0, 1, 1], [], []>, transpose_lhs_hint = false} : vector<4000x64xf32>, vector<64x32xf32>, vector<4000x32xf32> -> vector<4000x32xf32>
    %get3A_30 = arith.constant 0 : index
    %get3A_31 = arith.constant 0 : index
    %get3A_32 = vector.load %arg4[%get3A_30, %get3A_31] : memref<1x32xf32, #tpu.memory_space<vmem>>, vector<1x32xf32>
    %add3A_33 = vector.broadcast %get3A_32 : vector<1x32xf32> to vector<4000x32xf32>
    %add3A_34 = arith.addf %dot_general3A_29, %add3A_33 : vector<4000x32xf32>
    %max3A_35 = arith.constant 0.000000e+00 : f32
    %max3A_36 = vector.broadcast %max3A_35 : f32 to vector<4000x32xf32>
    %max3A_37 = arith.maximumf %add3A_34, %max3A_36 : vector<4000x32xf32>
    %add3A_38 = arith.addf %get3A_25, %max3A_37 : vector<4000x32xf32>
    %swap3A = arith.constant 0 : index
    %swap3A_39 = arith.constant 0 : index
    %swap3A_40 = vector.load %arg6[%swap3A, %swap3A_39] : memref<4000x32xf32, #tpu.memory_space<vmem>>, vector<4000x32xf32>
    tpu.vector_store %arg6[%swap3A, %swap3A_39], %add3A_38 {strides = array<i32>} : memref<4000x32xf32, #tpu.memory_space<vmem>>, vector<4000x32xf32>,
    %get3A_41 = arith.constant 0 : index
    %get3A_42 = arith.constant 0 : index
    %get3A_43 = vector.load %arg5[%get3A_41, %get3A_42] : memref<32x32xf32, #tpu.memory_space<vmem>>, vector<32x32xf32>
    %dot_general3A_44 = arith.constant dense<0.000000e+00> : vector<4000x32xf32>
    %dot_general3A_45 = tpu.matmul %add3A_38, %get3A_43, %dot_general3A_44 {dimension_numbers = #tpu.dot_dimension_numbers<[1], [0], [0], [1], [0, 0, 1, 1], [], []>, transpose_lhs_hint = false} : vector<4000x32xf32>, vector<32x32xf32>, vector<4000x32xf32> -> vector<4000x32xf32>
    %swap3A_46 = arith.constant 0 : index
    %swap3A_47 = arith.constant 0 : index
    %swap3A_48 = vector.load %arg7[%swap3A_46, %swap3A_47] : memref<4000x32xf32, #tpu.memory_space<vmem>>, vector<4000x32xf32>
    tpu.vector_store %arg7[%swap3A_46, %swap3A_47], %dot_general3A_45 {strides = array<i32>} : memref<4000x32xf32, #tpu.memory_space<vmem>>, vector<4000x32xf32>,
    return
  }
}

module attributes {stable_mosaic.version = 14 : i64} {
  func.func @_c_root_body(%arg0: memref<4000x32xf32, #tpu.memory_space<vmem>>, %arg1: memref<2x4096x32xf32, #tpu.memory_space<vmem>>, %arg2: memref<2x10112x16xf32, #tpu.memory_space<vmem>>, %arg3: memref<32x32xf32, #tpu.memory_space<vmem>>, %arg4: memref<1x32xf32, #tpu.memory_space<vmem>>, %arg5: memref<4000x32xf32, #tpu.memory_space<vmem>>) attributes {dimension_semantics = [], scalar_prefetch = 0 : i64, scratch_operands = 0 : i64, tpu.core_type = #tpu.core_type<tc>} {
    %get3A = arith.constant 0 : index
    %get3A_0 = arith.constant 0 : index
    %get3A_1 = arith.constant 14 : index
    %get3A_2 = vector.load %arg2[%get3A, %get3A_0, %get3A_1] : memref<2x10112x16xf32, #tpu.memory_space<vmem>>, vector<1x4000x1xf32>
    %get3A_3 = vector.shape_cast %get3A_2 : vector<1x4000x1xf32> to vector<4000xf32>
    %get3A_4 = arith.constant 1 : index
    %get3A_5 = arith.constant 0 : index
    %get3A_6 = arith.constant 14 : index
    %get3A_7 = vector.load %arg2[%get3A_4, %get3A_5, %get3A_6] : memref<2x10112x16xf32, #tpu.memory_space<vmem>>, vector<1x4000x1xf32>
    %get3A_8 = vector.shape_cast %get3A_7 : vector<1x4000x1xf32> to vector<4000xf32>
    %add3A = arith.addf %get3A_3, %get3A_8 : vector<4000xf32>
    %max3A = arith.constant 1.000000e+00 : f32
    %max3A_9 = vector.broadcast %max3A : f32 to vector<4000xf32>
    %max3A_10 = arith.maximumf %add3A, %max3A_9 : vector<4000xf32>
    %broadcast_in_dim3A = vector.shape_cast %max3A_10 : vector<4000xf32> to vector<4000x1xf32>
    %get3A_11 = arith.constant 0 : index
    %get3A_12 = arith.constant 0 : index
    %get3A_13 = vector.load %arg0[%get3A_11, %get3A_12] : memref<4000x32xf32, #tpu.memory_space<vmem>>, vector<4000x32xf32>
    %get3A_14 = arith.constant 0 : index
    %get3A_15 = arith.constant 0 : index
    %get3A_16 = vector.load %arg3[%get3A_14, %get3A_15] : memref<32x32xf32, #tpu.memory_space<vmem>>, vector<32x32xf32>
    %dot_general3A = arith.constant dense<0.000000e+00> : vector<4000x32xf32>
    %dot_general3A_17 = tpu.matmul %get3A_13, %get3A_16, %dot_general3A {dimension_numbers = #tpu.dot_dimension_numbers<[1], [0], [0], [1], [0, 0, 1, 1], [], []>, transpose_lhs_hint = false} : vector<4000x32xf32>, vector<32x32xf32>, vector<4000x32xf32> -> vector<4000x32xf32>
    %get3A_18 = arith.constant 0 : index
    %get3A_19 = arith.constant 0 : index
    %get3A_20 = arith.constant 0 : index
    %get3A_21 = vector.load %arg1[%get3A_18, %get3A_19, %get3A_20] : memref<2x4096x32xf32, #tpu.memory_space<vmem>>, vector<1x4000x32xf32>
    %get3A_22 = vector.shape_cast %get3A_21 : vector<1x4000x32xf32> to vector<4000x32xf32>
    %get3A_23 = arith.constant 1 : index
    %get3A_24 = arith.constant 0 : index
    %get3A_25 = arith.constant 0 : index
    %get3A_26 = vector.load %arg1[%get3A_23, %get3A_24, %get3A_25] : memref<2x4096x32xf32, #tpu.memory_space<vmem>>, vector<1x4000x32xf32>
    %get3A_27 = vector.shape_cast %get3A_26 : vector<1x4000x32xf32> to vector<4000x32xf32>
    %add3A_28 = arith.addf %get3A_22, %get3A_27 : vector<4000x32xf32>
    %div3A = vector.broadcast %broadcast_in_dim3A : vector<4000x1xf32> to vector<4000x32xf32>
    %div3A_29 = arith.divf %add3A_28, %div3A : vector<4000x32xf32>
    %add3A_30 = arith.addf %dot_general3A_17, %div3A_29 : vector<4000x32xf32>
    %get3A_31 = arith.constant 0 : index
    %get3A_32 = arith.constant 0 : index
    %get3A_33 = vector.load %arg4[%get3A_31, %get3A_32] : memref<1x32xf32, #tpu.memory_space<vmem>>, vector<1x32xf32>
    %add3A_34 = vector.broadcast %get3A_33 : vector<1x32xf32> to vector<4000x32xf32>
    %add3A_35 = arith.addf %add3A_30, %add3A_34 : vector<4000x32xf32>
    %swap3A = arith.constant 0 : index
    %swap3A_36 = arith.constant 0 : index
    %swap3A_37 = vector.load %arg5[%swap3A, %swap3A_36] : memref<4000x32xf32, #tpu.memory_space<vmem>>, vector<4000x32xf32>
    tpu.vector_store %arg5[%swap3A, %swap3A_36], %add3A_35 {strides = array<i32>} : memref<4000x32xf32, #tpu.memory_space<vmem>>, vector<4000x32xf32>,
    return
  }
}

module attributes {stable_mosaic.version = 14 : i64} {
  func.func @_x_update_body(%arg0: memref<10000x64xf32, #tpu.memory_space<vmem>>, %arg1: memref<2x10112x32xf32, #tpu.memory_space<vmem>>, %arg2: memref<2x10112x16xf32, #tpu.memory_space<vmem>>, %arg3: memref<32x64xf32, #tpu.memory_space<vmem>>, %arg4: memref<1x64xf32, #tpu.memory_space<vmem>>, %arg5: memref<10000x64xf32, #tpu.memory_space<vmem>>) attributes {dimension_semantics = [], scalar_prefetch = 0 : i64, scratch_operands = 0 : i64, tpu.core_type = #tpu.core_type<tc>} {
    %get3A = arith.constant 0 : index
    %get3A_0 = arith.constant 0 : index
    %get3A_1 = arith.constant 15 : index
    %get3A_2 = vector.load %arg2[%get3A, %get3A_0, %get3A_1] : memref<2x10112x16xf32, #tpu.memory_space<vmem>>, vector<1x10000x1xf32>
    %get3A_3 = vector.shape_cast %get3A_2 : vector<1x10000x1xf32> to vector<10000xf32>
    %get3A_4 = arith.constant 1 : index
    %get3A_5 = arith.constant 0 : index
    %get3A_6 = arith.constant 15 : index
    %get3A_7 = vector.load %arg2[%get3A_4, %get3A_5, %get3A_6] : memref<2x10112x16xf32, #tpu.memory_space<vmem>>, vector<1x10000x1xf32>
    %get3A_8 = vector.shape_cast %get3A_7 : vector<1x10000x1xf32> to vector<10000xf32>
    %add3A = arith.addf %get3A_3, %get3A_8 : vector<10000xf32>
    %max3A = arith.constant 1.000000e+00 : f32
    %max3A_9 = vector.broadcast %max3A : f32 to vector<10000xf32>
    %max3A_10 = arith.maximumf %add3A, %max3A_9 : vector<10000xf32>
    %broadcast_in_dim3A = vector.shape_cast %max3A_10 : vector<10000xf32> to vector<10000x1xf32>
    %get3A_11 = arith.constant 0 : index
    %get3A_12 = arith.constant 0 : index
    %get3A_13 = arith.constant 0 : index
    %get3A_14 = vector.load %arg1[%get3A_11, %get3A_12, %get3A_13] : memref<2x10112x32xf32, #tpu.memory_space<vmem>>, vector<1x10000x32xf32>
    %get3A_15 = vector.shape_cast %get3A_14 : vector<1x10000x32xf32> to vector<10000x32xf32>
    %get3A_16 = arith.constant 1 : index
    %get3A_17 = arith.constant 0 : index
    %get3A_18 = arith.constant 0 : index
    %get3A_19 = vector.load %arg1[%get3A_16, %get3A_17, %get3A_18] : memref<2x10112x32xf32, #tpu.memory_space<vmem>>, vector<1x10000x32xf32>
    %get3A_20 = vector.shape_cast %get3A_19 : vector<1x10000x32xf32> to vector<10000x32xf32>
    %add3A_21 = arith.addf %get3A_15, %get3A_20 : vector<10000x32xf32>
    %div3A = vector.broadcast %broadcast_in_dim3A : vector<10000x1xf32> to vector<10000x32xf32>
    %div3A_22 = arith.divf %add3A_21, %div3A : vector<10000x32xf32>
    %get3A_23 = arith.constant 0 : index
    %get3A_24 = arith.constant 0 : index
    %get3A_25 = vector.load %arg0[%get3A_23, %get3A_24] : memref<10000x64xf32, #tpu.memory_space<vmem>>, vector<10000x64xf32>
    %get3A_26 = arith.constant 0 : index
    %get3A_27 = arith.constant 0 : index
    %get3A_28 = vector.load %arg3[%get3A_26, %get3A_27] : memref<32x64xf32, #tpu.memory_space<vmem>>, vector<32x64xf32>
    %dot_general3A = arith.constant dense<0.000000e+00> : vector<10000x64xf32>
    %dot_general3A_29 = tpu.matmul %div3A_22, %get3A_28, %dot_general3A {dimension_numbers = #tpu.dot_dimension_numbers<[1], [0], [0], [1], [0, 0, 1, 1], [], []>, transpose_lhs_hint = false} : vector<10000x32xf32>, vector<32x64xf32>, vector<10000x64xf32> -> vector<10000x64xf32>
    %get3A_30 = arith.constant 0 : index
    %get3A_31 = arith.constant 0 : index
    %get3A_32 = vector.load %arg4[%get3A_30, %get3A_31] : memref<1x64xf32, #tpu.memory_space<vmem>>, vector<1x64xf32>
    %add3A_33 = vector.broadcast %get3A_32 : vector<1x64xf32> to vector<10000x64xf32>
    %add3A_34 = arith.addf %dot_general3A_29, %add3A_33 : vector<10000x64xf32>
    %max3A_35 = arith.constant 0.000000e+00 : f32
    %max3A_36 = vector.broadcast %max3A_35 : f32 to vector<10000x64xf32>
    %max3A_37 = arith.maximumf %add3A_34, %max3A_36 : vector<10000x64xf32>
    %add3A_38 = arith.addf %get3A_25, %max3A_37 : vector<10000x64xf32>
    %swap3A = arith.constant 0 : index
    %swap3A_39 = arith.constant 0 : index
    %swap3A_40 = vector.load %arg5[%swap3A, %swap3A_39] : memref<10000x64xf32, #tpu.memory_space<vmem>>, vector<10000x64xf32>
    tpu.vector_store %arg5[%swap3A, %swap3A_39], %add3A_38 {strides = array<i32>} : memref<10000x64xf32, #tpu.memory_space<vmem>>, vector<10000x64xf32>,
    return
  }
}

</mosaic_0001>

<sc_bundles>
// kernel: kernel.23.cloned.1.call-start
scs
__scs_entry_jumppad:
0x0: {  	(pc) =	sbr.rel $0x88, $3  }
0x1: {  	(tag) =	ssettag $0x0;
	lr =	simm.s32 $0x1  }
0x2: {  	[smem:$0x3F76] =	sst lr;
	_ =	strace $0xD0000000  }
0x3: {  	_ = 	snop  }
0x4: {  	_ = 	snop  }
0x5: {  	_ = 	snop  }
0x6: {  	_ = 	snop  }
0x7: {  	_ = 	snop  }
__scs_overlays_trampoline_lowered:
0x8: {  	[smem:$0x3F85] =	sst s0  }
0x9: {  	[smem:$0x3F86] =	sst s1  }
0xa: {  	[smem:$0x3F87] =	sst s2  }
0xb: {  	[smem:$0x3F88] =	sst s3  }
0xc: {  	[smem:$0x3F89] =	sst s4  }
0xd: {  	[smem:$0x3F8A] =	sst s5  }
0xe: {  	[smem:$0x3F8B] =	sst s6  }
0xf: {  	[smem:$0x3F8C] =	sst s7  }
0x10: {  	[smem:$0x3F8D] =	sst s8  }
0x11: {  	[smem:$0x3F8E] =	sst s9;
	s0 =	simm.s32 @!p0 $0x0  }
0x12: {  	s1 =	sld [smem:$0x3F74];
	s0 =	simm.s32 @p0 $0x1  }
0x13: {  	[smem:$0x3F8F] =	sst s0;
	s0 =	simm.s32 @!p1 $0x0  }
0x14: {  	s2 =	sld [smem:$0x3F73];
	s0 =	simm.s32 @p1 $0x1  }
0x15: {  	[smem:$0x3F90] =	sst s0;
	s0 =	simm.s32 @!p2 $0x0  }
0x16: {  	s3 =	sld [smem:$0x3FDB];
	s0 =	simm.s32 @p2 $0x1  }
0x17: {  	s4 =	simm.s32 $0x1BF5;
	[smem:$0x3F92] =	sst s0  }
0x18: {  	s0 =	sld [smem:$0x3F75];
	_ =	swait.ge [sflag:s4], $0x0  }
0x19: {  	s7 =	sld [smem:$0x3F76]  }
0x1a: {  	s8 =	sadd.s32 $0xFFFFE003, lr  }
0x1b: {  	s9 =	sadd.s32 $0xFFFFFEF7, lr;
	s5 =	simm.s32 $0xFFFFFFFF;
	p2 =	slt.u32 s8, $0xFFFFF086  }
0x1c: {  	p1 =	slt.u32 s9, $0xF7A;
	s5 =	simm.s32 @!p2 $0x0  }
0x1d: {  	s5 =	simm.s32 @p1 $0x1;
	p0 =	seq.s32 s7, s2  }
0x1e: {  	s7 =	smul.u32 @!p0 $0xF7A, s2;
	p2 =	seq.s32 @!p0 s5, $0x0  }
0x1f: {  	s9 =	smul.u32 $0xF7A, s1;
	s8 =	simm.s32 @!p0 $0x1BF5;
	p2 =	por !p2, p0  }
0x20: {  	[sflag:s8] =	ssyncset.s32 @!p0 $0xFFFFF086;
	s6 =	sadd.s32 @!p0 s3, s7;
	s7 =	simm.s32 @!p0 $0x108  }
0x21: {  	s3 =	sadd.s32 s3, s9;
	s6 =	sadd.s32 @!p0 $0x88, s6;
	s7 =	simm.s32 @p2 $0x1082  }
0x22: {  	[simem:s7], [sflag:s8] =	dma.local @!p0 [hbm:s6], $0xF7A  }
0x23: {  	s9 =	sor.u32 $0xD0000000, s2;
	s6 =	simm.s32 $0x108;
	_ =	swait.ge @!p0 [sflag:s8], $0x0  }
0x24: {  	s3 =	sadd.s32 $0x88, s3;
	s6 =	simm.s32 @!p1 $0x1082;
	[sflag:s4] =	ssyncset.s32 $0xFFFFF086  }
0x25: {  	[simem:s6], [sflag:s4] =	dma.local [hbm:s3], $0xF7A  }
0x26: {  	[smem:$0x3F76] =	sst s1;
	(tag) =	ssettag s2;
	_ =	strace s9  }
0x27: {  	s1 =	sld [smem:$0x3F86]  }
0x28: {  	s2 =	sld [smem:$0x3F87]  }
0x29: {  	s4 =	sld [smem:$0x3F89]  }
0x2a: {  	p0 =	seq.s32 s5, $0x0;
	s5 =	sld [smem:$0x3F8A]  }
0x2b: {  	s6 =	sld [smem:$0x3F8B]  }
0x2c: {  	s7 =	sld [smem:$0x3F8C]  }
0x2d: {  	s3 =	simm.s32 $0x108;
	s8 =	sld [smem:$0x3F8D]  }
0x2e: {  	s3 =	simm.s32 @!p0 $0x1082;
	s9 =	sld [smem:$0x3F8E]  }
0x2f: {  	lr =	sadd.s32 s0, s3;
	s0 =	sld [smem:$0x3F85]  }
0x30: {  	s3 =	sld [smem:$0x3F88]  }
0x31: {  	[smem:$0x3F91] =	sst s10  }
0x32: {  	s10 =	sld [smem:$0x3F8F];
	_ =	sdelay $0x3  }
0x33: {  	p0 =	seq.s32 s10, $0x1;
	s10 =	sld [smem:$0x3F91];
	_ =	sdelay $0x3  }
0x34: {  	[smem:$0x3F91] =	sst s10  }
0x35: {  	s10 =	sld [smem:$0x3F90];
	_ =	sdelay $0x3  }
0x36: {  	p1 =	seq.s32 s10, $0x1;
	s10 =	sld [smem:$0x3F91];
	_ =	sdelay $0x3  }
0x37: {  	[smem:$0x3F91] =	sst s10  }
0x38: {  	s10 =	sld [smem:$0x3F92]  }
0x39: {  	_ = 	snop;
	(pc) =	sbr.ind lr, $3  }
0x3a: {  	_ = 	snop  }
0x3b: {  	_ = 	snop  }
0x3c: {  	p2 =	seq.s32 s10, $0x1;
	s10 =	sld [smem:$0x3F91]  }
0x3d: {  	_ =	shalt  }
0x3e: {  	_ =	shalt  }
0x3f: {  	_ =	shalt  }
0x40: {  	_ =	shalt  }
0x41: {  	_ =	shalt  }
0x42: {  	_ =	shalt  }
0x43: {  	_ =	shalt  }
0x44: {  	_ =	shalt  }
0x45: {  	_ =	shalt  }
0x46: {  	_ =	shalt  }
0x47: {  	_ =	shalt  }
0x48: {  	_ =	shalt  }
0x49: {  	_ =	shalt  }
0x4a: {  	_ =	shalt  }
0x4b: {  	_ =	shalt  }
0x4c: {  	_ =	shalt  }
0x4d: {  	_ =	shalt  }
0x4e: {  	_ =	shalt  }
0x4f: {  	_ =	shalt  }
0x50: {  	_ =	shalt  }
0x51: {  	_ =	shalt  }
0x52: {  	_ =	shalt  }
0x53: {  	_ =	shalt  }
0x54: {  	_ =	shalt  }
0x55: {  	_ =	shalt  }
0x56: {  	_ =	shalt  }
0x57: {  	_ =	shalt  }
0x58: {  	_ =	shalt  }
0x59: {  	_ =	shalt  }
0x5a: {  	_ =	shalt  }
0x5b: {  	_ =	shalt  }
0x5c: {  	_ =	shalt  }
0x5d: {  	_ =	shalt  }
0x5e: {  	_ =	shalt  }
0x5f: {  	_ =	shalt  }
0x60: {  	_ =	shalt  }
0x61: {  	_ =	shalt  }
0x62: {  	_ =	shalt  }
0x63: {  	_ =	shalt  }
0x64: {  	_ =	shalt  }
0x65: {  	_ =	shalt  }
0x66: {  	_ =	shalt  }
0x67: {  	_ =	shalt  }
0x68: {  	_ =	shalt  }
0x69: {  	_ =	shalt  }
0x6a: {  	_ =	shalt  }
0x6b: {  	_ =	shalt  }
0x6c: {  	_ =	shalt  }
0x6d: {  	_ =	shalt  }
0x6e: {  	_ =	shalt  }
0x6f: {  	_ =	shalt  }
0x70: {  	_ =	shalt  }
0x71: {  	_ =	shalt  }
0x72: {  	_ =	shalt  }
0x73: {  	_ =	shalt  }
0x74: {  	_ =	shalt  }
0x75: {  	_ =	shalt  }
0x76: {  	_ =	shalt  }
0x77: {  	_ =	shalt  }
0x78: {  	_ =	shalt  }
0x79: {  	_ =	shalt  }
0x7a: {  	_ =	shalt  }
0x7b: {  	_ =	shalt  }
0x7c: {  	_ =	shalt  }
0x7d: {  	_ =	shalt  }
0x7e: {  	_ =	shalt  }
0x7f: {  	_ =	shalt  }
0x80: {  	_ =	shalt  }
0x81: {  	_ =	shalt  }
0x82: {  	_ =	shalt  }
0x83: {  	_ =	shalt  }
0x84: {  	_ =	shalt  }
0x85: {  	_ =	shalt  }
0x86: {  	_ =	shalt  }
0x87: {  	_ =	shalt  }
.Lfunc_end0:
.L_simem_size_0:
called_computation_lowered:
.L_overlay_start_0:
0x88: {  	s2 =	sld [smem:$0x3FD9]  }
0x89: {  	s3 =	sld [smem:$0x3FFE];
	_ =	sdelay $0x1  }
0x8a: {  	s1 =	srdreg.scid  }
0x8b: {  	s0 =	sand.u32 $0x1, s1  }
0x8c: {  	s14 =	sshll.u32 s0, $0xA;
	s2 =	sadd.s32 s3, s2  }
0x8d: {  	s2 =	sadd.s32 s2, s14  }
0x8e: {  	[smem:$0x3F9D] =	sst s2  }
0x8f: {  	_ = 	snop  }
0x90: {  	s2 =	sld [smem:$0x3FD0];
	_ =	sdelay $0x2  }
0x91: {  	s15 =	simm.s32 $0xA;
	s4 =	simm.s32 $0x10  }
0x92: {  	[smem:s4], [sflag:s15] =	dma.local [hbm:s2], $0x1  }
0x93: {  	_ =	swait.eq [sflag:s15], $0x1  }
0x94: {  	[sflag:s15] =	ssyncset.done $0x0  }
0x95: {  	[sflag:s15] =	ssyncadd.s32 $0xFFFFFFFF  }
0x96: {  	s16 =	sld [smem:$0x10];
	(tm) =	ssettm $0x1  }
0x97: {  	s17 =	sld [smem:$0x3FFB];
	_ =	sdelay $0x3  }
0x98: {  	_ =	strace s17  }
0x99: {  	s3 =	sld [smem:$0x3FFC];
	_ =	sdelay $0x3  }
0x9a: {  	_ =	strace s3  }
0x9b: {  	s3 =	sld [smem:$0x3FFD];
	_ =	sdelay $0x3  }
0x9c: {  	_ =	strace s3  }
0x9d: {  	_ =	strace $0x8FFFFFFF  }
0x9e: {  	s18 =	sld [smem:$0x3FDB];
	_ =	sdelay $0x1  }
0x9f: {  	s19 =	simm.s32 $_scs_section_size  }
0xa0: {  	s5 =	simm.s32 $_size__tile_overlayer_lowered;
	s6 =	simm.s32 $_tile_overlayer_lowered  }
0xa1: {  	s22 =	simm.s32 $0x1BFF;
	s21 =	sshll.u32 s6, $0x1;
	s3 =	sadd.s32 s19, s18  }
0xa2: {  	s7 =	simm.s32 $0x0;
	s20 =	sshll.u32 s5, $0x1;
	s5 =	sadd.s32 s21, s3  }
0xa3: {  	[timem:s7], [sflag:s22] =	dma.local [hbm:s5], s20  }
0xa4: {  	_ =	swait.ge [sflag:s22], s20  }
0xa5: {  	s4 =	ssub.s32 $0x0, s20;
	[sflag:s22] =	ssyncset.done $0x0  }
0xa6: {  	[sflag:s22] =	ssyncadd.s32 s4;
	_ =	sdelay $0x1  }
0xa7: {  	s23 =	simm.s32 $0x1B8B  }
0xa8: {  	_ =	swait.ge [sflag:s23], $0x1  }
0xa9: {  	[sflag:s23] =	ssyncset.done $0x0  }
0xaa: {  	s25 =	simm.s32 $0x1B8E;
	s24 =	sld [smem:$0x3FFE];
	[sflag:s23] =	ssyncadd.s32 $0xFFFFFFFF  }
0xab: {  	s26 =	simm.s32 $execute0_lowered;
	[smem:$0x3FD2] =	sst s25  }
0xac: {  	s5 =	sshll.u32 s26, $0x1;
	_ =	strace $0x80000046;
	[dreg:$0x1] =	wrdreg $0xFFFFFFFF  }
0xad: {  	s28 =	simm.s32 $_size_execute0_lowered;
	s3 =	sadd.s32 s3, s5;
	[dreg:$0x0] =	wrdreg $0x0  }
0xae: {  	s5 =	sshll.u32 s28, $0x1;
	[dreg:$0x2] =	wrdreg s3  }
0xaf: {  	[dreg:$0x3] =	wrdreg s5  }
0xb0: {  	[dreg:$0x4] =	wrdreg $0xC0  }
0xb1: {  	_ =	task [dreg:s7], $0x5FFFF  }
0xb2: {  	[dreg:$0x1] =	wrdreg $0xFFFFFFFF  }
0xb3: {  	[dreg:$0x0] =	wrdreg $0x60  }
0xb4: {  	[dreg:$0x2] =	wrdreg s24  }
0xb5: {  	[dreg:$0x3] =	wrdreg s16  }
0xb6: {  	[dreg:$0x4] =	wrdreg $0x1D4100  }
0xb7: {  	[dreg:$0x5] =	wrdreg $0x9  }
0xb8: {  	_ =	task.clear_ibuf [dreg:s7], $0x6FFFF;
	_ =	strace $0x90000046  }
0xb9: {  	s29 =	simm.s32 $0x9;
	_ =	strace $0x80000048  }
0xba: {  	_ =	swait.ge [sflag:s29], $0x1  }
0xbb: {  	[sflag:s29] =	ssyncadd.s32 $0xFFFFFFFF  }
0xbc: {  	_ =	strace $0x90000048  }
0xbd: {  	_ =	sfence  }
0xbe: {  	s30 =	sld [smem:$0x0];
	_ =	sdelay $0x2  }
0xbf: {  	s31 =	sshll.u32 s1, $0xD;
	s1 =	sshrl.u32 s1, $0x2  }
0xc0: {  	s3 =	sand.u32 $0x4000, s31;
	s1 =	sadd.s32 s1, s30  }
0xc1: {  	s0 =	sor.u32 s3, s0;
	s1 =	sshll.u32 s1, $0x11  }
0xc2: {  	s0 =	sor.u32 s1, s0  }
0xc3: {  	s0 =	sadd.s32 $0x8F2B, s0  }
0xc4: {  	[sflag:s0] =	ssyncadd.remote.s32 $0x1  }
0xc5: {  	_ =	sfence.sel $0xFFFF  }
0xc6: {  	[dreg:$0x0] =	wrdreg $0xFFFFFFFF;
	(pc) =	sbr.abs _section_cstart, $3  }
0xc7: {  	[dreg:$0x1] =	wrdreg $0xFFFFFFFF  }
0xc8: {  	_ =	task.clear_ibuf [dreg:s7], $0x2FFFF;
	_ =	strace $0x9FFFFFFF  }
0xc9: {  	(tm) =	ssettm $0x7FFFFFFF  }
tec
execute0_lowered:
.L_overlay_start_1:
0x0: {  	(tag) =	ssettag $0x1  }
0x1: {  	s0 =	rddreg [dreg:$0x0]  }
0x2: {  	s1 =	rddreg [dreg:$0x1]  }
0x3: {  	s2 =	rddreg [dreg:$0x2]  }
0x4: {  	s4 =	srdreg.scid;
	s15 =	stileid.u32  }
0x5: {  	s3 =	simm.s32 $0x0;
	s28 =	simm.s32 $0x4650;
	s29 =	simm.s32 $0x2  }
0x6: {  	s30 =	simm.s32 $0x18650;
	s31 =	simm.s32 $0x3E8;
	s5 =	sand.u32 $0x1, s4  }
0x7: {  	s14 =	sshll.u32 s15, $0x1;
	[smem:$0x7FF] =	sst s3;
	s4 =	sadd.s32 $0x14C00, s0  }
0x8: {  	s8 =	sadd.s32 $0xFC00, s0;
	s11 =	sadd.s32 $0x5A00, s0;
	s13 =	sadd.s32 $0x6200, s0  }
0x9: {  	s21 =	smul.u32 $0x2780, s15;
	s6 =	sor.u32 s5, s14;
	_ =	strace $0x80000047  }
0xa: {  	[dreg:$0x4] =	wrdreg s11;
	s16 =	ssub.s32 $0x2, s5;
	s5 =	smul.u32 $0x27800, s5  }
0xb: {  	s10 =	sadd.s32 $0x6800, s0;
	[dreg:$0x5] =	wrdreg s13;
	s7 =	smul.u32 $0x28, s6  }
0xc: {  	s9 =	sshll.u32 s6, $0x5;
	s12 =	smul.u32 $0x1388, s6;
	s17 =	sshrl.u32 s16, $0x1  }
0xd: {  	s6 =	smul.u32 $0x2800, s6;
	s9 =	sadd.s32 s9, s0;
	s11 =	ssub.s32 s16, s17  }
0xe: {  	s5 =	sadd.s32 s21, s5;
	s17 =	sadd.s32 $0x5E00, s0;
	s21 =	sadd.s32 s21, s2  }
0xf: {  	s7 =	sadd.s32 s7, s0;
	s14 =	sshrl.u32 s12, $0x3;
	s18 =	sadd.s32 $0x3E8, s12  }
0x10: {  	s12 =	sadd.s32 $0xBB8, s12;
	s5 =	sshrl.u32 s5, $0x3;
	s26 =	sadd.s32 s6, s0  }
0x11: {  	s6 =	simm.s32 $0x140;
	s19 =	sadd.s32 s8, s14;
	s13 =	sshrl.u32 s18, $0x3  }
0x12: {  	s20 =	sadd.s32 s10, s14;
	s23 =	sadd.s32 $0xFA, s14;
	s12 =	sshrl.u32 s12, $0x3  }
0x13: {  	s16 =	sadd.s32 $0x1F4, s14;
	s18 =	sadd.s32 s1, s5;
	[dreg:$0x6] =	wrdreg s19  }
0x14: {  	s1 =	simm.s32 $0x1ADD0;
	s5 =	simm.s32 $0x1AF10;
	[dreg:$0x7] =	wrdreg s20  }
0x15: {  	s22 =	sadd.s32 s8, s13;
	s13 =	sadd.s32 s10, s13;
	s24 =	sadd.s32 s8, s23  }
0x16: {  	s25 =	sadd.s32 s8, s12;
	s14 =	sadd.s32 s10, s12;
	s15 =	sadd.s32 s8, s16  }
0x17: {  	s16 =	sadd.s32 s10, s16;
	s19 =	sadd.s32 $0xB800, s0;
	[dreg:$0x8] =	wrdreg s22  }
0x18: {  	s20 =	sadd.s32 $0x3BE00, s0;
	s0 =	simm.s32 $0x7D0;
	[dreg:$0x9] =	wrdreg s13  }
0x19: {  	s8 =	simm.s32 $0x1C410;
	[dreg:$0xa] =	wrdreg s24;
	s13 =	sadd.s32 s10, s23  }
0x1a: {  	[dreg:$0xc] =	wrdreg s25;
	s22 =	sadd.s32 $0xE000, s7;
	s23 =	sadd.s32 $0xF200, s7  }
0x1b: {  	v0 =	vlaneseq.u32;
	vm0 =	vcmask $0x2F20;
	vm1 =	vcmask $0xF00;
	s24 =	sadd.s32 $0xF800, s9;
	s25 =	sadd.s32 $0x3C400, s26;
	s26 =	smax.u32 s11, $0x1  }
0x1c: {  	v0 =	vand.u32 $0x7, v0;
	vm0 =	vmor vm1, vm0;
	s7 =	simm.s32 $0x1C310;
	s9 =	simm.s32 $0x0;
	[dreg:$0xb] =	wrdreg s13  }
.LBB2_1:
0x1d: {  	[tilespmem:s28], [sflag:$0x2] =	stream.linear.gather [hbm4b:s19+s3], $0x14000, $0x38;
	[tilespmem:$0x1FB90] =	vst v63  }
0x1e: {  	_ =	swait.ge [sflag:s29], $0x14000  }
0x1f: {  	[sflag:s29] =	ssyncset.done $0x0  }
0x20: {  	[sflag:s29] =	ssyncadd.s32 $0xFFFEC000  }
0x21: {  	[tilespmem:s30], [sflag:$0x2] =	stream.linear.gather [hbm4b:s20+s3], $0x2780, $0x38;
	[tilespmem:$0x1FB90] =	vst v63  }
0x22: {  	_ =	swait.ge [sflag:s29], $0x2780  }
0x23: {  	[sflag:s29] =	ssyncset.done $0x0  }
0x24: {  	[sflag:s29] =	ssyncadd.s32 $0xFFFFD880  }
0x25: {  	[spmem:s21] =	stream.linear.scatter [tilespmem:s30], [sflag:$0x2], $0x2780, $0x38;
	[tilespmem:$0x1FB90] =	vst v63  }
0x26: {  	_ =	swait.ge [sflag:s29], $0x2780  }
0x27: {  	[sflag:s29] =	ssyncset.done $0x0  }
0x28: {  	[sflag:s29] =	ssyncadd.s32 $0xFFFFD880  }
0x29: {  	[bflag:$0x0] =	sbarrier.arrive $0xFFFF  }
0x2a: {  	s10 =	rddreg [dreg:$0x6]  }
0x2b: {  	[tilespmem:s3], [sflag:$0x2] =	stream.linear.gather [hbm4b:s10+s3], $0x3E8, $0x38;
	[tilespmem:$0x1FB90] =	vst v63  }
0x2c: {  	_ =	swait.ge [sflag:s29], $0x3E8  }
0x2d: {  	[sflag:s29] =	ssyncset.done $0x0  }
0x2e: {  	s11 =	rddreg [dreg:$0x7];
	[sflag:s29] =	ssyncadd.s32 $0xFFFFFC18  }
0x2f: {  	[tilespmem:s31], [sflag:$0x2] =	stream.linear.gather [hbm4b:s11+s3], $0x3E8, $0x38;
	[tilespmem:$0x1FB90] =	vst v63  }
0x30: {  	_ =	swait.ge [sflag:s29], $0x3E8  }
0x31: {  	[sflag:s29] =	ssyncset.done $0x0  }
0x32: {  	s12 =	simm.s32 $0x0;
	s11 =	simm.s32 $0x1;
	[sflag:s29] =	ssyncadd.s32 $0xFFFFFC18  }
0x33: {  	v1 =	vmov s12;
	[tilespmem:s0], [sflag:$0x1] =	stream.indirect.gather [hbm4b:s4+s31], $0x10, s3, s31, $0xb8;
	[tilespmem:$0x1FB90] =	vst v63  }
0x34: {  	v1 =	vand.u32 $0xFFFFFFFE, v1;
	_ =	swait.ge [sflag:s11], $0x3E80  }
0x35: {  	v1 =	vbroadcast v1, $0x0;
	[sflag:s11] =	ssyncset.done $0x0  }
0x36: {  	[sflag:s11] =	ssyncadd.s32 $0xFFFFC180  }
0x37: {  	[spmem:s2] =	stream.indirect.scatter.add.f32 [tilespmem:s0], [sflag:$0x2], $0x10, s31, s31, $0xb8;
	[tilespmem:$0x1FB90] =	vst v63  }
0x38: {  	_ =	swait.ge [sflag:s29], $0x3E80  }
0x39: {  	[sflag:s29] =	ssyncset.done $0x0  }
0x3a: {  	[sflag:s29] =	ssyncadd.s32 $0xFFFFC180  }
0x3b: {  	v1 =	vld.idx.msk [tilespmem:v1+s31+$0x0], $0xffff;
	_ =	sdelay $0x4  }
0x3c: {  	v1 =	vshll.u32 v1, $0x3  }
0x3d: {  	v1 =	vor.u32 v0, v1;
	_ =	sdelay $0x2  }
0x3e: {  	s10 =	simm.s32 $0x7E0  }
0x3f: {  	v3 =	vld [tilespmem:s10+$0xFFFFFFF0]  }
0x40: {  	v2 =	vld.idx.msk [tilespmem:v1+s28+$0x0], $0xffff;
	_ =	sdelay $0x2  }
0x41: {  	v4 =	vmov s11;
	_ =	sdelay $0x1  }
0x42: {  	v5 =	vmax.f32 v2, v3;
	v2 =	vmin.f32 v2, v3  }
0x43: {  	v2 =	vsel vm0, v5, v2  }
0x44: {  	[tilespmem:v1+s28+$0x0] =	vst.idx.msk $0xff, v2  }
0x45: {  	v1 =	vld.idx.msk [tilespmem:v4+s31+$0x0], $0xffff;
	_ =	sdelay $0x4  }
0x46: {  	v1 =	vshll.u32 v1, $0x3  }
0x47: {  	v1 =	vor.u32 v0, v1;
	_ =	sdelay $0x3  }
0x48: {  	v3 =	vld [tilespmem:s10+$0x0]  }
0x49: {  	v2 =	vld.idx.msk [tilespmem:v1+s28+$0x0], $0xffff;
	_ =	sdelay $0x1  }
0x4a: {  	s13 =	simm.s32 $0x2  }
0x4b: {  	v4 =	vmov s13  }
0x4c: {  	v4 =	vand.u32 $0xFFFFFFFE, v4  }
0x4d: {  	v5 =	vmax.f32 v2, v3;
	v3 =	vmin.f32 v2, v3;
	v2 =	vbroadcast v4, $0x0;
	_ =	sdelay $0x2  }
0x4e: {  	s12 =	simm.s32 $0x5;
	s11 =	simm.s32 $0x3;
	v3 =	vsel vm0, v5, v3  }
.LBB2_2:
0x4f: {  	p0 =	sne.s32 s12, $0x3E7  }
0x50: {  	[tilespmem:v1+s28+$0x0] =	vst.idx.msk $0xff, v3;
	s10 =	sadd.s32 $0x20, s10;
	s13 =	smov.u32 s12;
	s12 =	sadd.s32 $0x2, s12  }
0x51: {  	v1 =	vld.idx.msk [tilespmem:v2+s31+$0x0], $0xffff;
	_ =	sdelay $0x5  }
0x52: {  	v1 =	vshll.u32 v1, $0x3  }
0x53: {  	v1 =	vor.u32 v0, v1;
	_ =	sdelay $0x4  }
0x54: {  	v2 =	vld.idx.msk [tilespmem:v1+s28+$0x0], $0xffff  }
0x55: {  	v3 =	vld [tilespmem:s10+$0xFFFFFFF0];
	_ =	sdelay $0x2  }
0x56: {  	v4 =	vmov s11;
	s11 =	smov.u32 s13;
	_ =	sdelay $0x1  }
0x57: {  	v5 =	vmax.f32 v2, v3;
	v2 =	vmin.f32 v2, v3  }
0x58: {  	v2 =	vsel vm0, v5, v2  }
0x59: {  	[tilespmem:v1+s28+$0x0] =	vst.idx.msk $0xff, v2  }
0x5a: {  	v1 =	vld.idx.msk [tilespmem:v4+s31+$0x0], $0xffff;
	_ =	sdelay $0x5  }
0x5b: {  	v1 =	vshll.u32 v1, $0x3  }
0x5c: {  	v1 =	vor.u32 v0, v1;
	_ =	sdelay $0x4  }
0x5d: {  	s13 =	sadd.s32 $0xFFFFFFFF, s11;
	v3 =	vld.idx.msk [tilespmem:v1+s28+$0x0], $0xffff  }
0x5e: {  	v2 =	vmov s13;
	v4 =	vld [tilespmem:s10+$0x0]  }
0x5f: {  	v2 =	vand.u32 $0xFFFFFFFE, v2  }
.Ltmp0:
0x60: {  	v2 =	vbroadcast v2, $0x0;
	(pc) =	sbr.rel @p0 .LBB2_2-.Ltmp0, $3  }
0x61: {  	_ =	sdelay $0x1  }
0x62: {  	v5 =	vmax.f32 v3, v4;
	v3 =	vmin.f32 v3, v4  }
0x63: {  	v3 =	vsel vm0, v5, v3  }
0x64: {  	_ =	sdelay $0x3  }
0x65: {  	[tilespmem:v1+s28+$0x0] =	vst.idx.msk $0xff, v3  }
0x66: {  	v1 =	vld.idx.msk [tilespmem:v2+s31+$0x0], $0xffff;
	_ =	sdelay $0x4  }
0x67: {  	v1 =	vshll.u32 v1, $0x3  }
0x68: {  	v1 =	vor.u32 v0, v1;
	_ =	sdelay $0x2  }
0x69: {  	s10 =	sadd.s32 $0x20, s10  }
0x6a: {  	v3 =	vld [tilespmem:s10+$0xFFFFFFF0]  }
0x6b: {  	v2 =	vld.idx.msk [tilespmem:v1+s28+$0x0], $0xffff;
	_ =	sdelay $0x2  }
0x6c: {  	v4 =	vmov s11;
	_ =	sdelay $0x1  }
0x6d: {  	v5 =	vmax.f32 v2, v3;
	v2 =	vmin.f32 v2, v3  }
0x6e: {  	v2 =	vsel vm0, v5, v2  }
0x6f: {  	[tilespmem:v1+s28+$0x0] =	vst.idx.msk $0xff, v2  }
0x70: {  	v1 =	vld.idx.msk [tilespmem:v4+s31+$0x0], $0xffff;
	_ =	sdelay $0x4  }
0x71: {  	v1 =	vshll.u32 v1, $0x3  }
0x72: {  	v1 =	vor.u32 v0, v1;
	_ =	sdelay $0x3  }
0x73: {  	v3 =	vld [tilespmem:s10+$0x0]  }
0x74: {  	v2 =	vld.idx.msk [tilespmem:v1+s28+$0x0], $0xffff;
	_ =	sdelay $0x4  }
0x75: {  	v4 =	vmax.f32 v2, v3;
	v2 =	vmin.f32 v2, v3  }
0x76: {  	v2 =	vsel vm0, v4, v2  }
0x77: {  	s12 =	rddreg [dreg:$0x8];
	[tilespmem:v1+s28+$0x0] =	vst.idx.msk $0xff, v2  }
0x78: {  	[tilespmem:s3], [sflag:$0x2] =	stream.linear.gather [hbm4b:s12+s3], $0x3E8, $0x38;
	[tilespmem:$0x1FB90] =	vst v63  }
0x79: {  	_ =	swait.ge [sflag:s29], $0x3E8  }
0x7a: {  	[sflag:s29] =	ssyncset.done $0x0  }
0x7b: {  	s13 =	rddreg [dreg:$0x9];
	[sflag:s29] =	ssyncadd.s32 $0xFFFFFC18  }
0x7c: {  	[tilespmem:s31], [sflag:$0x2] =	stream.linear.gather [hbm4b:s13+s3], $0x3E8, $0x38;
	[tilespmem:$0x1FB90] =	vst v63  }
0x7d: {  	_ =	swait.ge [sflag:s29], $0x3E8  }
0x7e: {  	[sflag:s29] =	ssyncset.done $0x0  }
0x7f: {  	s11 =	simm.s32 $0x0;
	s12 =	simm.s32 $0x1;
	[sflag:s29] =	ssyncadd.s32 $0xFFFFFC18  }
0x80: {  	v1 =	vmov s11;
	[tilespmem:s0], [sflag:$0x1] =	stream.indirect.gather [hbm4b:s4+s31], $0x10, s3, s31, $0xb8;
	[tilespmem:$0x1FB90] =	vst v63  }
0x81: {  	v1 =	vand.u32 $0xFFFFFFFE, v1;
	_ =	swait.ge [sflag:s12], $0x3E80  }
0x82: {  	v1 =	vbroadcast v1, $0x0;
	[sflag:s12] =	ssyncset.done $0x0  }
0x83: {  	[sflag:s12] =	ssyncadd.s32 $0xFFFFC180  }
0x84: {  	[spmem:s2] =	stream.indirect.scatter.add.f32 [tilespmem:s0], [sflag:$0x2], $0x10, s31, s31, $0xb8;
	[tilespmem:$0x1FB90] =	vst v63  }
0x85: {  	_ =	swait.ge [sflag:s29], $0x3E80  }
0x86: {  	[sflag:s29] =	ssyncset.done $0x0  }
0x87: {  	[sflag:s29] =	ssyncadd.s32 $0xFFFFC180  }
0x88: {  	v1 =	vld.idx.msk [tilespmem:v1+s31+$0x0], $0xffff;
	_ =	sdelay $0x4  }
0x89: {  	v1 =	vshll.u32 v1, $0x3  }
0x8a: {  	v1 =	vor.u32 v0, v1;
	_ =	sdelay $0x2  }
0x8b: {  	s10 =	simm.s32 $0x7E0  }
0x8c: {  	v3 =	vld [tilespmem:s10+$0xFFFFFFF0]  }
0x8d: {  	v2 =	vld.idx.msk [tilespmem:v1+s28+$0x0], $0xffff;
	_ =	sdelay $0x2  }
0x8e: {  	v4 =	vmov s12;
	_ =	sdelay $0x1  }
0x8f: {  	v5 =	vmax.f32 v2, v3;
	v2 =	vmin.f32 v2, v3  }
0x90: {  	v2 =	vsel vm0, v5, v2  }
0x91: {  	[tilespmem:v1+s28+$0x0] =	vst.idx.msk $0xff, v2  }
0x92: {  	v1 =	vld.idx.msk [tilespmem:v4+s31+$0x0], $0xffff;
	_ =	sdelay $0x4  }
0x93: {  	v1 =	vshll.u32 v1, $0x3  }
0x94: {  	v1 =	vor.u32 v0, v1;
	_ =	sdelay $0x3  }
0x95: {  	v3 =	vld [tilespmem:s10+$0x0]  }
0x96: {  	v2 =	vld.idx.msk [tilespmem:v1+s28+$0x0], $0xffff;
	_ =	sdelay $0x1  }
0x97: {  	s13 =	simm.s32 $0x2  }
0x98: {  	v4 =	vmov s13  }
0x99: {  	v4 =	vand.u32 $0xFFFFFFFE, v4  }
0x9a: {  	v5 =	vmax.f32 v2, v3;
	v3 =	vmin.f32 v2, v3;
	v2 =	vbroadcast v4, $0x0;
	_ =	sdelay $0x2  }
0x9b: {  	s11 =	simm.s32 $0x3;
	s12 =	simm.s32 $0x5;
	v3 =	vsel vm0, v5, v3  }
.LBB2_4:
0x9c: {  	p0 =	sne.s32 s12, $0x3E7  }
0x9d: {  	[tilespmem:v1+s28+$0x0] =	vst.idx.msk $0xff, v3;
	s10 =	sadd.s32 $0x20, s10;
	s13 =	smov.u32 s12;
	s12 =	sadd.s32 $0x2, s12  }
0x9e: {  	v1 =	vld.idx.msk [tilespmem:v2+s31+$0x0], $0xffff;
	_ =	sdelay $0x5  }
0x9f: {  	v1 =	vshll.u32 v1, $0x3  }
0xa0: {  	v1 =	vor.u32 v0, v1;
	_ =	sdelay $0x4  }
0xa1: {  	v2 =	vld.idx.msk [tilespmem:v1+s28+$0x0], $0xffff  }
0xa2: {  	v3 =	vld [tilespmem:s10+$0xFFFFFFF0];
	_ =	sdelay $0x2  }
0xa3: {  	v4 =	vmov s11;
	s11 =	smov.u32 s13;
	_ =	sdelay $0x1  }
0xa4: {  	v5 =	vmax.f32 v2, v3;
	v2 =	vmin.f32 v2, v3  }
0xa5: {  	v2 =	vsel vm0, v5, v2  }
0xa6: {  	[tilespmem:v1+s28+$0x0] =	vst.idx.msk $0xff, v2  }
0xa7: {  	v1 =	vld.idx.msk [tilespmem:v4+s31+$0x0], $0xffff;
	_ =	sdelay $0x5  }
0xa8: {  	v1 =	vshll.u32 v1, $0x3  }
0xa9: {  	v1 =	vor.u32 v0, v1;
	_ =	sdelay $0x4  }
0xaa: {  	s13 =	sadd.s32 $0xFFFFFFFF, s11;
	v3 =	vld.idx.msk [tilespmem:v1+s28+$0x0], $0xffff  }
0xab: {  	v2 =	vmov s13;
	v4 =	vld [tilespmem:s10+$0x0]  }
0xac: {  	v2 =	vand.u32 $0xFFFFFFFE, v2  }
.Ltmp1:
0xad: {  	v2 =	vbroadcast v2, $0x0;
	(pc) =	sbr.rel @p0 .LBB2_4-.Ltmp1, $3  }
0xae: {  	_ =	sdelay $0x1  }
0xaf: {  	v5 =	vmax.f32 v3, v4;
	v3 =	vmin.f32 v3, v4  }
0xb0: {  	v3 =	vsel vm0, v5, v3  }
0xb1: {  	_ =	sdelay $0x3  }
0xb2: {  	[tilespmem:v1+s28+$0x0] =	vst.idx.msk $0xff, v3  }
0xb3: {  	v1 =	vld.idx.msk [tilespmem:v2+s31+$0x0], $0xffff;
	_ =	sdelay $0x4  }
0xb4: {  	v1 =	vshll.u32 v1, $0x3  }
0xb5: {  	v1 =	vor.u32 v0, v1;
	_ =	sdelay $0x2  }
0xb6: {  	s10 =	sadd.s32 $0x20, s10  }
0xb7: {  	v3 =	vld [tilespmem:s10+$0xFFFFFFF0]  }
0xb8: {  	v2 =	vld.idx.msk [tilespmem:v1+s28+$0x0], $0xffff;
	_ =	sdelay $0x2  }
0xb9: {  	v4 =	vmov s11;
	_ =	sdelay $0x1  }
0xba: {  	v5 =	vmax.f32 v2, v3;
	v2 =	vmin.f32 v2, v3  }
0xbb: {  	v2 =	vsel vm0, v5, v2  }
0xbc: {  	[tilespmem:v1+s28+$0x0] =	vst.idx.msk $0xff, v2  }
0xbd: {  	v1 =	vld.idx.msk [tilespmem:v4+s31+$0x0], $0xffff;
	_ =	sdelay $0x4  }
0xbe: {  	v1 =	vshll.u32 v1, $0x3  }
0xbf: {  	v1 =	vor.u32 v0, v1;
	_ =	sdelay $0x3  }
0xc0: {  	v3 =	vld [tilespmem:s10+$0x0]  }
0xc1: {  	v2 =	vld.idx.msk [tilespmem:v1+s28+$0x0], $0xffff;
	_ =	sdelay $0x4  }
0xc2: {  	v4 =	vmax.f32 v2, v3;
	v2 =	vmin.f32 v2, v3  }
0xc3: {  	v2 =	vsel vm0, v4, v2  }
0xc4: {  	s12 =	rddreg [dreg:$0xa];
	[tilespmem:v1+s28+$0x0] =	vst.idx.msk $0xff, v2  }
0xc5: {  	[tilespmem:s3], [sflag:$0x2] =	stream.linear.gather [hbm4b:s12+s3], $0x3E8, $0x38;
	[tilespmem:$0x1FB90] =	vst v63  }
0xc6: {  	_ =	swait.ge [sflag:s29], $0x3E8  }
0xc7: {  	[sflag:s29] =	ssyncset.done $0x0  }
0xc8: {  	s13 =	rddreg [dreg:$0xb];
	[sflag:s29] =	ssyncadd.s32 $0xFFFFFC18  }
0xc9: {  	[tilespmem:s31], [sflag:$0x2] =	stream.linear.gather [hbm4b:s13+s3], $0x3E8, $0x38;
	[tilespmem:$0x1FB90] =	vst v63  }
0xca: {  	_ =	swait.ge [sflag:s29], $0x3E8  }
0xcb: {  	[sflag:s29] =	ssyncset.done $0x0  }
0xcc: {  	s11 =	simm.s32 $0x0;
	s12 =	simm.s32 $0x1;
	[sflag:s29] =	ssyncadd.s32 $0xFFFFFC18  }
0xcd: {  	v1 =	vmov s11;
	[tilespmem:s0], [sflag:$0x1] =	stream.indirect.gather [hbm4b:s4+s31], $0x10, s3, s31, $0xb8;
	[tilespmem:$0x1FB90] =	vst v63  }
0xce: {  	v1 =	vand.u32 $0xFFFFFFFE, v1;
	_ =	swait.ge [sflag:s12], $0x3E80  }
0xcf: {  	v1 =	vbroadcast v1, $0x0;
	[sflag:s12] =	ssyncset.done $0x0  }
0xd0: {  	[sflag:s12] =	ssyncadd.s32 $0xFFFFC180  }
0xd1: {  	[spmem:s2] =	stream.indirect.scatter.add.f32 [tilespmem:s0], [sflag:$0x2], $0x10, s31, s31, $0xb8;
	[tilespmem:$0x1FB90] =	vst v63  }
0xd2: {  	_ =	swait.ge [sflag:s29], $0x3E80  }
0xd3: {  	[sflag:s29] =	ssyncset.done $0x0  }
0xd4: {  	[sflag:s29] =	ssyncadd.s32 $0xFFFFC180  }
0xd5: {  	v1 =	vld.idx.msk [tilespmem:v1+s31+$0x0], $0xffff;
	_ =	sdelay $0x4  }
0xd6: {  	v1 =	vshll.u32 v1, $0x3  }
0xd7: {  	v1 =	vor.u32 v0, v1;
	_ =	sdelay $0x2  }
0xd8: {  	s10 =	simm.s32 $0x7E0  }
0xd9: {  	v3 =	vld [tilespmem:s10+$0xFFFFFFF0]  }
0xda: {  	v2 =	vld.idx.msk [tilespmem:v1+s28+$0x0], $0xffff;
	_ =	sdelay $0x2  }
0xdb: {  	v4 =	vmov s12;
	_ =	sdelay $0x1  }
0xdc: {  	v5 =	vmax.f32 v2, v3;
	v2 =	vmin.f32 v2, v3  }
0xdd: {  	v2 =	vsel vm0, v5, v2  }
0xde: {  	[tilespmem:v1+s28+$0x0] =	vst.idx.msk $0xff, v2  }
0xdf: {  	v1 =	vld.idx.msk [tilespmem:v4+s31+$0x0], $0xffff;
	_ =	sdelay $0x4  }
0xe0: {  	v1 =	vshll.u32 v1, $0x3  }
0xe1: {  	v1 =	vor.u32 v0, v1;
	_ =	sdelay $0x3  }
0xe2: {  	v3 =	vld [tilespmem:s10+$0x0]  }
0xe3: {  	v2 =	vld.idx.msk [tilespmem:v1+s28+$0x0], $0xffff;
	_ =	sdelay $0x1  }
0xe4: {  	s13 =	simm.s32 $0x2  }
0xe5: {  	v4 =	vmov s13  }
0xe6: {  	v4 =	vand.u32 $0xFFFFFFFE, v4  }
0xe7: {  	v5 =	vmax.f32 v2, v3;
	v3 =	vmin.f32 v2, v3;
	v2 =	vbroadcast v4, $0x0;
	_ =	sdelay $0x2  }
0xe8: {  	s11 =	simm.s32 $0x3;
	s12 =	simm.s32 $0x5;
	v3 =	vsel vm0, v5, v3  }
.LBB2_6:
0xe9: {  	p0 =	sne.s32 s12, $0x3E7  }
0xea: {  	[tilespmem:v1+s28+$0x0] =	vst.idx.msk $0xff, v3;
	s10 =	sadd.s32 $0x20, s10;
	s13 =	smov.u32 s12;
	s12 =	sadd.s32 $0x2, s12  }
0xeb: {  	v1 =	vld.idx.msk [tilespmem:v2+s31+$0x0], $0xffff;
	_ =	sdelay $0x5  }
0xec: {  	v1 =	vshll.u32 v1, $0x3  }
0xed: {  	v1 =	vor.u32 v0, v1;
	_ =	sdelay $0x4  }
0xee: {  	v2 =	vld.idx.msk [tilespmem:v1+s28+$0x0], $0xffff  }
0xef: {  	v3 =	vld [tilespmem:s10+$0xFFFFFFF0];
	_ =	sdelay $0x2  }
0xf0: {  	v4 =	vmov s11;
	s11 =	smov.u32 s13;
	_ =	sdelay $0x1  }
0xf1: {  	v5 =	vmax.f32 v2, v3;
	v2 =	vmin.f32 v2, v3  }
0xf2: {  	v2 =	vsel vm0, v5, v2  }
0xf3: {  	[tilespmem:v1+s28+$0x0] =	vst.idx.msk $0xff, v2  }
0xf4: {  	v1 =	vld.idx.msk [tilespmem:v4+s31+$0x0], $0xffff;
	_ =	sdelay $0x5  }
0xf5: {  	v1 =	vshll.u32 v1, $0x3  }
0xf6: {  	v1 =	vor.u32 v0, v1;
	_ =	sdelay $0x4  }
0xf7: {  	s13 =	sadd.s32 $0xFFFFFFFF, s11;
	v3 =	vld.idx.msk [tilespmem:v1+s28+$0x0], $0xffff  }
0xf8: {  	v2 =	vmov s13;
	v4 =	vld [tilespmem:s10+$0x0]  }
0xf9: {  	v2 =	vand.u32 $0xFFFFFFFE, v2  }
.Ltmp2:
0xfa: {  	v2 =	vbroadcast v2, $0x0;
	(pc) =	sbr.rel @p0 .LBB2_6-.Ltmp2, $3  }
0xfb: {  	_ =	sdelay $0x1  }
0xfc: {  	v5 =	vmax.f32 v3, v4;
	v3 =	vmin.f32 v3, v4  }
0xfd: {  	v3 =	vsel vm0, v5, v3  }
0xfe: {  	_ =	sdelay $0x3  }
0xff: {  	[tilespmem:v1+s28+$0x0] =	vst.idx.msk $0xff, v3  }
0x100: {  	v1 =	vld.idx.msk [tilespmem:v2+s31+$0x0], $0xffff;
	_ =	sdelay $0x4  }
0x101: {  	v1 =	vshll.u32 v1, $0x3  }
0x102: {  	v1 =	vor.u32 v0, v1;
	_ =	sdelay $0x2  }
0x103: {  	s10 =	sadd.s32 $0x20, s10  }
0x104: {  	v3 =	vld [tilespmem:s10+$0xFFFFFFF0]  }
0x105: {  	v2 =	vld.idx.msk [tilespmem:v1+s28+$0x0], $0xffff;
	_ =	sdelay $0x2  }
0x106: {  	v4 =	vmov s11;
	_ =	sdelay $0x1  }
0x107: {  	v5 =	vmax.f32 v2, v3;
	v2 =	vmin.f32 v2, v3  }
0x108: {  	v2 =	vsel vm0, v5, v2  }
0x109: {  	[tilespmem:v1+s28+$0x0] =	vst.idx.msk $0xff, v2  }
0x10a: {  	v1 =	vld.idx.msk [tilespmem:v4+s31+$0x0], $0xffff;
	_ =	sdelay $0x4  }
0x10b: {  	v1 =	vshll.u32 v1, $0x3  }
0x10c: {  	v1 =	vor.u32 v0, v1;
	_ =	sdelay $0x3  }
0x10d: {  	v3 =	vld [tilespmem:s10+$0x0]  }
0x10e: {  	v2 =	vld.idx.msk [tilespmem:v1+s28+$0x0], $0xffff;
	_ =	sdelay $0x4  }
0x10f: {  	v4 =	vmax.f32 v2, v3;
	v2 =	vmin.f32 v2, v3  }
0x110: {  	v2 =	vsel vm0, v4, v2  }
0x111: {  	s13 =	rddreg [dreg:$0xc];
	[tilespmem:v1+s28+$0x0] =	vst.idx.msk $0xff, v2  }
0x112: {  	[tilespmem:s3], [sflag:$0x2] =	stream.linear.gather [hbm4b:s13+s3], $0x3E8, $0x38;
	[tilespmem:$0x1FB90] =	vst v63  }
0x113: {  	_ =	swait.ge [sflag:s29], $0x3E8  }
0x114: {  	[sflag:s29] =	ssyncset.done $0x0  }
0x115: {  	[sflag:s29] =	ssyncadd.s32 $0xFFFFFC18  }
0x116: {  	[tilespmem:s31], [sflag:$0x2] =	stream.linear.gather [hbm4b:s14+s3], $0x3E8, $0x38;
	[tilespmem:$0x1FB90] =	vst v63  }
0x117: {  	_ =	swait.ge [sflag:s29], $0x3E8  }
0x118: {  	[sflag:s29] =	ssyncset.done $0x0  }
0x119: {  	s11 =	simm.s32 $0x0;
	s12 =	simm.s32 $0x1;
	[sflag:s29] =	ssyncadd.s32 $0xFFFFFC18  }
0x11a: {  	v1 =	vmov s11;
	[tilespmem:s0], [sflag:$0x1] =	stream.indirect.gather [hbm4b:s4+s31], $0x10, s3, s31, $0xb8;
	[tilespmem:$0x1FB90] =	vst v63  }
0x11b: {  	v1 =	vand.u32 $0xFFFFFFFE, v1;
	_ =	swait.ge [sflag:s12], $0x3E80  }
0x11c: {  	v1 =	vbroadcast v1, $0x0;
	[sflag:s12] =	ssyncset.done $0x0  }
0x11d: {  	[sflag:s12] =	ssyncadd.s32 $0xFFFFC180  }
0x11e: {  	[spmem:s2] =	stream.indirect.scatter.add.f32 [tilespmem:s0], [sflag:$0x2], $0x10, s31, s31, $0xb8;
	[tilespmem:$0x1FB90] =	vst v63  }
0x11f: {  	_ =	swait.ge [sflag:s29], $0x3E80  }
0x120: {  	[sflag:s29] =	ssyncset.done $0x0  }
0x121: {  	[sflag:s29] =	ssyncadd.s32 $0xFFFFC180  }
0x122: {  	v1 =	vld.idx.msk [tilespmem:v1+s31+$0x0], $0xffff;
	_ =	sdelay $0x4  }
0x123: {  	v1 =	vshll.u32 v1, $0x3  }
0x124: {  	v1 =	vor.u32 v0, v1;
	_ =	sdelay $0x2  }
0x125: {  	s10 =	simm.s32 $0x7E0  }
0x126: {  	v3 =	vld [tilespmem:s10+$0xFFFFFFF0]  }
0x127: {  	v2 =	vld.idx.msk [tilespmem:v1+s28+$0x0], $0xffff;
	_ =	sdelay $0x2  }
0x128: {  	v4 =	vmov s12;
	_ =	sdelay $0x1  }
0x129: {  	v5 =	vmax.f32 v2, v3;
	v2 =	vmin.f32 v2, v3  }
0x12a: {  	v2 =	vsel vm0, v5, v2  }
0x12b: {  	[tilespmem:v1+s28+$0x0] =	vst.idx.msk $0xff, v2  }
0x12c: {  	v1 =	vld.idx.msk [tilespmem:v4+s31+$0x0], $0xffff;
	_ =	sdelay $0x4  }
0x12d: {  	v1 =	vshll.u32 v1, $0x3  }
0x12e: {  	v1 =	vor.u32 v0, v1;
	_ =	sdelay $0x3  }
0x12f: {  	v3 =	vld [tilespmem:s10+$0x0]  }
0x130: {  	v2 =	vld.idx.msk [tilespmem:v1+s28+$0x0], $0xffff;
	_ =	sdelay $0x1  }
0x131: {  	s13 =	simm.s32 $0x2  }
0x132: {  	v4 =	vmov s13  }
0x133: {  	v4 =	vand.u32 $0xFFFFFFFE, v4  }
0x134: {  	v5 =	vmax.f32 v2, v3;
	v3 =	vmin.f32 v2, v3;
	v2 =	vbroadcast v4, $0x0;
	_ =	sdelay $0x2  }
0x135: {  	s11 =	simm.s32 $0x3;
	s12 =	simm.s32 $0x5;
	v3 =	vsel vm0, v5, v3  }
.LBB2_8:
0x136: {  	p0 =	sne.s32 s12, $0x3E7  }
0x137: {  	[tilespmem:v1+s28+$0x0] =	vst.idx.msk $0xff, v3;
	s10 =	sadd.s32 $0x20, s10;
	s13 =	smov.u32 s12;
	s12 =	sadd.s32 $0x2, s12  }
0x138: {  	v1 =	vld.idx.msk [tilespmem:v2+s31+$0x0], $0xffff;
	_ =	sdelay $0x5  }
0x139: {  	v1 =	vshll.u32 v1, $0x3  }
0x13a: {  	v1 =	vor.u32 v0, v1;
	_ =	sdelay $0x4  }
0x13b: {  	v2 =	vld.idx.msk [tilespmem:v1+s28+$0x0], $0xffff  }
0x13c: {  	v3 =	vld [tilespmem:s10+$0xFFFFFFF0];
	_ =	sdelay $0x2  }
0x13d: {  	v4 =	vmov s11;
	s11 =	smov.u32 s13;
	_ =	sdelay $0x1  }
0x13e: {  	v5 =	vmax.f32 v2, v3;
	v2 =	vmin.f32 v2, v3  }
0x13f: {  	v2 =	vsel vm0, v5, v2  }
0x140: {  	[tilespmem:v1+s28+$0x0] =	vst.idx.msk $0xff, v2  }
0x141: {  	v1 =	vld.idx.msk [tilespmem:v4+s31+$0x0], $0xffff;
	_ =	sdelay $0x5  }
0x142: {  	v1 =	vshll.u32 v1, $0x3  }
0x143: {  	v1 =	vor.u32 v0, v1;
	_ =	sdelay $0x4  }
0x144: {  	s13 =	sadd.s32 $0xFFFFFFFF, s11;
	v3 =	vld.idx.msk [tilespmem:v1+s28+$0x0], $0xffff  }
0x145: {  	v2 =	vmov s13;
	v4 =	vld [tilespmem:s10+$0x0]  }
0x146: {  	v2 =	vand.u32 $0xFFFFFFFE, v2  }
.Ltmp3:
0x147: {  	v2 =	vbroadcast v2, $0x0;
	(pc) =	sbr.rel @p0 .LBB2_8-.Ltmp3, $3  }
0x148: {  	_ =	sdelay $0x1  }
0x149: {  	v5 =	vmax.f32 v3, v4;
	v3 =	vmin.f32 v3, v4  }
0x14a: {  	v3 =	vsel vm0, v5, v3  }
0x14b: {  	_ =	sdelay $0x3  }
0x14c: {  	[tilespmem:v1+s28+$0x0] =	vst.idx.msk $0xff, v3  }
0x14d: {  	v1 =	vld.idx.msk [tilespmem:v2+s31+$0x0], $0xffff;
	_ =	sdelay $0x4  }
0x14e: {  	v1 =	vshll.u32 v1, $0x3  }
0x14f: {  	v1 =	vor.u32 v0, v1;
	_ =	sdelay $0x2  }
0x150: {  	s10 =	sadd.s32 $0x20, s10  }
0x151: {  	v3 =	vld [tilespmem:s10+$0xFFFFFFF0]  }
0x152: {  	v2 =	vld.idx.msk [tilespmem:v1+s28+$0x0], $0xffff;
	_ =	sdelay $0x2  }
0x153: {  	v4 =	vmov s11;
	_ =	sdelay $0x1  }
0x154: {  	v5 =	vmax.f32 v2, v3;
	v2 =	vmin.f32 v2, v3  }
0x155: {  	v2 =	vsel vm0, v5, v2  }
0x156: {  	[tilespmem:v1+s28+$0x0] =	vst.idx.msk $0xff, v2  }
0x157: {  	v1 =	vld.idx.msk [tilespmem:v4+s31+$0x0], $0xffff;
	_ =	sdelay $0x4  }
0x158: {  	v1 =	vshll.u32 v1, $0x3  }
0x159: {  	v1 =	vor.u32 v0, v1;
	_ =	sdelay $0x3  }
0x15a: {  	v3 =	vld [tilespmem:s10+$0x0]  }
0x15b: {  	v2 =	vld.idx.msk [tilespmem:v1+s28+$0x0], $0xffff;
	_ =	sdelay $0x4  }
0x15c: {  	v4 =	vmax.f32 v2, v3;
	v2 =	vmin.f32 v2, v3  }
0x15d: {  	v2 =	vsel vm0, v4, v2  }
0x15e: {  	[tilespmem:v1+s28+$0x0] =	vst.idx.msk $0xff, v2  }
0x15f: {  	[tilespmem:s3], [sflag:$0x2] =	stream.linear.gather [hbm4b:s15+s3], $0x3E8, $0x38;
	[tilespmem:$0x1FB90] =	vst v63  }
0x160: {  	_ =	swait.ge [sflag:s29], $0x3E8  }
0x161: {  	[sflag:s29] =	ssyncset.done $0x0  }
0x162: {  	[sflag:s29] =	ssyncadd.s32 $0xFFFFFC18  }
0x163: {  	[tilespmem:s31], [sflag:$0x2] =	stream.linear.gather [hbm4b:s16+s3], $0x3E8, $0x38;
	[tilespmem:$0x1FB90] =	vst v63  }
0x164: {  	_ =	swait.ge [sflag:s29], $0x3E8  }
0x165: {  	[sflag:s29] =	ssyncset.done $0x0  }
0x166: {  	s11 =	simm.s32 $0x0;
	s12 =	simm.s32 $0x1;
	[sflag:s29] =	ssyncadd.s32 $0xFFFFFC18  }
0x167: {  	v1 =	vmov s11;
	[tilespmem:s0], [sflag:$0x1] =	stream.indirect.gather [hbm4b:s4+s31], $0x10, s3, s31, $0xb8;
	[tilespmem:$0x1FB90] =	vst v63  }
0x168: {  	v1 =	vand.u32 $0xFFFFFFFE, v1;
	_ =	swait.ge [sflag:s12], $0x3E80  }
0x169: {  	v1 =	vbroadcast v1, $0x0;
	[sflag:s12] =	ssyncset.done $0x0  }
0x16a: {  	[sflag:s12] =	ssyncadd.s32 $0xFFFFC180  }
0x16b: {  	[spmem:s2] =	stream.indirect.scatter.add.f32 [tilespmem:s0], [sflag:$0x2], $0x10, s31, s31, $0xb8;
	[tilespmem:$0x1FB90] =	vst v63  }
0x16c: {  	_ =	swait.ge [sflag:s29], $0x3E80  }
0x16d: {  	[sflag:s29] =	ssyncset.done $0x0  }
0x16e: {  	[sflag:s29] =	ssyncadd.s32 $0xFFFFC180  }
0x16f: {  	v1 =	vld.idx.msk [tilespmem:v1+s31+$0x0], $0xffff;
	_ =	sdelay $0x4  }
0x170: {  	v1 =	vshll.u32 v1, $0x3  }
0x171: {  	v1 =	vor.u32 v0, v1;
	_ =	sdelay $0x2  }
0x172: {  	s10 =	simm.s32 $0x7E0  }
0x173: {  	v3 =	vld [tilespmem:s10+$0xFFFFFFF0]  }
0x174: {  	v2 =	vld.idx.msk [tilespmem:v1+s28+$0x0], $0xffff;
	_ =	sdelay $0x2  }
0x175: {  	v4 =	vmov s12;
	_ =	sdelay $0x1  }
0x176: {  	v5 =	vmax.f32 v2, v3;
	v2 =	vmin.f32 v2, v3  }
0x177: {  	v2 =	vsel vm0, v5, v2  }
0x178: {  	[tilespmem:v1+s28+$0x0] =	vst.idx.msk $0xff, v2  }
0x179: {  	v1 =	vld.idx.msk [tilespmem:v4+s31+$0x0], $0xffff;
	_ =	sdelay $0x4  }
0x17a: {  	v1 =	vshll.u32 v1, $0x3  }
0x17b: {  	v1 =	vor.u32 v0, v1;
	_ =	sdelay $0x3  }
0x17c: {  	v3 =	vld [tilespmem:s10+$0x0]  }
0x17d: {  	v2 =	vld.idx.msk [tilespmem:v1+s28+$0x0], $0xffff;
	_ =	sdelay $0x1  }
0x17e: {  	s13 =	simm.s32 $0x2  }
0x17f: {  	v4 =	vmov s13  }
0x180: {  	v4 =	vand.u32 $0xFFFFFFFE, v4  }
0x181: {  	v5 =	vmax.f32 v2, v3;
	v3 =	vmin.f32 v2, v3;
	v2 =	vbroadcast v4, $0x0;
	_ =	sdelay $0x2  }
0x182: {  	s11 =	simm.s32 $0x3;
	s12 =	simm.s32 $0x5;
	v3 =	vsel vm0, v5, v3  }
.LBB2_10:
0x183: {  	p0 =	sne.s32 s12, $0x3E7  }
0x184: {  	[tilespmem:v1+s28+$0x0] =	vst.idx.msk $0xff, v3;
	s10 =	sadd.s32 $0x20, s10;
	s13 =	smov.u32 s12;
	s12 =	sadd.s32 $0x2, s12  }
0x185: {  	v1 =	vld.idx.msk [tilespmem:v2+s31+$0x0], $0xffff;
	_ =	sdelay $0x5  }
0x186: {  	v1 =	vshll.u32 v1, $0x3  }
0x187: {  	v1 =	vor.u32 v0, v1;
	_ =	sdelay $0x4  }
0x188: {  	v2 =	vld.idx.msk [tilespmem:v1+s28+$0x0], $0xffff  }
0x189: {  	v3 =	vld [tilespmem:s10+$0xFFFFFFF0];
	_ =	sdelay $0x2  }
0x18a: {  	v4 =	vmov s11;
	s11 =	smov.u32 s13;
	_ =	sdelay $0x1  }
0x18b: {  	v5 =	vmax.f32 v2, v3;
	v2 =	vmin.f32 v2, v3  }
0x18c: {  	v2 =	vsel vm0, v5, v2  }
0x18d: {  	[tilespmem:v1+s28+$0x0] =	vst.idx.msk $0xff, v2  }
0x18e: {  	v1 =	vld.idx.msk [tilespmem:v4+s31+$0x0], $0xffff;
	_ =	sdelay $0x5  }
0x18f: {  	v1 =	vshll.u32 v1, $0x3  }
0x190: {  	v1 =	vor.u32 v0, v1;
	_ =	sdelay $0x4  }
0x191: {  	s13 =	sadd.s32 $0xFFFFFFFF, s11;
	v3 =	vld.idx.msk [tilespmem:v1+s28+$0x0], $0xffff  }
0x192: {  	v2 =	vmov s13;
	v4 =	vld [tilespmem:s10+$0x0]  }
0x193: {  	v2 =	vand.u32 $0xFFFFFFFE, v2  }
.Ltmp4:
0x194: {  	v2 =	vbroadcast v2, $0x0;
	(pc) =	sbr.rel @p0 .LBB2_10-.Ltmp4, $3  }
0x195: {  	_ =	sdelay $0x1  }
0x196: {  	v5 =	vmax.f32 v3, v4;
	v3 =	vmin.f32 v3, v4  }
0x197: {  	v3 =	vsel vm0, v5, v3  }
0x198: {  	_ =	sdelay $0x3  }
0x199: {  	[tilespmem:v1+s28+$0x0] =	vst.idx.msk $0xff, v3  }
0x19a: {  	v1 =	vld.idx.msk [tilespmem:v2+s31+$0x0], $0xffff;
	_ =	sdelay $0x4  }
0x19b: {  	v1 =	vshll.u32 v1, $0x3  }
0x19c: {  	v1 =	vor.u32 v0, v1;
	_ =	sdelay $0x2  }
0x19d: {  	s10 =	sadd.s32 $0x20, s10  }
0x19e: {  	v3 =	vld [tilespmem:s10+$0xFFFFFFF0]  }
0x19f: {  	v2 =	vld.idx.msk [tilespmem:v1+s28+$0x0], $0xffff;
	_ =	sdelay $0x2  }
0x1a0: {  	v4 =	vmov s11;
	_ =	sdelay $0x1  }
0x1a1: {  	v5 =	vmax.f32 v2, v3;
	v2 =	vmin.f32 v2, v3  }
0x1a2: {  	v2 =	vsel vm0, v5, v2  }
0x1a3: {  	[tilespmem:v1+s28+$0x0] =	vst.idx.msk $0xff, v2  }
0x1a4: {  	v1 =	vld.idx.msk [tilespmem:v4+s31+$0x0], $0xffff;
	_ =	sdelay $0x4  }
0x1a5: {  	v1 =	vshll.u32 v1, $0x3  }
0x1a6: {  	v1 =	vor.u32 v0, v1;
	_ =	sdelay $0x3  }
0x1a7: {  	v3 =	vld [tilespmem:s10+$0x0]  }
0x1a8: {  	v2 =	vld.idx.msk [tilespmem:v1+s28+$0x0], $0xffff;
	_ =	sdelay $0x4  }
0x1a9: {  	v63 =	vmax.f32 v2, v3;
	v2 =	vmin.f32 v2, v3  }
0x1aa: {  	v2 =	vsel vm0, v63, v2  }
0x1ab: {  	[tilespmem:v1+s28+$0x0] =	vst.idx.msk $0xff, v2  }
0x1ac: {  	[tilespmem:s1], [sflag:$0x2] =	stream.linear.gather [hbm4b:s22+s3], $0x140, $0x38;
	[tilespmem:$0x1FB90] =	vst v63  }
0x1ad: {  	_ =	swait.ge [sflag:s29], $0x140  }
0x1ae: {  	[sflag:s29] =	ssyncset.done $0x0  }
0x1af: {  	s11 =	rddreg [dreg:$0x4];
	[sflag:s29] =	ssyncadd.s32 $0xFFFFFEC0  }
0x1b0: {  	[tilespmem:s5], [sflag:$0x2] =	stream.linear.gather [hbm4b:s11+s3], $0x1400, $0x38;
	[tilespmem:$0x1FB90] =	vst v63  }
0x1b1: {  	_ =	swait.ge [sflag:s29], $0x1400  }
0x1b2: {  	[sflag:s29] =	ssyncset.done $0x0  }
0x1b3: {  	[sflag:s29] =	ssyncadd.s32 $0xFFFFEC00  }
0x1b4: {  	[spmem:s2] =	stream.indirect.scatter.add.f32 [tilespmem:s5], [sflag:$0x2], $0x10, s1, s6, $0xb8;
	[tilespmem:$0x1FB90] =	vst v63  }
0x1b5: {  	_ =	swait.ge [sflag:s29], $0x1400  }
0x1b6: {  	[sflag:s29] =	ssyncset.done $0x0  }
0x1b7: {  	[sflag:s29] =	ssyncadd.s32 $0xFFFFEC00  }
0x1b8: {  	[tilespmem:s1], [sflag:$0x2] =	stream.linear.gather [hbm4b:s23+s3], $0x140, $0x38;
	[tilespmem:$0x1FB90] =	vst v63  }
0x1b9: {  	_ =	swait.ge [sflag:s29], $0x140  }
0x1ba: {  	[sflag:s29] =	ssyncset.done $0x0  }
0x1bb: {  	[sflag:s29] =	ssyncadd.s32 $0xFFFFFEC0  }
0x1bc: {  	[tilespmem:s5], [sflag:$0x2] =	stream.linear.gather [hbm4b:s17+s3], $0x1400, $0x38;
	[tilespmem:$0x1FB90] =	vst v63  }
0x1bd: {  	_ =	swait.ge [sflag:s29], $0x1400  }
0x1be: {  	[sflag:s29] =	ssyncset.done $0x0  }
0x1bf: {  	[sflag:s29] =	ssyncadd.s32 $0xFFFFEC00  }
0x1c0: {  	[spmem:s2] =	stream.indirect.scatter.add.f32 [tilespmem:s5], [sflag:$0x2], $0x10, s1, s6, $0xb8;
	[tilespmem:$0x1FB90] =	vst v63  }
0x1c1: {  	_ =	swait.ge [sflag:s29], $0x1400  }
0x1c2: {  	[sflag:s29] =	ssyncset.done $0x0  }
0x1c3: {  	[sflag:s29] =	ssyncadd.s32 $0xFFFFEC00  }
0x1c4: {  	[tilespmem:s7], [sflag:$0x2] =	stream.linear.gather [hbm4b:s24+s3], $0x100, $0x38;
	[tilespmem:$0x1FB90] =	vst v63  }
0x1c5: {  	_ =	swait.ge [sflag:s29], $0x100  }
0x1c6: {  	[sflag:s29] =	ssyncset.done $0x0  }
0x1c7: {  	s12 =	rddreg [dreg:$0x5];
	[sflag:s29] =	ssyncadd.s32 $0xFFFFFF00  }
0x1c8: {  	[tilespmem:s8], [sflag:$0x2] =	stream.linear.gather [hbm4b:s12+s3], $0x1000, $0x38;
	[tilespmem:$0x1FB90] =	vst v63  }
0x1c9: {  	_ =	swait.ge [sflag:s29], $0x1000  }
0x1ca: {  	[sflag:s29] =	ssyncset.done $0x0  }
0x1cb: {  	s13 =	simm.s32 $0x100;
	[sflag:s29] =	ssyncadd.s32 $0xFFFFF000  }
0x1cc: {  	[spmem:s2] =	stream.indirect.scatter.add.f32 [tilespmem:s8], [sflag:$0x2], $0x10, s7, s13, $0xb8;
	[tilespmem:$0x1FB90] =	vst v63  }
0x1cd: {  	_ =	swait.ge [sflag:s29], $0x1000  }
0x1ce: {  	[sflag:s29] =	ssyncset.done $0x0  }
0x1cf: {  	[sflag:s29] =	ssyncadd.s32 $0xFFFFF000  }
0x1d0: {  	[hbm4b:s25+s3] =	stream.linear.scatter [tilespmem:s28], [sflag:$0x2], $0x14000, $0x38;
	[tilespmem:$0x1FB90] =	vst v63  }
0x1d1: {  	_ =	swait.ge [sflag:s29], $0x14000  }
0x1d2: {  	[sflag:s29] =	ssyncset.done $0x0  }
0x1d3: {  	[sflag:s29] =	ssyncadd.s32 $0xFFFEC000  }
0x1d4: {  	[bflag:$0x0] =	sbarrier.arrive $0xFFFF  }
0x1d5: {  	[tilespmem:s30], [sflag:$0x2] =	stream.linear.gather [spmem:s21], $0x2780, $0x38;
	[tilespmem:$0x1FB90] =	vst v63  }
0x1d6: {  	s9 =	sadd.s32 $0x1, s9;
	_ =	swait.ge [sflag:s29], $0x2780  }
0x1d7: {  	p0 =	sne.s32 s9, s26;
	[sflag:s29] =	ssyncset.done $0x0  }
.Ltmp5:
0x1d8: {  	[sflag:s29] =	ssyncadd.s32 $0xFFFFD880;
	(pc) =	sbr.rel @p0 .LBB2_1-.Ltmp5, $4  }
0x1d9: {  	[hbm4b:s18+s3] =	stream.linear.scatter [tilespmem:s30], [sflag:$0x2], $0x2780, $0x38;
	[tilespmem:$0x1FB90] =	vst v63  }
0x1da: {  	_ =	swait.ge [sflag:s29], $0x2780  }
0x1db: {  	[sflag:s29] =	ssyncset.done $0x0  }
0x1dc: {  	[sflag:s29] =	ssyncadd.s32 $0xFFFFD880  }
0x1dd: {  	_ =	sfence.sel $0x180000  }
0x1de: {  	[bflag:$0x0] =	sbarrier.arrive $0xFFFF  }
0x1df: {  	_ =	strace $0x90000047  }
0x1e0: {  	s0 =	stileid.u32;
	[bflag:$0x2] =	sbarrier.arrive $0xFFFF  }
0x1e1: {  	p0 =	sne.s32 s0, $0x0;
	s0 =	rddreg [dreg:$0x3]  }
0x1e2: {  	s0 =	sadd.s32 @!p0 $0x100000, s0  }
0x1e3: {  	[sflag:s0] =	ssyncadd.tile.s32 @!p0 $0x1;
	_ =	shalt  }
.Lfunc_end2:
_tile_overlayer_lowered:
.L_overlay_start_2:
0x1e4: {  	(tag) =	ssettag $0x2  }
0x1e5: {  	s0 =	rddreg [dreg:$0x0];
	s2 =	stileid.u32  }
0x1e6: {  	s1 =	rddreg [dreg:$0x1];
	p0 =	sne.s32 s2, $0x0  }
0x1e7: {  	s3 =	rddreg [dreg:$0x2];
	[bflag:$0x3] =	sbarrier.arrive $0xFFFF;
	s2 =	simm.s32 @!p0 $0x1C02  }
0x1e8: {  	[timem:s3], [sflag:s2] =	dma.local @!p0 [hbm:s0], s1  }
0x1e9: {  	s0 =	simm.s32 @!p0 $0x2  }
0x1ea: {  	_ =	swait.ge @!p0 [sflag:s0], s1  }
0x1eb: {  	s1 =	ssub.s32 @!p0 $0x0, s1;
	[sflag:s0] =	ssyncset.done @!p0 $0x0  }
0x1ec: {  	[sflag:s0] =	ssyncadd.s32 @!p0 s1  }
0x1ed: {  	[bflag:$0x3] =	sbarrier.arrive $0xFFFF  }
0x1ee: {  	_ =	shalt  }

// kernel: kernel.26.cloned.1.call-start
scs
__scs_entry_jumppad:
0x0: {  	(pc) =	sbr.rel $0x88, $3  }
0x1: {  	(tag) =	ssettag $0x0;
	lr =	simm.s32 $0x1  }
0x2: {  	[smem:$0x3F76] =	sst lr;
	_ =	strace $0xD0000000  }
0x3: {  	_ = 	snop  }
0x4: {  	_ = 	snop  }
0x5: {  	_ = 	snop  }
0x6: {  	_ = 	snop  }
0x7: {  	_ = 	snop  }
__scs_overlays_trampoline_lowered:
0x8: {  	[smem:$0x3F85] =	sst s0  }
0x9: {  	[smem:$0x3F86] =	sst s1  }
0xa: {  	[smem:$0x3F87] =	sst s2  }
0xb: {  	[smem:$0x3F88] =	sst s3  }
0xc: {  	[smem:$0x3F89] =	sst s4  }
0xd: {  	[smem:$0x3F8A] =	sst s5  }
0xe: {  	[smem:$0x3F8B] =	sst s6  }
0xf: {  	[smem:$0x3F8C] =	sst s7  }
0x10: {  	[smem:$0x3F8D] =	sst s8  }
0x11: {  	[smem:$0x3F8E] =	sst s9;
	s0 =	simm.s32 @!p0 $0x0  }
0x12: {  	s1 =	sld [smem:$0x3F74];
	s0 =	simm.s32 @p0 $0x1  }
0x13: {  	[smem:$0x3F8F] =	sst s0;
	s0 =	simm.s32 @!p1 $0x0  }
0x14: {  	s2 =	sld [smem:$0x3F73];
	s0 =	simm.s32 @p1 $0x1  }
0x15: {  	[smem:$0x3F90] =	sst s0;
	s0 =	simm.s32 @!p2 $0x0  }
0x16: {  	s3 =	sld [smem:$0x3FDB];
	s0 =	simm.s32 @p2 $0x1  }
0x17: {  	s4 =	simm.s32 $0x1BF5;
	[smem:$0x3F92] =	sst s0  }
0x18: {  	s0 =	sld [smem:$0x3F75];
	_ =	swait.ge [sflag:s4], $0x0  }
0x19: {  	s7 =	sld [smem:$0x3F76]  }
0x1a: {  	s8 =	sadd.s32 $0xFFFFE003, lr  }
0x1b: {  	s9 =	sadd.s32 $0xFFFFFEF7, lr;
	s5 =	simm.s32 $0xFFFFFFFF;
	p2 =	slt.u32 s8, $0xFFFFF086  }
0x1c: {  	p1 =	slt.u32 s9, $0xF7A;
	s5 =	simm.s32 @!p2 $0x0  }
0x1d: {  	s5 =	simm.s32 @p1 $0x1;
	p0 =	seq.s32 s7, s2  }
0x1e: {  	s7 =	smul.u32 @!p0 $0xF7A, s2;
	p2 =	seq.s32 @!p0 s5, $0x0  }
0x1f: {  	s9 =	smul.u32 $0xF7A, s1;
	s8 =	simm.s32 @!p0 $0x1BF5;
	p2 =	por !p2, p0  }
0x20: {  	[sflag:s8] =	ssyncset.s32 @!p0 $0xFFFFF086;
	s6 =	sadd.s32 @!p0 s3, s7;
	s7 =	simm.s32 @!p0 $0x108  }
0x21: {  	s3 =	sadd.s32 s3, s9;
	s6 =	sadd.s32 @!p0 $0x88, s6;
	s7 =	simm.s32 @p2 $0x1082  }
0x22: {  	[simem:s7], [sflag:s8] =	dma.local @!p0 [hbm:s6], $0xF7A  }
0x23: {  	s9 =	sor.u32 $0xD0000000, s2;
	s6 =	simm.s32 $0x108;
	_ =	swait.ge @!p0 [sflag:s8], $0x0  }
0x24: {  	s3 =	sadd.s32 $0x88, s3;
	s6 =	simm.s32 @!p1 $0x1082;
	[sflag:s4] =	ssyncset.s32 $0xFFFFF086  }
0x25: {  	[simem:s6], [sflag:s4] =	dma.local [hbm:s3], $0xF7A  }
0x26: {  	[smem:$0x3F76] =	sst s1;
	(tag) =	ssettag s2;
	_ =	strace s9  }
0x27: {  	s1 =	sld [smem:$0x3F86]  }
0x28: {  	s2 =	sld [smem:$0x3F87]  }
0x29: {  	s4 =	sld [smem:$0x3F89]  }
0x2a: {  	p0 =	seq.s32 s5, $0x0;
	s5 =	sld [smem:$0x3F8A]  }
0x2b: {  	s6 =	sld [smem:$0x3F8B]  }
0x2c: {  	s7 =	sld [smem:$0x3F8C]  }
0x2d: {  	s3 =	simm.s32 $0x108;
	s8 =	sld [smem:$0x3F8D]  }
0x2e: {  	s3 =	simm.s32 @!p0 $0x1082;
	s9 =	sld [smem:$0x3F8E]  }
0x2f: {  	lr =	sadd.s32 s0, s3;
	s0 =	sld [smem:$0x3F85]  }
0x30: {  	s3 =	sld [smem:$0x3F88]  }
0x31: {  	[smem:$0x3F91] =	sst s10  }
0x32: {  	s10 =	sld [smem:$0x3F8F];
	_ =	sdelay $0x3  }
0x33: {  	p0 =	seq.s32 s10, $0x1;
	s10 =	sld [smem:$0x3F91];
	_ =	sdelay $0x3  }
0x34: {  	[smem:$0x3F91] =	sst s10  }
0x35: {  	s10 =	sld [smem:$0x3F90];
	_ =	sdelay $0x3  }
0x36: {  	p1 =	seq.s32 s10, $0x1;
	s10 =	sld [smem:$0x3F91];
	_ =	sdelay $0x3  }
0x37: {  	[smem:$0x3F91] =	sst s10  }
0x38: {  	s10 =	sld [smem:$0x3F92]  }
0x39: {  	_ = 	snop;
	(pc) =	sbr.ind lr, $3  }
0x3a: {  	_ = 	snop  }
0x3b: {  	_ = 	snop  }
0x3c: {  	p2 =	seq.s32 s10, $0x1;
	s10 =	sld [smem:$0x3F91]  }
0x3d: {  	_ =	shalt  }
0x3e: {  	_ =	shalt  }
0x3f: {  	_ =	shalt  }
0x40: {  	_ =	shalt  }
0x41: {  	_ =	shalt  }
0x42: {  	_ =	shalt  }
0x43: {  	_ =	shalt  }
0x44: {  	_ =	shalt  }
0x45: {  	_ =	shalt  }
0x46: {  	_ =	shalt  }
0x47: {  	_ =	shalt  }
0x48: {  	_ =	shalt  }
0x49: {  	_ =	shalt  }
0x4a: {  	_ =	shalt  }
0x4b: {  	_ =	shalt  }
0x4c: {  	_ =	shalt  }
0x4d: {  	_ =	shalt  }
0x4e: {  	_ =	shalt  }
0x4f: {  	_ =	shalt  }
0x50: {  	_ =	shalt  }
0x51: {  	_ =	shalt  }
0x52: {  	_ =	shalt  }
0x53: {  	_ =	shalt  }
0x54: {  	_ =	shalt  }
0x55: {  	_ =	shalt  }
0x56: {  	_ =	shalt  }
0x57: {  	_ =	shalt  }
0x58: {  	_ =	shalt  }
0x59: {  	_ =	shalt  }
0x5a: {  	_ =	shalt  }
0x5b: {  	_ =	shalt  }
0x5c: {  	_ =	shalt  }
0x5d: {  	_ =	shalt  }
0x5e: {  	_ =	shalt  }
0x5f: {  	_ =	shalt  }
0x60: {  	_ =	shalt  }
0x61: {  	_ =	shalt  }
0x62: {  	_ =	shalt  }
0x63: {  	_ =	shalt  }
0x64: {  	_ =	shalt  }
0x65: {  	_ =	shalt  }
0x66: {  	_ =	shalt  }
0x67: {  	_ =	shalt  }
0x68: {  	_ =	shalt  }
0x69: {  	_ =	shalt  }
0x6a: {  	_ =	shalt  }
0x6b: {  	_ =	shalt  }
0x6c: {  	_ =	shalt  }
0x6d: {  	_ =	shalt  }
0x6e: {  	_ =	shalt  }
0x6f: {  	_ =	shalt  }
0x70: {  	_ =	shalt  }
0x71: {  	_ =	shalt  }
0x72: {  	_ =	shalt  }
0x73: {  	_ =	shalt  }
0x74: {  	_ =	shalt  }
0x75: {  	_ =	shalt  }
0x76: {  	_ =	shalt  }
0x77: {  	_ =	shalt  }
0x78: {  	_ =	shalt  }
0x79: {  	_ =	shalt  }
0x7a: {  	_ =	shalt  }
0x7b: {  	_ =	shalt  }
0x7c: {  	_ =	shalt  }
0x7d: {  	_ =	shalt  }
0x7e: {  	_ =	shalt  }
0x7f: {  	_ =	shalt  }
0x80: {  	_ =	shalt  }
0x81: {  	_ =	shalt  }
0x82: {  	_ =	shalt  }
0x83: {  	_ =	shalt  }
0x84: {  	_ =	shalt  }
0x85: {  	_ =	shalt  }
0x86: {  	_ =	shalt  }
0x87: {  	_ =	shalt  }
.Lfunc_end0:
.L_simem_size_0:
called_computation.1_lowered:
.L_overlay_start_0:
0x88: {  	s2 =	sld [smem:$0x3FD9]  }
0x89: {  	s3 =	sld [smem:$0x3FFE];
	_ =	sdelay $0x1  }
0x8a: {  	s1 =	srdreg.scid  }
0x8b: {  	s0 =	sand.u32 $0x1, s1  }
0x8c: {  	s14 =	sshll.u32 s0, $0xA;
	s2 =	sadd.s32 s3, s2  }
0x8d: {  	s2 =	sadd.s32 s2, s14  }
0x8e: {  	[smem:$0x3F9D] =	sst s2  }
0x8f: {  	_ = 	snop  }
0x90: {  	s2 =	sld [smem:$0x3FD0];
	_ =	sdelay $0x2  }
0x91: {  	s15 =	simm.s32 $0xA;
	s4 =	simm.s32 $0x10  }
0x92: {  	[smem:s4], [sflag:s15] =	dma.local [hbm:s2], $0x1  }
0x93: {  	_ =	swait.eq [sflag:s15], $0x1  }
0x94: {  	[sflag:s15] =	ssyncset.done $0x0  }
0x95: {  	[sflag:s15] =	ssyncadd.s32 $0xFFFFFFFF  }
0x96: {  	s16 =	sld [smem:$0x10];
	(tm) =	ssettm $0x1  }
0x97: {  	s17 =	sld [smem:$0x3FFB];
	_ =	sdelay $0x3  }
0x98: {  	_ =	strace s17  }
0x99: {  	s3 =	sld [smem:$0x3FFC];
	_ =	sdelay $0x3  }
0x9a: {  	_ =	strace s3  }
0x9b: {  	s3 =	sld [smem:$0x3FFD];
	_ =	sdelay $0x3  }
0x9c: {  	_ =	strace s3  }
0x9d: {  	_ =	strace $0x8FFFFFFF  }
0x9e: {  	s18 =	sld [smem:$0x3FDB];
	_ =	sdelay $0x1  }
0x9f: {  	s19 =	simm.s32 $_scs_section_size  }
0xa0: {  	s5 =	simm.s32 $_size__tile_overlayer_lowered;
	s6 =	simm.s32 $_tile_overlayer_lowered  }
0xa1: {  	s22 =	simm.s32 $0x1BFF;
	s21 =	sshll.u32 s6, $0x1;
	s3 =	sadd.s32 s19, s18  }
0xa2: {  	s7 =	simm.s32 $0x0;
	s20 =	sshll.u32 s5, $0x1;
	s5 =	sadd.s32 s21, s3  }
0xa3: {  	[timem:s7], [sflag:s22] =	dma.local [hbm:s5], s20  }
0xa4: {  	_ =	swait.ge [sflag:s22], s20  }
0xa5: {  	s4 =	ssub.s32 $0x0, s20;
	[sflag:s22] =	ssyncset.done $0x0  }
0xa6: {  	[sflag:s22] =	ssyncadd.s32 s4;
	_ =	sdelay $0x1  }
0xa7: {  	s23 =	simm.s32 $0x1B8B  }
0xa8: {  	_ =	swait.ge [sflag:s23], $0x1  }
0xa9: {  	[sflag:s23] =	ssyncset.done $0x0  }
0xaa: {  	s25 =	simm.s32 $0x1B8E;
	s24 =	sld [smem:$0x3FFE];
	[sflag:s23] =	ssyncadd.s32 $0xFFFFFFFF  }
0xab: {  	s26 =	simm.s32 $execute0_lowered;
	[smem:$0x3FD2] =	sst s25  }
0xac: {  	s5 =	sshll.u32 s26, $0x1;
	_ =	strace $0x80000049;
	[dreg:$0x1] =	wrdreg $0xFFFFFFFF  }
0xad: {  	s28 =	simm.s32 $_size_execute0_lowered;
	s3 =	sadd.s32 s3, s5;
	[dreg:$0x0] =	wrdreg $0x0  }
0xae: {  	s5 =	sshll.u32 s28, $0x1;
	[dreg:$0x2] =	wrdreg s3  }
0xaf: {  	[dreg:$0x3] =	wrdreg s5  }
0xb0: {  	[dreg:$0x4] =	wrdreg $0xC0  }
0xb1: {  	_ =	task [dreg:s7], $0x5FFFF  }
0xb2: {  	[dreg:$0x1] =	wrdreg $0xFFFFFFFF  }
0xb3: {  	[dreg:$0x0] =	wrdreg $0x60  }
0xb4: {  	[dreg:$0x2] =	wrdreg s16  }
0xb5: {  	[dreg:$0x3] =	wrdreg s24  }
0xb6: {  	[dreg:$0x4] =	wrdreg $0x92800  }
0xb7: {  	[dreg:$0x5] =	wrdreg $0x9  }
0xb8: {  	_ =	task.clear_ibuf [dreg:s7], $0x6FFFF;
	_ =	strace $0x90000049  }
0xb9: {  	s29 =	simm.s32 $0x9;
	_ =	strace $0x8000004B  }
0xba: {  	_ =	swait.ge [sflag:s29], $0x1  }
0xbb: {  	[sflag:s29] =	ssyncadd.s32 $0xFFFFFFFF  }
0xbc: {  	_ =	strace $0x9000004B  }
0xbd: {  	_ =	sfence  }
0xbe: {  	s30 =	sld [smem:$0x0];
	_ =	sdelay $0x2  }
0xbf: {  	s31 =	sshll.u32 s1, $0xD;
	s1 =	sshrl.u32 s1, $0x2  }
0xc0: {  	s3 =	sand.u32 $0x4000, s31;
	s1 =	sadd.s32 s1, s30  }
0xc1: {  	s0 =	sor.u32 s3, s0;
	s1 =	sshll.u32 s1, $0x11  }
0xc2: {  	s0 =	sor.u32 s1, s0  }
0xc3: {  	s0 =	sadd.s32 $0x8F2B, s0  }
0xc4: {  	[sflag:s0] =	ssyncadd.remote.s32 $0x1  }
0xc5: {  	_ =	sfence.sel $0xFFFF  }
0xc6: {  	[dreg:$0x0] =	wrdreg $0xFFFFFFFF;
	(pc) =	sbr.abs _section_cstart, $3  }
0xc7: {  	[dreg:$0x1] =	wrdreg $0xFFFFFFFF  }
0xc8: {  	_ =	task.clear_ibuf [dreg:s7], $0x2FFFF;
	_ =	strace $0x9FFFFFFF  }
0xc9: {  	(tm) =	ssettm $0x7FFFFFFF  }
tec
execute0_lowered:
.L_overlay_start_1:
0x0: {  	(tag) =	ssettag $0x1  }
0x1: {  	s1 =	rddreg [dreg:$0x0]  }
0x2: {  	s14 =	rddreg [dreg:$0x1]  }
0x3: {  	s2 =	rddreg [dreg:$0x2]  }
0x4: {  	s0 =	rddreg [dreg:$0x3];
	s3 =	simm.s32 $0x0  }
0x5: {  	s8 =	srdreg.scid;
	s7 =	simm.s32 $0x5280;
	[smem:$0x7FF] =	sst s3  }
0x6: {  	s6 =	simm.s32 $0x2;
	s5 =	sadd.s32 $0x8B600, s14;
	_ =	strace $0x8000004A  }
0x7: {  	[tilespmem:s7], [sflag:$0x2] =	stream.linear.gather [hbm4b:s5+s3], $0x4000, $0x38;
	[tilespmem:$0xD280] =	vst v63  }
0x8: {  	s4 =	stileid.u32;
	s15 =	sand.u32 $0x1, s8;
	_ =	swait.ge [sflag:s6], $0x4000  }
0x9: {  	s30 =	sshll.u32 s4, $0x1;
	s16 =	sshll.u32 s4, $0xE;
	[sflag:s6] =	ssyncset.done $0x0  }
0xa: {  	s9 =	sor.u32 s15, s30;
	s8 =	sadd.s32 s16, s2;
	[sflag:s6] =	ssyncadd.s32 $0xFFFFC000  }
0xb: {  	[spmem:s8] =	stream.linear.scatter [tilespmem:s7], [sflag:$0x2], $0x4000, $0x38;
	[tilespmem:$0xD280] =	vst v63  }
0xc: {  	s9 =	smul.u32 $0x28, s9;
	_ =	swait.ge [sflag:s6], $0x4000  }
0xd: {  	[sflag:s6] =	ssyncset.done $0x0  }
0xe: {  	s10 =	sadd.s32 s9, s14;
	[sflag:s6] =	ssyncadd.s32 $0xFFFFC000  }
0xf: {  	s9 =	sadd.s32 $0xE600, s10;
	[bflag:$0x0] =	sbarrier.arrive $0xFFFF  }
0x10: {  	[tilespmem:s3], [sflag:$0x2] =	stream.linear.gather [hbm4b:s9+s3], $0x140, $0x38;
	[tilespmem:$0xD280] =	vst v63  }
0x11: {  	_ =	swait.ge [sflag:s6], $0x140  }
0x12: {  	[sflag:s6] =	ssyncset.done $0x0  }
0x13: {  	s11 =	simm.s32 $0x140;
	s10 =	sadd.s32 $0xE000, s10;
	[sflag:s6] =	ssyncadd.s32 $0xFFFFFEC0  }
0x14: {  	[tilespmem:s11], [sflag:$0x2] =	stream.linear.gather [hbm4b:s10+s3], $0x140, $0x38;
	[tilespmem:$0xD280] =	vst v63  }
0x15: {  	_ =	swait.ge [sflag:s6], $0x140  }
0x16: {  	[sflag:s6] =	ssyncset.done $0x0  }
0x17: {  	s12 =	simm.s32 $0x280;
	s13 =	simm.s32 $0x1;
	[sflag:s6] =	ssyncadd.s32 $0xFFFFFEC0  }
0x18: {  	[tilespmem:s12], [sflag:$0x1] =	stream.indirect.gather [hbm4b:s1+s11], $0x40, s3, s11, $0xb8;
	[tilespmem:$0xD280] =	vst v63  }
0x19: {  	_ =	swait.ge [sflag:s13], $0x5000  }
0x1a: {  	[sflag:s13] =	ssyncset.done $0x0  }
0x1b: {  	[sflag:s13] =	ssyncadd.s32 $0xFFFFB000  }
0x1c: {  	[spmem:s2] =	stream.indirect.scatter.add.f32 [tilespmem:s12], [sflag:$0x2], $0x40, s11, s11, $0xb8;
	[tilespmem:$0xD280] =	vst v63  }
0x1d: {  	s17 =	sshll.u32 s15, $0x12;
	s15 =	ssub.s32 $0x2, s15;
	_ =	swait.ge [sflag:s6], $0x5000  }
0x1e: {  	s31 =	sshrl.u32 s15, $0x1;
	[sflag:s6] =	ssyncset.done $0x0  }
0x1f: {  	s15 =	ssub.s32 s15, s31;
	[sflag:s6] =	ssyncadd.s32 $0xFFFFB000  }
0x20: {  	s16 =	sor.u32 s16, s17;
	s15 =	smax.u32 s15, $0x1;
	[bflag:$0x0] =	sbarrier.arrive $0xFFFF  }
0x21: {  	[tilespmem:s7], [sflag:$0x2] =	stream.linear.gather [spmem:s8], $0x4000, $0x38;
	[tilespmem:$0xD280] =	vst v63  }
0x22: {  	s16 =	sshrl.u32 s16, $0x3;
	p0 =	sne.s32 s15, $0x1;
	_ =	swait.ge [sflag:s6], $0x4000  }
.Ltmp0:
0x23: {  	s14 =	sadd.s32 s16, s14;
	[sflag:s6] =	ssyncset.done $0x0;
	(pc) =	sbr.rel @!p0 .LBB2_2-.Ltmp0, $4  }
0x24: {  	s14 =	sadd.s32 $0x8BE00, s14;
	[sflag:s6] =	ssyncadd.s32 $0xFFFFC000  }
0x25: {  	[hbm4b:s14+s3] =	stream.linear.scatter [tilespmem:s7], [sflag:$0x2], $0x4000, $0x38;
	[tilespmem:$0xD280] =	vst v63  }
0x26: {  	_ =	swait.ge [sflag:s6], $0x4000  }
0x27: {  	s15 =	sadd.s32 $0xFFFFFFFF, s15;
	[sflag:s6] =	ssyncset.done $0x0  }
.LBB2_1:
0x28: {  	p0 =	sne.s32 s15, $0x1;
	s15 =	sadd.s32 $0xFFFFFFFF, s15;
	[sflag:s6] =	ssyncadd.s32 $0xFFFFC000  }
0x29: {  	[tilespmem:s7], [sflag:$0x2] =	stream.linear.gather [hbm4b:s5+s3], $0x4000, $0x38;
	[tilespmem:$0xD280] =	vst v63  }
0x2a: {  	_ =	swait.ge [sflag:s6], $0x4000  }
0x2b: {  	[sflag:s6] =	ssyncset.done $0x0  }
0x2c: {  	[sflag:s6] =	ssyncadd.s32 $0xFFFFC000  }
0x2d: {  	[spmem:s8] =	stream.linear.scatter [tilespmem:s7], [sflag:$0x2], $0x4000, $0x38;
	[tilespmem:$0xD280] =	vst v63  }
0x2e: {  	_ =	swait.ge [sflag:s6], $0x4000  }
0x2f: {  	[sflag:s6] =	ssyncset.done $0x0  }
0x30: {  	[sflag:s6] =	ssyncadd.s32 $0xFFFFC000  }
0x31: {  	[bflag:$0x0] =	sbarrier.arrive $0xFFFF  }
0x32: {  	[tilespmem:s3], [sflag:$0x2] =	stream.linear.gather [hbm4b:s9+s3], $0x140, $0x38;
	[tilespmem:$0xD280] =	vst v63  }
0x33: {  	_ =	swait.ge [sflag:s6], $0x140  }
0x34: {  	[sflag:s6] =	ssyncset.done $0x0  }
0x35: {  	[sflag:s6] =	ssyncadd.s32 $0xFFFFFEC0  }
0x36: {  	[tilespmem:s11], [sflag:$0x2] =	stream.linear.gather [hbm4b:s10+s3], $0x140, $0x38;
	[tilespmem:$0xD280] =	vst v63  }
0x37: {  	_ =	swait.ge [sflag:s6], $0x140  }
0x38: {  	[sflag:s6] =	ssyncset.done $0x0  }
0x39: {  	[sflag:s6] =	ssyncadd.s32 $0xFFFFFEC0  }
0x3a: {  	[tilespmem:s12], [sflag:$0x1] =	stream.indirect.gather [hbm4b:s1+s11], $0x40, s3, s11, $0xb8;
	[tilespmem:$0xD280] =	vst v63  }
0x3b: {  	_ =	swait.ge [sflag:s13], $0x5000  }
0x3c: {  	[sflag:s13] =	ssyncset.done $0x0  }
0x3d: {  	[sflag:s13] =	ssyncadd.s32 $0xFFFFB000  }
0x3e: {  	[spmem:s2] =	stream.indirect.scatter.add.f32 [tilespmem:s12], [sflag:$0x2], $0x40, s11, s11, $0xb8;
	[tilespmem:$0xD280] =	vst v63  }
0x3f: {  	_ =	swait.ge [sflag:s6], $0x5000  }
0x40: {  	[sflag:s6] =	ssyncset.done $0x0  }
0x41: {  	[sflag:s6] =	ssyncadd.s32 $0xFFFFB000  }
0x42: {  	[bflag:$0x0] =	sbarrier.arrive $0xFFFF  }
0x43: {  	[tilespmem:s7], [sflag:$0x2] =	stream.linear.gather [spmem:s8], $0x4000, $0x38;
	[tilespmem:$0xD280] =	vst v63  }
0x44: {  	_ =	swait.ge [sflag:s6], $0x4000  }
.Ltmp1:
0x45: {  	[sflag:s6] =	ssyncset.done $0x0;
	(pc) =	sbr.rel @p0 .LBB2_1-.Ltmp1, $4  }
0x46: {  	[sflag:s6] =	ssyncadd.s32 $0xFFFFC000  }
0x47: {  	[hbm4b:s14+s3] =	stream.linear.scatter [tilespmem:s7], [sflag:$0x2], $0x4000, $0x38;
	[tilespmem:$0xD280] =	vst v63  }
0x48: {  	_ =	swait.ge [sflag:s6], $0x4000  }
0x49: {  	[sflag:s6] =	ssyncset.done $0x0  }
.LBB2_2:
0x4a: {  	[sflag:s6] =	ssyncadd.s32 $0xFFFFC000  }
0x4b: {  	_ =	sfence.sel $0x180000  }
0x4c: {  	[bflag:$0x0] =	sbarrier.arrive $0xFFFF  }
0x4d: {  	p0 =	sne.s32 s4, $0x0;
	_ =	strace $0x9000004A  }
0x4e: {  	s0 =	sadd.s32 @!p0 $0x100000, s0;
	[bflag:$0x2] =	sbarrier.arrive $0xFFFF  }
0x4f: {  	[sflag:s0] =	ssyncadd.tile.s32 @!p0 $0x1;
	_ =	shalt  }
.Lfunc_end2:
_tile_overlayer_lowered:
.L_overlay_start_2:
0x50: {  	(tag) =	ssettag $0x2  }
0x51: {  	s0 =	rddreg [dreg:$0x0];
	s2 =	stileid.u32  }
0x52: {  	s1 =	rddreg [dreg:$0x1];
	p0 =	sne.s32 s2, $0x0  }
0x53: {  	s3 =	rddreg [dreg:$0x2];
	[bflag:$0x3] =	sbarrier.arrive $0xFFFF;
	s2 =	simm.s32 @!p0 $0x1C02  }
0x54: {  	[timem:s3], [sflag:s2] =	dma.local @!p0 [hbm:s0], s1  }
0x55: {  	s0 =	simm.s32 @!p0 $0x2  }
0x56: {  	_ =	swait.ge @!p0 [sflag:s0], s1  }
0x57: {  	s1 =	ssub.s32 @!p0 $0x0, s1;
	[sflag:s0] =	ssyncset.done @!p0 $0x0  }
0x58: {  	[sflag:s0] =	ssyncadd.s32 @!p0 s1  }
0x59: {  	[bflag:$0x3] =	sbarrier.arrive $0xFFFF  }
0x5a: {  	_ =	shalt  }

// kernel: kernel.29.cloned.1.call-start
scs
__scs_entry_jumppad:
0x0: {  	(pc) =	sbr.rel $0x88, $3  }
0x1: {  	(tag) =	ssettag $0x0;
	lr =	simm.s32 $0x1  }
0x2: {  	[smem:$0x3F76] =	sst lr;
	_ =	strace $0xD0000000  }
0x3: {  	_ = 	snop  }
0x4: {  	_ = 	snop  }
0x5: {  	_ = 	snop  }
0x6: {  	_ = 	snop  }
0x7: {  	_ = 	snop  }
__scs_overlays_trampoline_lowered:
0x8: {  	[smem:$0x3F85] =	sst s0  }
0x9: {  	[smem:$0x3F86] =	sst s1  }
0xa: {  	[smem:$0x3F87] =	sst s2  }
0xb: {  	[smem:$0x3F88] =	sst s3  }
0xc: {  	[smem:$0x3F89] =	sst s4  }
0xd: {  	[smem:$0x3F8A] =	sst s5  }
0xe: {  	[smem:$0x3F8B] =	sst s6  }
0xf: {  	[smem:$0x3F8C] =	sst s7  }
0x10: {  	[smem:$0x3F8D] =	sst s8  }
0x11: {  	[smem:$0x3F8E] =	sst s9;
	s0 =	simm.s32 @!p0 $0x0  }
0x12: {  	s1 =	sld [smem:$0x3F74];
	s0 =	simm.s32 @p0 $0x1  }
0x13: {  	[smem:$0x3F8F] =	sst s0;
	s0 =	simm.s32 @!p1 $0x0  }
0x14: {  	s2 =	sld [smem:$0x3F73];
	s0 =	simm.s32 @p1 $0x1  }
0x15: {  	[smem:$0x3F90] =	sst s0;
	s0 =	simm.s32 @!p2 $0x0  }
0x16: {  	s3 =	sld [smem:$0x3FDB];
	s0 =	simm.s32 @p2 $0x1  }
0x17: {  	s4 =	simm.s32 $0x1BF5;
	[smem:$0x3F92] =	sst s0  }
0x18: {  	s0 =	sld [smem:$0x3F75];
	_ =	swait.ge [sflag:s4], $0x0  }
0x19: {  	s7 =	sld [smem:$0x3F76]  }
0x1a: {  	s8 =	sadd.s32 $0xFFFFE003, lr  }
0x1b: {  	s9 =	sadd.s32 $0xFFFFFEF7, lr;
	s5 =	simm.s32 $0xFFFFFFFF;
	p2 =	slt.u32 s8, $0xFFFFF086  }
0x1c: {  	p1 =	slt.u32 s9, $0xF7A;
	s5 =	simm.s32 @!p2 $0x0  }
0x1d: {  	s5 =	simm.s32 @p1 $0x1;
	p0 =	seq.s32 s7, s2  }
0x1e: {  	s7 =	smul.u32 @!p0 $0xF7A, s2;
	p2 =	seq.s32 @!p0 s5, $0x0  }
0x1f: {  	s9 =	smul.u32 $0xF7A, s1;
	s8 =	simm.s32 @!p0 $0x1BF5;
	p2 =	por !p2, p0  }
0x20: {  	[sflag:s8] =	ssyncset.s32 @!p0 $0xFFFFF086;
	s6 =	sadd.s32 @!p0 s3, s7;
	s7 =	simm.s32 @!p0 $0x108  }
0x21: {  	s3 =	sadd.s32 s3, s9;
	s6 =	sadd.s32 @!p0 $0x88, s6;
	s7 =	simm.s32 @p2 $0x1082  }
0x22: {  	[simem:s7], [sflag:s8] =	dma.local @!p0 [hbm:s6], $0xF7A  }
0x23: {  	s9 =	sor.u32 $0xD0000000, s2;
	s6 =	simm.s32 $0x108;
	_ =	swait.ge @!p0 [sflag:s8], $0x0  }
0x24: {  	s3 =	sadd.s32 $0x88, s3;
	s6 =	simm.s32 @!p1 $0x1082;
	[sflag:s4] =	ssyncset.s32 $0xFFFFF086  }
0x25: {  	[simem:s6], [sflag:s4] =	dma.local [hbm:s3], $0xF7A  }
0x26: {  	[smem:$0x3F76] =	sst s1;
	(tag) =	ssettag s2;
	_ =	strace s9  }
0x27: {  	s1 =	sld [smem:$0x3F86]  }
0x28: {  	s2 =	sld [smem:$0x3F87]  }
0x29: {  	s4 =	sld [smem:$0x3F89]  }
0x2a: {  	p0 =	seq.s32 s5, $0x0;
	s5 =	sld [smem:$0x3F8A]  }
0x2b: {  	s6 =	sld [smem:$0x3F8B]  }
0x2c: {  	s7 =	sld [smem:$0x3F8C]  }
0x2d: {  	s3 =	simm.s32 $0x108;
	s8 =	sld [smem:$0x3F8D]  }
0x2e: {  	s3 =	simm.s32 @!p0 $0x1082;
	s9 =	sld [smem:$0x3F8E]  }
0x2f: {  	lr =	sadd.s32 s0, s3;
	s0 =	sld [smem:$0x3F85]  }
0x30: {  	s3 =	sld [smem:$0x3F88]  }
0x31: {  	[smem:$0x3F91] =	sst s10  }
0x32: {  	s10 =	sld [smem:$0x3F8F];
	_ =	sdelay $0x3  }
0x33: {  	p0 =	seq.s32 s10, $0x1;
	s10 =	sld [smem:$0x3F91];
	_ =	sdelay $0x3  }
0x34: {  	[smem:$0x3F91] =	sst s10  }
0x35: {  	s10 =	sld [smem:$0x3F90];
	_ =	sdelay $0x3  }
0x36: {  	p1 =	seq.s32 s10, $0x1;
	s10 =	sld [smem:$0x3F91];
	_ =	sdelay $0x3  }
0x37: {  	[smem:$0x3F91] =	sst s10  }
0x38: {  	s10 =	sld [smem:$0x3F92]  }
0x39: {  	_ = 	snop;
	(pc) =	sbr.ind lr, $3  }
0x3a: {  	_ = 	snop  }
0x3b: {  	_ = 	snop  }
0x3c: {  	p2 =	seq.s32 s10, $0x1;
	s10 =	sld [smem:$0x3F91]  }
0x3d: {  	_ =	shalt  }
0x3e: {  	_ =	shalt  }
0x3f: {  	_ =	shalt  }
0x40: {  	_ =	shalt  }
0x41: {  	_ =	shalt  }
0x42: {  	_ =	shalt  }
0x43: {  	_ =	shalt  }
0x44: {  	_ =	shalt  }
0x45: {  	_ =	shalt  }
0x46: {  	_ =	shalt  }
0x47: {  	_ =	shalt  }
0x48: {  	_ =	shalt  }
0x49: {  	_ =	shalt  }
0x4a: {  	_ =	shalt  }
0x4b: {  	_ =	shalt  }
0x4c: {  	_ =	shalt  }
0x4d: {  	_ =	shalt  }
0x4e: {  	_ =	shalt  }
0x4f: {  	_ =	shalt  }
0x50: {  	_ =	shalt  }
0x51: {  	_ =	shalt  }
0x52: {  	_ =	shalt  }
0x53: {  	_ =	shalt  }
0x54: {  	_ =	shalt  }
0x55: {  	_ =	shalt  }
0x56: {  	_ =	shalt  }
0x57: {  	_ =	shalt  }
0x58: {  	_ =	shalt  }
0x59: {  	_ =	shalt  }
0x5a: {  	_ =	shalt  }
0x5b: {  	_ =	shalt  }
0x5c: {  	_ =	shalt  }
0x5d: {  	_ =	shalt  }
0x5e: {  	_ =	shalt  }
0x5f: {  	_ =	shalt  }
0x60: {  	_ =	shalt  }
0x61: {  	_ =	shalt  }
0x62: {  	_ =	shalt  }
0x63: {  	_ =	shalt  }
0x64: {  	_ =	shalt  }
0x65: {  	_ =	shalt  }
0x66: {  	_ =	shalt  }
0x67: {  	_ =	shalt  }
0x68: {  	_ =	shalt  }
0x69: {  	_ =	shalt  }
0x6a: {  	_ =	shalt  }
0x6b: {  	_ =	shalt  }
0x6c: {  	_ =	shalt  }
0x6d: {  	_ =	shalt  }
0x6e: {  	_ =	shalt  }
0x6f: {  	_ =	shalt  }
0x70: {  	_ =	shalt  }
0x71: {  	_ =	shalt  }
0x72: {  	_ =	shalt  }
0x73: {  	_ =	shalt  }
0x74: {  	_ =	shalt  }
0x75: {  	_ =	shalt  }
0x76: {  	_ =	shalt  }
0x77: {  	_ =	shalt  }
0x78: {  	_ =	shalt  }
0x79: {  	_ =	shalt  }
0x7a: {  	_ =	shalt  }
0x7b: {  	_ =	shalt  }
0x7c: {  	_ =	shalt  }
0x7d: {  	_ =	shalt  }
0x7e: {  	_ =	shalt  }
0x7f: {  	_ =	shalt  }
0x80: {  	_ =	shalt  }
0x81: {  	_ =	shalt  }
0x82: {  	_ =	shalt  }
0x83: {  	_ =	shalt  }
0x84: {  	_ =	shalt  }
0x85: {  	_ =	shalt  }
0x86: {  	_ =	shalt  }
0x87: {  	_ =	shalt  }
.Lfunc_end0:
.L_simem_size_0:
called_computation.2_lowered:
.L_overlay_start_0:
0x88: {  	s2 =	sld [smem:$0x3FD9]  }
0x89: {  	s3 =	sld [smem:$0x3FFE];
	_ =	sdelay $0x1  }
0x8a: {  	s1 =	srdreg.scid  }
0x8b: {  	s0 =	sand.u32 $0x1, s1  }
0x8c: {  	s14 =	sshll.u32 s0, $0xA;
	s2 =	sadd.s32 s3, s2  }
0x8d: {  	s2 =	sadd.s32 s2, s14  }
0x8e: {  	[smem:$0x3F9D] =	sst s2  }
0x8f: {  	_ = 	snop  }
0x90: {  	s2 =	sld [smem:$0x3FD0];
	_ =	sdelay $0x2  }
0x91: {  	s15 =	simm.s32 $0xA;
	s4 =	simm.s32 $0x10  }
0x92: {  	[smem:s4], [sflag:s15] =	dma.local [hbm:s2], $0x1  }
0x93: {  	_ =	swait.eq [sflag:s15], $0x1  }
0x94: {  	[sflag:s15] =	ssyncset.done $0x0  }
0x95: {  	s16 =	sld [smem:$0x10];
	[sflag:s15] =	ssyncadd.s32 $0xFFFFFFFF  }
0x96: {  	s17 =	sld [smem:$0x11];
	(tm) =	ssettm $0x1  }
0x97: {  	s18 =	sld [smem:$0x3FFB];
	_ =	sdelay $0x3  }
0x98: {  	_ =	strace s18  }
0x99: {  	s4 =	sld [smem:$0x3FFC];
	_ =	sdelay $0x3  }
0x9a: {  	_ =	strace s4  }
0x9b: {  	s4 =	sld [smem:$0x3FFD];
	_ =	sdelay $0x3  }
0x9c: {  	_ =	strace s4  }
0x9d: {  	_ =	strace $0x8FFFFFFF  }
0x9e: {  	s19 =	sld [smem:$0x3FDB];
	_ =	sdelay $0x1  }
0x9f: {  	s5 =	simm.s32 $_scs_section_size  }
0xa0: {  	s6 =	simm.s32 $_size__tile_overlayer_lowered;
	s7 =	simm.s32 $_tile_overlayer_lowered  }
0xa1: {  	s22 =	simm.s32 $0x1BFF;
	s21 =	sshll.u32 s7, $0x1;
	s4 =	sadd.s32 s5, s19  }
0xa2: {  	s8 =	simm.s32 $0x0;
	s20 =	sshll.u32 s6, $0x1;
	s6 =	sadd.s32 s21, s4  }
0xa3: {  	[timem:s8], [sflag:s22] =	dma.local [hbm:s6], s20  }
0xa4: {  	_ =	swait.ge [sflag:s22], s20  }
0xa5: {  	s5 =	ssub.s32 $0x0, s20;
	[sflag:s22] =	ssyncset.done $0x0  }
0xa6: {  	[sflag:s22] =	ssyncadd.s32 s5;
	_ =	sdelay $0x1  }
0xa7: {  	s23 =	simm.s32 $0x1B8B  }
0xa8: {  	_ =	swait.ge [sflag:s23], $0x1  }
0xa9: {  	[sflag:s23] =	ssyncset.done $0x0  }
0xaa: {  	s25 =	simm.s32 $0x1B8E;
	s24 =	sld [smem:$0x3FFE];
	[sflag:s23] =	ssyncadd.s32 $0xFFFFFFFF  }
0xab: {  	s26 =	simm.s32 $execute0_lowered;
	[smem:$0x3FD2] =	sst s25  }
0xac: {  	s6 =	sshll.u32 s26, $0x1;
	_ =	strace $0x8000004C;
	[dreg:$0x1] =	wrdreg $0xFFFFFFFF  }
0xad: {  	s28 =	simm.s32 $_size_execute0_lowered;
	s4 =	sadd.s32 s4, s6;
	[dreg:$0x0] =	wrdreg $0x0  }
0xae: {  	s6 =	sshll.u32 s28, $0x1;
	[dreg:$0x2] =	wrdreg s4  }
0xaf: {  	[dreg:$0x3] =	wrdreg s6  }
0xb0: {  	[dreg:$0x4] =	wrdreg $0xC0  }
0xb1: {  	_ =	task [dreg:s8], $0x5FFFF  }
0xb2: {  	[dreg:$0x1] =	wrdreg $0xFFFFFFFF  }
0xb3: {  	[dreg:$0x0] =	wrdreg $0x60  }
0xb4: {  	[dreg:$0x2] =	wrdreg s17  }
0xb5: {  	[dreg:$0x3] =	wrdreg s24  }
0xb6: {  	[dreg:$0x4] =	wrdreg s16  }
0xb7: {  	[dreg:$0x5] =	wrdreg $0x42000  }
0xb8: {  	[dreg:$0x6] =	wrdreg $0x9  }
0xb9: {  	_ =	task.clear_ibuf [dreg:s8], $0x7FFFF;
	_ =	strace $0x9000004C  }
0xba: {  	s29 =	simm.s32 $0x9;
	_ =	strace $0x8000004E  }
0xbb: {  	_ =	swait.ge [sflag:s29], $0x1  }
0xbc: {  	[sflag:s29] =	ssyncadd.s32 $0xFFFFFFFF  }
0xbd: {  	_ =	strace $0x9000004E  }
0xbe: {  	_ =	sfence  }
0xbf: {  	s30 =	sld [smem:$0x0];
	_ =	sdelay $0x2  }
0xc0: {  	s31 =	sshll.u32 s1, $0xD;
	s1 =	sshrl.u32 s1, $0x2  }
0xc1: {  	s3 =	sand.u32 $0x4000, s31;
	s1 =	sadd.s32 s1, s30  }
0xc2: {  	s0 =	sor.u32 s3, s0;
	s1 =	sshll.u32 s1, $0x11  }
0xc3: {  	s0 =	sor.u32 s1, s0  }
0xc4: {  	s0 =	sadd.s32 $0x8F2B, s0  }
0xc5: {  	[sflag:s0] =	ssyncadd.remote.s32 $0x1  }
0xc6: {  	_ =	sfence.sel $0xFFFF  }
0xc7: {  	[dreg:$0x0] =	wrdreg $0xFFFFFFFF;
	(pc) =	sbr.abs _section_cstart, $3  }
0xc8: {  	[dreg:$0x1] =	wrdreg $0xFFFFFFFF  }
0xc9: {  	_ =	task.clear_ibuf [dreg:s8], $0x2FFFF;
	_ =	strace $0x9FFFFFFF  }
0xca: {  	(tm) =	ssettm $0x7FFFFFFF  }
0xcb: {  	_ =	shalt  }
tec
execute0_lowered:
.L_overlay_start_1:
0x0: {  	(tag) =	ssettag $0x1  }
0x1: {  	s1 =	rddreg [dreg:$0x0]  }
0x2: {  	s9 =	rddreg [dreg:$0x1]  }
0x3: {  	s14 =	rddreg [dreg:$0x2]  }
0x4: {  	s2 =	rddreg [dreg:$0x3]  }
0x5: {  	s0 =	rddreg [dreg:$0x4];
	s3 =	simm.s32 $0x0  }
0x6: {  	s7 =	simm.s32 $0x2200;
	[smem:$0x7FF] =	sst s3  }
0x7: {  	s6 =	simm.s32 $0x2;
	s5 =	sadd.s32 $0x8BE00, s9;
	_ =	strace $0x8000004D  }
0x8: {  	[tilespmem:s7], [sflag:$0x2] =	stream.linear.gather [hbm4b:s5+s3], $0x2000, $0x38;
	[tilespmem:$0x6200] =	vst v63  }
0x9: {  	s4 =	stileid.u32;
	_ =	swait.ge [sflag:s6], $0x2000  }
0xa: {  	s8 =	srdreg.scid;
	s15 =	sshll.u32 s4, $0xD;
	[sflag:s6] =	ssyncset.done $0x0  }
0xb: {  	s16 =	sand.u32 $0x1, s8;
	s8 =	sadd.s32 s15, s2;
	[sflag:s6] =	ssyncadd.s32 $0xFFFFE000  }
0xc: {  	[spmem:s8] =	stream.linear.scatter [tilespmem:s7], [sflag:$0x2], $0x2000, $0x38;
	[tilespmem:$0x6200] =	vst v63  }
0xd: {  	s10 =	sshll.u32 s4, $0x6;
	s11 =	sshll.u32 s16, $0x5;
	_ =	swait.ge [sflag:s6], $0x2000  }
0xe: {  	s10 =	sor.u32 s11, s10;
	[sflag:s6] =	ssyncset.done $0x0  }
0xf: {  	s10 =	sadd.s32 s10, s9;
	[sflag:s6] =	ssyncadd.s32 $0xFFFFE000  }
0x10: {  	s9 =	sadd.s32 $0x9BE00, s10;
	[bflag:$0x0] =	sbarrier.arrive $0xFFFF  }
0x11: {  	[tilespmem:s3], [sflag:$0x2] =	stream.linear.gather [hbm4b:s9+s3], $0x100, $0x38;
	[tilespmem:$0x6200] =	vst v63  }
0x12: {  	_ =	swait.ge [sflag:s6], $0x100  }
0x13: {  	[sflag:s6] =	ssyncset.done $0x0  }
0x14: {  	s11 =	simm.s32 $0x100;
	s10 =	sadd.s32 $0xF800, s10;
	[sflag:s6] =	ssyncadd.s32 $0xFFFFFF00  }
0x15: {  	[tilespmem:s11], [sflag:$0x2] =	stream.linear.gather [hbm4b:s10+s3], $0x100, $0x38;
	[tilespmem:$0x6200] =	vst v63  }
0x16: {  	_ =	swait.ge [sflag:s6], $0x100  }
0x17: {  	[sflag:s6] =	ssyncset.done $0x0  }
0x18: {  	s12 =	simm.s32 $0x200;
	s13 =	simm.s32 $0x1;
	[sflag:s6] =	ssyncadd.s32 $0xFFFFFF00  }
0x19: {  	[tilespmem:s12], [sflag:$0x1] =	stream.indirect.gather [hbm4b:s1+s11], $0x20, s3, s11, $0xb8;
	[tilespmem:$0x6200] =	vst v63  }
0x1a: {  	_ =	swait.ge [sflag:s13], $0x2000  }
0x1b: {  	[sflag:s13] =	ssyncset.done $0x0  }
0x1c: {  	[sflag:s13] =	ssyncadd.s32 $0xFFFFE000  }
0x1d: {  	[spmem:s2] =	stream.indirect.scatter.add.f32 [tilespmem:s12], [sflag:$0x2], $0x20, s11, s11, $0xb8;
	[tilespmem:$0x6200] =	vst v63  }
0x1e: {  	s17 =	ssub.s32 $0x2, s16;
	_ =	swait.ge [sflag:s6], $0x2000  }
0x1f: {  	s16 =	sshll.u32 s16, $0x11;
	s30 =	sshrl.u32 s17, $0x1;
	[sflag:s6] =	ssyncset.done $0x0  }
0x20: {  	s15 =	sor.u32 s15, s16;
	s16 =	ssub.s32 s17, s30;
	[sflag:s6] =	ssyncadd.s32 $0xFFFFE000  }
0x21: {  	s31 =	smax.u32 s16, $0x1;
	[bflag:$0x0] =	sbarrier.arrive $0xFFFF  }
0x22: {  	[tilespmem:s7], [sflag:$0x2] =	stream.linear.gather [spmem:s8], $0x2000, $0x38;
	[tilespmem:$0x6200] =	vst v63  }
0x23: {  	p0 =	sne.s32 s31, $0x1;
	_ =	swait.ge [sflag:s6], $0x2000  }
.Ltmp0:
0x24: {  	s15 =	sshrl.u32 s15, $0x3;
	[sflag:s6] =	ssyncset.done $0x0;
	(pc) =	sbr.rel @!p0 .LBB2_2-.Ltmp0, $4  }
0x25: {  	s14 =	sadd.s32 s14, s15;
	[sflag:s6] =	ssyncadd.s32 $0xFFFFE000  }
0x26: {  	[hbm4b:s14+s3] =	stream.linear.scatter [tilespmem:s7], [sflag:$0x2], $0x2000, $0x38;
	[tilespmem:$0x6200] =	vst v63  }
0x27: {  	_ =	swait.ge [sflag:s6], $0x2000  }
0x28: {  	s15 =	sadd.s32 $0xFFFFFFFF, s31;
	[sflag:s6] =	ssyncset.done $0x0  }
.LBB2_1:
0x29: {  	p0 =	sne.s32 s15, $0x1;
	s15 =	sadd.s32 $0xFFFFFFFF, s15;
	[sflag:s6] =	ssyncadd.s32 $0xFFFFE000  }
0x2a: {  	[tilespmem:s7], [sflag:$0x2] =	stream.linear.gather [hbm4b:s5+s3], $0x2000, $0x38;
	[tilespmem:$0x6200] =	vst v63  }
0x2b: {  	_ =	swait.ge [sflag:s6], $0x2000  }
0x2c: {  	[sflag:s6] =	ssyncset.done $0x0  }
0x2d: {  	[sflag:s6] =	ssyncadd.s32 $0xFFFFE000  }
0x2e: {  	[spmem:s8] =	stream.linear.scatter [tilespmem:s7], [sflag:$0x2], $0x2000, $0x38;
	[tilespmem:$0x6200] =	vst v63  }
0x2f: {  	_ =	swait.ge [sflag:s6], $0x2000  }
0x30: {  	[sflag:s6] =	ssyncset.done $0x0  }
0x31: {  	[sflag:s6] =	ssyncadd.s32 $0xFFFFE000  }
0x32: {  	[bflag:$0x0] =	sbarrier.arrive $0xFFFF  }
0x33: {  	[tilespmem:s3], [sflag:$0x2] =	stream.linear.gather [hbm4b:s9+s3], $0x100, $0x38;
	[tilespmem:$0x6200] =	vst v63  }
0x34: {  	_ =	swait.ge [sflag:s6], $0x100  }
0x35: {  	[sflag:s6] =	ssyncset.done $0x0  }
0x36: {  	[sflag:s6] =	ssyncadd.s32 $0xFFFFFF00  }
0x37: {  	[tilespmem:s11], [sflag:$0x2] =	stream.linear.gather [hbm4b:s10+s3], $0x100, $0x38;
	[tilespmem:$0x6200] =	vst v63  }
0x38: {  	_ =	swait.ge [sflag:s6], $0x100  }
0x39: {  	[sflag:s6] =	ssyncset.done $0x0  }
0x3a: {  	[sflag:s6] =	ssyncadd.s32 $0xFFFFFF00  }
0x3b: {  	[tilespmem:s12], [sflag:$0x1] =	stream.indirect.gather [hbm4b:s1+s11], $0x20, s3, s11, $0xb8;
	[tilespmem:$0x6200] =	vst v63  }
0x3c: {  	_ =	swait.ge [sflag:s13], $0x2000  }
0x3d: {  	[sflag:s13] =	ssyncset.done $0x0  }
0x3e: {  	[sflag:s13] =	ssyncadd.s32 $0xFFFFE000  }
0x3f: {  	[spmem:s2] =	stream.indirect.scatter.add.f32 [tilespmem:s12], [sflag:$0x2], $0x20, s11, s11, $0xb8;
	[tilespmem:$0x6200] =	vst v63  }
0x40: {  	_ =	swait.ge [sflag:s6], $0x2000  }
0x41: {  	[sflag:s6] =	ssyncset.done $0x0  }
0x42: {  	[sflag:s6] =	ssyncadd.s32 $0xFFFFE000  }
0x43: {  	[bflag:$0x0] =	sbarrier.arrive $0xFFFF  }
0x44: {  	[tilespmem:s7], [sflag:$0x2] =	stream.linear.gather [spmem:s8], $0x2000, $0x38;
	[tilespmem:$0x6200] =	vst v63  }
0x45: {  	_ =	swait.ge [sflag:s6], $0x2000  }
.Ltmp1:
0x46: {  	[sflag:s6] =	ssyncset.done $0x0;
	(pc) =	sbr.rel @p0 .LBB2_1-.Ltmp1, $4  }
0x47: {  	[sflag:s6] =	ssyncadd.s32 $0xFFFFE000  }
0x48: {  	[hbm4b:s14+s3] =	stream.linear.scatter [tilespmem:s7], [sflag:$0x2], $0x2000, $0x38;
	[tilespmem:$0x6200] =	vst v63  }
0x49: {  	_ =	swait.ge [sflag:s6], $0x2000  }
0x4a: {  	[sflag:s6] =	ssyncset.done $0x0  }
.LBB2_2:
0x4b: {  	[sflag:s6] =	ssyncadd.s32 $0xFFFFE000  }
0x4c: {  	_ =	sfence.sel $0x180000  }
0x4d: {  	[bflag:$0x0] =	sbarrier.arrive $0xFFFF  }
0x4e: {  	p0 =	sne.s32 s4, $0x0;
	_ =	strace $0x9000004D  }
0x4f: {  	s0 =	sadd.s32 @!p0 $0x100000, s0;
	[bflag:$0x2] =	sbarrier.arrive $0xFFFF  }
0x50: {  	[sflag:s0] =	ssyncadd.tile.s32 @!p0 $0x1;
	_ =	shalt  }
.Lfunc_end2:
_tile_overlayer_lowered:
.L_overlay_start_2:
0x51: {  	(tag) =	ssettag $0x2  }
0x52: {  	s0 =	rddreg [dreg:$0x0];
	s2 =	stileid.u32  }
0x53: {  	s1 =	rddreg [dreg:$0x1];
	p0 =	sne.s32 s2, $0x0  }
0x54: {  	s3 =	rddreg [dreg:$0x2];
	[bflag:$0x3] =	sbarrier.arrive $0xFFFF;
	s2 =	simm.s32 @!p0 $0x1C02  }
0x55: {  	[timem:s3], [sflag:s2] =	dma.local @!p0 [hbm:s0], s1  }
0x56: {  	s0 =	simm.s32 @!p0 $0x2  }
0x57: {  	_ =	swait.ge @!p0 [sflag:s0], s1  }
0x58: {  	s1 =	ssub.s32 @!p0 $0x0, s1;
	[sflag:s0] =	ssyncset.done @!p0 $0x0  }
0x59: {  	[sflag:s0] =	ssyncadd.s32 @!p0 s1  }
0x5a: {  	[bflag:$0x3] =	sbarrier.arrive $0xFFFF  }
0x5b: {  	_ =	shalt  }

// kernel: kernel.32.cloned.1.call-start
scs
__scs_entry_jumppad:
0x0: {  	(pc) =	sbr.rel $0x88, $3  }
0x1: {  	(tag) =	ssettag $0x0;
	lr =	simm.s32 $0x1  }
0x2: {  	[smem:$0x3F76] =	sst lr;
	_ =	strace $0xD0000000  }
0x3: {  	_ = 	snop  }
0x4: {  	_ = 	snop  }
0x5: {  	_ = 	snop  }
0x6: {  	_ = 	snop  }
0x7: {  	_ = 	snop  }
__scs_overlays_trampoline_lowered:
0x8: {  	[smem:$0x3F85] =	sst s0  }
0x9: {  	[smem:$0x3F86] =	sst s1  }
0xa: {  	[smem:$0x3F87] =	sst s2  }
0xb: {  	[smem:$0x3F88] =	sst s3  }
0xc: {  	[smem:$0x3F89] =	sst s4  }
0xd: {  	[smem:$0x3F8A] =	sst s5  }
0xe: {  	[smem:$0x3F8B] =	sst s6  }
0xf: {  	[smem:$0x3F8C] =	sst s7  }
0x10: {  	[smem:$0x3F8D] =	sst s8  }
0x11: {  	[smem:$0x3F8E] =	sst s9;
	s0 =	simm.s32 @!p0 $0x0  }
0x12: {  	s1 =	sld [smem:$0x3F74];
	s0 =	simm.s32 @p0 $0x1  }
0x13: {  	[smem:$0x3F8F] =	sst s0;
	s0 =	simm.s32 @!p1 $0x0  }
0x14: {  	s2 =	sld [smem:$0x3F73];
	s0 =	simm.s32 @p1 $0x1  }
0x15: {  	[smem:$0x3F90] =	sst s0;
	s0 =	simm.s32 @!p2 $0x0  }
0x16: {  	s3 =	sld [smem:$0x3FDB];
	s0 =	simm.s32 @p2 $0x1  }
0x17: {  	s4 =	simm.s32 $0x1BF5;
	[smem:$0x3F92] =	sst s0  }
0x18: {  	s0 =	sld [smem:$0x3F75];
	_ =	swait.ge [sflag:s4], $0x0  }
0x19: {  	s7 =	sld [smem:$0x3F76]  }
0x1a: {  	s8 =	sadd.s32 $0xFFFFE003, lr  }
0x1b: {  	s9 =	sadd.s32 $0xFFFFFEF7, lr;
	s5 =	simm.s32 $0xFFFFFFFF;
	p2 =	slt.u32 s8, $0xFFFFF086  }
0x1c: {  	p1 =	slt.u32 s9, $0xF7A;
	s5 =	simm.s32 @!p2 $0x0  }
0x1d: {  	s5 =	simm.s32 @p1 $0x1;
	p0 =	seq.s32 s7, s2  }
0x1e: {  	s7 =	smul.u32 @!p0 $0xF7A, s2;
	p2 =	seq.s32 @!p0 s5, $0x0  }
0x1f: {  	s9 =	smul.u32 $0xF7A, s1;
	s8 =	simm.s32 @!p0 $0x1BF5;
	p2 =	por !p2, p0  }
0x20: {  	[sflag:s8] =	ssyncset.s32 @!p0 $0xFFFFF086;
	s6 =	sadd.s32 @!p0 s3, s7;
	s7 =	simm.s32 @!p0 $0x108  }
0x21: {  	s3 =	sadd.s32 s3, s9;
	s6 =	sadd.s32 @!p0 $0x88, s6;
	s7 =	simm.s32 @p2 $0x1082  }
0x22: {  	[simem:s7], [sflag:s8] =	dma.local @!p0 [hbm:s6], $0xF7A  }
0x23: {  	s9 =	sor.u32 $0xD0000000, s2;
	s6 =	simm.s32 $0x108;
	_ =	swait.ge @!p0 [sflag:s8], $0x0  }
0x24: {  	s3 =	sadd.s32 $0x88, s3;
	s6 =	simm.s32 @!p1 $0x1082;
	[sflag:s4] =	ssyncset.s32 $0xFFFFF086  }
0x25: {  	[simem:s6], [sflag:s4] =	dma.local [hbm:s3], $0xF7A  }
0x26: {  	[smem:$0x3F76] =	sst s1;
	(tag) =	ssettag s2;
	_ =	strace s9  }
0x27: {  	s1 =	sld [smem:$0x3F86]  }
0x28: {  	s2 =	sld [smem:$0x3F87]  }
0x29: {  	s4 =	sld [smem:$0x3F89]  }
0x2a: {  	p0 =	seq.s32 s5, $0x0;
	s5 =	sld [smem:$0x3F8A]  }
0x2b: {  	s6 =	sld [smem:$0x3F8B]  }
0x2c: {  	s7 =	sld [smem:$0x3F8C]  }
0x2d: {  	s3 =	simm.s32 $0x108;
	s8 =	sld [smem:$0x3F8D]  }
0x2e: {  	s3 =	simm.s32 @!p0 $0x1082;
	s9 =	sld [smem:$0x3F8E]  }
0x2f: {  	lr =	sadd.s32 s0, s3;
	s0 =	sld [smem:$0x3F85]  }
0x30: {  	s3 =	sld [smem:$0x3F88]  }
0x31: {  	[smem:$0x3F91] =	sst s10  }
0x32: {  	s10 =	sld [smem:$0x3F8F];
	_ =	sdelay $0x3  }
0x33: {  	p0 =	seq.s32 s10, $0x1;
	s10 =	sld [smem:$0x3F91];
	_ =	sdelay $0x3  }
0x34: {  	[smem:$0x3F91] =	sst s10  }
0x35: {  	s10 =	sld [smem:$0x3F90];
	_ =	sdelay $0x3  }
0x36: {  	p1 =	seq.s32 s10, $0x1;
	s10 =	sld [smem:$0x3F91];
	_ =	sdelay $0x3  }
0x37: {  	[smem:$0x3F91] =	sst s10  }
0x38: {  	s10 =	sld [smem:$0x3F92]  }
0x39: {  	_ = 	snop;
	(pc) =	sbr.ind lr, $3  }
0x3a: {  	_ = 	snop  }
0x3b: {  	_ = 	snop  }
0x3c: {  	p2 =	seq.s32 s10, $0x1;
	s10 =	sld [smem:$0x3F91]  }
0x3d: {  	_ =	shalt  }
0x3e: {  	_ =	shalt  }
0x3f: {  	_ =	shalt  }
0x40: {  	_ =	shalt  }
0x41: {  	_ =	shalt  }
0x42: {  	_ =	shalt  }
0x43: {  	_ =	shalt  }
0x44: {  	_ =	shalt  }
0x45: {  	_ =	shalt  }
0x46: {  	_ =	shalt  }
0x47: {  	_ =	shalt  }
0x48: {  	_ =	shalt  }
0x49: {  	_ =	shalt  }
0x4a: {  	_ =	shalt  }
0x4b: {  	_ =	shalt  }
0x4c: {  	_ =	shalt  }
0x4d: {  	_ =	shalt  }
0x4e: {  	_ =	shalt  }
0x4f: {  	_ =	shalt  }
0x50: {  	_ =	shalt  }
0x51: {  	_ =	shalt  }
0x52: {  	_ =	shalt  }
0x53: {  	_ =	shalt  }
0x54: {  	_ =	shalt  }
0x55: {  	_ =	shalt  }
0x56: {  	_ =	shalt  }
0x57: {  	_ =	shalt  }
0x58: {  	_ =	shalt  }
0x59: {  	_ =	shalt  }
0x5a: {  	_ =	shalt  }
0x5b: {  	_ =	shalt  }
0x5c: {  	_ =	shalt  }
0x5d: {  	_ =	shalt  }
0x5e: {  	_ =	shalt  }
0x5f: {  	_ =	shalt  }
0x60: {  	_ =	shalt  }
0x61: {  	_ =	shalt  }
0x62: {  	_ =	shalt  }
0x63: {  	_ =	shalt  }
0x64: {  	_ =	shalt  }
0x65: {  	_ =	shalt  }
0x66: {  	_ =	shalt  }
0x67: {  	_ =	shalt  }
0x68: {  	_ =	shalt  }
0x69: {  	_ =	shalt  }
0x6a: {  	_ =	shalt  }
0x6b: {  	_ =	shalt  }
0x6c: {  	_ =	shalt  }
0x6d: {  	_ =	shalt  }
0x6e: {  	_ =	shalt  }
0x6f: {  	_ =	shalt  }
0x70: {  	_ =	shalt  }
0x71: {  	_ =	shalt  }
0x72: {  	_ =	shalt  }
0x73: {  	_ =	shalt  }
0x74: {  	_ =	shalt  }
0x75: {  	_ =	shalt  }
0x76: {  	_ =	shalt  }
0x77: {  	_ =	shalt  }
0x78: {  	_ =	shalt  }
0x79: {  	_ =	shalt  }
0x7a: {  	_ =	shalt  }
0x7b: {  	_ =	shalt  }
0x7c: {  	_ =	shalt  }
0x7d: {  	_ =	shalt  }
0x7e: {  	_ =	shalt  }
0x7f: {  	_ =	shalt  }
0x80: {  	_ =	shalt  }
0x81: {  	_ =	shalt  }
0x82: {  	_ =	shalt  }
0x83: {  	_ =	shalt  }
0x84: {  	_ =	shalt  }
0x85: {  	_ =	shalt  }
0x86: {  	_ =	shalt  }
0x87: {  	_ =	shalt  }
.Lfunc_end0:
.L_simem_size_0:
called_computation.3_lowered:
.L_overlay_start_0:
0x88: {  	s2 =	sld [smem:$0x3FD9]  }
0x89: {  	s3 =	sld [smem:$0x3FFE];
	_ =	sdelay $0x1  }
0x8a: {  	s1 =	srdreg.scid  }
0x8b: {  	s0 =	sand.u32 $0x1, s1  }
0x8c: {  	s14 =	sshll.u32 s0, $0xA;
	s2 =	sadd.s32 s3, s2  }
0x8d: {  	s2 =	sadd.s32 s2, s14  }
0x8e: {  	[smem:$0x3F9D] =	sst s2  }
0x8f: {  	_ = 	snop  }
0x90: {  	s2 =	sld [smem:$0x3FD0];
	_ =	sdelay $0x2  }
0x91: {  	s15 =	simm.s32 $0xA;
	s4 =	simm.s32 $0x10  }
0x92: {  	[smem:s4], [sflag:s15] =	dma.local [hbm:s2], $0x1  }
0x93: {  	_ =	swait.eq [sflag:s15], $0x1  }
0x94: {  	[sflag:s15] =	ssyncset.done $0x0  }
0x95: {  	s16 =	sld [smem:$0x10];
	[sflag:s15] =	ssyncadd.s32 $0xFFFFFFFF  }
0x96: {  	s17 =	sld [smem:$0x11];
	(tm) =	ssettm $0x1  }
0x97: {  	s18 =	sld [smem:$0x3FFB];
	_ =	sdelay $0x3  }
0x98: {  	_ =	strace s18  }
0x99: {  	s4 =	sld [smem:$0x3FFC];
	_ =	sdelay $0x3  }
0x9a: {  	_ =	strace s4  }
0x9b: {  	s4 =	sld [smem:$0x3FFD];
	_ =	sdelay $0x3  }
0x9c: {  	_ =	strace s4  }
0x9d: {  	_ =	strace $0x8FFFFFFF  }
0x9e: {  	s19 =	sld [smem:$0x3FDB];
	_ =	sdelay $0x1  }
0x9f: {  	s5 =	simm.s32 $_scs_section_size  }
0xa0: {  	s6 =	simm.s32 $_size__tile_overlayer_lowered;
	s7 =	simm.s32 $_tile_overlayer_lowered  }
0xa1: {  	s22 =	simm.s32 $0x1BFF;
	s21 =	sshll.u32 s7, $0x1;
	s4 =	sadd.s32 s5, s19  }
0xa2: {  	s8 =	simm.s32 $0x0;
	s20 =	sshll.u32 s6, $0x1;
	s6 =	sadd.s32 s21, s4  }
0xa3: {  	[timem:s8], [sflag:s22] =	dma.local [hbm:s6], s20  }
0xa4: {  	_ =	swait.ge [sflag:s22], s20  }
0xa5: {  	s5 =	ssub.s32 $0x0, s20;
	[sflag:s22] =	ssyncset.done $0x0  }
0xa6: {  	[sflag:s22] =	ssyncadd.s32 s5;
	_ =	sdelay $0x1  }
0xa7: {  	s23 =	simm.s32 $0x1B8B  }
0xa8: {  	_ =	swait.ge [sflag:s23], $0x1  }
0xa9: {  	[sflag:s23] =	ssyncset.done $0x0  }
0xaa: {  	s25 =	simm.s32 $0x1B8E;
	s24 =	sld [smem:$0x3FFE];
	[sflag:s23] =	ssyncadd.s32 $0xFFFFFFFF  }
0xab: {  	s26 =	simm.s32 $execute0_lowered;
	[smem:$0x3FD2] =	sst s25  }
0xac: {  	s6 =	sshll.u32 s26, $0x1;
	_ =	strace $0x8000004F;
	[dreg:$0x1] =	wrdreg $0xFFFFFFFF  }
0xad: {  	s28 =	simm.s32 $_size_execute0_lowered;
	s4 =	sadd.s32 s4, s6;
	[dreg:$0x0] =	wrdreg $0x0  }
0xae: {  	s6 =	sshll.u32 s28, $0x1;
	[dreg:$0x2] =	wrdreg s4  }
0xaf: {  	[dreg:$0x3] =	wrdreg s6  }
0xb0: {  	[dreg:$0x4] =	wrdreg $0xC0  }
0xb1: {  	_ =	task [dreg:s8], $0x5FFFF  }
0xb2: {  	[dreg:$0x1] =	wrdreg $0xFFFFFFFF  }
0xb3: {  	[dreg:$0x0] =	wrdreg $0x60  }
0xb4: {  	[dreg:$0x2] =	wrdreg s17  }
0xb5: {  	[dreg:$0x3] =	wrdreg s24  }
0xb6: {  	[dreg:$0x4] =	wrdreg s16  }
0xb7: {  	[dreg:$0x5] =	wrdreg $0x79800  }
0xb8: {  	[dreg:$0x6] =	wrdreg $0x9  }
0xb9: {  	_ =	task.clear_ibuf [dreg:s8], $0x7FFFF;
	_ =	strace $0x9000004F  }
0xba: {  	s29 =	simm.s32 $0x9;
	_ =	strace $0x80000051  }
0xbb: {  	_ =	swait.ge [sflag:s29], $0x1  }
0xbc: {  	[sflag:s29] =	ssyncadd.s32 $0xFFFFFFFF  }
0xbd: {  	_ =	strace $0x90000051  }
0xbe: {  	_ =	sfence  }
0xbf: {  	s30 =	sld [smem:$0x0];
	_ =	sdelay $0x2  }
0xc0: {  	s31 =	sshll.u32 s1, $0xD;
	s1 =	sshrl.u32 s1, $0x2  }
0xc1: {  	s3 =	sand.u32 $0x4000, s31;
	s1 =	sadd.s32 s1, s30  }
0xc2: {  	s0 =	sor.u32 s3, s0;
	s1 =	sshll.u32 s1, $0x11  }
0xc3: {  	s0 =	sor.u32 s1, s0  }
0xc4: {  	s0 =	sadd.s32 $0x8F2B, s0  }
0xc5: {  	[sflag:s0] =	ssyncadd.remote.s32 $0x1  }
0xc6: {  	_ =	sfence.sel $0xFFFF  }
0xc7: {  	[dreg:$0x0] =	wrdreg $0xFFFFFFFF;
	(pc) =	sbr.abs _section_cstart, $3  }
0xc8: {  	[dreg:$0x1] =	wrdreg $0xFFFFFFFF  }
0xc9: {  	_ =	task.clear_ibuf [dreg:s8], $0x2FFFF;
	_ =	strace $0x9FFFFFFF  }
0xca: {  	(tm) =	ssettm $0x7FFFFFFF  }
0xcb: {  	_ =	shalt  }
tec
execute0_lowered:
.L_overlay_start_1:
0x0: {  	(tag) =	ssettag $0x1  }
0x1: {  	s1 =	rddreg [dreg:$0x0]  }
0x2: {  	s9 =	rddreg [dreg:$0x1]  }
0x3: {  	s14 =	rddreg [dreg:$0x2]  }
0x4: {  	s3 =	rddreg [dreg:$0x3]  }
0x5: {  	s0 =	rddreg [dreg:$0x4];
	s4 =	simm.s32 $0x0  }
0x6: {  	s2 =	stileid.u32;
	s7 =	simm.s32 $0x2A80;
	[smem:$0x7FF] =	sst s4  }
0x7: {  	s6 =	simm.s32 $0x2;
	s5 =	sadd.s32 $0x8C400, s9;
	_ =	strace $0x80000050  }
0x8: {  	[tilespmem:s7], [sflag:$0x2] =	stream.linear.gather [hbm4b:s5+s4], $0x4F00, $0x38;
	[tilespmem:$0xC880] =	vst v63  }
0x9: {  	s8 =	srdreg.scid;
	s15 =	smul.u32 $0x4F00, s2;
	_ =	swait.ge [sflag:s6], $0x4F00  }
0xa: {  	s16 =	sand.u32 $0x1, s8;
	s29 =	sshll.u32 s2, $0x1;
	[sflag:s6] =	ssyncset.done $0x0  }
0xb: {  	s10 =	sor.u32 s16, s29;
	s8 =	sadd.s32 s15, s3;
	[sflag:s6] =	ssyncadd.s32 $0xFFFFB100  }
0xc: {  	[spmem:s8] =	stream.linear.scatter [tilespmem:s7], [sflag:$0x2], $0x4F00, $0x38;
	[tilespmem:$0xC880] =	vst v63  }
0xd: {  	s10 =	smul.u32 $0x28, s10;
	_ =	swait.ge [sflag:s6], $0x4F00  }
0xe: {  	[sflag:s6] =	ssyncset.done $0x0  }
0xf: {  	s10 =	sadd.s32 s10, s9;
	[sflag:s6] =	ssyncadd.s32 $0xFFFFB100  }
0x10: {  	s9 =	sadd.s32 $0xEC00, s10;
	[bflag:$0x0] =	sbarrier.arrive $0xFFFF  }
0x11: {  	[tilespmem:s4], [sflag:$0x2] =	stream.linear.gather [hbm4b:s9+s4], $0x140, $0x38;
	[tilespmem:$0xC880] =	vst v63  }
0x12: {  	_ =	swait.ge [sflag:s6], $0x140  }
0x13: {  	[sflag:s6] =	ssyncset.done $0x0  }
0x14: {  	s11 =	simm.s32 $0x140;
	s10 =	sadd.s32 $0xF200, s10;
	[sflag:s6] =	ssyncadd.s32 $0xFFFFFEC0  }
0x15: {  	[tilespmem:s11], [sflag:$0x2] =	stream.linear.gather [hbm4b:s10+s4], $0x140, $0x38;
	[tilespmem:$0xC880] =	vst v63  }
0x16: {  	_ =	swait.ge [sflag:s6], $0x140  }
0x17: {  	[sflag:s6] =	ssyncset.done $0x0  }
0x18: {  	s12 =	simm.s32 $0x280;
	s13 =	simm.s32 $0x1;
	[sflag:s6] =	ssyncadd.s32 $0xFFFFFEC0  }
0x19: {  	[tilespmem:s12], [sflag:$0x1] =	stream.indirect.gather [hbm4b:s1+s11], $0x20, s4, s11, $0xb8;
	[tilespmem:$0xC880] =	vst v63  }
0x1a: {  	_ =	swait.ge [sflag:s13], $0x2800  }
0x1b: {  	[sflag:s13] =	ssyncset.done $0x0  }
0x1c: {  	[sflag:s13] =	ssyncadd.s32 $0xFFFFD800  }
0x1d: {  	[spmem:s3] =	stream.indirect.scatter.add.f32 [tilespmem:s12], [sflag:$0x2], $0x20, s11, s11, $0xb8;
	[tilespmem:$0xC880] =	vst v63  }
0x1e: {  	s17 =	ssub.s32 $0x2, s16;
	s16 =	smul.u32 $0x4F000, s16;
	_ =	swait.ge [sflag:s6], $0x2800  }
0x1f: {  	s30 =	sshrl.u32 s17, $0x1;
	[sflag:s6] =	ssyncset.done $0x0  }
0x20: {  	s15 =	sadd.s32 s15, s16;
	s16 =	ssub.s32 s17, s30;
	[sflag:s6] =	ssyncadd.s32 $0xFFFFD800  }
0x21: {  	s31 =	smax.u32 s16, $0x1;
	[bflag:$0x0] =	sbarrier.arrive $0xFFFF  }
0x22: {  	[tilespmem:s7], [sflag:$0x2] =	stream.linear.gather [spmem:s8], $0x4F00, $0x38;
	[tilespmem:$0xC880] =	vst v63  }
0x23: {  	p0 =	sne.s32 s31, $0x1;
	_ =	swait.ge [sflag:s6], $0x4F00  }
.Ltmp0:
0x24: {  	s15 =	sshrl.u32 s15, $0x3;
	[sflag:s6] =	ssyncset.done $0x0;
	(pc) =	sbr.rel @!p0 .LBB2_2-.Ltmp0, $4  }
0x25: {  	s14 =	sadd.s32 s14, s15;
	[sflag:s6] =	ssyncadd.s32 $0xFFFFB100  }
0x26: {  	[hbm4b:s14+s4] =	stream.linear.scatter [tilespmem:s7], [sflag:$0x2], $0x4F00, $0x38;
	[tilespmem:$0xC880] =	vst v63  }
0x27: {  	_ =	swait.ge [sflag:s6], $0x4F00  }
0x28: {  	s15 =	sadd.s32 $0xFFFFFFFF, s31;
	[sflag:s6] =	ssyncset.done $0x0  }
.LBB2_1:
0x29: {  	p0 =	sne.s32 s15, $0x1;
	s15 =	sadd.s32 $0xFFFFFFFF, s15;
	[sflag:s6] =	ssyncadd.s32 $0xFFFFB100  }
0x2a: {  	[tilespmem:s7], [sflag:$0x2] =	stream.linear.gather [hbm4b:s5+s4], $0x4F00, $0x38;
	[tilespmem:$0xC880] =	vst v63  }
0x2b: {  	_ =	swait.ge [sflag:s6], $0x4F00  }
0x2c: {  	[sflag:s6] =	ssyncset.done $0x0  }
0x2d: {  	[sflag:s6] =	ssyncadd.s32 $0xFFFFB100  }
0x2e: {  	[spmem:s8] =	stream.linear.scatter [tilespmem:s7], [sflag:$0x2], $0x4F00, $0x38;
	[tilespmem:$0xC880] =	vst v63  }
0x2f: {  	_ =	swait.ge [sflag:s6], $0x4F00  }
0x30: {  	[sflag:s6] =	ssyncset.done $0x0  }
0x31: {  	[sflag:s6] =	ssyncadd.s32 $0xFFFFB100  }
0x32: {  	[bflag:$0x0] =	sbarrier.arrive $0xFFFF  }
0x33: {  	[tilespmem:s4], [sflag:$0x2] =	stream.linear.gather [hbm4b:s9+s4], $0x140, $0x38;
	[tilespmem:$0xC880] =	vst v63  }
0x34: {  	_ =	swait.ge [sflag:s6], $0x140  }
0x35: {  	[sflag:s6] =	ssyncset.done $0x0  }
0x36: {  	[sflag:s6] =	ssyncadd.s32 $0xFFFFFEC0  }
0x37: {  	[tilespmem:s11], [sflag:$0x2] =	stream.linear.gather [hbm4b:s10+s4], $0x140, $0x38;
	[tilespmem:$0xC880] =	vst v63  }
0x38: {  	_ =	swait.ge [sflag:s6], $0x140  }
0x39: {  	[sflag:s6] =	ssyncset.done $0x0  }
0x3a: {  	[sflag:s6] =	ssyncadd.s32 $0xFFFFFEC0  }
0x3b: {  	[tilespmem:s12], [sflag:$0x1] =	stream.indirect.gather [hbm4b:s1+s11], $0x20, s4, s11, $0xb8;
	[tilespmem:$0xC880] =	vst v63  }
0x3c: {  	_ =	swait.ge [sflag:s13], $0x2800  }
0x3d: {  	[sflag:s13] =	ssyncset.done $0x0  }
0x3e: {  	[sflag:s13] =	ssyncadd.s32 $0xFFFFD800  }
0x3f: {  	[spmem:s3] =	stream.indirect.scatter.add.f32 [tilespmem:s12], [sflag:$0x2], $0x20, s11, s11, $0xb8;
	[tilespmem:$0xC880] =	vst v63  }
0x40: {  	_ =	swait.ge [sflag:s6], $0x2800  }
0x41: {  	[sflag:s6] =	ssyncset.done $0x0  }
0x42: {  	[sflag:s6] =	ssyncadd.s32 $0xFFFFD800  }
0x43: {  	[bflag:$0x0] =	sbarrier.arrive $0xFFFF  }
0x44: {  	[tilespmem:s7], [sflag:$0x2] =	stream.linear.gather [spmem:s8], $0x4F00, $0x38;
	[tilespmem:$0xC880] =	vst v63  }
0x45: {  	_ =	swait.ge [sflag:s6], $0x4F00  }
.Ltmp1:
0x46: {  	[sflag:s6] =	ssyncset.done $0x0;
	(pc) =	sbr.rel @p0 .LBB2_1-.Ltmp1, $4  }
0x47: {  	[sflag:s6] =	ssyncadd.s32 $0xFFFFB100  }
0x48: {  	[hbm4b:s14+s4] =	stream.linear.scatter [tilespmem:s7], [sflag:$0x2], $0x4F00, $0x38;
	[tilespmem:$0xC880] =	vst v63  }
0x49: {  	_ =	swait.ge [sflag:s6], $0x4F00  }
0x4a: {  	[sflag:s6] =	ssyncset.done $0x0  }
.LBB2_2:
0x4b: {  	[sflag:s6] =	ssyncadd.s32 $0xFFFFB100  }
0x4c: {  	_ =	sfence.sel $0x180000  }
0x4d: {  	[bflag:$0x0] =	sbarrier.arrive $0xFFFF  }
0x4e: {  	p0 =	sne.s32 s2, $0x0;
	_ =	strace $0x90000050  }
0x4f: {  	s0 =	sadd.s32 @!p0 $0x100000, s0;
	[bflag:$0x2] =	sbarrier.arrive $0xFFFF  }
0x50: {  	[sflag:s0] =	ssyncadd.tile.s32 @!p0 $0x1;
	_ =	shalt  }
.Lfunc_end2:
_tile_overlayer_lowered:
.L_overlay_start_2:
0x51: {  	(tag) =	ssettag $0x2  }
0x52: {  	s0 =	rddreg [dreg:$0x0];
	s2 =	stileid.u32  }
0x53: {  	s1 =	rddreg [dreg:$0x1];
	p0 =	sne.s32 s2, $0x0  }
0x54: {  	s3 =	rddreg [dreg:$0x2];
	[bflag:$0x3] =	sbarrier.arrive $0xFFFF;
	s2 =	simm.s32 @!p0 $0x1C02  }
0x55: {  	[timem:s3], [sflag:s2] =	dma.local @!p0 [hbm:s0], s1  }
0x56: {  	s0 =	simm.s32 @!p0 $0x2  }
0x57: {  	_ =	swait.ge @!p0 [sflag:s0], s1  }
0x58: {  	s1 =	ssub.s32 @!p0 $0x0, s1;
	[sflag:s0] =	ssyncset.done @!p0 $0x0  }
0x59: {  	[sflag:s0] =	ssyncadd.s32 @!p0 s1  }
0x5a: {  	[bflag:$0x3] =	sbarrier.arrive $0xFFFF  }
0x5b: {  	_ =	shalt  }

// kernel: kernel.35.cloned.1.call-start
scs
__scs_entry_jumppad:
0x0: {  	(pc) =	sbr.rel $0x88, $3  }
0x1: {  	(tag) =	ssettag $0x0;
	lr =	simm.s32 $0x1  }
0x2: {  	[smem:$0x3F76] =	sst lr;
	_ =	strace $0xD0000000  }
0x3: {  	_ = 	snop  }
0x4: {  	_ = 	snop  }
0x5: {  	_ = 	snop  }
0x6: {  	_ = 	snop  }
0x7: {  	_ = 	snop  }
__scs_overlays_trampoline_lowered:
0x8: {  	[smem:$0x3F85] =	sst s0  }
0x9: {  	[smem:$0x3F86] =	sst s1  }
0xa: {  	[smem:$0x3F87] =	sst s2  }
0xb: {  	[smem:$0x3F88] =	sst s3  }
0xc: {  	[smem:$0x3F89] =	sst s4  }
0xd: {  	[smem:$0x3F8A] =	sst s5  }
0xe: {  	[smem:$0x3F8B] =	sst s6  }
0xf: {  	[smem:$0x3F8C] =	sst s7  }
0x10: {  	[smem:$0x3F8D] =	sst s8  }
0x11: {  	[smem:$0x3F8E] =	sst s9;
	s0 =	simm.s32 @!p0 $0x0  }
0x12: {  	s1 =	sld [smem:$0x3F74];
	s0 =	simm.s32 @p0 $0x1  }
0x13: {  	[smem:$0x3F8F] =	sst s0;
	s0 =	simm.s32 @!p1 $0x0  }
0x14: {  	s2 =	sld [smem:$0x3F73];
	s0 =	simm.s32 @p1 $0x1  }
0x15: {  	[smem:$0x3F90] =	sst s0;
	s0 =	simm.s32 @!p2 $0x0  }
0x16: {  	s3 =	sld [smem:$0x3FDB];
	s0 =	simm.s32 @p2 $0x1  }
0x17: {  	s4 =	simm.s32 $0x1BF5;
	[smem:$0x3F92] =	sst s0  }
0x18: {  	s0 =	sld [smem:$0x3F75];
	_ =	swait.ge [sflag:s4], $0x0  }
0x19: {  	s7 =	sld [smem:$0x3F76]  }
0x1a: {  	s8 =	sadd.s32 $0xFFFFE003, lr  }
0x1b: {  	s9 =	sadd.s32 $0xFFFFFEF7, lr;
	s5 =	simm.s32 $0xFFFFFFFF;
	p2 =	slt.u32 s8, $0xFFFFF086  }
0x1c: {  	p1 =	slt.u32 s9, $0xF7A;
	s5 =	simm.s32 @!p2 $0x0  }
0x1d: {  	s5 =	simm.s32 @p1 $0x1;
	p0 =	seq.s32 s7, s2  }
0x1e: {  	s7 =	smul.u32 @!p0 $0xF7A, s2;
	p2 =	seq.s32 @!p0 s5, $0x0  }
0x1f: {  	s9 =	smul.u32 $0xF7A, s1;
	s8 =	simm.s32 @!p0 $0x1BF5;
	p2 =	por !p2, p0  }
0x20: {  	[sflag:s8] =	ssyncset.s32 @!p0 $0xFFFFF086;
	s6 =	sadd.s32 @!p0 s3, s7;
	s7 =	simm.s32 @!p0 $0x108  }
0x21: {  	s3 =	sadd.s32 s3, s9;
	s6 =	sadd.s32 @!p0 $0x88, s6;
	s7 =	simm.s32 @p2 $0x1082  }
0x22: {  	[simem:s7], [sflag:s8] =	dma.local @!p0 [hbm:s6], $0xF7A  }
0x23: {  	s9 =	sor.u32 $0xD0000000, s2;
	s6 =	simm.s32 $0x108;
	_ =	swait.ge @!p0 [sflag:s8], $0x0  }
0x24: {  	s3 =	sadd.s32 $0x88, s3;
	s6 =	simm.s32 @!p1 $0x1082;
	[sflag:s4] =	ssyncset.s32 $0xFFFFF086  }
0x25: {  	[simem:s6], [sflag:s4] =	dma.local [hbm:s3], $0xF7A  }
0x26: {  	[smem:$0x3F76] =	sst s1;
	(tag) =	ssettag s2;
	_ =	strace s9  }
0x27: {  	s1 =	sld [smem:$0x3F86]  }
0x28: {  	s2 =	sld [smem:$0x3F87]  }
0x29: {  	s4 =	sld [smem:$0x3F89]  }
0x2a: {  	p0 =	seq.s32 s5, $0x0;
	s5 =	sld [smem:$0x3F8A]  }
0x2b: {  	s6 =	sld [smem:$0x3F8B]  }
0x2c: {  	s7 =	sld [smem:$0x3F8C]  }
0x2d: {  	s3 =	simm.s32 $0x108;
	s8 =	sld [smem:$0x3F8D]  }
0x2e: {  	s3 =	simm.s32 @!p0 $0x1082;
	s9 =	sld [smem:$0x3F8E]  }
0x2f: {  	lr =	sadd.s32 s0, s3;
	s0 =	sld [smem:$0x3F85]  }
0x30: {  	s3 =	sld [smem:$0x3F88]  }
0x31: {  	[smem:$0x3F91] =	sst s10  }
0x32: {  	s10 =	sld [smem:$0x3F8F];
	_ =	sdelay $0x3  }
0x33: {  	p0 =	seq.s32 s10, $0x1;
	s10 =	sld [smem:$0x3F91];
	_ =	sdelay $0x3  }
0x34: {  	[smem:$0x3F91] =	sst s10  }
0x35: {  	s10 =	sld [smem:$0x3F90];
	_ =	sdelay $0x3  }
0x36: {  	p1 =	seq.s32 s10, $0x1;
	s10 =	sld [smem:$0x3F91];
	_ =	sdelay $0x3  }
0x37: {  	[smem:$0x3F91] =	sst s10  }
0x38: {  	s10 =	sld [smem:$0x3F92]  }
0x39: {  	_ = 	snop;
	(pc) =	sbr.ind lr, $3  }
0x3a: {  	_ = 	snop  }
0x3b: {  	_ = 	snop  }
0x3c: {  	p2 =	seq.s32 s10, $0x1;
	s10 =	sld [smem:$0x3F91]  }
0x3d: {  	_ =	shalt  }
0x3e: {  	_ =	shalt  }
0x3f: {  	_ =	shalt  }
0x40: {  	_ =	shalt  }
0x41: {  	_ =	shalt  }
0x42: {  	_ =	shalt  }
0x43: {  	_ =	shalt  }
0x44: {  	_ =	shalt  }
0x45: {  	_ =	shalt  }
0x46: {  	_ =	shalt  }
0x47: {  	_ =	shalt  }
0x48: {  	_ =	shalt  }
0x49: {  	_ =	shalt  }
0x4a: {  	_ =	shalt  }
0x4b: {  	_ =	shalt  }
0x4c: {  	_ =	shalt  }
0x4d: {  	_ =	shalt  }
0x4e: {  	_ =	shalt  }
0x4f: {  	_ =	shalt  }
0x50: {  	_ =	shalt  }
0x51: {  	_ =	shalt  }
0x52: {  	_ =	shalt  }
0x53: {  	_ =	shalt  }
0x54: {  	_ =	shalt  }
0x55: {  	_ =	shalt  }
0x56: {  	_ =	shalt  }
0x57: {  	_ =	shalt  }
0x58: {  	_ =	shalt  }
0x59: {  	_ =	shalt  }
0x5a: {  	_ =	shalt  }
0x5b: {  	_ =	shalt  }
0x5c: {  	_ =	shalt  }
0x5d: {  	_ =	shalt  }
0x5e: {  	_ =	shalt  }
0x5f: {  	_ =	shalt  }
0x60: {  	_ =	shalt  }
0x61: {  	_ =	shalt  }
0x62: {  	_ =	shalt  }
0x63: {  	_ =	shalt  }
0x64: {  	_ =	shalt  }
0x65: {  	_ =	shalt  }
0x66: {  	_ =	shalt  }
0x67: {  	_ =	shalt  }
0x68: {  	_ =	shalt  }
0x69: {  	_ =	shalt  }
0x6a: {  	_ =	shalt  }
0x6b: {  	_ =	shalt  }
0x6c: {  	_ =	shalt  }
0x6d: {  	_ =	shalt  }
0x6e: {  	_ =	shalt  }
0x6f: {  	_ =	shalt  }
0x70: {  	_ =	shalt  }
0x71: {  	_ =	shalt  }
0x72: {  	_ =	shalt  }
0x73: {  	_ =	shalt  }
0x74: {  	_ =	shalt  }
0x75: {  	_ =	shalt  }
0x76: {  	_ =	shalt  }
0x77: {  	_ =	shalt  }
0x78: {  	_ =	shalt  }
0x79: {  	_ =	shalt  }
0x7a: {  	_ =	shalt  }
0x7b: {  	_ =	shalt  }
0x7c: {  	_ =	shalt  }
0x7d: {  	_ =	shalt  }
0x7e: {  	_ =	shalt  }
0x7f: {  	_ =	shalt  }
0x80: {  	_ =	shalt  }
0x81: {  	_ =	shalt  }
0x82: {  	_ =	shalt  }
0x83: {  	_ =	shalt  }
0x84: {  	_ =	shalt  }
0x85: {  	_ =	shalt  }
0x86: {  	_ =	shalt  }
0x87: {  	_ =	shalt  }
.Lfunc_end0:
.L_simem_size_0:
called_computation.4_lowered:
.L_overlay_start_0:
0x88: {  	s2 =	sld [smem:$0x3FD9]  }
0x89: {  	s3 =	sld [smem:$0x3FFE];
	_ =	sdelay $0x1  }
0x8a: {  	s1 =	srdreg.scid  }
0x8b: {  	s0 =	sand.u32 $0x1, s1  }
0x8c: {  	s14 =	sshll.u32 s0, $0xA;
	s2 =	sadd.s32 s3, s2  }
0x8d: {  	s2 =	sadd.s32 s2, s14  }
0x8e: {  	[smem:$0x3F9D] =	sst s2  }
0x8f: {  	_ = 	snop  }
0x90: {  	s2 =	sld [smem:$0x3FD0];
	_ =	sdelay $0x2  }
0x91: {  	s15 =	simm.s32 $0xA;
	s4 =	simm.s32 $0x10  }
0x92: {  	[smem:s4], [sflag:s15] =	dma.local [hbm:s2], $0x1  }
0x93: {  	_ =	swait.eq [sflag:s15], $0x1  }
0x94: {  	[sflag:s15] =	ssyncset.done $0x0  }
0x95: {  	[sflag:s15] =	ssyncadd.s32 $0xFFFFFFFF  }
0x96: {  	s16 =	sld [smem:$0x10];
	(tm) =	ssettm $0x1  }
0x97: {  	s17 =	sld [smem:$0x3FFB];
	_ =	sdelay $0x3  }
0x98: {  	_ =	strace s17  }
0x99: {  	s3 =	sld [smem:$0x3FFC];
	_ =	sdelay $0x3  }
0x9a: {  	_ =	strace s3  }
0x9b: {  	s3 =	sld [smem:$0x3FFD];
	_ =	sdelay $0x3  }
0x9c: {  	_ =	strace s3  }
0x9d: {  	_ =	strace $0x8FFFFFFF  }
0x9e: {  	s18 =	sld [smem:$0x3FDB];
	_ =	sdelay $0x1  }
0x9f: {  	s19 =	simm.s32 $_scs_section_size  }
0xa0: {  	s5 =	simm.s32 $_size__tile_overlayer_lowered;
	s6 =	simm.s32 $_tile_overlayer_lowered  }
0xa1: {  	s22 =	simm.s32 $0x1BFF;
	s21 =	sshll.u32 s6, $0x1;
	s3 =	sadd.s32 s19, s18  }
0xa2: {  	s7 =	simm.s32 $0x0;
	s20 =	sshll.u32 s5, $0x1;
	s5 =	sadd.s32 s21, s3  }
0xa3: {  	[timem:s7], [sflag:s22] =	dma.local [hbm:s5], s20  }
0xa4: {  	_ =	swait.ge [sflag:s22], s20  }
0xa5: {  	s4 =	ssub.s32 $0x0, s20;
	[sflag:s22] =	ssyncset.done $0x0  }
0xa6: {  	[sflag:s22] =	ssyncadd.s32 s4;
	_ =	sdelay $0x1  }
0xa7: {  	s23 =	simm.s32 $0x1B8B  }
0xa8: {  	_ =	swait.ge [sflag:s23], $0x1  }
0xa9: {  	[sflag:s23] =	ssyncset.done $0x0  }
0xaa: {  	s25 =	simm.s32 $0x1B8E;
	s24 =	sld [smem:$0x3FFE];
	[sflag:s23] =	ssyncadd.s32 $0xFFFFFFFF  }
0xab: {  	s26 =	simm.s32 $execute0_lowered;
	[smem:$0x3FD2] =	sst s25  }
0xac: {  	s5 =	sshll.u32 s26, $0x1;
	_ =	strace $0x80000052;
	[dreg:$0x1] =	wrdreg $0xFFFFFFFF  }
0xad: {  	s28 =	simm.s32 $_size_execute0_lowered;
	s3 =	sadd.s32 s3, s5;
	[dreg:$0x0] =	wrdreg $0x0  }
0xae: {  	s5 =	sshll.u32 s28, $0x1;
	[dreg:$0x2] =	wrdreg s3  }
0xaf: {  	[dreg:$0x3] =	wrdreg s5  }
0xb0: {  	[dreg:$0x4] =	wrdreg $0xC0  }
0xb1: {  	_ =	task [dreg:s7], $0x5FFFF  }
0xb2: {  	[dreg:$0x1] =	wrdreg $0xFFFFFFFF  }
0xb3: {  	[dreg:$0x0] =	wrdreg $0x60  }
0xb4: {  	[dreg:$0x2] =	wrdreg s24  }
0xb5: {  	[dreg:$0x3] =	wrdreg s16  }
0xb6: {  	[dreg:$0x4] =	wrdreg $0x1D4100  }
0xb7: {  	[dreg:$0x5] =	wrdreg $0x9  }
0xb8: {  	_ =	task.clear_ibuf [dreg:s7], $0x6FFFF;
	_ =	strace $0x90000052  }
0xb9: {  	s29 =	simm.s32 $0x9;
	_ =	strace $0x80000054  }
0xba: {  	_ =	swait.ge [sflag:s29], $0x1  }
0xbb: {  	[sflag:s29] =	ssyncadd.s32 $0xFFFFFFFF  }
0xbc: {  	_ =	strace $0x90000054  }
0xbd: {  	_ =	sfence  }
0xbe: {  	s30 =	sld [smem:$0x0];
	_ =	sdelay $0x2  }
0xbf: {  	s31 =	sshll.u32 s1, $0xD;
	s1 =	sshrl.u32 s1, $0x2  }
0xc0: {  	s3 =	sand.u32 $0x4000, s31;
	s1 =	sadd.s32 s1, s30  }
0xc1: {  	s0 =	sor.u32 s3, s0;
	s1 =	sshll.u32 s1, $0x11  }
0xc2: {  	s0 =	sor.u32 s1, s0  }
0xc3: {  	s0 =	sadd.s32 $0x8F2B, s0  }
0xc4: {  	[sflag:s0] =	ssyncadd.remote.s32 $0x1  }
0xc5: {  	_ =	sfence.sel $0xFFFF  }
0xc6: {  	[dreg:$0x0] =	wrdreg $0xFFFFFFFF;
	(pc) =	sbr.abs _section_cstart, $3  }
0xc7: {  	[dreg:$0x1] =	wrdreg $0xFFFFFFFF  }
0xc8: {  	_ =	task.clear_ibuf [dreg:s7], $0x2FFFF;
	_ =	strace $0x9FFFFFFF  }
0xc9: {  	(tm) =	ssettm $0x7FFFFFFF  }
tec
execute0_lowered:
.L_overlay_start_1:
0x0: {  	(tag) =	ssettag $0x1  }
0x1: {  	s0 =	rddreg [dreg:$0x0]  }
0x2: {  	s1 =	rddreg [dreg:$0x1]  }
0x3: {  	s2 =	rddreg [dreg:$0x2]  }
0x4: {  	s4 =	srdreg.scid;
	s15 =	stileid.u32  }
0x5: {  	s3 =	simm.s32 $0x0;
	s28 =	simm.s32 $0x4650;
	s29 =	simm.s32 $0x2  }
0x6: {  	s30 =	simm.s32 $0x18650;
	s31 =	simm.s32 $0x3E8;
	s5 =	sand.u32 $0x1, s4  }
0x7: {  	s14 =	sshll.u32 s15, $0x1;
	[smem:$0x7FF] =	sst s3;
	s4 =	sadd.s32 $0x14C00, s0  }
0x8: {  	s8 =	sadd.s32 $0xFC00, s0;
	s11 =	sadd.s32 $0x5A00, s0;
	s13 =	sadd.s32 $0x6200, s0  }
0x9: {  	s21 =	smul.u32 $0x2780, s15;
	s6 =	sor.u32 s5, s14;
	_ =	strace $0x80000053  }
0xa: {  	[dreg:$0x4] =	wrdreg s11;
	s16 =	ssub.s32 $0x2, s5;
	s5 =	smul.u32 $0x27800, s5  }
0xb: {  	s10 =	sadd.s32 $0x6800, s0;
	[dreg:$0x5] =	wrdreg s13;
	s7 =	smul.u32 $0x28, s6  }
0xc: {  	s9 =	sshll.u32 s6, $0x5;
	s12 =	smul.u32 $0x1388, s6;
	s17 =	sshrl.u32 s16, $0x1  }
0xd: {  	s6 =	smul.u32 $0x2800, s6;
	s9 =	sadd.s32 s9, s0;
	s11 =	ssub.s32 s16, s17  }
0xe: {  	s5 =	sadd.s32 s21, s5;
	s17 =	sadd.s32 $0x5E00, s0;
	s21 =	sadd.s32 s21, s2  }
0xf: {  	s7 =	sadd.s32 s7, s0;
	s14 =	sshrl.u32 s12, $0x3;
	s18 =	sadd.s32 $0x3E8, s12  }
0x10: {  	s12 =	sadd.s32 $0xBB8, s12;
	s5 =	sshrl.u32 s5, $0x3;
	s26 =	sadd.s32 s6, s0  }
0x11: {  	s6 =	simm.s32 $0x140;
	s19 =	sadd.s32 s8, s14;
	s13 =	sshrl.u32 s18, $0x3  }
0x12: {  	s20 =	sadd.s32 s10, s14;
	s23 =	sadd.s32 $0xFA, s14;
	s12 =	sshrl.u32 s12, $0x3  }
0x13: {  	s16 =	sadd.s32 $0x1F4, s14;
	s18 =	sadd.s32 s1, s5;
	[dreg:$0x6] =	wrdreg s19  }
0x14: {  	s1 =	simm.s32 $0x1ADD0;
	s5 =	simm.s32 $0x1AF10;
	[dreg:$0x7] =	wrdreg s20  }
0x15: {  	s22 =	sadd.s32 s8, s13;
	s13 =	sadd.s32 s10, s13;
	s24 =	sadd.s32 s8, s23  }
0x16: {  	s25 =	sadd.s32 s8, s12;
	s14 =	sadd.s32 s10, s12;
	s15 =	sadd.s32 s8, s16  }
0x17: {  	s16 =	sadd.s32 s10, s16;
	s19 =	sadd.s32 $0xB800, s0;
	[dreg:$0x8] =	wrdreg s22  }
0x18: {  	s20 =	sadd.s32 $0x3BE00, s0;
	s0 =	simm.s32 $0x7D0;
	[dreg:$0x9] =	wrdreg s13  }
0x19: {  	s8 =	simm.s32 $0x1C410;
	[dreg:$0xa] =	wrdreg s24;
	s13 =	sadd.s32 s10, s23  }
0x1a: {  	[dreg:$0xc] =	wrdreg s25;
	s22 =	sadd.s32 $0xE000, s7;
	s23 =	sadd.s32 $0xF200, s7  }
0x1b: {  	v0 =	vlaneseq.u32;
	vm0 =	vcmask $0x2F20;
	vm1 =	vcmask $0xF00;
	s24 =	sadd.s32 $0xF800, s9;
	s25 =	sadd.s32 $0x9C200, s26;
	s26 =	smax.u32 s11, $0x1  }
0x1c: {  	v0 =	vand.u32 $0x7, v0;
	vm0 =	vmor vm1, vm0;
	s7 =	simm.s32 $0x1C310;
	s9 =	simm.s32 $0x0;
	[dreg:$0xb] =	wrdreg s13  }
.LBB2_1:
0x1d: {  	[tilespmem:s28], [sflag:$0x2] =	stream.linear.gather [hbm4b:s19+s3], $0x14000, $0x38;
	[tilespmem:$0x1FB90] =	vst v63  }
0x1e: {  	_ =	swait.ge [sflag:s29], $0x14000  }
0x1f: {  	[sflag:s29] =	ssyncset.done $0x0  }
0x20: {  	[sflag:s29] =	ssyncadd.s32 $0xFFFEC000  }
0x21: {  	[tilespmem:s30], [sflag:$0x2] =	stream.linear.gather [hbm4b:s20+s3], $0x2780, $0x38;
	[tilespmem:$0x1FB90] =	vst v63  }
0x22: {  	_ =	swait.ge [sflag:s29], $0x2780  }
0x23: {  	[sflag:s29] =	ssyncset.done $0x0  }
0x24: {  	[sflag:s29] =	ssyncadd.s32 $0xFFFFD880  }
0x25: {  	[spmem:s21] =	stream.linear.scatter [tilespmem:s30], [sflag:$0x2], $0x2780, $0x38;
	[tilespmem:$0x1FB90] =	vst v63  }
0x26: {  	_ =	swait.ge [sflag:s29], $0x2780  }
0x27: {  	[sflag:s29] =	ssyncset.done $0x0  }
0x28: {  	[sflag:s29] =	ssyncadd.s32 $0xFFFFD880  }
0x29: {  	[bflag:$0x0] =	sbarrier.arrive $0xFFFF  }
0x2a: {  	s10 =	rddreg [dreg:$0x6]  }
0x2b: {  	[tilespmem:s3], [sflag:$0x2] =	stream.linear.gather [hbm4b:s10+s3], $0x3E8, $0x38;
	[tilespmem:$0x1FB90] =	vst v63  }
0x2c: {  	_ =	swait.ge [sflag:s29], $0x3E8  }
0x2d: {  	[sflag:s29] =	ssyncset.done $0x0  }
0x2e: {  	s11 =	rddreg [dreg:$0x7];
	[sflag:s29] =	ssyncadd.s32 $0xFFFFFC18  }
0x2f: {  	[tilespmem:s31], [sflag:$0x2] =	stream.linear.gather [hbm4b:s11+s3], $0x3E8, $0x38;
	[tilespmem:$0x1FB90] =	vst v63  }
0x30: {  	_ =	swait.ge [sflag:s29], $0x3E8  }
0x31: {  	[sflag:s29] =	ssyncset.done $0x0  }
0x32: {  	s12 =	simm.s32 $0x0;
	s11 =	simm.s32 $0x1;
	[sflag:s29] =	ssyncadd.s32 $0xFFFFFC18  }
0x33: {  	v1 =	vmov s12;
	[tilespmem:s0], [sflag:$0x1] =	stream.indirect.gather [hbm4b:s4+s31], $0x10, s3, s31, $0xb8;
	[tilespmem:$0x1FB90] =	vst v63  }
0x34: {  	v1 =	vand.u32 $0xFFFFFFFE, v1;
	_ =	swait.ge [sflag:s11], $0x3E80  }
0x35: {  	v1 =	vbroadcast v1, $0x0;
	[sflag:s11] =	ssyncset.done $0x0  }
0x36: {  	[sflag:s11] =	ssyncadd.s32 $0xFFFFC180  }
0x37: {  	[spmem:s2] =	stream.indirect.scatter.add.f32 [tilespmem:s0], [sflag:$0x2], $0x10, s31, s31, $0xb8;
	[tilespmem:$0x1FB90] =	vst v63  }
0x38: {  	_ =	swait.ge [sflag:s29], $0x3E80  }
0x39: {  	[sflag:s29] =	ssyncset.done $0x0  }
0x3a: {  	[sflag:s29] =	ssyncadd.s32 $0xFFFFC180  }
0x3b: {  	v1 =	vld.idx.msk [tilespmem:v1+s31+$0x0], $0xffff;
	_ =	sdelay $0x4  }
0x3c: {  	v1 =	vshll.u32 v1, $0x3  }
0x3d: {  	v1 =	vor.u32 v0, v1;
	_ =	sdelay $0x2  }
0x3e: {  	s10 =	simm.s32 $0x7E0  }
0x3f: {  	v3 =	vld [tilespmem:s10+$0xFFFFFFF0]  }
0x40: {  	v2 =	vld.idx.msk [tilespmem:v1+s28+$0x0], $0xffff;
	_ =	sdelay $0x2  }
0x41: {  	v4 =	vmov s11;
	_ =	sdelay $0x1  }
0x42: {  	v5 =	vmax.f32 v2, v3;
	v2 =	vmin.f32 v2, v3  }
0x43: {  	v2 =	vsel vm0, v5, v2  }
0x44: {  	[tilespmem:v1+s28+$0x0] =	vst.idx.msk $0xff, v2  }
0x45: {  	v1 =	vld.idx.msk [tilespmem:v4+s31+$0x0], $0xffff;
	_ =	sdelay $0x4  }
0x46: {  	v1 =	vshll.u32 v1, $0x3  }
0x47: {  	v1 =	vor.u32 v0, v1;
	_ =	sdelay $0x3  }
0x48: {  	v3 =	vld [tilespmem:s10+$0x0]  }
0x49: {  	v2 =	vld.idx.msk [tilespmem:v1+s28+$0x0], $0xffff;
	_ =	sdelay $0x1  }
0x4a: {  	s13 =	simm.s32 $0x2  }
0x4b: {  	v4 =	vmov s13  }
0x4c: {  	v4 =	vand.u32 $0xFFFFFFFE, v4  }
0x4d: {  	v5 =	vmax.f32 v2, v3;
	v3 =	vmin.f32 v2, v3;
	v2 =	vbroadcast v4, $0x0;
	_ =	sdelay $0x2  }
0x4e: {  	s12 =	simm.s32 $0x5;
	s11 =	simm.s32 $0x3;
	v3 =	vsel vm0, v5, v3  }
.LBB2_2:
0x4f: {  	p0 =	sne.s32 s12, $0x3E7  }
0x50: {  	[tilespmem:v1+s28+$0x0] =	vst.idx.msk $0xff, v3;
	s10 =	sadd.s32 $0x20, s10;
	s13 =	smov.u32 s12;
	s12 =	sadd.s32 $0x2, s12  }
0x51: {  	v1 =	vld.idx.msk [tilespmem:v2+s31+$0x0], $0xffff;
	_ =	sdelay $0x5  }
0x52: {  	v1 =	vshll.u32 v1, $0x3  }
0x53: {  	v1 =	vor.u32 v0, v1;
	_ =	sdelay $0x4  }
0x54: {  	v2 =	vld.idx.msk [tilespmem:v1+s28+$0x0], $0xffff  }
0x55: {  	v3 =	vld [tilespmem:s10+$0xFFFFFFF0];
	_ =	sdelay $0x2  }
0x56: {  	v4 =	vmov s11;
	s11 =	smov.u32 s13;
	_ =	sdelay $0x1  }
0x57: {  	v5 =	vmax.f32 v2, v3;
	v2 =	vmin.f32 v2, v3  }
0x58: {  	v2 =	vsel vm0, v5, v2  }
0x59: {  	[tilespmem:v1+s28+$0x0] =	vst.idx.msk $0xff, v2  }
0x5a: {  	v1 =	vld.idx.msk [tilespmem:v4+s31+$0x0], $0xffff;
	_ =	sdelay $0x5  }
0x5b: {  	v1 =	vshll.u32 v1, $0x3  }
0x5c: {  	v1 =	vor.u32 v0, v1;
	_ =	sdelay $0x4  }
0x5d: {  	s13 =	sadd.s32 $0xFFFFFFFF, s11;
	v3 =	vld.idx.msk [tilespmem:v1+s28+$0x0], $0xffff  }
0x5e: {  	v2 =	vmov s13;
	v4 =	vld [tilespmem:s10+$0x0]  }
0x5f: {  	v2 =	vand.u32 $0xFFFFFFFE, v2  }
.Ltmp0:
0x60: {  	v2 =	vbroadcast v2, $0x0;
	(pc) =	sbr.rel @p0 .LBB2_2-.Ltmp0, $3  }
0x61: {  	_ =	sdelay $0x1  }
0x62: {  	v5 =	vmax.f32 v3, v4;
	v3 =	vmin.f32 v3, v4  }
0x63: {  	v3 =	vsel vm0, v5, v3  }
0x64: {  	_ =	sdelay $0x3  }
0x65: {  	[tilespmem:v1+s28+$0x0] =	vst.idx.msk $0xff, v3  }
0x66: {  	v1 =	vld.idx.msk [tilespmem:v2+s31+$0x0], $0xffff;
	_ =	sdelay $0x4  }
0x67: {  	v1 =	vshll.u32 v1, $0x3  }
0x68: {  	v1 =	vor.u32 v0, v1;
	_ =	sdelay $0x2  }
0x69: {  	s10 =	sadd.s32 $0x20, s10  }
0x6a: {  	v3 =	vld [tilespmem:s10+$0xFFFFFFF0]  }
0x6b: {  	v2 =	vld.idx.msk [tilespmem:v1+s28+$0x0], $0xffff;
	_ =	sdelay $0x2  }
0x6c: {  	v4 =	vmov s11;
	_ =	sdelay $0x1  }
0x6d: {  	v5 =	vmax.f32 v2, v3;
	v2 =	vmin.f32 v2, v3  }
0x6e: {  	v2 =	vsel vm0, v5, v2  }
0x6f: {  	[tilespmem:v1+s28+$0x0] =	vst.idx.msk $0xff, v2  }
0x70: {  	v1 =	vld.idx.msk [tilespmem:v4+s31+$0x0], $0xffff;
	_ =	sdelay $0x4  }
0x71: {  	v1 =	vshll.u32 v1, $0x3  }
0x72: {  	v1 =	vor.u32 v0, v1;
	_ =	sdelay $0x3  }
0x73: {  	v3 =	vld [tilespmem:s10+$0x0]  }
0x74: {  	v2 =	vld.idx.msk [tilespmem:v1+s28+$0x0], $0xffff;
	_ =	sdelay $0x4  }
0x75: {  	v4 =	vmax.f32 v2, v3;
	v2 =	vmin.f32 v2, v3  }
0x76: {  	v2 =	vsel vm0, v4, v2  }
0x77: {  	s12 =	rddreg [dreg:$0x8];
	[tilespmem:v1+s28+$0x0] =	vst.idx.msk $0xff, v2  }
0x78: {  	[tilespmem:s3], [sflag:$0x2] =	stream.linear.gather [hbm4b:s12+s3], $0x3E8, $0x38;
	[tilespmem:$0x1FB90] =	vst v63  }
0x79: {  	_ =	swait.ge [sflag:s29], $0x3E8  }
0x7a: {  	[sflag:s29] =	ssyncset.done $0x0  }
0x7b: {  	s13 =	rddreg [dreg:$0x9];
	[sflag:s29] =	ssyncadd.s32 $0xFFFFFC18  }
0x7c: {  	[tilespmem:s31], [sflag:$0x2] =	stream.linear.gather [hbm4b:s13+s3], $0x3E8, $0x38;
	[tilespmem:$0x1FB90] =	vst v63  }
0x7d: {  	_ =	swait.ge [sflag:s29], $0x3E8  }
0x7e: {  	[sflag:s29] =	ssyncset.done $0x0  }
0x7f: {  	s11 =	simm.s32 $0x0;
	s12 =	simm.s32 $0x1;
	[sflag:s29] =	ssyncadd.s32 $0xFFFFFC18  }
0x80: {  	v1 =	vmov s11;
	[tilespmem:s0], [sflag:$0x1] =	stream.indirect.gather [hbm4b:s4+s31], $0x10, s3, s31, $0xb8;
	[tilespmem:$0x1FB90] =	vst v63  }
0x81: {  	v1 =	vand.u32 $0xFFFFFFFE, v1;
	_ =	swait.ge [sflag:s12], $0x3E80  }
0x82: {  	v1 =	vbroadcast v1, $0x0;
	[sflag:s12] =	ssyncset.done $0x0  }
0x83: {  	[sflag:s12] =	ssyncadd.s32 $0xFFFFC180  }
0x84: {  	[spmem:s2] =	stream.indirect.scatter.add.f32 [tilespmem:s0], [sflag:$0x2], $0x10, s31, s31, $0xb8;
	[tilespmem:$0x1FB90] =	vst v63  }
0x85: {  	_ =	swait.ge [sflag:s29], $0x3E80  }
0x86: {  	[sflag:s29] =	ssyncset.done $0x0  }
0x87: {  	[sflag:s29] =	ssyncadd.s32 $0xFFFFC180  }
0x88: {  	v1 =	vld.idx.msk [tilespmem:v1+s31+$0x0], $0xffff;
	_ =	sdelay $0x4  }
0x89: {  	v1 =	vshll.u32 v1, $0x3  }
0x8a: {  	v1 =	vor.u32 v0, v1;
	_ =	sdelay $0x2  }
0x8b: {  	s10 =	simm.s32 $0x7E0  }
0x8c: {  	v3 =	vld [tilespmem:s10+$0xFFFFFFF0]  }
0x8d: {  	v2 =	vld.idx.msk [tilespmem:v1+s28+$0x0], $0xffff;
	_ =	sdelay $0x2  }
0x8e: {  	v4 =	vmov s12;
	_ =	sdelay $0x1  }
0x8f: {  	v5 =	vmax.f32 v2, v3;
	v2 =	vmin.f32 v2, v3  }
0x90: {  	v2 =	vsel vm0, v5, v2  }
0x91: {  	[tilespmem:v1+s28+$0x0] =	vst.idx.msk $0xff, v2  }
0x92: {  	v1 =	vld.idx.msk [tilespmem:v4+s31+$0x0], $0xffff;
	_ =	sdelay $0x4  }
0x93: {  	v1 =	vshll.u32 v1, $0x3  }
0x94: {  	v1 =	vor.u32 v0, v1;
	_ =	sdelay $0x3  }
0x95: {  	v3 =	vld [tilespmem:s10+$0x0]  }
0x96: {  	v2 =	vld.idx.msk [tilespmem:v1+s28+$0x0], $0xffff;
	_ =	sdelay $0x1  }
0x97: {  	s13 =	simm.s32 $0x2  }
0x98: {  	v4 =	vmov s13  }
0x99: {  	v4 =	vand.u32 $0xFFFFFFFE, v4  }
0x9a: {  	v5 =	vmax.f32 v2, v3;
	v3 =	vmin.f32 v2, v3;
	v2 =	vbroadcast v4, $0x0;
	_ =	sdelay $0x2  }
0x9b: {  	s11 =	simm.s32 $0x3;
	s12 =	simm.s32 $0x5;
	v3 =	vsel vm0, v5, v3  }
.LBB2_4:
0x9c: {  	p0 =	sne.s32 s12, $0x3E7  }
0x9d: {  	[tilespmem:v1+s28+$0x0] =	vst.idx.msk $0xff, v3;
	s10 =	sadd.s32 $0x20, s10;
	s13 =	smov.u32 s12;
	s12 =	sadd.s32 $0x2, s12  }
0x9e: {  	v1 =	vld.idx.msk [tilespmem:v2+s31+$0x0], $0xffff;
	_ =	sdelay $0x5  }
0x9f: {  	v1 =	vshll.u32 v1, $0x3  }
0xa0: {  	v1 =	vor.u32 v0, v1;
	_ =	sdelay $0x4  }
0xa1: {  	v2 =	vld.idx.msk [tilespmem:v1+s28+$0x0], $0xffff  }
0xa2: {  	v3 =	vld [tilespmem:s10+$0xFFFFFFF0];
	_ =	sdelay $0x2  }
0xa3: {  	v4 =	vmov s11;
	s11 =	smov.u32 s13;
	_ =	sdelay $0x1  }
0xa4: {  	v5 =	vmax.f32 v2, v3;
	v2 =	vmin.f32 v2, v3  }
0xa5: {  	v2 =	vsel vm0, v5, v2  }
0xa6: {  	[tilespmem:v1+s28+$0x0] =	vst.idx.msk $0xff, v2  }
0xa7: {  	v1 =	vld.idx.msk [tilespmem:v4+s31+$0x0], $0xffff;
	_ =	sdelay $0x5  }
0xa8: {  	v1 =	vshll.u32 v1, $0x3  }
0xa9: {  	v1 =	vor.u32 v0, v1;
	_ =	sdelay $0x4  }
0xaa: {  	s13 =	sadd.s32 $0xFFFFFFFF, s11;
	v3 =	vld.idx.msk [tilespmem:v1+s28+$0x0], $0xffff  }
0xab: {  	v2 =	vmov s13;
	v4 =	vld [tilespmem:s10+$0x0]  }
0xac: {  	v2 =	vand.u32 $0xFFFFFFFE, v2  }
.Ltmp1:
0xad: {  	v2 =	vbroadcast v2, $0x0;
	(pc) =	sbr.rel @p0 .LBB2_4-.Ltmp1, $3  }
0xae: {  	_ =	sdelay $0x1  }
0xaf: {  	v5 =	vmax.f32 v3, v4;
	v3 =	vmin.f32 v3, v4  }
0xb0: {  	v3 =	vsel vm0, v5, v3  }
0xb1: {  	_ =	sdelay $0x3  }
0xb2: {  	[tilespmem:v1+s28+$0x0] =	vst.idx.msk $0xff, v3  }
0xb3: {  	v1 =	vld.idx.msk [tilespmem:v2+s31+$0x0], $0xffff;
	_ =	sdelay $0x4  }
0xb4: {  	v1 =	vshll.u32 v1, $0x3  }
0xb5: {  	v1 =	vor.u32 v0, v1;
	_ =	sdelay $0x2  }
0xb6: {  	s10 =	sadd.s32 $0x20, s10  }
0xb7: {  	v3 =	vld [tilespmem:s10+$0xFFFFFFF0]  }
0xb8: {  	v2 =	vld.idx.msk [tilespmem:v1+s28+$0x0], $0xffff;
	_ =	sdelay $0x2  }
0xb9: {  	v4 =	vmov s11;
	_ =	sdelay $0x1  }
0xba: {  	v5 =	vmax.f32 v2, v3;
	v2 =	vmin.f32 v2, v3  }
0xbb: {  	v2 =	vsel vm0, v5, v2  }
0xbc: {  	[tilespmem:v1+s28+$0x0] =	vst.idx.msk $0xff, v2  }
0xbd: {  	v1 =	vld.idx.msk [tilespmem:v4+s31+$0x0], $0xffff;
	_ =	sdelay $0x4  }
0xbe: {  	v1 =	vshll.u32 v1, $0x3  }
0xbf: {  	v1 =	vor.u32 v0, v1;
	_ =	sdelay $0x3  }
0xc0: {  	v3 =	vld [tilespmem:s10+$0x0]  }
0xc1: {  	v2 =	vld.idx.msk [tilespmem:v1+s28+$0x0], $0xffff;
	_ =	sdelay $0x4  }
0xc2: {  	v4 =	vmax.f32 v2, v3;
	v2 =	vmin.f32 v2, v3  }
0xc3: {  	v2 =	vsel vm0, v4, v2  }
0xc4: {  	s12 =	rddreg [dreg:$0xa];
	[tilespmem:v1+s28+$0x0] =	vst.idx.msk $0xff, v2  }
0xc5: {  	[tilespmem:s3], [sflag:$0x2] =	stream.linear.gather [hbm4b:s12+s3], $0x3E8, $0x38;
	[tilespmem:$0x1FB90] =	vst v63  }
0xc6: {  	_ =	swait.ge [sflag:s29], $0x3E8  }
0xc7: {  	[sflag:s29] =	ssyncset.done $0x0  }
0xc8: {  	s13 =	rddreg [dreg:$0xb];
	[sflag:s29] =	ssyncadd.s32 $0xFFFFFC18  }
0xc9: {  	[tilespmem:s31], [sflag:$0x2] =	stream.linear.gather [hbm4b:s13+s3], $0x3E8, $0x38;
	[tilespmem:$0x1FB90] =	vst v63  }
0xca: {  	_ =	swait.ge [sflag:s29], $0x3E8  }
0xcb: {  	[sflag:s29] =	ssyncset.done $0x0  }
0xcc: {  	s11 =	simm.s32 $0x0;
	s12 =	simm.s32 $0x1;
	[sflag:s29] =	ssyncadd.s32 $0xFFFFFC18  }
0xcd: {  	v1 =	vmov s11;
	[tilespmem:s0], [sflag:$0x1] =	stream.indirect.gather [hbm4b:s4+s31], $0x10, s3, s31, $0xb8;
	[tilespmem:$0x1FB90] =	vst v63  }
0xce: {  	v1 =	vand.u32 $0xFFFFFFFE, v1;
	_ =	swait.ge [sflag:s12], $0x3E80  }
0xcf: {  	v1 =	vbroadcast v1, $0x0;
	[sflag:s12] =	ssyncset.done $0x0  }
0xd0: {  	[sflag:s12] =	ssyncadd.s32 $0xFFFFC180  }
0xd1: {  	[spmem:s2] =	stream.indirect.scatter.add.f32 [tilespmem:s0], [sflag:$0x2], $0x10, s31, s31, $0xb8;
	[tilespmem:$0x1FB90] =	vst v63  }
0xd2: {  	_ =	swait.ge [sflag:s29], $0x3E80  }
0xd3: {  	[sflag:s29] =	ssyncset.done $0x0  }
0xd4: {  	[sflag:s29] =	ssyncadd.s32 $0xFFFFC180  }
0xd5: {  	v1 =	vld.idx.msk [tilespmem:v1+s31+$0x0], $0xffff;
	_ =	sdelay $0x4  }
0xd6: {  	v1 =	vshll.u32 v1, $0x3  }
0xd7: {  	v1 =	vor.u32 v0, v1;
	_ =	sdelay $0x2  }
0xd8: {  	s10 =	simm.s32 $0x7E0  }
0xd9: {  	v3 =	vld [tilespmem:s10+$0xFFFFFFF0]  }
0xda: {  	v2 =	vld.idx.msk [tilespmem:v1+s28+$0x0], $0xffff;
	_ =	sdelay $0x2  }
0xdb: {  	v4 =	vmov s12;
	_ =	sdelay $0x1  }
0xdc: {  	v5 =	vmax.f32 v2, v3;
	v2 =	vmin.f32 v2, v3  }
0xdd: {  	v2 =	vsel vm0, v5, v2  }
0xde: {  	[tilespmem:v1+s28+$0x0] =	vst.idx.msk $0xff, v2  }
0xdf: {  	v1 =	vld.idx.msk [tilespmem:v4+s31+$0x0], $0xffff;
	_ =	sdelay $0x4  }
0xe0: {  	v1 =	vshll.u32 v1, $0x3  }
0xe1: {  	v1 =	vor.u32 v0, v1;
	_ =	sdelay $0x3  }
0xe2: {  	v3 =	vld [tilespmem:s10+$0x0]  }
0xe3: {  	v2 =	vld.idx.msk [tilespmem:v1+s28+$0x0], $0xffff;
	_ =	sdelay $0x1  }
0xe4: {  	s13 =	simm.s32 $0x2  }
0xe5: {  	v4 =	vmov s13  }
0xe6: {  	v4 =	vand.u32 $0xFFFFFFFE, v4  }
0xe7: {  	v5 =	vmax.f32 v2, v3;
	v3 =	vmin.f32 v2, v3;
	v2 =	vbroadcast v4, $0x0;
	_ =	sdelay $0x2  }
0xe8: {  	s11 =	simm.s32 $0x3;
	s12 =	simm.s32 $0x5;
	v3 =	vsel vm0, v5, v3  }
.LBB2_6:
0xe9: {  	p0 =	sne.s32 s12, $0x3E7  }
0xea: {  	[tilespmem:v1+s28+$0x0] =	vst.idx.msk $0xff, v3;
	s10 =	sadd.s32 $0x20, s10;
	s13 =	smov.u32 s12;
	s12 =	sadd.s32 $0x2, s12  }
0xeb: {  	v1 =	vld.idx.msk [tilespmem:v2+s31+$0x0], $0xffff;
	_ =	sdelay $0x5  }
0xec: {  	v1 =	vshll.u32 v1, $0x3  }
0xed: {  	v1 =	vor.u32 v0, v1;
	_ =	sdelay $0x4  }
0xee: {  	v2 =	vld.idx.msk [tilespmem:v1+s28+$0x0], $0xffff  }
0xef: {  	v3 =	vld [tilespmem:s10+$0xFFFFFFF0];
	_ =	sdelay $0x2  }
0xf0: {  	v4 =	vmov s11;
	s11 =	smov.u32 s13;
	_ =	sdelay $0x1  }
0xf1: {  	v5 =	vmax.f32 v2, v3;
	v2 =	vmin.f32 v2, v3  }
0xf2: {  	v2 =	vsel vm0, v5, v2  }
0xf3: {  	[tilespmem:v1+s28+$0x0] =	vst.idx.msk $0xff, v2  }
0xf4: {  	v1 =	vld.idx.msk [tilespmem:v4+s31+$0x0], $0xffff;
	_ =	sdelay $0x5  }
0xf5: {  	v1 =	vshll.u32 v1, $0x3  }
0xf6: {  	v1 =	vor.u32 v0, v1;
	_ =	sdelay $0x4  }
0xf7: {  	s13 =	sadd.s32 $0xFFFFFFFF, s11;
	v3 =	vld.idx.msk [tilespmem:v1+s28+$0x0], $0xffff  }
0xf8: {  	v2 =	vmov s13;
	v4 =	vld [tilespmem:s10+$0x0]  }
0xf9: {  	v2 =	vand.u32 $0xFFFFFFFE, v2  }
.Ltmp2:
0xfa: {  	v2 =	vbroadcast v2, $0x0;
	(pc) =	sbr.rel @p0 .LBB2_6-.Ltmp2, $3  }
0xfb: {  	_ =	sdelay $0x1  }
0xfc: {  	v5 =	vmax.f32 v3, v4;
	v3 =	vmin.f32 v3, v4  }
0xfd: {  	v3 =	vsel vm0, v5, v3  }
0xfe: {  	_ =	sdelay $0x3  }
0xff: {  	[tilespmem:v1+s28+$0x0] =	vst.idx.msk $0xff, v3  }
0x100: {  	v1 =	vld.idx.msk [tilespmem:v2+s31+$0x0], $0xffff;
	_ =	sdelay $0x4  }
0x101: {  	v1 =	vshll.u32 v1, $0x3  }
0x102: {  	v1 =	vor.u32 v0, v1;
	_ =	sdelay $0x2  }
0x103: {  	s10 =	sadd.s32 $0x20, s10  }
0x104: {  	v3 =	vld [tilespmem:s10+$0xFFFFFFF0]  }
0x105: {  	v2 =	vld.idx.msk [tilespmem:v1+s28+$0x0], $0xffff;
	_ =	sdelay $0x2  }
0x106: {  	v4 =	vmov s11;
	_ =	sdelay $0x1  }
0x107: {  	v5 =	vmax.f32 v2, v3;
	v2 =	vmin.f32 v2, v3  }
0x108: {  	v2 =	vsel vm0, v5, v2  }
0x109: {  	[tilespmem:v1+s28+$0x0] =	vst.idx.msk $0xff, v2  }
0x10a: {  	v1 =	vld.idx.msk [tilespmem:v4+s31+$0x0], $0xffff;
	_ =	sdelay $0x4  }
0x10b: {  	v1 =	vshll.u32 v1, $0x3  }
0x10c: {  	v1 =	vor.u32 v0, v1;
	_ =	sdelay $0x3  }
0x10d: {  	v3 =	vld [tilespmem:s10+$0x0]  }
0x10e: {  	v2 =	vld.idx.msk [tilespmem:v1+s28+$0x0], $0xffff;
	_ =	sdelay $0x4  }
0x10f: {  	v4 =	vmax.f32 v2, v3;
	v2 =	vmin.f32 v2, v3  }
0x110: {  	v2 =	vsel vm0, v4, v2  }
0x111: {  	s13 =	rddreg [dreg:$0xc];
	[tilespmem:v1+s28+$0x0] =	vst.idx.msk $0xff, v2  }
0x112: {  	[tilespmem:s3], [sflag:$0x2] =	stream.linear.gather [hbm4b:s13+s3], $0x3E8, $0x38;
	[tilespmem:$0x1FB90] =	vst v63  }
0x113: {  	_ =	swait.ge [sflag:s29], $0x3E8  }
0x114: {  	[sflag:s29] =	ssyncset.done $0x0  }
0x115: {  	[sflag:s29] =	ssyncadd.s32 $0xFFFFFC18  }
0x116: {  	[tilespmem:s31], [sflag:$0x2] =	stream.linear.gather [hbm4b:s14+s3], $0x3E8, $0x38;
	[tilespmem:$0x1FB90] =	vst v63  }
0x117: {  	_ =	swait.ge [sflag:s29], $0x3E8  }
0x118: {  	[sflag:s29] =	ssyncset.done $0x0  }
0x119: {  	s11 =	simm.s32 $0x0;
	s12 =	simm.s32 $0x1;
	[sflag:s29] =	ssyncadd.s32 $0xFFFFFC18  }
0x11a: {  	v1 =	vmov s11;
	[tilespmem:s0], [sflag:$0x1] =	stream.indirect.gather [hbm4b:s4+s31], $0x10, s3, s31, $0xb8;
	[tilespmem:$0x1FB90] =	vst v63  }
0x11b: {  	v1 =	vand.u32 $0xFFFFFFFE, v1;
	_ =	swait.ge [sflag:s12], $0x3E80  }
0x11c: {  	v1 =	vbroadcast v1, $0x0;
	[sflag:s12] =	ssyncset.done $0x0  }
0x11d: {  	[sflag:s12] =	ssyncadd.s32 $0xFFFFC180  }
0x11e: {  	[spmem:s2] =	stream.indirect.scatter.add.f32 [tilespmem:s0], [sflag:$0x2], $0x10, s31, s31, $0xb8;
	[tilespmem:$0x1FB90] =	vst v63  }
0x11f: {  	_ =	swait.ge [sflag:s29], $0x3E80  }
0x120: {  	[sflag:s29] =	ssyncset.done $0x0  }
0x121: {  	[sflag:s29] =	ssyncadd.s32 $0xFFFFC180  }
0x122: {  	v1 =	vld.idx.msk [tilespmem:v1+s31+$0x0], $0xffff;
	_ =	sdelay $0x4  }
0x123: {  	v1 =	vshll.u32 v1, $0x3  }
0x124: {  	v1 =	vor.u32 v0, v1;
	_ =	sdelay $0x2  }
0x125: {  	s10 =	simm.s32 $0x7E0  }
0x126: {  	v3 =	vld [tilespmem:s10+$0xFFFFFFF0]  }
0x127: {  	v2 =	vld.idx.msk [tilespmem:v1+s28+$0x0], $0xffff;
	_ =	sdelay $0x2  }
0x128: {  	v4 =	vmov s12;
	_ =	sdelay $0x1  }
0x129: {  	v5 =	vmax.f32 v2, v3;
	v2 =	vmin.f32 v2, v3  }
0x12a: {  	v2 =	vsel vm0, v5, v2  }
0x12b: {  	[tilespmem:v1+s28+$0x0] =	vst.idx.msk $0xff, v2  }
0x12c: {  	v1 =	vld.idx.msk [tilespmem:v4+s31+$0x0], $0xffff;
	_ =	sdelay $0x4  }
0x12d: {  	v1 =	vshll.u32 v1, $0x3  }
0x12e: {  	v1 =	vor.u32 v0, v1;
	_ =	sdelay $0x3  }
0x12f: {  	v3 =	vld [tilespmem:s10+$0x0]  }
0x130: {  	v2 =	vld.idx.msk [tilespmem:v1+s28+$0x0], $0xffff;
	_ =	sdelay $0x1  }
0x131: {  	s13 =	simm.s32 $0x2  }
0x132: {  	v4 =	vmov s13  }
0x133: {  	v4 =	vand.u32 $0xFFFFFFFE, v4  }
0x134: {  	v5 =	vmax.f32 v2, v3;
	v3 =	vmin.f32 v2, v3;
	v2 =	vbroadcast v4, $0x0;
	_ =	sdelay $0x2  }
0x135: {  	s11 =	simm.s32 $0x3;
	s12 =	simm.s32 $0x5;
	v3 =	vsel vm0, v5, v3  }
.LBB2_8:
0x136: {  	p0 =	sne.s32 s12, $0x3E7  }
0x137: {  	[tilespmem:v1+s28+$0x0] =	vst.idx.msk $0xff, v3;
	s10 =	sadd.s32 $0x20, s10;
	s13 =	smov.u32 s12;
	s12 =	sadd.s32 $0x2, s12  }
0x138: {  	v1 =	vld.idx.msk [tilespmem:v2+s31+$0x0], $0xffff;
	_ =	sdelay $0x5  }
0x139: {  	v1 =	vshll.u32 v1, $0x3  }
0x13a: {  	v1 =	vor.u32 v0, v1;
	_ =	sdelay $0x4  }
0x13b: {  	v2 =	vld.idx.msk [tilespmem:v1+s28+$0x0], $0xffff  }
0x13c: {  	v3 =	vld [tilespmem:s10+$0xFFFFFFF0];
	_ =	sdelay $0x2  }
0x13d: {  	v4 =	vmov s11;
	s11 =	smov.u32 s13;
	_ =	sdelay $0x1  }
0x13e: {  	v5 =	vmax.f32 v2, v3;
	v2 =	vmin.f32 v2, v3  }
0x13f: {  	v2 =	vsel vm0, v5, v2  }
0x140: {  	[tilespmem:v1+s28+$0x0] =	vst.idx.msk $0xff, v2  }
0x141: {  	v1 =	vld.idx.msk [tilespmem:v4+s31+$0x0], $0xffff;
	_ =	sdelay $0x5  }
0x142: {  	v1 =	vshll.u32 v1, $0x3  }
0x143: {  	v1 =	vor.u32 v0, v1;
	_ =	sdelay $0x4  }
0x144: {  	s13 =	sadd.s32 $0xFFFFFFFF, s11;
	v3 =	vld.idx.msk [tilespmem:v1+s28+$0x0], $0xffff  }
0x145: {  	v2 =	vmov s13;
	v4 =	vld [tilespmem:s10+$0x0]  }
0x146: {  	v2 =	vand.u32 $0xFFFFFFFE, v2  }
.Ltmp3:
0x147: {  	v2 =	vbroadcast v2, $0x0;
	(pc) =	sbr.rel @p0 .LBB2_8-.Ltmp3, $3  }
0x148: {  	_ =	sdelay $0x1  }
0x149: {  	v5 =	vmax.f32 v3, v4;
	v3 =	vmin.f32 v3, v4  }
0x14a: {  	v3 =	vsel vm0, v5, v3  }
0x14b: {  	_ =	sdelay $0x3  }
0x14c: {  	[tilespmem:v1+s28+$0x0] =	vst.idx.msk $0xff, v3  }
0x14d: {  	v1 =	vld.idx.msk [tilespmem:v2+s31+$0x0], $0xffff;
	_ =	sdelay $0x4  }
0x14e: {  	v1 =	vshll.u32 v1, $0x3  }
0x14f: {  	v1 =	vor.u32 v0, v1;
	_ =	sdelay $0x2  }
0x150: {  	s10 =	sadd.s32 $0x20, s10  }
0x151: {  	v3 =	vld [tilespmem:s10+$0xFFFFFFF0]  }
0x152: {  	v2 =	vld.idx.msk [tilespmem:v1+s28+$0x0], $0xffff;
	_ =	sdelay $0x2  }
0x153: {  	v4 =	vmov s11;
	_ =	sdelay $0x1  }
0x154: {  	v5 =	vmax.f32 v2, v3;
	v2 =	vmin.f32 v2, v3  }
0x155: {  	v2 =	vsel vm0, v5, v2  }
0x156: {  	[tilespmem:v1+s28+$0x0] =	vst.idx.msk $0xff, v2  }
0x157: {  	v1 =	vld.idx.msk [tilespmem:v4+s31+$0x0], $0xffff;
	_ =	sdelay $0x4  }
0x158: {  	v1 =	vshll.u32 v1, $0x3  }
0x159: {  	v1 =	vor.u32 v0, v1;
	_ =	sdelay $0x3  }
0x15a: {  	v3 =	vld [tilespmem:s10+$0x0]  }
0x15b: {  	v2 =	vld.idx.msk [tilespmem:v1+s28+$0x0], $0xffff;
	_ =	sdelay $0x4  }
0x15c: {  	v4 =	vmax.f32 v2, v3;
	v2 =	vmin.f32 v2, v3  }
0x15d: {  	v2 =	vsel vm0, v4, v2  }
0x15e: {  	[tilespmem:v1+s28+$0x0] =	vst.idx.msk $0xff, v2  }
0x15f: {  	[tilespmem:s3], [sflag:$0x2] =	stream.linear.gather [hbm4b:s15+s3], $0x3E8, $0x38;
	[tilespmem:$0x1FB90] =	vst v63  }
0x160: {  	_ =	swait.ge [sflag:s29], $0x3E8  }
0x161: {  	[sflag:s29] =	ssyncset.done $0x0  }
0x162: {  	[sflag:s29] =	ssyncadd.s32 $0xFFFFFC18  }
0x163: {  	[tilespmem:s31], [sflag:$0x2] =	stream.linear.gather [hbm4b:s16+s3], $0x3E8, $0x38;
	[tilespmem:$0x1FB90] =	vst v63  }
0x164: {  	_ =	swait.ge [sflag:s29], $0x3E8  }
0x165: {  	[sflag:s29] =	ssyncset.done $0x0  }
0x166: {  	s11 =	simm.s32 $0x0;
	s12 =	simm.s32 $0x1;
	[sflag:s29] =	ssyncadd.s32 $0xFFFFFC18  }
0x167: {  	v1 =	vmov s11;
	[tilespmem:s0], [sflag:$0x1] =	stream.indirect.gather [hbm4b:s4+s31], $0x10, s3, s31, $0xb8;
	[tilespmem:$0x1FB90] =	vst v63  }
0x168: {  	v1 =	vand.u32 $0xFFFFFFFE, v1;
	_ =	swait.ge [sflag:s12], $0x3E80  }
0x169: {  	v1 =	vbroadcast v1, $0x0;
	[sflag:s12] =	ssyncset.done $0x0  }
0x16a: {  	[sflag:s12] =	ssyncadd.s32 $0xFFFFC180  }
0x16b: {  	[spmem:s2] =	stream.indirect.scatter.add.f32 [tilespmem:s0], [sflag:$0x2], $0x10, s31, s31, $0xb8;
	[tilespmem:$0x1FB90] =	vst v63  }
0x16c: {  	_ =	swait.ge [sflag:s29], $0x3E80  }
0x16d: {  	[sflag:s29] =	ssyncset.done $0x0  }
0x16e: {  	[sflag:s29] =	ssyncadd.s32 $0xFFFFC180  }
0x16f: {  	v1 =	vld.idx.msk [tilespmem:v1+s31+$0x0], $0xffff;
	_ =	sdelay $0x4  }
0x170: {  	v1 =	vshll.u32 v1, $0x3  }
0x171: {  	v1 =	vor.u32 v0, v1;
	_ =	sdelay $0x2  }
0x172: {  	s10 =	simm.s32 $0x7E0  }
0x173: {  	v3 =	vld [tilespmem:s10+$0xFFFFFFF0]  }
0x174: {  	v2 =	vld.idx.msk [tilespmem:v1+s28+$0x0], $0xffff;
	_ =	sdelay $0x2  }
0x175: {  	v4 =	vmov s12;
	_ =	sdelay $0x1  }
0x176: {  	v5 =	vmax.f32 v2, v3;
	v2 =	vmin.f32 v2, v3  }
0x177: {  	v2 =	vsel vm0, v5, v2  }
0x178: {  	[tilespmem:v1+s28+$0x0] =	vst.idx.msk $0xff, v2  }
0x179: {  	v1 =	vld.idx.msk [tilespmem:v4+s31+$0x0], $0xffff;
	_ =	sdelay $0x4  }
0x17a: {  	v1 =	vshll.u32 v1, $0x3  }
0x17b: {  	v1 =	vor.u32 v0, v1;
	_ =	sdelay $0x3  }
0x17c: {  	v3 =	vld [tilespmem:s10+$0x0]  }
0x17d: {  	v2 =	vld.idx.msk [tilespmem:v1+s28+$0x0], $0xffff;
	_ =	sdelay $0x1  }
0x17e: {  	s13 =	simm.s32 $0x2  }
0x17f: {  	v4 =	vmov s13  }
0x180: {  	v4 =	vand.u32 $0xFFFFFFFE, v4  }
0x181: {  	v5 =	vmax.f32 v2, v3;
	v3 =	vmin.f32 v2, v3;
	v2 =	vbroadcast v4, $0x0;
	_ =	sdelay $0x2  }
0x182: {  	s11 =	simm.s32 $0x3;
	s12 =	simm.s32 $0x5;
	v3 =	vsel vm0, v5, v3  }
.LBB2_10:
0x183: {  	p0 =	sne.s32 s12, $0x3E7  }
0x184: {  	[tilespmem:v1+s28+$0x0] =	vst.idx.msk $0xff, v3;
	s10 =	sadd.s32 $0x20, s10;
	s13 =	smov.u32 s12;
	s12 =	sadd.s32 $0x2, s12  }
0x185: {  	v1 =	vld.idx.msk [tilespmem:v2+s31+$0x0], $0xffff;
	_ =	sdelay $0x5  }
0x186: {  	v1 =	vshll.u32 v1, $0x3  }
0x187: {  	v1 =	vor.u32 v0, v1;
	_ =	sdelay $0x4  }
0x188: {  	v2 =	vld.idx.msk [tilespmem:v1+s28+$0x0], $0xffff  }
0x189: {  	v3 =	vld [tilespmem:s10+$0xFFFFFFF0];
	_ =	sdelay $0x2  }
0x18a: {  	v4 =	vmov s11;
	s11 =	smov.u32 s13;
	_ =	sdelay $0x1  }
0x18b: {  	v5 =	vmax.f32 v2, v3;
	v2 =	vmin.f32 v2, v3  }
0x18c: {  	v2 =	vsel vm0, v5, v2  }
0x18d: {  	[tilespmem:v1+s28+$0x0] =	vst.idx.msk $0xff, v2  }
0x18e: {  	v1 =	vld.idx.msk [tilespmem:v4+s31+$0x0], $0xffff;
	_ =	sdelay $0x5  }
0x18f: {  	v1 =	vshll.u32 v1, $0x3  }
0x190: {  	v1 =	vor.u32 v0, v1;
	_ =	sdelay $0x4  }
0x191: {  	s13 =	sadd.s32 $0xFFFFFFFF, s11;
	v3 =	vld.idx.msk [tilespmem:v1+s28+$0x0], $0xffff  }
0x192: {  	v2 =	vmov s13;
	v4 =	vld [tilespmem:s10+$0x0]  }
0x193: {  	v2 =	vand.u32 $0xFFFFFFFE, v2  }
.Ltmp4:
0x194: {  	v2 =	vbroadcast v2, $0x0;
	(pc) =	sbr.rel @p0 .LBB2_10-.Ltmp4, $3  }
0x195: {  	_ =	sdelay $0x1  }
0x196: {  	v5 =	vmax.f32 v3, v4;
	v3 =	vmin.f32 v3, v4  }
0x197: {  	v3 =	vsel vm0, v5, v3  }
0x198: {  	_ =	sdelay $0x3  }
0x199: {  	[tilespmem:v1+s28+$0x0] =	vst.idx.msk $0xff, v3  }
0x19a: {  	v1 =	vld.idx.msk [tilespmem:v2+s31+$0x0], $0xffff;
	_ =	sdelay $0x4  }
0x19b: {  	v1 =	vshll.u32 v1, $0x3  }
0x19c: {  	v1 =	vor.u32 v0, v1;
	_ =	sdelay $0x2  }
0x19d: {  	s10 =	sadd.s32 $0x20, s10  }
0x19e: {  	v3 =	vld [tilespmem:s10+$0xFFFFFFF0]  }
0x19f: {  	v2 =	vld.idx.msk [tilespmem:v1+s28+$0x0], $0xffff;
	_ =	sdelay $0x2  }
0x1a0: {  	v4 =	vmov s11;
	_ =	sdelay $0x1  }
0x1a1: {  	v5 =	vmax.f32 v2, v3;
	v2 =	vmin.f32 v2, v3  }
0x1a2: {  	v2 =	vsel vm0, v5, v2  }
0x1a3: {  	[tilespmem:v1+s28+$0x0] =	vst.idx.msk $0xff, v2  }
0x1a4: {  	v1 =	vld.idx.msk [tilespmem:v4+s31+$0x0], $0xffff;
	_ =	sdelay $0x4  }
0x1a5: {  	v1 =	vshll.u32 v1, $0x3  }
0x1a6: {  	v1 =	vor.u32 v0, v1;
	_ =	sdelay $0x3  }
0x1a7: {  	v3 =	vld [tilespmem:s10+$0x0]  }
0x1a8: {  	v2 =	vld.idx.msk [tilespmem:v1+s28+$0x0], $0xffff;
	_ =	sdelay $0x4  }
0x1a9: {  	v63 =	vmax.f32 v2, v3;
	v2 =	vmin.f32 v2, v3  }
0x1aa: {  	v2 =	vsel vm0, v63, v2  }
0x1ab: {  	[tilespmem:v1+s28+$0x0] =	vst.idx.msk $0xff, v2  }
0x1ac: {  	[tilespmem:s1], [sflag:$0x2] =	stream.linear.gather [hbm4b:s22+s3], $0x140, $0x38;
	[tilespmem:$0x1FB90] =	vst v63  }
0x1ad: {  	_ =	swait.ge [sflag:s29], $0x140  }
0x1ae: {  	[sflag:s29] =	ssyncset.done $0x0  }
0x1af: {  	s11 =	rddreg [dreg:$0x4];
	[sflag:s29] =	ssyncadd.s32 $0xFFFFFEC0  }
0x1b0: {  	[tilespmem:s5], [sflag:$0x2] =	stream.linear.gather [hbm4b:s11+s3], $0x1400, $0x38;
	[tilespmem:$0x1FB90] =	vst v63  }
0x1b1: {  	_ =	swait.ge [sflag:s29], $0x1400  }
0x1b2: {  	[sflag:s29] =	ssyncset.done $0x0  }
0x1b3: {  	[sflag:s29] =	ssyncadd.s32 $0xFFFFEC00  }
0x1b4: {  	[spmem:s2] =	stream.indirect.scatter.add.f32 [tilespmem:s5], [sflag:$0x2], $0x10, s1, s6, $0xb8;
	[tilespmem:$0x1FB90] =	vst v63  }
0x1b5: {  	_ =	swait.ge [sflag:s29], $0x1400  }
0x1b6: {  	[sflag:s29] =	ssyncset.done $0x0  }
0x1b7: {  	[sflag:s29] =	ssyncadd.s32 $0xFFFFEC00  }
0x1b8: {  	[tilespmem:s1], [sflag:$0x2] =	stream.linear.gather [hbm4b:s23+s3], $0x140, $0x38;
	[tilespmem:$0x1FB90] =	vst v63  }
0x1b9: {  	_ =	swait.ge [sflag:s29], $0x140  }
0x1ba: {  	[sflag:s29] =	ssyncset.done $0x0  }
0x1bb: {  	[sflag:s29] =	ssyncadd.s32 $0xFFFFFEC0  }
0x1bc: {  	[tilespmem:s5], [sflag:$0x2] =	stream.linear.gather [hbm4b:s17+s3], $0x1400, $0x38;
	[tilespmem:$0x1FB90] =	vst v63  }
0x1bd: {  	_ =	swait.ge [sflag:s29], $0x1400  }
0x1be: {  	[sflag:s29] =	ssyncset.done $0x0  }
0x1bf: {  	[sflag:s29] =	ssyncadd.s32 $0xFFFFEC00  }
0x1c0: {  	[spmem:s2] =	stream.indirect.scatter.add.f32 [tilespmem:s5], [sflag:$0x2], $0x10, s1, s6, $0xb8;
	[tilespmem:$0x1FB90] =	vst v63  }
0x1c1: {  	_ =	swait.ge [sflag:s29], $0x1400  }
0x1c2: {  	[sflag:s29] =	ssyncset.done $0x0  }
0x1c3: {  	[sflag:s29] =	ssyncadd.s32 $0xFFFFEC00  }
0x1c4: {  	[tilespmem:s7], [sflag:$0x2] =	stream.linear.gather [hbm4b:s24+s3], $0x100, $0x38;
	[tilespmem:$0x1FB90] =	vst v63  }
0x1c5: {  	_ =	swait.ge [sflag:s29], $0x100  }
0x1c6: {  	[sflag:s29] =	ssyncset.done $0x0  }
0x1c7: {  	s12 =	rddreg [dreg:$0x5];
	[sflag:s29] =	ssyncadd.s32 $0xFFFFFF00  }
0x1c8: {  	[tilespmem:s8], [sflag:$0x2] =	stream.linear.gather [hbm4b:s12+s3], $0x1000, $0x38;
	[tilespmem:$0x1FB90] =	vst v63  }
0x1c9: {  	_ =	swait.ge [sflag:s29], $0x1000  }
0x1ca: {  	[sflag:s29] =	ssyncset.done $0x0  }
0x1cb: {  	s13 =	simm.s32 $0x100;
	[sflag:s29] =	ssyncadd.s32 $0xFFFFF000  }
0x1cc: {  	[spmem:s2] =	stream.indirect.scatter.add.f32 [tilespmem:s8], [sflag:$0x2], $0x10, s7, s13, $0xb8;
	[tilespmem:$0x1FB90] =	vst v63  }
0x1cd: {  	_ =	swait.ge [sflag:s29], $0x1000  }
0x1ce: {  	[sflag:s29] =	ssyncset.done $0x0  }
0x1cf: {  	[sflag:s29] =	ssyncadd.s32 $0xFFFFF000  }
0x1d0: {  	[hbm4b:s25+s3] =	stream.linear.scatter [tilespmem:s28], [sflag:$0x2], $0x14000, $0x38;
	[tilespmem:$0x1FB90] =	vst v63  }
0x1d1: {  	_ =	swait.ge [sflag:s29], $0x14000  }
0x1d2: {  	[sflag:s29] =	ssyncset.done $0x0  }
0x1d3: {  	[sflag:s29] =	ssyncadd.s32 $0xFFFEC000  }
0x1d4: {  	[bflag:$0x0] =	sbarrier.arrive $0xFFFF  }
0x1d5: {  	[tilespmem:s30], [sflag:$0x2] =	stream.linear.gather [spmem:s21], $0x2780, $0x38;
	[tilespmem:$0x1FB90] =	vst v63  }
0x1d6: {  	s9 =	sadd.s32 $0x1, s9;
	_ =	swait.ge [sflag:s29], $0x2780  }
0x1d7: {  	p0 =	sne.s32 s9, s26;
	[sflag:s29] =	ssyncset.done $0x0  }
.Ltmp5:
0x1d8: {  	[sflag:s29] =	ssyncadd.s32 $0xFFFFD880;
	(pc) =	sbr.rel @p0 .LBB2_1-.Ltmp5, $4  }
0x1d9: {  	[hbm4b:s18+s3] =	stream.linear.scatter [tilespmem:s30], [sflag:$0x2], $0x2780, $0x38;
	[tilespmem:$0x1FB90] =	vst v63  }
0x1da: {  	_ =	swait.ge [sflag:s29], $0x2780  }
0x1db: {  	[sflag:s29] =	ssyncset.done $0x0  }
0x1dc: {  	[sflag:s29] =	ssyncadd.s32 $0xFFFFD880  }
0x1dd: {  	_ =	sfence.sel $0x180000  }
0x1de: {  	[bflag:$0x0] =	sbarrier.arrive $0xFFFF  }
0x1df: {  	_ =	strace $0x90000053  }
0x1e0: {  	s0 =	stileid.u32;
	[bflag:$0x2] =	sbarrier.arrive $0xFFFF  }
0x1e1: {  	p0 =	sne.s32 s0, $0x0;
	s0 =	rddreg [dreg:$0x3]  }
0x1e2: {  	s0 =	sadd.s32 @!p0 $0x100000, s0  }
0x1e3: {  	[sflag:s0] =	ssyncadd.tile.s32 @!p0 $0x1;
	_ =	shalt  }
.Lfunc_end2:
_tile_overlayer_lowered:
.L_overlay_start_2:
0x1e4: {  	(tag) =	ssettag $0x2  }
0x1e5: {  	s0 =	rddreg [dreg:$0x0];
	s2 =	stileid.u32  }
0x1e6: {  	s1 =	rddreg [dreg:$0x1];
	p0 =	sne.s32 s2, $0x0  }
0x1e7: {  	s3 =	rddreg [dreg:$0x2];
	[bflag:$0x3] =	sbarrier.arrive $0xFFFF;
	s2 =	simm.s32 @!p0 $0x1C02  }
0x1e8: {  	[timem:s3], [sflag:s2] =	dma.local @!p0 [hbm:s0], s1  }
0x1e9: {  	s0 =	simm.s32 @!p0 $0x2  }
0x1ea: {  	_ =	swait.ge @!p0 [sflag:s0], s1  }
0x1eb: {  	s1 =	ssub.s32 @!p0 $0x0, s1;
	[sflag:s0] =	ssyncset.done @!p0 $0x0  }
0x1ec: {  	[sflag:s0] =	ssyncadd.s32 @!p0 s1  }
0x1ed: {  	[bflag:$0x3] =	sbarrier.arrive $0xFFFF  }
0x1ee: {  	_ =	shalt  }

// kernel: kernel.38.cloned.1.call-start
scs
__scs_entry_jumppad:
0x0: {  	(pc) =	sbr.rel $0x88, $3  }
0x1: {  	(tag) =	ssettag $0x0;
	lr =	simm.s32 $0x1  }
0x2: {  	[smem:$0x3F76] =	sst lr;
	_ =	strace $0xD0000000  }
0x3: {  	_ = 	snop  }
0x4: {  	_ = 	snop  }
0x5: {  	_ = 	snop  }
0x6: {  	_ = 	snop  }
0x7: {  	_ = 	snop  }
__scs_overlays_trampoline_lowered:
0x8: {  	[smem:$0x3F85] =	sst s0  }
0x9: {  	[smem:$0x3F86] =	sst s1  }
0xa: {  	[smem:$0x3F87] =	sst s2  }
0xb: {  	[smem:$0x3F88] =	sst s3  }
0xc: {  	[smem:$0x3F89] =	sst s4  }
0xd: {  	[smem:$0x3F8A] =	sst s5  }
0xe: {  	[smem:$0x3F8B] =	sst s6  }
0xf: {  	[smem:$0x3F8C] =	sst s7  }
0x10: {  	[smem:$0x3F8D] =	sst s8  }
0x11: {  	[smem:$0x3F8E] =	sst s9;
	s0 =	simm.s32 @!p0 $0x0  }
0x12: {  	s1 =	sld [smem:$0x3F74];
	s0 =	simm.s32 @p0 $0x1  }
0x13: {  	[smem:$0x3F8F] =	sst s0;
	s0 =	simm.s32 @!p1 $0x0  }
0x14: {  	s2 =	sld [smem:$0x3F73];
	s0 =	simm.s32 @p1 $0x1  }
0x15: {  	[smem:$0x3F90] =	sst s0;
	s0 =	simm.s32 @!p2 $0x0  }
0x16: {  	s3 =	sld [smem:$0x3FDB];
	s0 =	simm.s32 @p2 $0x1  }
0x17: {  	s4 =	simm.s32 $0x1BF5;
	[smem:$0x3F92] =	sst s0  }
0x18: {  	s0 =	sld [smem:$0x3F75];
	_ =	swait.ge [sflag:s4], $0x0  }
0x19: {  	s7 =	sld [smem:$0x3F76]  }
0x1a: {  	s8 =	sadd.s32 $0xFFFFE003, lr  }
0x1b: {  	s9 =	sadd.s32 $0xFFFFFEF7, lr;
	s5 =	simm.s32 $0xFFFFFFFF;
	p2 =	slt.u32 s8, $0xFFFFF086  }
0x1c: {  	p1 =	slt.u32 s9, $0xF7A;
	s5 =	simm.s32 @!p2 $0x0  }
0x1d: {  	s5 =	simm.s32 @p1 $0x1;
	p0 =	seq.s32 s7, s2  }
0x1e: {  	s7 =	smul.u32 @!p0 $0xF7A, s2;
	p2 =	seq.s32 @!p0 s5, $0x0  }
0x1f: {  	s9 =	smul.u32 $0xF7A, s1;
	s8 =	simm.s32 @!p0 $0x1BF5;
	p2 =	por !p2, p0  }
0x20: {  	[sflag:s8] =	ssyncset.s32 @!p0 $0xFFFFF086;
	s6 =	sadd.s32 @!p0 s3, s7;
	s7 =	simm.s32 @!p0 $0x108  }
0x21: {  	s3 =	sadd.s32 s3, s9;
	s6 =	sadd.s32 @!p0 $0x88, s6;
	s7 =	simm.s32 @p2 $0x1082  }
0x22: {  	[simem:s7], [sflag:s8] =	dma.local @!p0 [hbm:s6], $0xF7A  }
0x23: {  	s9 =	sor.u32 $0xD0000000, s2;
	s6 =	simm.s32 $0x108;
	_ =	swait.ge @!p0 [sflag:s8], $0x0  }
0x24: {  	s3 =	sadd.s32 $0x88, s3;
	s6 =	simm.s32 @!p1 $0x1082;
	[sflag:s4] =	ssyncset.s32 $0xFFFFF086  }
0x25: {  	[simem:s6], [sflag:s4] =	dma.local [hbm:s3], $0xF7A  }
0x26: {  	[smem:$0x3F76] =	sst s1;
	(tag) =	ssettag s2;
	_ =	strace s9  }
0x27: {  	s1 =	sld [smem:$0x3F86]  }
0x28: {  	s2 =	sld [smem:$0x3F87]  }
0x29: {  	s4 =	sld [smem:$0x3F89]  }
0x2a: {  	p0 =	seq.s32 s5, $0x0;
	s5 =	sld [smem:$0x3F8A]  }
0x2b: {  	s6 =	sld [smem:$0x3F8B]  }
0x2c: {  	s7 =	sld [smem:$0x3F8C]  }
0x2d: {  	s3 =	simm.s32 $0x108;
	s8 =	sld [smem:$0x3F8D]  }
0x2e: {  	s3 =	simm.s32 @!p0 $0x1082;
	s9 =	sld [smem:$0x3F8E]  }
0x2f: {  	lr =	sadd.s32 s0, s3;
	s0 =	sld [smem:$0x3F85]  }
0x30: {  	s3 =	sld [smem:$0x3F88]  }
0x31: {  	[smem:$0x3F91] =	sst s10  }
0x32: {  	s10 =	sld [smem:$0x3F8F];
	_ =	sdelay $0x3  }
0x33: {  	p0 =	seq.s32 s10, $0x1;
	s10 =	sld [smem:$0x3F91];
	_ =	sdelay $0x3  }
0x34: {  	[smem:$0x3F91] =	sst s10  }
0x35: {  	s10 =	sld [smem:$0x3F90];
	_ =	sdelay $0x3  }
0x36: {  	p1 =	seq.s32 s10, $0x1;
	s10 =	sld [smem:$0x3F91];
	_ =	sdelay $0x3  }
0x37: {  	[smem:$0x3F91] =	sst s10  }
0x38: {  	s10 =	sld [smem:$0x3F92]  }
0x39: {  	_ = 	snop;
	(pc) =	sbr.ind lr, $3  }
0x3a: {  	_ = 	snop  }
0x3b: {  	_ = 	snop  }
0x3c: {  	p2 =	seq.s32 s10, $0x1;
	s10 =	sld [smem:$0x3F91]  }
0x3d: {  	_ =	shalt  }
0x3e: {  	_ =	shalt  }
0x3f: {  	_ =	shalt  }
0x40: {  	_ =	shalt  }
0x41: {  	_ =	shalt  }
0x42: {  	_ =	shalt  }
0x43: {  	_ =	shalt  }
0x44: {  	_ =	shalt  }
0x45: {  	_ =	shalt  }
0x46: {  	_ =	shalt  }
0x47: {  	_ =	shalt  }
0x48: {  	_ =	shalt  }
0x49: {  	_ =	shalt  }
0x4a: {  	_ =	shalt  }
0x4b: {  	_ =	shalt  }
0x4c: {  	_ =	shalt  }
0x4d: {  	_ =	shalt  }
0x4e: {  	_ =	shalt  }
0x4f: {  	_ =	shalt  }
0x50: {  	_ =	shalt  }
0x51: {  	_ =	shalt  }
0x52: {  	_ =	shalt  }
0x53: {  	_ =	shalt  }
0x54: {  	_ =	shalt  }
0x55: {  	_ =	shalt  }
0x56: {  	_ =	shalt  }
0x57: {  	_ =	shalt  }
0x58: {  	_ =	shalt  }
0x59: {  	_ =	shalt  }
0x5a: {  	_ =	shalt  }
0x5b: {  	_ =	shalt  }
0x5c: {  	_ =	shalt  }
0x5d: {  	_ =	shalt  }
0x5e: {  	_ =	shalt  }
0x5f: {  	_ =	shalt  }
0x60: {  	_ =	shalt  }
0x61: {  	_ =	shalt  }
0x62: {  	_ =	shalt  }
0x63: {  	_ =	shalt  }
0x64: {  	_ =	shalt  }
0x65: {  	_ =	shalt  }
0x66: {  	_ =	shalt  }
0x67: {  	_ =	shalt  }
0x68: {  	_ =	shalt  }
0x69: {  	_ =	shalt  }
0x6a: {  	_ =	shalt  }
0x6b: {  	_ =	shalt  }
0x6c: {  	_ =	shalt  }
0x6d: {  	_ =	shalt  }
0x6e: {  	_ =	shalt  }
0x6f: {  	_ =	shalt  }
0x70: {  	_ =	shalt  }
0x71: {  	_ =	shalt  }
0x72: {  	_ =	shalt  }
0x73: {  	_ =	shalt  }
0x74: {  	_ =	shalt  }
0x75: {  	_ =	shalt  }
0x76: {  	_ =	shalt  }
0x77: {  	_ =	shalt  }
0x78: {  	_ =	shalt  }
0x79: {  	_ =	shalt  }
0x7a: {  	_ =	shalt  }
0x7b: {  	_ =	shalt  }
0x7c: {  	_ =	shalt  }
0x7d: {  	_ =	shalt  }
0x7e: {  	_ =	shalt  }
0x7f: {  	_ =	shalt  }
0x80: {  	_ =	shalt  }
0x81: {  	_ =	shalt  }
0x82: {  	_ =	shalt  }
0x83: {  	_ =	shalt  }
0x84: {  	_ =	shalt  }
0x85: {  	_ =	shalt  }
0x86: {  	_ =	shalt  }
0x87: {  	_ =	shalt  }
.Lfunc_end0:
.L_simem_size_0:
called_computation.5_lowered:
.L_overlay_start_0:
0x88: {  	s2 =	sld [smem:$0x3FD9]  }
0x89: {  	s3 =	sld [smem:$0x3FFE];
	_ =	sdelay $0x1  }
0x8a: {  	s1 =	srdreg.scid  }
0x8b: {  	s0 =	sand.u32 $0x1, s1  }
0x8c: {  	s14 =	sshll.u32 s0, $0xA;
	s2 =	sadd.s32 s3, s2  }
0x8d: {  	s2 =	sadd.s32 s2, s14  }
0x8e: {  	[smem:$0x3F9D] =	sst s2  }
0x8f: {  	_ = 	snop  }
0x90: {  	s2 =	sld [smem:$0x3FD0];
	_ =	sdelay $0x2  }
0x91: {  	s15 =	simm.s32 $0xA;
	s4 =	simm.s32 $0x10  }
0x92: {  	[smem:s4], [sflag:s15] =	dma.local [hbm:s2], $0x1  }
0x93: {  	_ =	swait.eq [sflag:s15], $0x1  }
0x94: {  	[sflag:s15] =	ssyncset.done $0x0  }
0x95: {  	[sflag:s15] =	ssyncadd.s32 $0xFFFFFFFF  }
0x96: {  	s16 =	sld [smem:$0x10];
	(tm) =	ssettm $0x1  }
0x97: {  	s17 =	sld [smem:$0x3FFB];
	_ =	sdelay $0x3  }
0x98: {  	_ =	strace s17  }
0x99: {  	s3 =	sld [smem:$0x3FFC];
	_ =	sdelay $0x3  }
0x9a: {  	_ =	strace s3  }
0x9b: {  	s3 =	sld [smem:$0x3FFD];
	_ =	sdelay $0x3  }
0x9c: {  	_ =	strace s3  }
0x9d: {  	_ =	strace $0x8FFFFFFF  }
0x9e: {  	s18 =	sld [smem:$0x3FDB];
	_ =	sdelay $0x1  }
0x9f: {  	s19 =	simm.s32 $_scs_section_size  }
0xa0: {  	s5 =	simm.s32 $_size__tile_overlayer_lowered;
	s6 =	simm.s32 $_tile_overlayer_lowered  }
0xa1: {  	s22 =	simm.s32 $0x1BFF;
	s21 =	sshll.u32 s6, $0x1;
	s3 =	sadd.s32 s19, s18  }
0xa2: {  	s7 =	simm.s32 $0x0;
	s20 =	sshll.u32 s5, $0x1;
	s5 =	sadd.s32 s21, s3  }
0xa3: {  	[timem:s7], [sflag:s22] =	dma.local [hbm:s5], s20  }
0xa4: {  	_ =	swait.ge [sflag:s22], s20  }
0xa5: {  	s4 =	ssub.s32 $0x0, s20;
	[sflag:s22] =	ssyncset.done $0x0  }
0xa6: {  	[sflag:s22] =	ssyncadd.s32 s4;
	_ =	sdelay $0x1  }
0xa7: {  	s23 =	simm.s32 $0x1B8B  }
0xa8: {  	_ =	swait.ge [sflag:s23], $0x1  }
0xa9: {  	[sflag:s23] =	ssyncset.done $0x0  }
0xaa: {  	s25 =	simm.s32 $0x1B8E;
	s24 =	sld [smem:$0x3FFE];
	[sflag:s23] =	ssyncadd.s32 $0xFFFFFFFF  }
0xab: {  	s26 =	simm.s32 $execute0_lowered;
	[smem:$0x3FD2] =	sst s25  }
0xac: {  	s5 =	sshll.u32 s26, $0x1;
	_ =	strace $0x80000055;
	[dreg:$0x1] =	wrdreg $0xFFFFFFFF  }
0xad: {  	s28 =	simm.s32 $_size_execute0_lowered;
	s3 =	sadd.s32 s3, s5;
	[dreg:$0x0] =	wrdreg $0x0  }
0xae: {  	s5 =	sshll.u32 s28, $0x1;
	[dreg:$0x2] =	wrdreg s3  }
0xaf: {  	[dreg:$0x3] =	wrdreg s5  }
0xb0: {  	[dreg:$0x4] =	wrdreg $0xC0  }
0xb1: {  	_ =	task [dreg:s7], $0x5FFFF  }
0xb2: {  	[dreg:$0x1] =	wrdreg $0xFFFFFFFF  }
0xb3: {  	[dreg:$0x0] =	wrdreg $0x60  }
0xb4: {  	[dreg:$0x2] =	wrdreg s16  }
0xb5: {  	[dreg:$0x3] =	wrdreg s24  }
0xb6: {  	[dreg:$0x4] =	wrdreg $0x92800  }
0xb7: {  	[dreg:$0x5] =	wrdreg $0x9  }
0xb8: {  	_ =	task.clear_ibuf [dreg:s7], $0x6FFFF;
	_ =	strace $0x90000055  }
0xb9: {  	s29 =	simm.s32 $0x9;
	_ =	strace $0x80000057  }
0xba: {  	_ =	swait.ge [sflag:s29], $0x1  }
0xbb: {  	[sflag:s29] =	ssyncadd.s32 $0xFFFFFFFF  }
0xbc: {  	_ =	strace $0x90000057  }
0xbd: {  	_ =	sfence  }
0xbe: {  	s30 =	sld [smem:$0x0];
	_ =	sdelay $0x2  }
0xbf: {  	s31 =	sshll.u32 s1, $0xD;
	s1 =	sshrl.u32 s1, $0x2  }
0xc0: {  	s3 =	sand.u32 $0x4000, s31;
	s1 =	sadd.s32 s1, s30  }
0xc1: {  	s0 =	sor.u32 s3, s0;
	s1 =	sshll.u32 s1, $0x11  }
0xc2: {  	s0 =	sor.u32 s1, s0  }
0xc3: {  	s0 =	sadd.s32 $0x8F2B, s0  }
0xc4: {  	[sflag:s0] =	ssyncadd.remote.s32 $0x1  }
0xc5: {  	_ =	sfence.sel $0xFFFF  }
0xc6: {  	[dreg:$0x0] =	wrdreg $0xFFFFFFFF;
	(pc) =	sbr.abs _section_cstart, $3  }
0xc7: {  	[dreg:$0x1] =	wrdreg $0xFFFFFFFF  }
0xc8: {  	_ =	task.clear_ibuf [dreg:s7], $0x2FFFF;
	_ =	strace $0x9FFFFFFF  }
0xc9: {  	(tm) =	ssettm $0x7FFFFFFF  }
tec
execute0_lowered:
.L_overlay_start_1:
0x0: {  	(tag) =	ssettag $0x1  }
0x1: {  	s1 =	rddreg [dreg:$0x0]  }
0x2: {  	s14 =	rddreg [dreg:$0x1]  }
0x3: {  	s2 =	rddreg [dreg:$0x2]  }
0x4: {  	s0 =	rddreg [dreg:$0x3];
	s3 =	simm.s32 $0x0  }
0x5: {  	s8 =	srdreg.scid;
	s7 =	simm.s32 $0x5280;
	[smem:$0x7FF] =	sst s3  }
0x6: {  	s6 =	simm.s32 $0x2;
	s5 =	sadd.s32 $0x8B600, s14;
	_ =	strace $0x80000056  }
0x7: {  	[tilespmem:s7], [sflag:$0x2] =	stream.linear.gather [hbm4b:s5+s3], $0x4000, $0x38;
	[tilespmem:$0xD280] =	vst v63  }
0x8: {  	s4 =	stileid.u32;
	s15 =	sand.u32 $0x1, s8;
	_ =	swait.ge [sflag:s6], $0x4000  }
0x9: {  	s30 =	sshll.u32 s4, $0x1;
	s16 =	sshll.u32 s4, $0xE;
	[sflag:s6] =	ssyncset.done $0x0  }
0xa: {  	s9 =	sor.u32 s15, s30;
	s8 =	sadd.s32 s16, s2;
	[sflag:s6] =	ssyncadd.s32 $0xFFFFC000  }
0xb: {  	[spmem:s8] =	stream.linear.scatter [tilespmem:s7], [sflag:$0x2], $0x4000, $0x38;
	[tilespmem:$0xD280] =	vst v63  }
0xc: {  	s9 =	smul.u32 $0x28, s9;
	_ =	swait.ge [sflag:s6], $0x4000  }
0xd: {  	[sflag:s6] =	ssyncset.done $0x0  }
0xe: {  	s10 =	sadd.s32 s9, s14;
	[sflag:s6] =	ssyncadd.s32 $0xFFFFC000  }
0xf: {  	s9 =	sadd.s32 $0xE600, s10;
	[bflag:$0x0] =	sbarrier.arrive $0xFFFF  }
0x10: {  	[tilespmem:s3], [sflag:$0x2] =	stream.linear.gather [hbm4b:s9+s3], $0x140, $0x38;
	[tilespmem:$0xD280] =	vst v63  }
0x11: {  	_ =	swait.ge [sflag:s6], $0x140  }
0x12: {  	[sflag:s6] =	ssyncset.done $0x0  }
0x13: {  	s11 =	simm.s32 $0x140;
	s10 =	sadd.s32 $0xE000, s10;
	[sflag:s6] =	ssyncadd.s32 $0xFFFFFEC0  }
0x14: {  	[tilespmem:s11], [sflag:$0x2] =	stream.linear.gather [hbm4b:s10+s3], $0x140, $0x38;
	[tilespmem:$0xD280] =	vst v63  }
0x15: {  	_ =	swait.ge [sflag:s6], $0x140  }
0x16: {  	[sflag:s6] =	ssyncset.done $0x0  }
0x17: {  	s12 =	simm.s32 $0x280;
	s13 =	simm.s32 $0x1;
	[sflag:s6] =	ssyncadd.s32 $0xFFFFFEC0  }
0x18: {  	[tilespmem:s12], [sflag:$0x1] =	stream.indirect.gather [hbm4b:s1+s11], $0x40, s3, s11, $0xb8;
	[tilespmem:$0xD280] =	vst v63  }
0x19: {  	_ =	swait.ge [sflag:s13], $0x5000  }
0x1a: {  	[sflag:s13] =	ssyncset.done $0x0  }
0x1b: {  	[sflag:s13] =	ssyncadd.s32 $0xFFFFB000  }
0x1c: {  	[spmem:s2] =	stream.indirect.scatter.add.f32 [tilespmem:s12], [sflag:$0x2], $0x40, s11, s11, $0xb8;
	[tilespmem:$0xD280] =	vst v63  }
0x1d: {  	s17 =	sshll.u32 s15, $0x12;
	s15 =	ssub.s32 $0x2, s15;
	_ =	swait.ge [sflag:s6], $0x5000  }
0x1e: {  	s31 =	sshrl.u32 s15, $0x1;
	[sflag:s6] =	ssyncset.done $0x0  }
0x1f: {  	s15 =	ssub.s32 s15, s31;
	[sflag:s6] =	ssyncadd.s32 $0xFFFFB000  }
0x20: {  	s16 =	sor.u32 s16, s17;
	s15 =	smax.u32 s15, $0x1;
	[bflag:$0x0] =	sbarrier.arrive $0xFFFF  }
0x21: {  	[tilespmem:s7], [sflag:$0x2] =	stream.linear.gather [spmem:s8], $0x4000, $0x38;
	[tilespmem:$0xD280] =	vst v63  }
0x22: {  	s16 =	sshrl.u32 s16, $0x3;
	p0 =	sne.s32 s15, $0x1;
	_ =	swait.ge [sflag:s6], $0x4000  }
.Ltmp0:
0x23: {  	s14 =	sadd.s32 s16, s14;
	[sflag:s6] =	ssyncset.done $0x0;
	(pc) =	sbr.rel @!p0 .LBB2_2-.Ltmp0, $4  }
0x24: {  	s14 =	sadd.s32 $0x9C200, s14;
	[sflag:s6] =	ssyncadd.s32 $0xFFFFC000  }
0x25: {  	[hbm4b:s14+s3] =	stream.linear.scatter [tilespmem:s7], [sflag:$0x2], $0x4000, $0x38;
	[tilespmem:$0xD280] =	vst v63  }
0x26: {  	_ =	swait.ge [sflag:s6], $0x4000  }
0x27: {  	s15 =	sadd.s32 $0xFFFFFFFF, s15;
	[sflag:s6] =	ssyncset.done $0x0  }
.LBB2_1:
0x28: {  	p0 =	sne.s32 s15, $0x1;
	s15 =	sadd.s32 $0xFFFFFFFF, s15;
	[sflag:s6] =	ssyncadd.s32 $0xFFFFC000  }
0x29: {  	[tilespmem:s7], [sflag:$0x2] =	stream.linear.gather [hbm4b:s5+s3], $0x4000, $0x38;
	[tilespmem:$0xD280] =	vst v63  }
0x2a: {  	_ =	swait.ge [sflag:s6], $0x4000  }
0x2b: {  	[sflag:s6] =	ssyncset.done $0x0  }
0x2c: {  	[sflag:s6] =	ssyncadd.s32 $0xFFFFC000  }
0x2d: {  	[spmem:s8] =	stream.linear.scatter [tilespmem:s7], [sflag:$0x2], $0x4000, $0x38;
	[tilespmem:$0xD280] =	vst v63  }
0x2e: {  	_ =	swait.ge [sflag:s6], $0x4000  }
0x2f: {  	[sflag:s6] =	ssyncset.done $0x0  }
0x30: {  	[sflag:s6] =	ssyncadd.s32 $0xFFFFC000  }
0x31: {  	[bflag:$0x0] =	sbarrier.arrive $0xFFFF  }
0x32: {  	[tilespmem:s3], [sflag:$0x2] =	stream.linear.gather [hbm4b:s9+s3], $0x140, $0x38;
	[tilespmem:$0xD280] =	vst v63  }
0x33: {  	_ =	swait.ge [sflag:s6], $0x140  }
0x34: {  	[sflag:s6] =	ssyncset.done $0x0  }
0x35: {  	[sflag:s6] =	ssyncadd.s32 $0xFFFFFEC0  }
0x36: {  	[tilespmem:s11], [sflag:$0x2] =	stream.linear.gather [hbm4b:s10+s3], $0x140, $0x38;
	[tilespmem:$0xD280] =	vst v63  }
0x37: {  	_ =	swait.ge [sflag:s6], $0x140  }
0x38: {  	[sflag:s6] =	ssyncset.done $0x0  }
0x39: {  	[sflag:s6] =	ssyncadd.s32 $0xFFFFFEC0  }
0x3a: {  	[tilespmem:s12], [sflag:$0x1] =	stream.indirect.gather [hbm4b:s1+s11], $0x40, s3, s11, $0xb8;
	[tilespmem:$0xD280] =	vst v63  }
0x3b: {  	_ =	swait.ge [sflag:s13], $0x5000  }
0x3c: {  	[sflag:s13] =	ssyncset.done $0x0  }
0x3d: {  	[sflag:s13] =	ssyncadd.s32 $0xFFFFB000  }
0x3e: {  	[spmem:s2] =	stream.indirect.scatter.add.f32 [tilespmem:s12], [sflag:$0x2], $0x40, s11, s11, $0xb8;
	[tilespmem:$0xD280] =	vst v63  }
0x3f: {  	_ =	swait.ge [sflag:s6], $0x5000  }
0x40: {  	[sflag:s6] =	ssyncset.done $0x0  }
0x41: {  	[sflag:s6] =	ssyncadd.s32 $0xFFFFB000  }
0x42: {  	[bflag:$0x0] =	sbarrier.arrive $0xFFFF  }
0x43: {  	[tilespmem:s7], [sflag:$0x2] =	stream.linear.gather [spmem:s8], $0x4000, $0x38;
	[tilespmem:$0xD280] =	vst v63  }
0x44: {  	_ =	swait.ge [sflag:s6], $0x4000  }
.Ltmp1:
0x45: {  	[sflag:s6] =	ssyncset.done $0x0;
	(pc) =	sbr.rel @p0 .LBB2_1-.Ltmp1, $4  }
0x46: {  	[sflag:s6] =	ssyncadd.s32 $0xFFFFC000  }
0x47: {  	[hbm4b:s14+s3] =	stream.linear.scatter [tilespmem:s7], [sflag:$0x2], $0x4000, $0x38;
	[tilespmem:$0xD280] =	vst v63  }
0x48: {  	_ =	swait.ge [sflag:s6], $0x4000  }
0x49: {  	[sflag:s6] =	ssyncset.done $0x0  }
.LBB2_2:
0x4a: {  	[sflag:s6] =	ssyncadd.s32 $0xFFFFC000  }
0x4b: {  	_ =	sfence.sel $0x180000  }
0x4c: {  	[bflag:$0x0] =	sbarrier.arrive $0xFFFF  }
0x4d: {  	p0 =	sne.s32 s4, $0x0;
	_ =	strace $0x90000056  }
0x4e: {  	s0 =	sadd.s32 @!p0 $0x100000, s0;
	[bflag:$0x2] =	sbarrier.arrive $0xFFFF  }
0x4f: {  	[sflag:s0] =	ssyncadd.tile.s32 @!p0 $0x1;
	_ =	shalt  }
.Lfunc_end2:
_tile_overlayer_lowered:
.L_overlay_start_2:
0x50: {  	(tag) =	ssettag $0x2  }
0x51: {  	s0 =	rddreg [dreg:$0x0];
	s2 =	stileid.u32  }
0x52: {  	s1 =	rddreg [dreg:$0x1];
	p0 =	sne.s32 s2, $0x0  }
0x53: {  	s3 =	rddreg [dreg:$0x2];
	[bflag:$0x3] =	sbarrier.arrive $0xFFFF;
	s2 =	simm.s32 @!p0 $0x1C02  }
0x54: {  	[timem:s3], [sflag:s2] =	dma.local @!p0 [hbm:s0], s1  }
0x55: {  	s0 =	simm.s32 @!p0 $0x2  }
0x56: {  	_ =	swait.ge @!p0 [sflag:s0], s1  }
0x57: {  	s1 =	ssub.s32 @!p0 $0x0, s1;
	[sflag:s0] =	ssyncset.done @!p0 $0x0  }
0x58: {  	[sflag:s0] =	ssyncadd.s32 @!p0 s1  }
0x59: {  	[bflag:$0x3] =	sbarrier.arrive $0xFFFF  }
0x5a: {  	_ =	shalt  }

// kernel: kernel.41.cloned.1.call-start
scs
__scs_entry_jumppad:
0x0: {  	(pc) =	sbr.rel $0x88, $3  }
0x1: {  	(tag) =	ssettag $0x0;
	lr =	simm.s32 $0x1  }
0x2: {  	[smem:$0x3F76] =	sst lr;
	_ =	strace $0xD0000000  }
0x3: {  	_ = 	snop  }
0x4: {  	_ = 	snop  }
0x5: {  	_ = 	snop  }
0x6: {  	_ = 	snop  }
0x7: {  	_ = 	snop  }
__scs_overlays_trampoline_lowered:
0x8: {  	[smem:$0x3F85] =	sst s0  }
0x9: {  	[smem:$0x3F86] =	sst s1  }
0xa: {  	[smem:$0x3F87] =	sst s2  }
0xb: {  	[smem:$0x3F88] =	sst s3  }
0xc: {  	[smem:$0x3F89] =	sst s4  }
0xd: {  	[smem:$0x3F8A] =	sst s5  }
0xe: {  	[smem:$0x3F8B] =	sst s6  }
0xf: {  	[smem:$0x3F8C] =	sst s7  }
0x10: {  	[smem:$0x3F8D] =	sst s8  }
0x11: {  	[smem:$0x3F8E] =	sst s9;
	s0 =	simm.s32 @!p0 $0x0  }
0x12: {  	s1 =	sld [smem:$0x3F74];
	s0 =	simm.s32 @p0 $0x1  }
0x13: {  	[smem:$0x3F8F] =	sst s0;
	s0 =	simm.s32 @!p1 $0x0  }
0x14: {  	s2 =	sld [smem:$0x3F73];
	s0 =	simm.s32 @p1 $0x1  }
0x15: {  	[smem:$0x3F90] =	sst s0;
	s0 =	simm.s32 @!p2 $0x0  }
0x16: {  	s3 =	sld [smem:$0x3FDB];
	s0 =	simm.s32 @p2 $0x1  }
0x17: {  	s4 =	simm.s32 $0x1BF5;
	[smem:$0x3F92] =	sst s0  }
0x18: {  	s0 =	sld [smem:$0x3F75];
	_ =	swait.ge [sflag:s4], $0x0  }
0x19: {  	s7 =	sld [smem:$0x3F76]  }
0x1a: {  	s8 =	sadd.s32 $0xFFFFE003, lr  }
0x1b: {  	s9 =	sadd.s32 $0xFFFFFEF7, lr;
	s5 =	simm.s32 $0xFFFFFFFF;
	p2 =	slt.u32 s8, $0xFFFFF086  }
0x1c: {  	p1 =	slt.u32 s9, $0xF7A;
	s5 =	simm.s32 @!p2 $0x0  }
0x1d: {  	s5 =	simm.s32 @p1 $0x1;
	p0 =	seq.s32 s7, s2  }
0x1e: {  	s7 =	smul.u32 @!p0 $0xF7A, s2;
	p2 =	seq.s32 @!p0 s5, $0x0  }
0x1f: {  	s9 =	smul.u32 $0xF7A, s1;
	s8 =	simm.s32 @!p0 $0x1BF5;
	p2 =	por !p2, p0  }
0x20: {  	[sflag:s8] =	ssyncset.s32 @!p0 $0xFFFFF086;
	s6 =	sadd.s32 @!p0 s3, s7;
	s7 =	simm.s32 @!p0 $0x108  }
0x21: {  	s3 =	sadd.s32 s3, s9;
	s6 =	sadd.s32 @!p0 $0x88, s6;
	s7 =	simm.s32 @p2 $0x1082  }
0x22: {  	[simem:s7], [sflag:s8] =	dma.local @!p0 [hbm:s6], $0xF7A  }
0x23: {  	s9 =	sor.u32 $0xD0000000, s2;
	s6 =	simm.s32 $0x108;
	_ =	swait.ge @!p0 [sflag:s8], $0x0  }
0x24: {  	s3 =	sadd.s32 $0x88, s3;
	s6 =	simm.s32 @!p1 $0x1082;
	[sflag:s4] =	ssyncset.s32 $0xFFFFF086  }
0x25: {  	[simem:s6], [sflag:s4] =	dma.local [hbm:s3], $0xF7A  }
0x26: {  	[smem:$0x3F76] =	sst s1;
	(tag) =	ssettag s2;
	_ =	strace s9  }
0x27: {  	s1 =	sld [smem:$0x3F86]  }
0x28: {  	s2 =	sld [smem:$0x3F87]  }
0x29: {  	s4 =	sld [smem:$0x3F89]  }
0x2a: {  	p0 =	seq.s32 s5, $0x0;
	s5 =	sld [smem:$0x3F8A]  }
0x2b: {  	s6 =	sld [smem:$0x3F8B]  }
0x2c: {  	s7 =	sld [smem:$0x3F8C]  }
0x2d: {  	s3 =	simm.s32 $0x108;
	s8 =	sld [smem:$0x3F8D]  }
0x2e: {  	s3 =	simm.s32 @!p0 $0x1082;
	s9 =	sld [smem:$0x3F8E]  }
0x2f: {  	lr =	sadd.s32 s0, s3;
	s0 =	sld [smem:$0x3F85]  }
0x30: {  	s3 =	sld [smem:$0x3F88]  }
0x31: {  	[smem:$0x3F91] =	sst s10  }
0x32: {  	s10 =	sld [smem:$0x3F8F];
	_ =	sdelay $0x3  }
0x33: {  	p0 =	seq.s32 s10, $0x1;
	s10 =	sld [smem:$0x3F91];
	_ =	sdelay $0x3  }
0x34: {  	[smem:$0x3F91] =	sst s10  }
0x35: {  	s10 =	sld [smem:$0x3F90];
	_ =	sdelay $0x3  }
0x36: {  	p1 =	seq.s32 s10, $0x1;
	s10 =	sld [smem:$0x3F91];
	_ =	sdelay $0x3  }
0x37: {  	[smem:$0x3F91] =	sst s10  }
0x38: {  	s10 =	sld [smem:$0x3F92]  }
0x39: {  	_ = 	snop;
	(pc) =	sbr.ind lr, $3  }
0x3a: {  	_ = 	snop  }
0x3b: {  	_ = 	snop  }
0x3c: {  	p2 =	seq.s32 s10, $0x1;
	s10 =	sld [smem:$0x3F91]  }
0x3d: {  	_ =	shalt  }
0x3e: {  	_ =	shalt  }
0x3f: {  	_ =	shalt  }
0x40: {  	_ =	shalt  }
0x41: {  	_ =	shalt  }
0x42: {  	_ =	shalt  }
0x43: {  	_ =	shalt  }
0x44: {  	_ =	shalt  }
0x45: {  	_ =	shalt  }
0x46: {  	_ =	shalt  }
0x47: {  	_ =	shalt  }
0x48: {  	_ =	shalt  }
0x49: {  	_ =	shalt  }
0x4a: {  	_ =	shalt  }
0x4b: {  	_ =	shalt  }
0x4c: {  	_ =	shalt  }
0x4d: {  	_ =	shalt  }
0x4e: {  	_ =	shalt  }
0x4f: {  	_ =	shalt  }
0x50: {  	_ =	shalt  }
0x51: {  	_ =	shalt  }
0x52: {  	_ =	shalt  }
0x53: {  	_ =	shalt  }
0x54: {  	_ =	shalt  }
0x55: {  	_ =	shalt  }
0x56: {  	_ =	shalt  }
0x57: {  	_ =	shalt  }
0x58: {  	_ =	shalt  }
0x59: {  	_ =	shalt  }
0x5a: {  	_ =	shalt  }
0x5b: {  	_ =	shalt  }
0x5c: {  	_ =	shalt  }
0x5d: {  	_ =	shalt  }
0x5e: {  	_ =	shalt  }
0x5f: {  	_ =	shalt  }
0x60: {  	_ =	shalt  }
0x61: {  	_ =	shalt  }
0x62: {  	_ =	shalt  }
0x63: {  	_ =	shalt  }
0x64: {  	_ =	shalt  }
0x65: {  	_ =	shalt  }
0x66: {  	_ =	shalt  }
0x67: {  	_ =	shalt  }
0x68: {  	_ =	shalt  }
0x69: {  	_ =	shalt  }
0x6a: {  	_ =	shalt  }
0x6b: {  	_ =	shalt  }
0x6c: {  	_ =	shalt  }
0x6d: {  	_ =	shalt  }
0x6e: {  	_ =	shalt  }
0x6f: {  	_ =	shalt  }
0x70: {  	_ =	shalt  }
0x71: {  	_ =	shalt  }
0x72: {  	_ =	shalt  }
0x73: {  	_ =	shalt  }
0x74: {  	_ =	shalt  }
0x75: {  	_ =	shalt  }
0x76: {  	_ =	shalt  }
0x77: {  	_ =	shalt  }
0x78: {  	_ =	shalt  }
0x79: {  	_ =	shalt  }
0x7a: {  	_ =	shalt  }
0x7b: {  	_ =	shalt  }
0x7c: {  	_ =	shalt  }
0x7d: {  	_ =	shalt  }
0x7e: {  	_ =	shalt  }
0x7f: {  	_ =	shalt  }
0x80: {  	_ =	shalt  }
0x81: {  	_ =	shalt  }
0x82: {  	_ =	shalt  }
0x83: {  	_ =	shalt  }
0x84: {  	_ =	shalt  }
0x85: {  	_ =	shalt  }
0x86: {  	_ =	shalt  }
0x87: {  	_ =	shalt  }
.Lfunc_end0:
.L_simem_size_0:
called_computation.6_lowered:
.L_overlay_start_0:
0x88: {  	s2 =	sld [smem:$0x3FD9]  }
0x89: {  	s3 =	sld [smem:$0x3FFE];
	_ =	sdelay $0x1  }
0x8a: {  	s1 =	srdreg.scid  }
0x8b: {  	s0 =	sand.u32 $0x1, s1  }
0x8c: {  	s14 =	sshll.u32 s0, $0xA;
	s2 =	sadd.s32 s3, s2  }
0x8d: {  	s2 =	sadd.s32 s2, s14  }
0x8e: {  	[smem:$0x3F9D] =	sst s2  }
0x8f: {  	_ = 	snop  }
0x90: {  	s2 =	sld [smem:$0x3FD0];
	_ =	sdelay $0x2  }
0x91: {  	s15 =	simm.s32 $0xA;
	s4 =	simm.s32 $0x10  }
0x92: {  	[smem:s4], [sflag:s15] =	dma.local [hbm:s2], $0x1  }
0x93: {  	_ =	swait.eq [sflag:s15], $0x1  }
0x94: {  	[sflag:s15] =	ssyncset.done $0x0  }
0x95: {  	s16 =	sld [smem:$0x10];
	[sflag:s15] =	ssyncadd.s32 $0xFFFFFFFF  }
0x96: {  	s17 =	sld [smem:$0x11];
	(tm) =	ssettm $0x1  }
0x97: {  	s18 =	sld [smem:$0x3FFB];
	_ =	sdelay $0x3  }
0x98: {  	_ =	strace s18  }
0x99: {  	s4 =	sld [smem:$0x3FFC];
	_ =	sdelay $0x3  }
0x9a: {  	_ =	strace s4  }
0x9b: {  	s4 =	sld [smem:$0x3FFD];
	_ =	sdelay $0x3  }
0x9c: {  	_ =	strace s4  }
0x9d: {  	_ =	strace $0x8FFFFFFF  }
0x9e: {  	s19 =	sld [smem:$0x3FDB];
	_ =	sdelay $0x1  }
0x9f: {  	s5 =	simm.s32 $_scs_section_size  }
0xa0: {  	s6 =	simm.s32 $_size__tile_overlayer_lowered;
	s7 =	simm.s32 $_tile_overlayer_lowered  }
0xa1: {  	s22 =	simm.s32 $0x1BFF;
	s21 =	sshll.u32 s7, $0x1;
	s4 =	sadd.s32 s5, s19  }
0xa2: {  	s8 =	simm.s32 $0x0;
	s20 =	sshll.u32 s6, $0x1;
	s6 =	sadd.s32 s21, s4  }
0xa3: {  	[timem:s8], [sflag:s22] =	dma.local [hbm:s6], s20  }
0xa4: {  	_ =	swait.ge [sflag:s22], s20  }
0xa5: {  	s5 =	ssub.s32 $0x0, s20;
	[sflag:s22] =	ssyncset.done $0x0  }
0xa6: {  	[sflag:s22] =	ssyncadd.s32 s5;
	_ =	sdelay $0x1  }
0xa7: {  	s23 =	simm.s32 $0x1B8B  }
0xa8: {  	_ =	swait.ge [sflag:s23], $0x1  }
0xa9: {  	[sflag:s23] =	ssyncset.done $0x0  }
0xaa: {  	s25 =	simm.s32 $0x1B8E;
	s24 =	sld [smem:$0x3FFE];
	[sflag:s23] =	ssyncadd.s32 $0xFFFFFFFF  }
0xab: {  	s26 =	simm.s32 $execute0_lowered;
	[smem:$0x3FD2] =	sst s25  }
0xac: {  	s6 =	sshll.u32 s26, $0x1;
	_ =	strace $0x80000058;
	[dreg:$0x1] =	wrdreg $0xFFFFFFFF  }
0xad: {  	s28 =	simm.s32 $_size_execute0_lowered;
	s4 =	sadd.s32 s4, s6;
	[dreg:$0x0] =	wrdreg $0x0  }
0xae: {  	s6 =	sshll.u32 s28, $0x1;
	[dreg:$0x2] =	wrdreg s4  }
0xaf: {  	[dreg:$0x3] =	wrdreg s6  }
0xb0: {  	[dreg:$0x4] =	wrdreg $0xC0  }
0xb1: {  	_ =	task [dreg:s8], $0x5FFFF  }
0xb2: {  	[dreg:$0x1] =	wrdreg $0xFFFFFFFF  }
0xb3: {  	[dreg:$0x0] =	wrdreg $0x60  }
0xb4: {  	[dreg:$0x2] =	wrdreg s17  }
0xb5: {  	[dreg:$0x3] =	wrdreg s24  }
0xb6: {  	[dreg:$0x4] =	wrdreg s16  }
0xb7: {  	[dreg:$0x5] =	wrdreg $0x42000  }
0xb8: {  	[dreg:$0x6] =	wrdreg $0x9  }
0xb9: {  	_ =	task.clear_ibuf [dreg:s8], $0x7FFFF;
	_ =	strace $0x90000058  }
0xba: {  	s29 =	simm.s32 $0x9;
	_ =	strace $0x8000005A  }
0xbb: {  	_ =	swait.ge [sflag:s29], $0x1  }
0xbc: {  	[sflag:s29] =	ssyncadd.s32 $0xFFFFFFFF  }
0xbd: {  	_ =	strace $0x9000005A  }
0xbe: {  	_ =	sfence  }
0xbf: {  	s30 =	sld [smem:$0x0];
	_ =	sdelay $0x2  }
0xc0: {  	s31 =	sshll.u32 s1, $0xD;
	s1 =	sshrl.u32 s1, $0x2  }
0xc1: {  	s3 =	sand.u32 $0x4000, s31;
	s1 =	sadd.s32 s1, s30  }
0xc2: {  	s0 =	sor.u32 s3, s0;
	s1 =	sshll.u32 s1, $0x11  }
0xc3: {  	s0 =	sor.u32 s1, s0  }
0xc4: {  	s0 =	sadd.s32 $0x8F2B, s0  }
0xc5: {  	[sflag:s0] =	ssyncadd.remote.s32 $0x1  }
0xc6: {  	_ =	sfence.sel $0xFFFF  }
0xc7: {  	[dreg:$0x0] =	wrdreg $0xFFFFFFFF;
	(pc) =	sbr.abs _section_cstart, $3  }
0xc8: {  	[dreg:$0x1] =	wrdreg $0xFFFFFFFF  }
0xc9: {  	_ =	task.clear_ibuf [dreg:s8], $0x2FFFF;
	_ =	strace $0x9FFFFFFF  }
0xca: {  	(tm) =	ssettm $0x7FFFFFFF  }
0xcb: {  	_ =	shalt  }
tec
execute0_lowered:
.L_overlay_start_1:
0x0: {  	(tag) =	ssettag $0x1  }
0x1: {  	s1 =	rddreg [dreg:$0x0]  }
0x2: {  	s9 =	rddreg [dreg:$0x1]  }
0x3: {  	s14 =	rddreg [dreg:$0x2]  }
0x4: {  	s2 =	rddreg [dreg:$0x3]  }
0x5: {  	s0 =	rddreg [dreg:$0x4];
	s3 =	simm.s32 $0x0  }
0x6: {  	s7 =	simm.s32 $0x2200;
	[smem:$0x7FF] =	sst s3  }
0x7: {  	s6 =	simm.s32 $0x2;
	s5 =	sadd.s32 $0x8BE00, s9;
	_ =	strace $0x80000059  }
0x8: {  	[tilespmem:s7], [sflag:$0x2] =	stream.linear.gather [hbm4b:s5+s3], $0x2000, $0x38;
	[tilespmem:$0x6200] =	vst v63  }
0x9: {  	s4 =	stileid.u32;
	_ =	swait.ge [sflag:s6], $0x2000  }
0xa: {  	s8 =	srdreg.scid;
	s15 =	sshll.u32 s4, $0xD;
	[sflag:s6] =	ssyncset.done $0x0  }
0xb: {  	s16 =	sand.u32 $0x1, s8;
	s8 =	sadd.s32 s15, s2;
	[sflag:s6] =	ssyncadd.s32 $0xFFFFE000  }
0xc: {  	[spmem:s8] =	stream.linear.scatter [tilespmem:s7], [sflag:$0x2], $0x2000, $0x38;
	[tilespmem:$0x6200] =	vst v63  }
0xd: {  	s10 =	sshll.u32 s4, $0x6;
	s11 =	sshll.u32 s16, $0x5;
	_ =	swait.ge [sflag:s6], $0x2000  }
0xe: {  	s10 =	sor.u32 s11, s10;
	[sflag:s6] =	ssyncset.done $0x0  }
0xf: {  	s10 =	sadd.s32 s10, s9;
	[sflag:s6] =	ssyncadd.s32 $0xFFFFE000  }
0x10: {  	s9 =	sadd.s32 $0x9BE00, s10;
	[bflag:$0x0] =	sbarrier.arrive $0xFFFF  }
0x11: {  	[tilespmem:s3], [sflag:$0x2] =	stream.linear.gather [hbm4b:s9+s3], $0x100, $0x38;
	[tilespmem:$0x6200] =	vst v63  }
0x12: {  	_ =	swait.ge [sflag:s6], $0x100  }
0x13: {  	[sflag:s6] =	ssyncset.done $0x0  }
0x14: {  	s11 =	simm.s32 $0x100;
	s10 =	sadd.s32 $0xF800, s10;
	[sflag:s6] =	ssyncadd.s32 $0xFFFFFF00  }
0x15: {  	[tilespmem:s11], [sflag:$0x2] =	stream.linear.gather [hbm4b:s10+s3], $0x100, $0x38;
	[tilespmem:$0x6200] =	vst v63  }
0x16: {  	_ =	swait.ge [sflag:s6], $0x100  }
0x17: {  	[sflag:s6] =	ssyncset.done $0x0  }
0x18: {  	s12 =	simm.s32 $0x200;
	s13 =	simm.s32 $0x1;
	[sflag:s6] =	ssyncadd.s32 $0xFFFFFF00  }
0x19: {  	[tilespmem:s12], [sflag:$0x1] =	stream.indirect.gather [hbm4b:s1+s11], $0x20, s3, s11, $0xb8;
	[tilespmem:$0x6200] =	vst v63  }
0x1a: {  	_ =	swait.ge [sflag:s13], $0x2000  }
0x1b: {  	[sflag:s13] =	ssyncset.done $0x0  }
0x1c: {  	[sflag:s13] =	ssyncadd.s32 $0xFFFFE000  }
0x1d: {  	[spmem:s2] =	stream.indirect.scatter.add.f32 [tilespmem:s12], [sflag:$0x2], $0x20, s11, s11, $0xb8;
	[tilespmem:$0x6200] =	vst v63  }
0x1e: {  	s17 =	ssub.s32 $0x2, s16;
	_ =	swait.ge [sflag:s6], $0x2000  }
0x1f: {  	s16 =	sshll.u32 s16, $0x11;
	s30 =	sshrl.u32 s17, $0x1;
	[sflag:s6] =	ssyncset.done $0x0  }
0x20: {  	s15 =	sor.u32 s15, s16;
	s16 =	ssub.s32 s17, s30;
	[sflag:s6] =	ssyncadd.s32 $0xFFFFE000  }
0x21: {  	s31 =	smax.u32 s16, $0x1;
	[bflag:$0x0] =	sbarrier.arrive $0xFFFF  }
0x22: {  	[tilespmem:s7], [sflag:$0x2] =	stream.linear.gather [spmem:s8], $0x2000, $0x38;
	[tilespmem:$0x6200] =	vst v63  }
0x23: {  	p0 =	sne.s32 s31, $0x1;
	_ =	swait.ge [sflag:s6], $0x2000  }
.Ltmp0:
0x24: {  	s15 =	sshrl.u32 s15, $0x3;
	[sflag:s6] =	ssyncset.done $0x0;
	(pc) =	sbr.rel @!p0 .LBB2_2-.Ltmp0, $4  }
0x25: {  	s14 =	sadd.s32 s14, s15;
	[sflag:s6] =	ssyncadd.s32 $0xFFFFE000  }
0x26: {  	[hbm4b:s14+s3] =	stream.linear.scatter [tilespmem:s7], [sflag:$0x2], $0x2000, $0x38;
	[tilespmem:$0x6200] =	vst v63  }
0x27: {  	_ =	swait.ge [sflag:s6], $0x2000  }
0x28: {  	s15 =	sadd.s32 $0xFFFFFFFF, s31;
	[sflag:s6] =	ssyncset.done $0x0  }
.LBB2_1:
0x29: {  	p0 =	sne.s32 s15, $0x1;
	s15 =	sadd.s32 $0xFFFFFFFF, s15;
	[sflag:s6] =	ssyncadd.s32 $0xFFFFE000  }
0x2a: {  	[tilespmem:s7], [sflag:$0x2] =	stream.linear.gather [hbm4b:s5+s3], $0x2000, $0x38;
	[tilespmem:$0x6200] =	vst v63  }
0x2b: {  	_ =	swait.ge [sflag:s6], $0x2000  }
0x2c: {  	[sflag:s6] =	ssyncset.done $0x0  }
0x2d: {  	[sflag:s6] =	ssyncadd.s32 $0xFFFFE000  }
0x2e: {  	[spmem:s8] =	stream.linear.scatter [tilespmem:s7], [sflag:$0x2], $0x2000, $0x38;
	[tilespmem:$0x6200] =	vst v63  }
0x2f: {  	_ =	swait.ge [sflag:s6], $0x2000  }
0x30: {  	[sflag:s6] =	ssyncset.done $0x0  }
0x31: {  	[sflag:s6] =	ssyncadd.s32 $0xFFFFE000  }
0x32: {  	[bflag:$0x0] =	sbarrier.arrive $0xFFFF  }
0x33: {  	[tilespmem:s3], [sflag:$0x2] =	stream.linear.gather [hbm4b:s9+s3], $0x100, $0x38;
	[tilespmem:$0x6200] =	vst v63  }
0x34: {  	_ =	swait.ge [sflag:s6], $0x100  }
0x35: {  	[sflag:s6] =	ssyncset.done $0x0  }
0x36: {  	[sflag:s6] =	ssyncadd.s32 $0xFFFFFF00  }
0x37: {  	[tilespmem:s11], [sflag:$0x2] =	stream.linear.gather [hbm4b:s10+s3], $0x100, $0x38;
	[tilespmem:$0x6200] =	vst v63  }
0x38: {  	_ =	swait.ge [sflag:s6], $0x100  }
0x39: {  	[sflag:s6] =	ssyncset.done $0x0  }
0x3a: {  	[sflag:s6] =	ssyncadd.s32 $0xFFFFFF00  }
0x3b: {  	[tilespmem:s12], [sflag:$0x1] =	stream.indirect.gather [hbm4b:s1+s11], $0x20, s3, s11, $0xb8;
	[tilespmem:$0x6200] =	vst v63  }
0x3c: {  	_ =	swait.ge [sflag:s13], $0x2000  }
0x3d: {  	[sflag:s13] =	ssyncset.done $0x0  }
0x3e: {  	[sflag:s13] =	ssyncadd.s32 $0xFFFFE000  }
0x3f: {  	[spmem:s2] =	stream.indirect.scatter.add.f32 [tilespmem:s12], [sflag:$0x2], $0x20, s11, s11, $0xb8;
	[tilespmem:$0x6200] =	vst v63  }
0x40: {  	_ =	swait.ge [sflag:s6], $0x2000  }
0x41: {  	[sflag:s6] =	ssyncset.done $0x0  }
0x42: {  	[sflag:s6] =	ssyncadd.s32 $0xFFFFE000  }
0x43: {  	[bflag:$0x0] =	sbarrier.arrive $0xFFFF  }
0x44: {  	[tilespmem:s7], [sflag:$0x2] =	stream.linear.gather [spmem:s8], $0x2000, $0x38;
	[tilespmem:$0x6200] =	vst v63  }
0x45: {  	_ =	swait.ge [sflag:s6], $0x2000  }
.Ltmp1:
0x46: {  	[sflag:s6] =	ssyncset.done $0x0;
	(pc) =	sbr.rel @p0 .LBB2_1-.Ltmp1, $4  }
0x47: {  	[sflag:s6] =	ssyncadd.s32 $0xFFFFE000  }
0x48: {  	[hbm4b:s14+s3] =	stream.linear.scatter [tilespmem:s7], [sflag:$0x2], $0x2000, $0x38;
	[tilespmem:$0x6200] =	vst v63  }
0x49: {  	_ =	swait.ge [sflag:s6], $0x2000  }
0x4a: {  	[sflag:s6] =	ssyncset.done $0x0  }
.LBB2_2:
0x4b: {  	[sflag:s6] =	ssyncadd.s32 $0xFFFFE000  }
0x4c: {  	_ =	sfence.sel $0x180000  }
0x4d: {  	[bflag:$0x0] =	sbarrier.arrive $0xFFFF  }
0x4e: {  	p0 =	sne.s32 s4, $0x0;
	_ =	strace $0x90000059  }
0x4f: {  	s0 =	sadd.s32 @!p0 $0x100000, s0;
	[bflag:$0x2] =	sbarrier.arrive $0xFFFF  }
0x50: {  	[sflag:s0] =	ssyncadd.tile.s32 @!p0 $0x1;
	_ =	shalt  }
.Lfunc_end2:
_tile_overlayer_lowered:
.L_overlay_start_2:
0x51: {  	(tag) =	ssettag $0x2  }
0x52: {  	s0 =	rddreg [dreg:$0x0];
	s2 =	stileid.u32  }
0x53: {  	s1 =	rddreg [dreg:$0x1];
	p0 =	sne.s32 s2, $0x0  }
0x54: {  	s3 =	rddreg [dreg:$0x2];
	[bflag:$0x3] =	sbarrier.arrive $0xFFFF;
	s2 =	simm.s32 @!p0 $0x1C02  }
0x55: {  	[timem:s3], [sflag:s2] =	dma.local @!p0 [hbm:s0], s1  }
0x56: {  	s0 =	simm.s32 @!p0 $0x2  }
0x57: {  	_ =	swait.ge @!p0 [sflag:s0], s1  }
0x58: {  	s1 =	ssub.s32 @!p0 $0x0, s1;
	[sflag:s0] =	ssyncset.done @!p0 $0x0  }
0x59: {  	[sflag:s0] =	ssyncadd.s32 @!p0 s1  }
0x5a: {  	[bflag:$0x3] =	sbarrier.arrive $0xFFFF  }
0x5b: {  	_ =	shalt  }

// kernel: kernel.44.cloned.1.call-start
scs
__scs_entry_jumppad:
0x0: {  	(pc) =	sbr.rel $0x88, $3  }
0x1: {  	(tag) =	ssettag $0x0;
	lr =	simm.s32 $0x1  }
0x2: {  	[smem:$0x3F76] =	sst lr;
	_ =	strace $0xD0000000  }
0x3: {  	_ = 	snop  }
0x4: {  	_ = 	snop  }
0x5: {  	_ = 	snop  }
0x6: {  	_ = 	snop  }
0x7: {  	_ = 	snop  }
__scs_overlays_trampoline_lowered:
0x8: {  	[smem:$0x3F85] =	sst s0  }
0x9: {  	[smem:$0x3F86] =	sst s1  }
0xa: {  	[smem:$0x3F87] =	sst s2  }
0xb: {  	[smem:$0x3F88] =	sst s3  }
0xc: {  	[smem:$0x3F89] =	sst s4  }
0xd: {  	[smem:$0x3F8A] =	sst s5  }
0xe: {  	[smem:$0x3F8B] =	sst s6  }
0xf: {  	[smem:$0x3F8C] =	sst s7  }
0x10: {  	[smem:$0x3F8D] =	sst s8  }
0x11: {  	[smem:$0x3F8E] =	sst s9;
	s0 =	simm.s32 @!p0 $0x0  }
0x12: {  	s1 =	sld [smem:$0x3F74];
	s0 =	simm.s32 @p0 $0x1  }
0x13: {  	[smem:$0x3F8F] =	sst s0;
	s0 =	simm.s32 @!p1 $0x0  }
0x14: {  	s2 =	sld [smem:$0x3F73];
	s0 =	simm.s32 @p1 $0x1  }
0x15: {  	[smem:$0x3F90] =	sst s0;
	s0 =	simm.s32 @!p2 $0x0  }
0x16: {  	s3 =	sld [smem:$0x3FDB];
	s0 =	simm.s32 @p2 $0x1  }
0x17: {  	s4 =	simm.s32 $0x1BF5;
	[smem:$0x3F92] =	sst s0  }
0x18: {  	s0 =	sld [smem:$0x3F75];
	_ =	swait.ge [sflag:s4], $0x0  }
0x19: {  	s7 =	sld [smem:$0x3F76]  }
0x1a: {  	s8 =	sadd.s32 $0xFFFFE003, lr  }
0x1b: {  	s9 =	sadd.s32 $0xFFFFFEF7, lr;
	s5 =	simm.s32 $0xFFFFFFFF;
	p2 =	slt.u32 s8, $0xFFFFF086  }
0x1c: {  	p1 =	slt.u32 s9, $0xF7A;
	s5 =	simm.s32 @!p2 $0x0  }
0x1d: {  	s5 =	simm.s32 @p1 $0x1;
	p0 =	seq.s32 s7, s2  }
0x1e: {  	s7 =	smul.u32 @!p0 $0xF7A, s2;
	p2 =	seq.s32 @!p0 s5, $0x0  }
0x1f: {  	s9 =	smul.u32 $0xF7A, s1;
	s8 =	simm.s32 @!p0 $0x1BF5;
	p2 =	por !p2, p0  }
0x20: {  	[sflag:s8] =	ssyncset.s32 @!p0 $0xFFFFF086;
	s6 =	sadd.s32 @!p0 s3, s7;
	s7 =	simm.s32 @!p0 $0x108  }
0x21: {  	s3 =	sadd.s32 s3, s9;
	s6 =	sadd.s32 @!p0 $0x88, s6;
	s7 =	simm.s32 @p2 $0x1082  }
0x22: {  	[simem:s7], [sflag:s8] =	dma.local @!p0 [hbm:s6], $0xF7A  }
0x23: {  	s9 =	sor.u32 $0xD0000000, s2;
	s6 =	simm.s32 $0x108;
	_ =	swait.ge @!p0 [sflag:s8], $0x0  }
0x24: {  	s3 =	sadd.s32 $0x88, s3;
	s6 =	simm.s32 @!p1 $0x1082;
	[sflag:s4] =	ssyncset.s32 $0xFFFFF086  }
0x25: {  	[simem:s6], [sflag:s4] =	dma.local [hbm:s3], $0xF7A  }
0x26: {  	[smem:$0x3F76] =	sst s1;
	(tag) =	ssettag s2;
	_ =	strace s9  }
0x27: {  	s1 =	sld [smem:$0x3F86]  }
0x28: {  	s2 =	sld [smem:$0x3F87]  }
0x29: {  	s4 =	sld [smem:$0x3F89]  }
0x2a: {  	p0 =	seq.s32 s5, $0x0;
	s5 =	sld [smem:$0x3F8A]  }
0x2b: {  	s6 =	sld [smem:$0x3F8B]  }
0x2c: {  	s7 =	sld [smem:$0x3F8C]  }
0x2d: {  	s3 =	simm.s32 $0x108;
	s8 =	sld [smem:$0x3F8D]  }
0x2e: {  	s3 =	simm.s32 @!p0 $0x1082;
	s9 =	sld [smem:$0x3F8E]  }
0x2f: {  	lr =	sadd.s32 s0, s3;
	s0 =	sld [smem:$0x3F85]  }
0x30: {  	s3 =	sld [smem:$0x3F88]  }
0x31: {  	[smem:$0x3F91] =	sst s10  }
0x32: {  	s10 =	sld [smem:$0x3F8F];
	_ =	sdelay $0x3  }
0x33: {  	p0 =	seq.s32 s10, $0x1;
	s10 =	sld [smem:$0x3F91];
	_ =	sdelay $0x3  }
0x34: {  	[smem:$0x3F91] =	sst s10  }
0x35: {  	s10 =	sld [smem:$0x3F90];
	_ =	sdelay $0x3  }
0x36: {  	p1 =	seq.s32 s10, $0x1;
	s10 =	sld [smem:$0x3F91];
	_ =	sdelay $0x3  }
0x37: {  	[smem:$0x3F91] =	sst s10  }
0x38: {  	s10 =	sld [smem:$0x3F92]  }
0x39: {  	_ = 	snop;
	(pc) =	sbr.ind lr, $3  }
0x3a: {  	_ = 	snop  }
0x3b: {  	_ = 	snop  }
0x3c: {  	p2 =	seq.s32 s10, $0x1;
	s10 =	sld [smem:$0x3F91]  }
0x3d: {  	_ =	shalt  }
0x3e: {  	_ =	shalt  }
0x3f: {  	_ =	shalt  }
0x40: {  	_ =	shalt  }
0x41: {  	_ =	shalt  }
0x42: {  	_ =	shalt  }
0x43: {  	_ =	shalt  }
0x44: {  	_ =	shalt  }
0x45: {  	_ =	shalt  }
0x46: {  	_ =	shalt  }
0x47: {  	_ =	shalt  }
0x48: {  	_ =	shalt  }
0x49: {  	_ =	shalt  }
0x4a: {  	_ =	shalt  }
0x4b: {  	_ =	shalt  }
0x4c: {  	_ =	shalt  }
0x4d: {  	_ =	shalt  }
0x4e: {  	_ =	shalt  }
0x4f: {  	_ =	shalt  }
0x50: {  	_ =	shalt  }
0x51: {  	_ =	shalt  }
0x52: {  	_ =	shalt  }
0x53: {  	_ =	shalt  }
0x54: {  	_ =	shalt  }
0x55: {  	_ =	shalt  }
0x56: {  	_ =	shalt  }
0x57: {  	_ =	shalt  }
0x58: {  	_ =	shalt  }
0x59: {  	_ =	shalt  }
0x5a: {  	_ =	shalt  }
0x5b: {  	_ =	shalt  }
0x5c: {  	_ =	shalt  }
0x5d: {  	_ =	shalt  }
0x5e: {  	_ =	shalt  }
0x5f: {  	_ =	shalt  }
0x60: {  	_ =	shalt  }
0x61: {  	_ =	shalt  }
0x62: {  	_ =	shalt  }
0x63: {  	_ =	shalt  }
0x64: {  	_ =	shalt  }
0x65: {  	_ =	shalt  }
0x66: {  	_ =	shalt  }
0x67: {  	_ =	shalt  }
0x68: {  	_ =	shalt  }
0x69: {  	_ =	shalt  }
0x6a: {  	_ =	shalt  }
0x6b: {  	_ =	shalt  }
0x6c: {  	_ =	shalt  }
0x6d: {  	_ =	shalt  }
0x6e: {  	_ =	shalt  }
0x6f: {  	_ =	shalt  }
0x70: {  	_ =	shalt  }
0x71: {  	_ =	shalt  }
0x72: {  	_ =	shalt  }
0x73: {  	_ =	shalt  }
0x74: {  	_ =	shalt  }
0x75: {  	_ =	shalt  }
0x76: {  	_ =	shalt  }
0x77: {  	_ =	shalt  }
0x78: {  	_ =	shalt  }
0x79: {  	_ =	shalt  }
0x7a: {  	_ =	shalt  }
0x7b: {  	_ =	shalt  }
0x7c: {  	_ =	shalt  }
0x7d: {  	_ =	shalt  }
0x7e: {  	_ =	shalt  }
0x7f: {  	_ =	shalt  }
0x80: {  	_ =	shalt  }
0x81: {  	_ =	shalt  }
0x82: {  	_ =	shalt  }
0x83: {  	_ =	shalt  }
0x84: {  	_ =	shalt  }
0x85: {  	_ =	shalt  }
0x86: {  	_ =	shalt  }
0x87: {  	_ =	shalt  }
.Lfunc_end0:
.L_simem_size_0:
called_computation.7_lowered:
.L_overlay_start_0:
0x88: {  	s2 =	sld [smem:$0x3FD9]  }
0x89: {  	s3 =	sld [smem:$0x3FFE];
	_ =	sdelay $0x1  }
0x8a: {  	s1 =	srdreg.scid  }
0x8b: {  	s0 =	sand.u32 $0x1, s1  }
0x8c: {  	s14 =	sshll.u32 s0, $0xA;
	s2 =	sadd.s32 s3, s2  }
0x8d: {  	s2 =	sadd.s32 s2, s14  }
0x8e: {  	[smem:$0x3F9D] =	sst s2  }
0x8f: {  	_ = 	snop  }
0x90: {  	s2 =	sld [smem:$0x3FD0];
	_ =	sdelay $0x2  }
0x91: {  	s15 =	simm.s32 $0xA;
	s4 =	simm.s32 $0x10  }
0x92: {  	[smem:s4], [sflag:s15] =	dma.local [hbm:s2], $0x1  }
0x93: {  	_ =	swait.eq [sflag:s15], $0x1  }
0x94: {  	[sflag:s15] =	ssyncset.done $0x0  }
0x95: {  	[sflag:s15] =	ssyncadd.s32 $0xFFFFFFFF  }
0x96: {  	s16 =	sld [smem:$0x10];
	(tm) =	ssettm $0x1  }
0x97: {  	s17 =	sld [smem:$0x3FFB];
	_ =	sdelay $0x3  }
0x98: {  	_ =	strace s17  }
0x99: {  	s3 =	sld [smem:$0x3FFC];
	_ =	sdelay $0x3  }
0x9a: {  	_ =	strace s3  }
0x9b: {  	s3 =	sld [smem:$0x3FFD];
	_ =	sdelay $0x3  }
0x9c: {  	_ =	strace s3  }
0x9d: {  	_ =	strace $0x8FFFFFFF  }
0x9e: {  	s18 =	sld [smem:$0x3FDB];
	_ =	sdelay $0x1  }
0x9f: {  	s19 =	simm.s32 $_scs_section_size  }
0xa0: {  	s5 =	simm.s32 $_size__tile_overlayer_lowered;
	s6 =	simm.s32 $_tile_overlayer_lowered  }
0xa1: {  	s22 =	simm.s32 $0x1BFF;
	s21 =	sshll.u32 s6, $0x1;
	s3 =	sadd.s32 s19, s18  }
0xa2: {  	s7 =	simm.s32 $0x0;
	s20 =	sshll.u32 s5, $0x1;
	s5 =	sadd.s32 s21, s3  }
0xa3: {  	[timem:s7], [sflag:s22] =	dma.local [hbm:s5], s20  }
0xa4: {  	_ =	swait.ge [sflag:s22], s20  }
0xa5: {  	s4 =	ssub.s32 $0x0, s20;
	[sflag:s22] =	ssyncset.done $0x0  }
0xa6: {  	[sflag:s22] =	ssyncadd.s32 s4;
	_ =	sdelay $0x1  }
0xa7: {  	s23 =	simm.s32 $0x1B8B  }
0xa8: {  	_ =	swait.ge [sflag:s23], $0x1  }
0xa9: {  	[sflag:s23] =	ssyncset.done $0x0  }
0xaa: {  	s25 =	simm.s32 $0x1B8E;
	s24 =	sld [smem:$0x3FFE];
	[sflag:s23] =	ssyncadd.s32 $0xFFFFFFFF  }
0xab: {  	s26 =	simm.s32 $execute0_lowered;
	[smem:$0x3FD2] =	sst s25  }
0xac: {  	s5 =	sshll.u32 s26, $0x1;
	_ =	strace $0x8000005B;
	[dreg:$0x1] =	wrdreg $0xFFFFFFFF  }
0xad: {  	s28 =	simm.s32 $_size_execute0_lowered;
	s3 =	sadd.s32 s3, s5;
	[dreg:$0x0] =	wrdreg $0x0  }
0xae: {  	s5 =	sshll.u32 s28, $0x1;
	[dreg:$0x2] =	wrdreg s3  }
0xaf: {  	[dreg:$0x3] =	wrdreg s5  }
0xb0: {  	[dreg:$0x4] =	wrdreg $0xC0  }
0xb1: {  	_ =	task [dreg:s7], $0x5FFFF  }
0xb2: {  	[dreg:$0x1] =	wrdreg $0xFFFFFFFF  }
0xb3: {  	[dreg:$0x0] =	wrdreg $0x60  }
0xb4: {  	[dreg:$0x2] =	wrdreg s24  }
0xb5: {  	[dreg:$0x3] =	wrdreg s16  }
0xb6: {  	[dreg:$0x4] =	wrdreg $0x79800  }
0xb7: {  	[dreg:$0x5] =	wrdreg $0x9  }
0xb8: {  	_ =	task.clear_ibuf [dreg:s7], $0x6FFFF;
	_ =	strace $0x9000005B  }
0xb9: {  	s29 =	simm.s32 $0x9;
	_ =	strace $0x8000005D  }
0xba: {  	_ =	swait.ge [sflag:s29], $0x1  }
0xbb: {  	[sflag:s29] =	ssyncadd.s32 $0xFFFFFFFF  }
0xbc: {  	_ =	strace $0x9000005D  }
0xbd: {  	_ =	sfence  }
0xbe: {  	s30 =	sld [smem:$0x0];
	_ =	sdelay $0x2  }
0xbf: {  	s31 =	sshll.u32 s1, $0xD;
	s1 =	sshrl.u32 s1, $0x2  }
0xc0: {  	s3 =	sand.u32 $0x4000, s31;
	s1 =	sadd.s32 s1, s30  }
0xc1: {  	s0 =	sor.u32 s3, s0;
	s1 =	sshll.u32 s1, $0x11  }
0xc2: {  	s0 =	sor.u32 s1, s0  }
0xc3: {  	s0 =	sadd.s32 $0x8F2B, s0  }
0xc4: {  	[sflag:s0] =	ssyncadd.remote.s32 $0x1  }
0xc5: {  	_ =	sfence.sel $0xFFFF  }
0xc6: {  	[dreg:$0x0] =	wrdreg $0xFFFFFFFF;
	(pc) =	sbr.abs _section_cstart, $3  }
0xc7: {  	[dreg:$0x1] =	wrdreg $0xFFFFFFFF  }
0xc8: {  	_ =	task.clear_ibuf [dreg:s7], $0x2FFFF;
	_ =	strace $0x9FFFFFFF  }
0xc9: {  	(tm) =	ssettm $0x7FFFFFFF  }
tec
execute0_lowered:
.L_overlay_start_1:
0x0: {  	(tag) =	ssettag $0x1  }
0x1: {  	s11 =	rddreg [dreg:$0x0]  }
0x2: {  	s14 =	rddreg [dreg:$0x1]  }
0x3: {  	s2 =	rddreg [dreg:$0x2]  }
0x4: {  	s0 =	rddreg [dreg:$0x3];
	s3 =	simm.s32 $0x0  }
0x5: {  	s1 =	stileid.u32;
	s6 =	simm.s32 $0x2A80;
	[smem:$0x7FF] =	sst s3  }
0x6: {  	s5 =	simm.s32 $0x2;
	s4 =	sadd.s32 $0x8C400, s11;
	_ =	strace $0x8000005C  }
0x7: {  	[tilespmem:s6], [sflag:$0x2] =	stream.linear.gather [hbm4b:s4+s3], $0x4F00, $0x38;
	[tilespmem:$0xC880] =	vst v63  }
0x8: {  	s7 =	srdreg.scid;
	s15 =	smul.u32 $0x4F00, s1;
	_ =	swait.ge [sflag:s5], $0x4F00  }
0x9: {  	s16 =	sand.u32 $0x1, s7;
	s29 =	sshll.u32 s1, $0x1;
	[sflag:s5] =	ssyncset.done $0x0  }
0xa: {  	s8 =	sor.u32 s16, s29;
	s7 =	sadd.s32 s15, s2;
	[sflag:s5] =	ssyncadd.s32 $0xFFFFB100  }
0xb: {  	[spmem:s7] =	stream.linear.scatter [tilespmem:s6], [sflag:$0x2], $0x4F00, $0x38;
	[tilespmem:$0xC880] =	vst v63  }
0xc: {  	s8 =	smul.u32 $0x28, s8;
	_ =	swait.ge [sflag:s5], $0x4F00  }
0xd: {  	[sflag:s5] =	ssyncset.done $0x0  }
0xe: {  	s9 =	sadd.s32 s8, s11;
	[sflag:s5] =	ssyncadd.s32 $0xFFFFB100  }
0xf: {  	s8 =	sadd.s32 $0xEC00, s9;
	[bflag:$0x0] =	sbarrier.arrive $0xFFFF  }
0x10: {  	[tilespmem:s3], [sflag:$0x2] =	stream.linear.gather [hbm4b:s8+s3], $0x140, $0x38;
	[tilespmem:$0xC880] =	vst v63  }
0x11: {  	_ =	swait.ge [sflag:s5], $0x140  }
0x12: {  	[sflag:s5] =	ssyncset.done $0x0  }
0x13: {  	s10 =	simm.s32 $0x140;
	s9 =	sadd.s32 $0xF200, s9;
	[sflag:s5] =	ssyncadd.s32 $0xFFFFFEC0  }
0x14: {  	[tilespmem:s10], [sflag:$0x2] =	stream.linear.gather [hbm4b:s9+s3], $0x140, $0x38;
	[tilespmem:$0xC880] =	vst v63  }
0x15: {  	_ =	swait.ge [sflag:s5], $0x140  }
0x16: {  	s12 =	simm.s32 $0x280;
	[sflag:s5] =	ssyncset.done $0x0  }
0x17: {  	s13 =	simm.s32 $0x1;
	s11 =	sadd.s32 $0x85E00, s11;
	[sflag:s5] =	ssyncadd.s32 $0xFFFFFEC0  }
0x18: {  	[tilespmem:s12], [sflag:$0x1] =	stream.indirect.gather [hbm4b:s11+s10], $0x20, s3, s10, $0xb8;
	[tilespmem:$0xC880] =	vst v63  }
0x19: {  	_ =	swait.ge [sflag:s13], $0x2800  }
0x1a: {  	[sflag:s13] =	ssyncset.done $0x0  }
0x1b: {  	[sflag:s13] =	ssyncadd.s32 $0xFFFFD800  }
0x1c: {  	[spmem:s2] =	stream.indirect.scatter.add.f32 [tilespmem:s12], [sflag:$0x2], $0x20, s10, s10, $0xb8;
	[tilespmem:$0xC880] =	vst v63  }
0x1d: {  	s17 =	ssub.s32 $0x2, s16;
	s16 =	smul.u32 $0x4F000, s16;
	_ =	swait.ge [sflag:s5], $0x2800  }
0x1e: {  	s30 =	sshrl.u32 s17, $0x1;
	[sflag:s5] =	ssyncset.done $0x0  }
0x1f: {  	s15 =	sadd.s32 s15, s16;
	s16 =	ssub.s32 s17, s30;
	[sflag:s5] =	ssyncadd.s32 $0xFFFFD800  }
0x20: {  	s31 =	smax.u32 s16, $0x1;
	[bflag:$0x0] =	sbarrier.arrive $0xFFFF  }
0x21: {  	[tilespmem:s6], [sflag:$0x2] =	stream.linear.gather [spmem:s7], $0x4F00, $0x38;
	[tilespmem:$0xC880] =	vst v63  }
0x22: {  	p0 =	sne.s32 s31, $0x1;
	_ =	swait.ge [sflag:s5], $0x4F00  }
.Ltmp0:
0x23: {  	s15 =	sshrl.u32 s15, $0x3;
	[sflag:s5] =	ssyncset.done $0x0;
	(pc) =	sbr.rel @!p0 .LBB2_2-.Ltmp0, $4  }
0x24: {  	s14 =	sadd.s32 s14, s15;
	[sflag:s5] =	ssyncadd.s32 $0xFFFFB100  }
0x25: {  	[hbm4b:s14+s3] =	stream.linear.scatter [tilespmem:s6], [sflag:$0x2], $0x4F00, $0x38;
	[tilespmem:$0xC880] =	vst v63  }
0x26: {  	_ =	swait.ge [sflag:s5], $0x4F00  }
0x27: {  	s15 =	sadd.s32 $0xFFFFFFFF, s31;
	[sflag:s5] =	ssyncset.done $0x0  }
.LBB2_1:
0x28: {  	p0 =	sne.s32 s15, $0x1;
	s15 =	sadd.s32 $0xFFFFFFFF, s15;
	[sflag:s5] =	ssyncadd.s32 $0xFFFFB100  }
0x29: {  	[tilespmem:s6], [sflag:$0x2] =	stream.linear.gather [hbm4b:s4+s3], $0x4F00, $0x38;
	[tilespmem:$0xC880] =	vst v63  }
0x2a: {  	_ =	swait.ge [sflag:s5], $0x4F00  }
0x2b: {  	[sflag:s5] =	ssyncset.done $0x0  }
0x2c: {  	[sflag:s5] =	ssyncadd.s32 $0xFFFFB100  }
0x2d: {  	[spmem:s7] =	stream.linear.scatter [tilespmem:s6], [sflag:$0x2], $0x4F00, $0x38;
	[tilespmem:$0xC880] =	vst v63  }
0x2e: {  	_ =	swait.ge [sflag:s5], $0x4F00  }
0x2f: {  	[sflag:s5] =	ssyncset.done $0x0  }
0x30: {  	[sflag:s5] =	ssyncadd.s32 $0xFFFFB100  }
0x31: {  	[bflag:$0x0] =	sbarrier.arrive $0xFFFF  }
0x32: {  	[tilespmem:s3], [sflag:$0x2] =	stream.linear.gather [hbm4b:s8+s3], $0x140, $0x38;
	[tilespmem:$0xC880] =	vst v63  }
0x33: {  	_ =	swait.ge [sflag:s5], $0x140  }
0x34: {  	[sflag:s5] =	ssyncset.done $0x0  }
0x35: {  	[sflag:s5] =	ssyncadd.s32 $0xFFFFFEC0  }
0x36: {  	[tilespmem:s10], [sflag:$0x2] =	stream.linear.gather [hbm4b:s9+s3], $0x140, $0x38;
	[tilespmem:$0xC880] =	vst v63  }
0x37: {  	_ =	swait.ge [sflag:s5], $0x140  }
0x38: {  	[sflag:s5] =	ssyncset.done $0x0  }
0x39: {  	[sflag:s5] =	ssyncadd.s32 $0xFFFFFEC0  }
0x3a: {  	[tilespmem:s12], [sflag:$0x1] =	stream.indirect.gather [hbm4b:s11+s10], $0x20, s3, s10, $0xb8;
	[tilespmem:$0xC880] =	vst v63  }
0x3b: {  	_ =	swait.ge [sflag:s13], $0x2800  }
0x3c: {  	[sflag:s13] =	ssyncset.done $0x0  }
0x3d: {  	[sflag:s13] =	ssyncadd.s32 $0xFFFFD800  }
0x3e: {  	[spmem:s2] =	stream.indirect.scatter.add.f32 [tilespmem:s12], [sflag:$0x2], $0x20, s10, s10, $0xb8;
	[tilespmem:$0xC880] =	vst v63  }
0x3f: {  	_ =	swait.ge [sflag:s5], $0x2800  }
0x40: {  	[sflag:s5] =	ssyncset.done $0x0  }
0x41: {  	[sflag:s5] =	ssyncadd.s32 $0xFFFFD800  }
0x42: {  	[bflag:$0x0] =	sbarrier.arrive $0xFFFF  }
0x43: {  	[tilespmem:s6], [sflag:$0x2] =	stream.linear.gather [spmem:s7], $0x4F00, $0x38;
	[tilespmem:$0xC880] =	vst v63  }
0x44: {  	_ =	swait.ge [sflag:s5], $0x4F00  }
.Ltmp1:
0x45: {  	[sflag:s5] =	ssyncset.done $0x0;
	(pc) =	sbr.rel @p0 .LBB2_1-.Ltmp1, $4  }
0x46: {  	[sflag:s5] =	ssyncadd.s32 $0xFFFFB100  }
0x47: {  	[hbm4b:s14+s3] =	stream.linear.scatter [tilespmem:s6], [sflag:$0x2], $0x4F00, $0x38;
	[tilespmem:$0xC880] =	vst v63  }
0x48: {  	_ =	swait.ge [sflag:s5], $0x4F00  }
0x49: {  	[sflag:s5] =	ssyncset.done $0x0  }
.LBB2_2:
0x4a: {  	[sflag:s5] =	ssyncadd.s32 $0xFFFFB100  }
0x4b: {  	_ =	sfence.sel $0x180000  }
0x4c: {  	[bflag:$0x0] =	sbarrier.arrive $0xFFFF  }
0x4d: {  	p0 =	sne.s32 s1, $0x0;
	_ =	strace $0x9000005C  }
0x4e: {  	s0 =	sadd.s32 @!p0 $0x100000, s0;
	[bflag:$0x2] =	sbarrier.arrive $0xFFFF  }
0x4f: {  	[sflag:s0] =	ssyncadd.tile.s32 @!p0 $0x1;
	_ =	shalt  }
.Lfunc_end2:
_tile_overlayer_lowered:
.L_overlay_start_2:
0x50: {  	(tag) =	ssettag $0x2  }
0x51: {  	s0 =	rddreg [dreg:$0x0];
	s2 =	stileid.u32  }
0x52: {  	s1 =	rddreg [dreg:$0x1];
	p0 =	sne.s32 s2, $0x0  }
0x53: {  	s3 =	rddreg [dreg:$0x2];
	[bflag:$0x3] =	sbarrier.arrive $0xFFFF;
	s2 =	simm.s32 @!p0 $0x1C02  }
0x54: {  	[timem:s3], [sflag:s2] =	dma.local @!p0 [hbm:s0], s1  }
0x55: {  	s0 =	simm.s32 @!p0 $0x2  }
0x56: {  	_ =	swait.ge @!p0 [sflag:s0], s1  }
0x57: {  	s1 =	ssub.s32 @!p0 $0x0, s1;
	[sflag:s0] =	ssyncset.done @!p0 $0x0  }
0x58: {  	[sflag:s0] =	ssyncadd.s32 @!p0 s1  }
0x59: {  	[bflag:$0x3] =	sbarrier.arrive $0xFFFF  }
0x5a: {  	_ =	shalt  }

</sc_bundles>
